<compile_context>
chip_gen: v7x
topology: tpu7x:2x2x1
jax: 0.10.2.dev20260603
libtpu: 0.0.44.dev20260713+nightly
codegen_flags: <defaults>
</compile_context>

<pallas_src>
import functools

import jax
import jax.numpy as jnp
from jax import lax
from jax.experimental import pallas as pl
from jax.experimental.pallas import tpu as pltpu, tpu_sc as plsc

N_NODE = 10000
NP = 10112
D = 128
OUT = 64

E_BIP = 320000
E_SELF = 10000
CH_M = 2560
CH_S = 128
PAD_M = CH_M * 128 - E_BIP
PAD_S = CH_S * 128 - E_SELF
OFF_M, OFF_R, OFF_C, OFF_G = 0, CH_M, 2 * CH_M, 2 * CH_M + CH_S
CH_TOT = 2 * CH_M + 2 * CH_S
KB_MAX = 40

_MM = functools.partial(jnp.dot, preferred_element_type=jnp.float32,
                        precision=lax.Precision.DEFAULT)



def _stage_a_body(xg_ref, xc_ref, wg_ref, wc_ref, b_ref,
                  ym_ref, ycs_ref, yrev_ref, ygs_ref, r_ref):
    og = _MM(xg_ref[...], wg_ref[...])
    oc = _MM(xc_ref[...], wc_ref[...])
    ym_ref[...] = og[:, :D]
    ygs_ref[...] = og[:, D:2 * D]
    r_ref[1] = og[:, 2 * D:] + b_ref[1]
    ycs_ref[...] = oc[:, :D]
    yrev_ref[...] = oc[:, D:2 * D]
    r_ref[0] = oc[:, 2 * D:] + b_ref[0]


def _stage_b_body(a_ref, wg_ref, wc_ref, b_ref, ym_ref, ycs_ref, r_ref):
    hc = jnp.maximum(a_ref[0], 0.0)
    hg = jnp.maximum(a_ref[1], 0.0)
    oc = _MM(hc, wc_ref[...])
    ym_ref[...] = _MM(hg, wg_ref[...])
    ycs_ref[...] = oc[:, :D]
    r_ref[0] = oc[:, D:] + b_ref[0]
    r_ref[1] = jnp.zeros((_ROWS_BLK, D), jnp.float32)


def _stage_c_body(a_ref, w_ref, b_ref, o_ref):
    h = jnp.maximum(a_ref[0] + a_ref[1], 0.0)
    o_ref[...] = _MM(h, w_ref[...]) + b_ref[0]


_ROWS_BLK = 1000
_GRID = N_NODE // _ROWS_BLK
_TBL_SPEC = pl.BlockSpec((_ROWS_BLK, D), lambda i: (i, 0))
_TBL_SHAPE = jax.ShapeDtypeStruct((N_NODE, D), jnp.float32)
_R_SPEC = pl.BlockSpec((2, _ROWS_BLK, D), lambda i: (0, i, 0))
_R_SHAPE = jax.ShapeDtypeStruct((2, NP, D), jnp.float32)


def _stage_a(xg, xc, wg, wc, b2):
    return pl.pallas_call(
        _stage_a_body,
        grid=(_GRID,),
        in_specs=[
            pl.BlockSpec((_ROWS_BLK, D), lambda i: (i, 0)),
            pl.BlockSpec((_ROWS_BLK, D), lambda i: (i, 0)),
            pl.BlockSpec((D, 3 * D), lambda i: (0, 0)),
            pl.BlockSpec((D, 3 * D), lambda i: (0, 0)),
            pl.BlockSpec((2, D), lambda i: (0, 0)),
        ],
        out_specs=[_TBL_SPEC, _TBL_SPEC, _TBL_SPEC, _TBL_SPEC, _R_SPEC],
        out_shape=[_TBL_SHAPE, _TBL_SHAPE, _TBL_SHAPE, _TBL_SHAPE, _R_SHAPE],
    )(xg, xc, wg, wc, b2)


def _stage_b(acc, wg, wc, b1):
    return pl.pallas_call(
        _stage_b_body,
        grid=(_GRID,),
        in_specs=[
            pl.BlockSpec((2, _ROWS_BLK, D), lambda i: (0, i, 0)),
            pl.BlockSpec((D, D), lambda i: (0, 0)),
            pl.BlockSpec((D, 2 * D), lambda i: (0, 0)),
            pl.BlockSpec((1, D), lambda i: (0, 0)),
        ],
        out_specs=[_TBL_SPEC, _TBL_SPEC, _R_SPEC],
        out_shape=[_TBL_SHAPE, _TBL_SHAPE, _R_SHAPE],
    )(acc, wg, wc, b1)


def _stage_c(acc, w, b1):
    return pl.pallas_call(
        _stage_c_body,
        grid=(_GRID,),
        in_specs=[
            pl.BlockSpec((2, _ROWS_BLK, D), lambda i: (0, i, 0)),
            pl.BlockSpec((D, OUT), lambda i: (0, 0)),
            pl.BlockSpec((1, OUT), lambda i: (0, 0)),
        ],
        out_specs=pl.BlockSpec((_ROWS_BLK, OUT), lambda i: (i, 0)),
        out_shape=jax.ShapeDtypeStruct((N_NODE, OUT), jnp.float32),
    )(acc, w, b1)



def _run_rel(src2d, dst2d, tbl, src_v, dst_v, rows_a, rows_b,
             acc_sh, sem_a, sem_b, sem_sa, sem_sb, start, kb, nb):
    for b in range(nb):
        base = start + b * kb
        pltpu.sync_copy(src2d.at[pl.ds(base, kb)], src_v.at[pl.ds(0, kb)])
        pltpu.sync_copy(dst2d.at[pl.ds(base, kb)], dst_v.at[pl.ds(0, kb)])

        pltpu.async_copy(tbl.at[src_v.at[0]], rows_a, sem_a)
        pltpu.async_copy(tbl.at[src_v.at[1]], rows_b, sem_b)

        def body(i, carry):
            j = i * 2
            pltpu.make_async_copy(tbl.at[src_v.at[j]], rows_a, sem_a).wait()
            pltpu.sync_copy(rows_a, acc_sh.at[dst_v.at[j]], add=True)
            pltpu.async_copy(tbl.at[src_v.at[j + 2]], rows_a, sem_a)
            pltpu.make_async_copy(tbl.at[src_v.at[j + 1]], rows_b,
                                  sem_b).wait()
            pltpu.sync_copy(rows_b, acc_sh.at[dst_v.at[j + 1]], add=True)
            pltpu.async_copy(tbl.at[src_v.at[j + 3]], rows_b, sem_b)
            return carry

        lax.fori_loop(0, (kb - 2) // 2, body, 0)

        pltpu.make_async_copy(tbl.at[src_v.at[kb - 2]], rows_a, sem_a).wait()
        pltpu.sync_copy(rows_a, acc_sh.at[dst_v.at[kb - 2]], add=True)
        pltpu.make_async_copy(tbl.at[src_v.at[kb - 1]], rows_b, sem_b).wait()
        pltpu.sync_copy(rows_b, acc_sh.at[dst_v.at[kb - 1]], add=True)


_MESH = plsc.VectorSubcoreMesh(core_axis_name="c", subcore_axis_name="s")
_ROWS_PER_TILE = NP // 16
_SC_SCRATCH = [
    pltpu.VMEM((KB_MAX, 128), jnp.int32),
    pltpu.VMEM((KB_MAX, 128), jnp.int32),
    pltpu.VMEM((128, D), jnp.float32),
    pltpu.VMEM((128, D), jnp.float32),
    pltpu.VMEM_SHARED((NP, D), jnp.float32),
    pltpu.SemaphoreType.DMA,
    pltpu.SemaphoreType.DMA,
    pltpu.SemaphoreType.DMA,
    pltpu.SemaphoreType.DMA,
]


@functools.partial(
    pl.kernel, mesh=_MESH,
    out_type=jax.ShapeDtypeStruct((2, NP, D), jnp.float32),
    scratch_types=_SC_SCRATCH,
)
def _sc_layer1(src2d, dst2d, tm, tcs, trev, tgs, init_hbm, out_hbm,
               src_v, dst_v, rows_a, rows_b, acc_sh, sem_a, sem_b, sem_sa, sem_sb):
    c = lax.axis_index("c")
    s = lax.axis_index("s")
    row0 = s * _ROWS_PER_TILE
    pltpu.sync_copy(init_hbm.at[c, pl.ds(row0, _ROWS_PER_TILE)],
                    acc_sh.at[pl.ds(row0, _ROWS_PER_TILE)])
    plsc.subcore_barrier()

    args = (src_v, dst_v, rows_a, rows_b, acc_sh, sem_a, sem_b, sem_sa, sem_sb)

    @pl.when(c == 0)
    def _cell_side():
        _run_rel(src2d, dst2d, tm, *args, OFF_M + s * (CH_M // 16), 40, 4)
        _run_rel(src2d, dst2d, tcs, *args, OFF_C + s * (CH_S // 16), 8, 1)

    @pl.when(c == 1)
    def _gene_side():
        _run_rel(src2d, dst2d, trev, *args, OFF_R + s * (CH_M // 16), 40, 4)
        _run_rel(src2d, dst2d, tgs, *args, OFF_G + s * (CH_S // 16), 8, 1)

    plsc.subcore_barrier()
    pltpu.sync_copy(acc_sh.at[pl.ds(row0, _ROWS_PER_TILE)],
                    out_hbm.at[c, pl.ds(row0, _ROWS_PER_TILE)])


@functools.partial(
    pl.kernel, mesh=_MESH,
    out_type=jax.ShapeDtypeStruct((2, NP, D), jnp.float32),
    scratch_types=_SC_SCRATCH,
)
def _sc_layer2(src2d, dst2d, tm, tcs, init_hbm, out_hbm,
               src_v, dst_v, rows_a, rows_b, acc_sh, sem_a, sem_b, sem_sa, sem_sb):
    c = lax.axis_index("c")
    s = lax.axis_index("s")
    row0 = s * _ROWS_PER_TILE
    pltpu.sync_copy(init_hbm.at[c, pl.ds(row0, _ROWS_PER_TILE)],
                    acc_sh.at[pl.ds(row0, _ROWS_PER_TILE)])
    plsc.subcore_barrier()

    args = (src_v, dst_v, rows_a, rows_b, acc_sh, sem_a, sem_b, sem_sa, sem_sb)
    _run_rel(src2d, dst2d, tm, *args,
             OFF_M + c * (CH_M // 2) + s * (CH_M // 32), 40, 2)

    @pl.when(s < 8)
    def _cs():
        _run_rel(src2d, dst2d, tcs, *args, OFF_C + c * (CH_S // 2) + s * 8,
                 8, 1)

    plsc.subcore_barrier()
    pltpu.sync_copy(acc_sh.at[pl.ds(row0, _ROWS_PER_TILE)],
                    out_hbm.at[c, pl.ds(row0, _ROWS_PER_TILE)])



def kernel(x_gene, x_cell_type, edge_index_marker, edge_index_rev,
           edge_index_gene_self, edge_index_cell_self, params, lin):
    arm = jnp.arange(PAD_M, dtype=jnp.int32)
    ars = jnp.arange(PAD_S, dtype=jnp.int32)
    psrc_m, psrc_s = arm & 8191, ars & 8191
    pdst_m, pdst_s = N_NODE + (arm & 63), N_NODE + (ars & 63)
    srcs = jnp.concatenate([
        edge_index_marker[0], psrc_m, edge_index_rev[0], psrc_m,
        edge_index_cell_self[0], psrc_s, edge_index_gene_self[0], psrc_s,
    ]).reshape(CH_TOT, 128)
    dsts = jnp.concatenate([
        edge_index_marker[1], pdst_m, edge_index_rev[1], pdst_m,
        edge_index_cell_self[1], pdst_s, edge_index_gene_self[1], pdst_s,
    ]).reshape(CH_TOT, 128)

    p0, p1 = params
    wg0 = jnp.concatenate([
        p0["marker"]["W_rel"].T, p0["gene_self"]["W_rel"].T,
        (p0["rev"]["W_root"] + p0["gene_self"]["W_root"]).T,
    ], axis=1)
    wc0 = jnp.concatenate([
        p0["cell_self"]["W_rel"].T, p0["rev"]["W_rel"].T,
        (p0["marker"]["W_root"] + p0["cell_self"]["W_root"]).T,
    ], axis=1)
    b2 = jnp.stack([
        p0["marker"]["b_rel"] + p0["cell_self"]["b_rel"],
        p0["rev"]["b_rel"] + p0["gene_self"]["b_rel"],
    ])
    wg1 = p1["marker"]["W_rel"].T
    wc1 = jnp.concatenate([
        p1["cell_self"]["W_rel"].T,
        (p1["marker"]["W_root"] + p1["cell_self"]["W_root"]).T,
    ], axis=1)
    b1 = (p1["marker"]["b_rel"] + p1["cell_self"]["b_rel"]).reshape(1, D)
    w_lin = lin["W"].T
    b_lin = lin["b"].reshape(1, OUT)

    ym0, ycs0, yrev0, ygs0, r0 = _stage_a(x_gene, x_cell_type, wg0, wc0, b2)
    acc1 = _sc_layer1(srcs, dsts, ym0, ycs0, yrev0, ygs0, r0)

    ym1, ycs1, r1 = _stage_b(acc1, wg1, wc1, b1)
    acc2 = _sc_layer2(srcs, dsts, ym1, ycs1, r1)

    return _stage_c(acc2, w_lin, b_lin)

# --- scband reference (transcript-rebuilt; emitter-appended) ---
"""Pipeline reference for scband-hetero-gnn-81716047774001 (READ-ONLY COPY).

The authoritative reference and input builder live on the scoring server;
editing this copy changes nothing except your own understanding.
"""

import jax, jax.numpy as jnp
import numpy as np

N_GENE = 10000
N_CELL = 10000
D = 128
H = 128
OUT = 64
E_BIP = 320000
E_SELF = 10000
L = 2
RELS = ["marker", "rev", "gene_self", "cell_self"]


def _init_params(key):
    params = []
    for l in range(L):
        din = D if l == 0 else H
        layer = {}
        for r in RELS:
            key, k1, k2 = jax.random.split(key, 3)
            layer[r] = {
                "W_rel": jax.random.normal(k1, (H, din), dtype=jnp.float32) * 0.05,
                "b_rel": jnp.zeros((H,), dtype=jnp.float32),
                "W_root": jax.random.normal(k2, (H, din), dtype=jnp.float32) * 0.05,
            }
        params.append(layer)
    key, k1 = jax.random.split(key)
    lin = {
        "W": jax.random.normal(k1, (OUT, H), dtype=jnp.float32) * 0.05,
        "b": jnp.zeros((OUT,), dtype=jnp.float32),
    }
    return params, lin


def setup_inputs(seed: int = 0) -> dict:
    key = jax.random.key(seed)
    ks = jax.random.split(key, 8)
    x_gene = jax.random.normal(ks[0], (N_GENE, D), dtype=jnp.float32)
    x_cell_type = jax.random.normal(ks[1], (N_CELL, D), dtype=jnp.float32)
    edge_index_marker = jax.random.randint(ks[2], (2, E_BIP), 0, N_GENE, dtype=jnp.int32)
    edge_index_rev = jax.random.randint(ks[3], (2, E_BIP), 0, N_CELL, dtype=jnp.int32)
    edge_index_gene_self = jax.random.randint(ks[4], (2, E_SELF), 0, N_GENE, dtype=jnp.int32)
    edge_index_cell_self = jax.random.randint(ks[5], (2, E_SELF), 0, N_CELL, dtype=jnp.int32)
    params, lin = _init_params(ks[6])
    return {
        "x_gene": x_gene,
        "x_cell_type": x_cell_type,
        "edge_index_marker": edge_index_marker,
        "edge_index_rev": edge_index_rev,
        "edge_index_gene_self": edge_index_gene_self,
        "edge_index_cell_self": edge_index_cell_self,
        "params": params,
        "lin": lin,
    }


def _graph_conv(x_src, x_dst, edge_index, p):
    # PyG GraphConv: out = lin_rel(sum_{j in N(i)} x_j) + lin_root(x_dst)
    src = edge_index[0]
    dst = edge_index[1]
    msgs = jnp.take(x_src, src, axis=0)
    agg = jax.ops.segment_sum(msgs, dst, num_segments=x_dst.shape[0])
    return agg @ p["W_rel"].T + p["b_rel"] + x_dst @ p["W_root"].T


def reference(x_gene, x_cell_type, edge_index_marker, edge_index_rev,
              edge_index_gene_self, edge_index_cell_self, params, lin):
    xg, xc = x_gene, x_cell_type
    for l in range(L):
        pl = params[l]
        # HeteroConv aggr='sum': sum per-relation outputs by destination node type
        out_c = _graph_conv(xg, xc, edge_index_marker, pl["marker"]) + \
                _graph_conv(xc, xc, edge_index_cell_self, pl["cell_self"])
        out_g = _graph_conv(xc, xg, edge_index_rev, pl["rev"]) + \
                _graph_conv(xg, xg, edge_index_gene_self, pl["gene_self"])
        xg = jax.nn.relu(out_g)
        xc = jax.nn.relu(out_c)
    return xc @ lin["W"].T + lin["b"]

if __name__ == "__main__":
    import jax
    _d = setup_inputs()
    print(jax.jit(kernel)(*tuple(_d.values())))

</pallas_src>

<mosaic_0001>
#map = affine_map<(d0, d1) -> (0, 0)>
#map1 = affine_map<(d0, d1) -> (0, 0, 0)>
module attributes {stable_mosaic.version = 14 : i64} {
  func.func @_sc_layer1(%arg0: i32, %arg1: i32, %arg2: memref<5376x128xi32, #tpu.memory_space<hbm>>, %arg3: memref<5376x128xi32, #tpu.memory_space<hbm>>, %arg4: memref<10000x128xf32, #tpu.memory_space<hbm>>, %arg5: memref<10000x128xf32, #tpu.memory_space<hbm>>, %arg6: memref<10000x128xf32, #tpu.memory_space<hbm>>, %arg7: memref<10000x128xf32, #tpu.memory_space<hbm>>, %arg8: memref<2x10112x128xf32, #tpu.memory_space<hbm>>, %arg9: memref<2x10112x128xf32, #tpu.memory_space<hbm>>, %arg10: memref<40x128xi32, #tpu.memory_space<vmem>>, %arg11: memref<40x128xi32, #tpu.memory_space<vmem>>, %arg12: memref<128x128xf32, #tpu.memory_space<vmem>>, %arg13: memref<128x128xf32, #tpu.memory_space<vmem>>, %arg14: memref<10112x128xf32, #tpu.memory_space<vmem_shared>>, %arg15: memref<!tpu.dma_semaphore, #tpu.memory_space<semaphore_mem>>, %arg16: memref<!tpu.dma_semaphore, #tpu.memory_space<semaphore_mem>>, %arg17: memref<!tpu.dma_semaphore, #tpu.memory_space<semaphore_mem>>, %arg18: memref<!tpu.dma_semaphore, #tpu.memory_space<semaphore_mem>>) attributes {dimension_semantics = [#tpu.dimension_semantics<core_parallel>, #tpu.dimension_semantics<subcore_parallel>], iteration_bounds = array<i64: 2, 16>, scalar_prefetch = 0 : i64, scratch_operands = 9 : i64, tpu.core_type = #tpu.core_type<sc_vector_subcore>, window_params = [{transform_indices = #map}, {transform_indices = #map}, {transform_indices = #map}, {transform_indices = #map}, {transform_indices = #map}, {transform_indices = #map}, {transform_indices = #map1}, {transform_indices = #map1}]} {
    %mul3A = arith.constant 632 : i32
    %mul3A_0 = arith.muli %arg1, %mul3A : i32
    "tpu.region"() ({
      %run_scoped3A = tpu.sem_alloc : memref<!tpu.dma_semaphore, #tpu.memory_space<semaphore_mem>>
      %dma_start3A = arith.constant 0 : i32
      %dma_start3A_9 = tpu.memref_slice %arg14[%mul3A_0, %dma_start3A] : memref<10112x128xf32, #tpu.memory_space<vmem_shared>> -> memref<632x128xf32, #tpu.memory_space<vmem_shared>>
      %dma_start3A_10 = arith.constant 0 : i32
      %dma_start3A_11 = tpu.memref_slice %arg8[%arg0, %mul3A_0, %dma_start3A_10] : memref<2x10112x128xf32, #tpu.memory_space<hbm>> -> memref<1x632x128xf32, #tpu.memory_space<hbm>>
      %dma_start3A_12 = tpu.memref_squeeze %dma_start3A_11 : memref<1x632x128xf32, #tpu.memory_space<hbm>> -> memref<632x128xf32, #tpu.memory_space<hbm>>
      tpu.enqueue_dma source(%dma_start3A_12 : memref<632x128xf32, #tpu.memory_space<hbm>>) target(%dma_start3A_9 : memref<632x128xf32, #tpu.memory_space<vmem_shared>>) target_semaphore(%run_scoped3A : memref<!tpu.dma_semaphore, #tpu.memory_space<semaphore_mem>>)
      %dma_wait3A = arith.constant 0 : i32
      %dma_wait3A_13 = tpu.memref_slice %arg14[%mul3A_0, %dma_wait3A] : memref<10112x128xf32, #tpu.memory_space<vmem_shared>> -> memref<632x128xf32, #tpu.memory_space<vmem_shared>>
      %dma_wait3A_14 = arith.constant 0 : i32
      %dma_wait3A_15 = tpu.memref_slice %arg8[%arg0, %mul3A_0, %dma_wait3A_14] : memref<2x10112x128xf32, #tpu.memory_space<hbm>> -> memref<1x632x128xf32, #tpu.memory_space<hbm>>
      %dma_wait3A_16 = tpu.memref_squeeze %dma_wait3A_15 : memref<1x632x128xf32, #tpu.memory_space<hbm>> -> memref<632x128xf32, #tpu.memory_space<hbm>>
      tpu.wait_dma2 semaphore(%run_scoped3A : memref<!tpu.dma_semaphore, #tpu.memory_space<semaphore_mem>>) src(%dma_wait3A_16 : memref<632x128xf32, #tpu.memory_space<hbm>>) dst(%dma_wait3A_13 : memref<632x128xf32, #tpu.memory_space<vmem_shared>>)
      tpu.yield
    }) : () -> ()
    %barrier3A = arith.constant 0 : index
    tpu.barrier barrier_id(%barrier3A)
    %eq3A = arith.constant 0 : i32
    %eq3A_1 = arith.cmpi eq, %arg0, %eq3A : i32
    %convert_element_type3A = arith.extui %eq3A_1 : i1 to i32
    %cond3A = arith.constant 0 : i32
    %cond3A_2 = arith.cmpi ne, %convert_element_type3A, %cond3A : i32
    scf.if %cond3A_2 {
      %mul3A_9 = arith.constant 160 : i32
      %mul3A_10 = arith.muli %arg1, %mul3A_9 : i32
      %add3A = arith.constant 0 : i32
      %add3A_11 = arith.addi %add3A, %mul3A_10 : i32
      %add3A_12 = arith.constant 0 : i32
      %add3A_13 = arith.addi %add3A_11, %add3A_12 : i32
      "tpu.region"() ({
        %run_scoped3A_202 = tpu.sem_alloc : memref<!tpu.dma_semaphore, #tpu.memory_space<semaphore_mem>>
        %dma_start3A_203 = arith.constant 0 : i32
        %dma_start3A_204 = arith.constant 0 : i32
        %dma_start3A_205 = tpu.memref_slice %arg10[%dma_start3A_203, %dma_start3A_204] : memref<40x128xi32, #tpu.memory_space<vmem>> -> memref<40x128xi32, #tpu.memory_space<vmem>>
        %dma_start3A_206 = arith.constant 0 : i32
        %dma_start3A_207 = tpu.memref_slice %arg2[%add3A_13, %dma_start3A_206] : memref<5376x128xi32, #tpu.memory_space<hbm>> -> memref<40x128xi32, #tpu.memory_space<hbm>>
        %dma_start3A_208 = arith.constant 0 : i32
        %dma_start3A_209 = arith.constant 0 : i32
        %dma_start3A_210 = tpu.memref_slice %arg10[%dma_start3A_208, %dma_start3A_209] : memref<40x128xi32, #tpu.memory_space<vmem>> -> memref<40x128xi32, #tpu.memory_space<vmem>>
        %dma_start3A_211 = arith.constant 0 : i32
        %dma_start3A_212 = tpu.memref_slice %arg2[%add3A_13, %dma_start3A_211] : memref<5376x128xi32, #tpu.memory_space<hbm>> -> memref<40x128xi32, #tpu.memory_space<hbm>>
        tpu.enqueue_dma source(%dma_start3A_212 : memref<40x128xi32, #tpu.memory_space<hbm>>) target(%dma_start3A_210 : memref<40x128xi32, #tpu.memory_space<vmem>>) target_semaphore(%run_scoped3A_202 : memref<!tpu.dma_semaphore, #tpu.memory_space<semaphore_mem>>)
        %dma_wait3A_213 = arith.constant 0 : i32
        %dma_wait3A_214 = arith.constant 0 : i32
        %dma_wait3A_215 = tpu.memref_slice %arg10[%dma_wait3A_213, %dma_wait3A_214] : memref<40x128xi32, #tpu.memory_space<vmem>> -> memref<40x128xi32, #tpu.memory_space<vmem>>
        %dma_wait3A_216 = arith.constant 0 : i32
        %dma_wait3A_217 = tpu.memref_slice %arg2[%add3A_13, %dma_wait3A_216] : memref<5376x128xi32, #tpu.memory_space<hbm>> -> memref<40x128xi32, #tpu.memory_space<hbm>>
        %dma_wait3A_218 = arith.constant 0 : i32
        %dma_wait3A_219 = arith.constant 0 : i32
        %dma_wait3A_220 = tpu.memref_slice %arg10[%dma_wait3A_218, %dma_wait3A_219] : memref<40x128xi32, #tpu.memory_space<vmem>> -> memref<40x128xi32, #tpu.memory_space<vmem>>
        %dma_wait3A_221 = arith.constant 0 : i32
        %dma_wait3A_222 = tpu.memref_slice %arg2[%add3A_13, %dma_wait3A_221] : memref<5376x128xi32, #tpu.memory_space<hbm>> -> memref<40x128xi32, #tpu.memory_space<hbm>>
        tpu.wait_dma2 semaphore(%run_scoped3A_202 : memref<!tpu.dma_semaphore, #tpu.memory_space<semaphore_mem>>) src(%dma_wait3A_222 : memref<40x128xi32, #tpu.memory_space<hbm>>) dst(%dma_wait3A_220 : memref<40x128xi32, #tpu.memory_space<vmem>>)
        tpu.yield
      }) : () -> ()
      "tpu.region"() ({
        %run_scoped3A_202 = tpu.sem_alloc : memref<!tpu.dma_semaphore, #tpu.memory_space<semaphore_mem>>
        %dma_start3A_203 = arith.constant 0 : i32
        %dma_start3A_204 = arith.constant 0 : i32
        %dma_start3A_205 = tpu.memref_slice %arg11[%dma_start3A_203, %dma_start3A_204] : memref<40x128xi32, #tpu.memory_space<vmem>> -> memref<40x128xi32, #tpu.memory_space<vmem>>
        %dma_start3A_206 = arith.constant 0 : i32
        %dma_start3A_207 = tpu.memref_slice %arg3[%add3A_13, %dma_start3A_206] : memref<5376x128xi32, #tpu.memory_space<hbm>> -> memref<40x128xi32, #tpu.memory_space<hbm>>
        %dma_start3A_208 = arith.constant 0 : i32
        %dma_start3A_209 = arith.constant 0 : i32
        %dma_start3A_210 = tpu.memref_slice %arg11[%dma_start3A_208, %dma_start3A_209] : memref<40x128xi32, #tpu.memory_space<vmem>> -> memref<40x128xi32, #tpu.memory_space<vmem>>
        %dma_start3A_211 = arith.constant 0 : i32
        %dma_start3A_212 = tpu.memref_slice %arg3[%add3A_13, %dma_start3A_211] : memref<5376x128xi32, #tpu.memory_space<hbm>> -> memref<40x128xi32, #tpu.memory_space<hbm>>
        tpu.enqueue_dma source(%dma_start3A_212 : memref<40x128xi32, #tpu.memory_space<hbm>>) target(%dma_start3A_210 : memref<40x128xi32, #tpu.memory_space<vmem>>) target_semaphore(%run_scoped3A_202 : memref<!tpu.dma_semaphore, #tpu.memory_space<semaphore_mem>>)
        %dma_wait3A_213 = arith.constant 0 : i32
        %dma_wait3A_214 = arith.constant 0 : i32
        %dma_wait3A_215 = tpu.memref_slice %arg11[%dma_wait3A_213, %dma_wait3A_214] : memref<40x128xi32, #tpu.memory_space<vmem>> -> memref<40x128xi32, #tpu.memory_space<vmem>>
        %dma_wait3A_216 = arith.constant 0 : i32
        %dma_wait3A_217 = tpu.memref_slice %arg3[%add3A_13, %dma_wait3A_216] : memref<5376x128xi32, #tpu.memory_space<hbm>> -> memref<40x128xi32, #tpu.memory_space<hbm>>
        %dma_wait3A_218 = arith.constant 0 : i32
        %dma_wait3A_219 = arith.constant 0 : i32
        %dma_wait3A_220 = tpu.memref_slice %arg11[%dma_wait3A_218, %dma_wait3A_219] : memref<40x128xi32, #tpu.memory_space<vmem>> -> memref<40x128xi32, #tpu.memory_space<vmem>>
        %dma_wait3A_221 = arith.constant 0 : i32
        %dma_wait3A_222 = tpu.memref_slice %arg3[%add3A_13, %dma_wait3A_221] : memref<5376x128xi32, #tpu.memory_space<hbm>> -> memref<40x128xi32, #tpu.memory_space<hbm>>
        tpu.wait_dma2 semaphore(%run_scoped3A_202 : memref<!tpu.dma_semaphore, #tpu.memory_space<semaphore_mem>>) src(%dma_wait3A_222 : memref<40x128xi32, #tpu.memory_space<hbm>>) dst(%dma_wait3A_220 : memref<40x128xi32, #tpu.memory_space<vmem>>)
        tpu.yield
      }) : () -> ()
      %dma_start3A = arith.constant 0 : i32
      %dma_start3A_14 = arith.constant 0 : i32
      %dma_start3A_15 = tpu.memref_slice %arg10[%dma_start3A, %dma_start3A_14] : memref<40x128xi32, #tpu.memory_space<vmem>> -> memref<1x128xi32, #tpu.memory_space<vmem>>
      %dma_start3A_16 = tpu.memref_squeeze %dma_start3A_15 : memref<1x128xi32, #tpu.memory_space<vmem>> -> memref<128xi32, #tpu.memory_space<vmem>>
      %dma_start3A_17 = arith.constant 0 : i32
      %dma_start3A_18 = arith.constant 0 : i32
      %dma_start3A_19 = tpu.memref_slice %arg4[%dma_start3A_17, %dma_start3A_18] : memref<10000x128xf32, #tpu.memory_space<hbm>> -> memref<10000x128xf32, #tpu.memory_space<hbm>>
      tpu.enqueue_indirect_dma source(%dma_start3A_19 : memref<10000x128xf32, #tpu.memory_space<hbm>>) target(%arg12 : memref<128x128xf32, #tpu.memory_space<vmem>>) offsets(%dma_start3A_16 : memref<128xi32, #tpu.memory_space<vmem>>) semaphore(%arg15 : memref<!tpu.dma_semaphore, #tpu.memory_space<semaphore_mem>>)
      %dma_start3A_20 = arith.constant 1 : i32
      %dma_start3A_21 = arith.constant 0 : i32
      %dma_start3A_22 = tpu.memref_slice %arg10[%dma_start3A_20, %dma_start3A_21] : memref<40x128xi32, #tpu.memory_space<vmem>> -> memref<1x128xi32, #tpu.memory_space<vmem>>
      %dma_start3A_23 = tpu.memref_squeeze %dma_start3A_22 : memref<1x128xi32, #tpu.memory_space<vmem>> -> memref<128xi32, #tpu.memory_space<vmem>>
      %dma_start3A_24 = arith.constant 0 : i32
      %dma_start3A_25 = arith.constant 0 : i32
      %dma_start3A_26 = tpu.memref_slice %arg4[%dma_start3A_24, %dma_start3A_25] : memref<10000x128xf32, #tpu.memory_space<hbm>> -> memref<10000x128xf32, #tpu.memory_space<hbm>>
      tpu.enqueue_indirect_dma source(%dma_start3A_26 : memref<10000x128xf32, #tpu.memory_space<hbm>>) target(%arg13 : memref<128x128xf32, #tpu.memory_space<vmem>>) offsets(%dma_start3A_23 : memref<128xi32, #tpu.memory_space<vmem>>) semaphore(%arg16 : memref<!tpu.dma_semaphore, #tpu.memory_space<semaphore_mem>>)
      %scan3A = arith.constant 0 : i32
      %scan3A_27 = arith.constant 0 : i32
      %scan3A_28 = arith.constant 19 : i32
      %scan3A_29 = arith.addi %scan3A_27, %scan3A_28 : i32
      %scan3A_30 = arith.constant 1 : i32
      scf.for %scan3A_202 = %scan3A_27 to %scan3A_29 step %scan3A_30  : i32 {
        %mul3A_203 = arith.constant 2 : i32
        %mul3A_204 = arith.muli %scan3A_202, %mul3A_203 : i32
        %dma_wait3A_205 = arith.constant 0 : i32
        %dma_wait3A_206 = tpu.memref_slice %arg10[%mul3A_204, %dma_wait3A_205] : memref<40x128xi32, #tpu.memory_space<vmem>> -> memref<1x128xi32, #tpu.memory_space<vmem>>
        %dma_wait3A_207 = tpu.memref_squeeze %dma_wait3A_206 : memref<1x128xi32, #tpu.memory_space<vmem>> -> memref<128xi32, #tpu.memory_space<vmem>>
        %dma_wait3A_208 = arith.constant 0 : i32
        %dma_wait3A_209 = arith.constant 0 : i32
        %dma_wait3A_210 = tpu.memref_slice %arg4[%dma_wait3A_208, %dma_wait3A_209] : memref<10000x128xf32, #tpu.memory_space<hbm>> -> memref<10000x128xf32, #tpu.memory_space<hbm>>
        tpu.wait_indirect_dma semaphore(%arg15 : memref<!tpu.dma_semaphore, #tpu.memory_space<semaphore_mem>>) src(%dma_wait3A_210 : memref<10000x128xf32, #tpu.memory_space<hbm>>) dst(%arg12 : memref<128x128xf32, #tpu.memory_space<vmem>>)
        "tpu.region"() ({
          %run_scoped3A_237 = tpu.sem_alloc : memref<!tpu.dma_semaphore, #tpu.memory_space<semaphore_mem>>
          %dma_start3A_238 = arith.constant 0 : i32
          %dma_start3A_239 = tpu.memref_slice %arg11[%mul3A_204, %dma_start3A_238] : memref<40x128xi32, #tpu.memory_space<vmem>> -> memref<1x128xi32, #tpu.memory_space<vmem>>
          %dma_start3A_240 = tpu.memref_squeeze %dma_start3A_239 : memref<1x128xi32, #tpu.memory_space<vmem>> -> memref<128xi32, #tpu.memory_space<vmem>>
          %dma_start3A_241 = arith.constant 0 : i32
          %dma_start3A_242 = arith.constant 0 : i32
          %dma_start3A_243 = tpu.memref_slice %arg14[%dma_start3A_241, %dma_start3A_242] : memref<10112x128xf32, #tpu.memory_space<vmem_shared>> -> memref<10112x128xf32, #tpu.memory_space<vmem_shared>>
          tpu.enqueue_indirect_dma source(%arg12 : memref<128x128xf32, #tpu.memory_space<vmem>>) target(%dma_start3A_243 : memref<10112x128xf32, #tpu.memory_space<vmem_shared>>) offsets(%dma_start3A_240 : memref<128xi32, #tpu.memory_space<vmem>>) semaphore(%run_scoped3A_237 : memref<!tpu.dma_semaphore, #tpu.memory_space<semaphore_mem>>) {add = true}
          %dma_wait3A_244 = arith.constant 0 : i32
          %dma_wait3A_245 = tpu.memref_slice %arg11[%mul3A_204, %dma_wait3A_244] : memref<40x128xi32, #tpu.memory_space<vmem>> -> memref<1x128xi32, #tpu.memory_space<vmem>>
          %dma_wait3A_246 = tpu.memref_squeeze %dma_wait3A_245 : memref<1x128xi32, #tpu.memory_space<vmem>> -> memref<128xi32, #tpu.memory_space<vmem>>
          %dma_wait3A_247 = arith.constant 0 : i32
          %dma_wait3A_248 = arith.constant 0 : i32
          %dma_wait3A_249 = tpu.memref_slice %arg14[%dma_wait3A_247, %dma_wait3A_248] : memref<10112x128xf32, #tpu.memory_space<vmem_shared>> -> memref<10112x128xf32, #tpu.memory_space<vmem_shared>>
          tpu.wait_indirect_dma semaphore(%run_scoped3A_237 : memref<!tpu.dma_semaphore, #tpu.memory_space<semaphore_mem>>) src(%arg12 : memref<128x128xf32, #tpu.memory_space<vmem>>) dst(%dma_wait3A_249 : memref<10112x128xf32, #tpu.memory_space<vmem_shared>>)
          tpu.yield
        }) : () -> ()
        %add3A_211 = arith.constant 2 : i32
        %add3A_212 = arith.addi %mul3A_204, %add3A_211 : i32
        %dma_start3A_213 = arith.constant 0 : i32
        %dma_start3A_214 = tpu.memref_slice %arg10[%add3A_212, %dma_start3A_213] : memref<40x128xi32, #tpu.memory_space<vmem>> -> memref<1x128xi32, #tpu.memory_space<vmem>>
        %dma_start3A_215 = tpu.memref_squeeze %dma_start3A_214 : memref<1x128xi32, #tpu.memory_space<vmem>> -> memref<128xi32, #tpu.memory_space<vmem>>
        %dma_start3A_216 = arith.constant 0 : i32
        %dma_start3A_217 = arith.constant 0 : i32
        %dma_start3A_218 = tpu.memref_slice %arg4[%dma_start3A_216, %dma_start3A_217] : memref<10000x128xf32, #tpu.memory_space<hbm>> -> memref<10000x128xf32, #tpu.memory_space<hbm>>
        tpu.enqueue_indirect_dma source(%dma_start3A_218 : memref<10000x128xf32, #tpu.memory_space<hbm>>) target(%arg12 : memref<128x128xf32, #tpu.memory_space<vmem>>) offsets(%dma_start3A_215 : memref<128xi32, #tpu.memory_space<vmem>>) semaphore(%arg15 : memref<!tpu.dma_semaphore, #tpu.memory_space<semaphore_mem>>)
        %add3A_219 = arith.constant 1 : i32
        %add3A_220 = arith.addi %mul3A_204, %add3A_219 : i32
        %dma_wait3A_221 = arith.constant 0 : i32
        %dma_wait3A_222 = tpu.memref_slice %arg10[%add3A_220, %dma_wait3A_221] : memref<40x128xi32, #tpu.memory_space<vmem>> -> memref<1x128xi32, #tpu.memory_space<vmem>>
        %dma_wait3A_223 = tpu.memref_squeeze %dma_wait3A_222 : memref<1x128xi32, #tpu.memory_space<vmem>> -> memref<128xi32, #tpu.memory_space<vmem>>
        %dma_wait3A_224 = arith.constant 0 : i32
        %dma_wait3A_225 = arith.constant 0 : i32
        %dma_wait3A_226 = tpu.memref_slice %arg4[%dma_wait3A_224, %dma_wait3A_225] : memref<10000x128xf32, #tpu.memory_space<hbm>> -> memref<10000x128xf32, #tpu.memory_space<hbm>>
        tpu.wait_indirect_dma semaphore(%arg16 : memref<!tpu.dma_semaphore, #tpu.memory_space<semaphore_mem>>) src(%dma_wait3A_226 : memref<10000x128xf32, #tpu.memory_space<hbm>>) dst(%arg13 : memref<128x128xf32, #tpu.memory_space<vmem>>)
        %add3A_227 = arith.constant 1 : i32
        %add3A_228 = arith.addi %mul3A_204, %add3A_227 : i32
        "tpu.region"() ({
          %run_scoped3A_237 = tpu.sem_alloc : memref<!tpu.dma_semaphore, #tpu.memory_space<semaphore_mem>>
          %dma_start3A_238 = arith.constant 0 : i32
          %dma_start3A_239 = tpu.memref_slice %arg11[%add3A_228, %dma_start3A_238] : memref<40x128xi32, #tpu.memory_space<vmem>> -> memref<1x128xi32, #tpu.memory_space<vmem>>
          %dma_start3A_240 = tpu.memref_squeeze %dma_start3A_239 : memref<1x128xi32, #tpu.memory_space<vmem>> -> memref<128xi32, #tpu.memory_space<vmem>>
          %dma_start3A_241 = arith.constant 0 : i32
          %dma_start3A_242 = arith.constant 0 : i32
          %dma_start3A_243 = tpu.memref_slice %arg14[%dma_start3A_241, %dma_start3A_242] : memref<10112x128xf32, #tpu.memory_space<vmem_shared>> -> memref<10112x128xf32, #tpu.memory_space<vmem_shared>>
          tpu.enqueue_indirect_dma source(%arg13 : memref<128x128xf32, #tpu.memory_space<vmem>>) target(%dma_start3A_243 : memref<10112x128xf32, #tpu.memory_space<vmem_shared>>) offsets(%dma_start3A_240 : memref<128xi32, #tpu.memory_space<vmem>>) semaphore(%run_scoped3A_237 : memref<!tpu.dma_semaphore, #tpu.memory_space<semaphore_mem>>) {add = true}
          %dma_wait3A_244 = arith.constant 0 : i32
          %dma_wait3A_245 = tpu.memref_slice %arg11[%add3A_228, %dma_wait3A_244] : memref<40x128xi32, #tpu.memory_space<vmem>> -> memref<1x128xi32, #tpu.memory_space<vmem>>
          %dma_wait3A_246 = tpu.memref_squeeze %dma_wait3A_245 : memref<1x128xi32, #tpu.memory_space<vmem>> -> memref<128xi32, #tpu.memory_space<vmem>>
          %dma_wait3A_247 = arith.constant 0 : i32
          %dma_wait3A_248 = arith.constant 0 : i32
          %dma_wait3A_249 = tpu.memref_slice %arg14[%dma_wait3A_247, %dma_wait3A_248] : memref<10112x128xf32, #tpu.memory_space<vmem_shared>> -> memref<10112x128xf32, #tpu.memory_space<vmem_shared>>
          tpu.wait_indirect_dma semaphore(%run_scoped3A_237 : memref<!tpu.dma_semaphore, #tpu.memory_space<semaphore_mem>>) src(%arg13 : memref<128x128xf32, #tpu.memory_space<vmem>>) dst(%dma_wait3A_249 : memref<10112x128xf32, #tpu.memory_space<vmem_shared>>)
          tpu.yield
        }) : () -> ()
        %add3A_229 = arith.constant 3 : i32
        %add3A_230 = arith.addi %mul3A_204, %add3A_229 : i32
        %dma_start3A_231 = arith.constant 0 : i32
        %dma_start3A_232 = tpu.memref_slice %arg10[%add3A_230, %dma_start3A_231] : memref<40x128xi32, #tpu.memory_space<vmem>> -> memref<1x128xi32, #tpu.memory_space<vmem>>
        %dma_start3A_233 = tpu.memref_squeeze %dma_start3A_232 : memref<1x128xi32, #tpu.memory_space<vmem>> -> memref<128xi32, #tpu.memory_space<vmem>>
        %dma_start3A_234 = arith.constant 0 : i32
        %dma_start3A_235 = arith.constant 0 : i32
        %dma_start3A_236 = tpu.memref_slice %arg4[%dma_start3A_234, %dma_start3A_235] : memref<10000x128xf32, #tpu.memory_space<hbm>> -> memref<10000x128xf32, #tpu.memory_space<hbm>>
        tpu.enqueue_indirect_dma source(%dma_start3A_236 : memref<10000x128xf32, #tpu.memory_space<hbm>>) target(%arg13 : memref<128x128xf32, #tpu.memory_space<vmem>>) offsets(%dma_start3A_233 : memref<128xi32, #tpu.memory_space<vmem>>) semaphore(%arg16 : memref<!tpu.dma_semaphore, #tpu.memory_space<semaphore_mem>>)
      }
      %scan3A_31 = arith.constant 19 : i32
      %dma_wait3A = arith.constant 38 : i32
      %dma_wait3A_32 = arith.constant 0 : i32
      %dma_wait3A_33 = tpu.memref_slice %arg10[%dma_wait3A, %dma_wait3A_32] : memref<40x128xi32, #tpu.memory_space<vmem>> -> memref<1x128xi32, #tpu.memory_space<vmem>>
      %dma_wait3A_34 = tpu.memref_squeeze %dma_wait3A_33 : memref<1x128xi32, #tpu.memory_space<vmem>> -> memref<128xi32, #tpu.memory_space<vmem>>
      %dma_wait3A_35 = arith.constant 0 : i32
      %dma_wait3A_36 = arith.constant 0 : i32
      %dma_wait3A_37 = tpu.memref_slice %arg4[%dma_wait3A_35, %dma_wait3A_36] : memref<10000x128xf32, #tpu.memory_space<hbm>> -> memref<10000x128xf32, #tpu.memory_space<hbm>>
      tpu.wait_indirect_dma semaphore(%arg15 : memref<!tpu.dma_semaphore, #tpu.memory_space<semaphore_mem>>) src(%dma_wait3A_37 : memref<10000x128xf32, #tpu.memory_space<hbm>>) dst(%arg12 : memref<128x128xf32, #tpu.memory_space<vmem>>)
      %run_scoped3A = arith.constant 38 : i32
      "tpu.region"() ({
        %run_scoped3A_202 = tpu.sem_alloc : memref<!tpu.dma_semaphore, #tpu.memory_space<semaphore_mem>>
        %dma_start3A_203 = arith.constant 0 : i32
        %dma_start3A_204 = tpu.memref_slice %arg11[%run_scoped3A, %dma_start3A_203] : memref<40x128xi32, #tpu.memory_space<vmem>> -> memref<1x128xi32, #tpu.memory_space<vmem>>
        %dma_start3A_205 = tpu.memref_squeeze %dma_start3A_204 : memref<1x128xi32, #tpu.memory_space<vmem>> -> memref<128xi32, #tpu.memory_space<vmem>>
        %dma_start3A_206 = arith.constant 0 : i32
        %dma_start3A_207 = arith.constant 0 : i32
        %dma_start3A_208 = tpu.memref_slice %arg14[%dma_start3A_206, %dma_start3A_207] : memref<10112x128xf32, #tpu.memory_space<vmem_shared>> -> memref<10112x128xf32, #tpu.memory_space<vmem_shared>>
        tpu.enqueue_indirect_dma source(%arg12 : memref<128x128xf32, #tpu.memory_space<vmem>>) target(%dma_start3A_208 : memref<10112x128xf32, #tpu.memory_space<vmem_shared>>) offsets(%dma_start3A_205 : memref<128xi32, #tpu.memory_space<vmem>>) semaphore(%run_scoped3A_202 : memref<!tpu.dma_semaphore, #tpu.memory_space<semaphore_mem>>) {add = true}
        %dma_wait3A_209 = arith.constant 0 : i32
        %dma_wait3A_210 = tpu.memref_slice %arg11[%run_scoped3A, %dma_wait3A_209] : memref<40x128xi32, #tpu.memory_space<vmem>> -> memref<1x128xi32, #tpu.memory_space<vmem>>
        %dma_wait3A_211 = tpu.memref_squeeze %dma_wait3A_210 : memref<1x128xi32, #tpu.memory_space<vmem>> -> memref<128xi32, #tpu.memory_space<vmem>>
        %dma_wait3A_212 = arith.constant 0 : i32
        %dma_wait3A_213 = arith.constant 0 : i32
        %dma_wait3A_214 = tpu.memref_slice %arg14[%dma_wait3A_212, %dma_wait3A_213] : memref<10112x128xf32, #tpu.memory_space<vmem_shared>> -> memref<10112x128xf32, #tpu.memory_space<vmem_shared>>
        tpu.wait_indirect_dma semaphore(%run_scoped3A_202 : memref<!tpu.dma_semaphore, #tpu.memory_space<semaphore_mem>>) src(%arg12 : memref<128x128xf32, #tpu.memory_space<vmem>>) dst(%dma_wait3A_214 : memref<10112x128xf32, #tpu.memory_space<vmem_shared>>)
        tpu.yield
      }) : () -> ()
      %dma_wait3A_38 = arith.constant 39 : i32
      %dma_wait3A_39 = arith.constant 0 : i32
      %dma_wait3A_40 = tpu.memref_slice %arg10[%dma_wait3A_38, %dma_wait3A_39] : memref<40x128xi32, #tpu.memory_space<vmem>> -> memref<1x128xi32, #tpu.memory_space<vmem>>
      %dma_wait3A_41 = tpu.memref_squeeze %dma_wait3A_40 : memref<1x128xi32, #tpu.memory_space<vmem>> -> memref<128xi32, #tpu.memory_space<vmem>>
      %dma_wait3A_42 = arith.constant 0 : i32
      %dma_wait3A_43 = arith.constant 0 : i32
      %dma_wait3A_44 = tpu.memref_slice %arg4[%dma_wait3A_42, %dma_wait3A_43] : memref<10000x128xf32, #tpu.memory_space<hbm>> -> memref<10000x128xf32, #tpu.memory_space<hbm>>
      tpu.wait_indirect_dma semaphore(%arg16 : memref<!tpu.dma_semaphore, #tpu.memory_space<semaphore_mem>>) src(%dma_wait3A_44 : memref<10000x128xf32, #tpu.memory_space<hbm>>) dst(%arg13 : memref<128x128xf32, #tpu.memory_space<vmem>>)
      %run_scoped3A_45 = arith.constant 39 : i32
      "tpu.region"() ({
        %run_scoped3A_202 = tpu.sem_alloc : memref<!tpu.dma_semaphore, #tpu.memory_space<semaphore_mem>>
        %dma_start3A_203 = arith.constant 0 : i32
        %dma_start3A_204 = tpu.memref_slice %arg11[%run_scoped3A_45, %dma_start3A_203] : memref<40x128xi32, #tpu.memory_space<vmem>> -> memref<1x128xi32, #tpu.memory_space<vmem>>
        %dma_start3A_205 = tpu.memref_squeeze %dma_start3A_204 : memref<1x128xi32, #tpu.memory_space<vmem>> -> memref<128xi32, #tpu.memory_space<vmem>>
        %dma_start3A_206 = arith.constant 0 : i32
        %dma_start3A_207 = arith.constant 0 : i32
        %dma_start3A_208 = tpu.memref_slice %arg14[%dma_start3A_206, %dma_start3A_207] : memref<10112x128xf32, #tpu.memory_space<vmem_shared>> -> memref<10112x128xf32, #tpu.memory_space<vmem_shared>>
        tpu.enqueue_indirect_dma source(%arg13 : memref<128x128xf32, #tpu.memory_space<vmem>>) target(%dma_start3A_208 : memref<10112x128xf32, #tpu.memory_space<vmem_shared>>) offsets(%dma_start3A_205 : memref<128xi32, #tpu.memory_space<vmem>>) semaphore(%run_scoped3A_202 : memref<!tpu.dma_semaphore, #tpu.memory_space<semaphore_mem>>) {add = true}
        %dma_wait3A_209 = arith.constant 0 : i32
        %dma_wait3A_210 = tpu.memref_slice %arg11[%run_scoped3A_45, %dma_wait3A_209] : memref<40x128xi32, #tpu.memory_space<vmem>> -> memref<1x128xi32, #tpu.memory_space<vmem>>
        %dma_wait3A_211 = tpu.memref_squeeze %dma_wait3A_210 : memref<1x128xi32, #tpu.memory_space<vmem>> -> memref<128xi32, #tpu.memory_space<vmem>>
        %dma_wait3A_212 = arith.constant 0 : i32
        %dma_wait3A_213 = arith.constant 0 : i32
        %dma_wait3A_214 = tpu.memref_slice %arg14[%dma_wait3A_212, %dma_wait3A_213] : memref<10112x128xf32, #tpu.memory_space<vmem_shared>> -> memref<10112x128xf32, #tpu.memory_space<vmem_shared>>
        tpu.wait_indirect_dma semaphore(%run_scoped3A_202 : memref<!tpu.dma_semaphore, #tpu.memory_space<semaphore_mem>>) src(%arg13 : memref<128x128xf32, #tpu.memory_space<vmem>>) dst(%dma_wait3A_214 : memref<10112x128xf32, #tpu.memory_space<vmem_shared>>)
        tpu.yield
      }) : () -> ()
      %add3A_46 = arith.constant 40 : i32
      %add3A_47 = arith.addi %add3A_11, %add3A_46 : i32
      "tpu.region"() ({
        %run_scoped3A_202 = tpu.sem_alloc : memref<!tpu.dma_semaphore, #tpu.memory_space<semaphore_mem>>
        %dma_start3A_203 = arith.constant 0 : i32
        %dma_start3A_204 = arith.constant 0 : i32
        %dma_start3A_205 = tpu.memref_slice %arg10[%dma_start3A_203, %dma_start3A_204] : memref<40x128xi32, #tpu.memory_space<vmem>> -> memref<40x128xi32, #tpu.memory_space<vmem>>
        %dma_start3A_206 = arith.constant 0 : i32
        %dma_start3A_207 = tpu.memref_slice %arg2[%add3A_47, %dma_start3A_206] : memref<5376x128xi32, #tpu.memory_space<hbm>> -> memref<40x128xi32, #tpu.memory_space<hbm>>
        %dma_start3A_208 = arith.constant 0 : i32
        %dma_start3A_209 = arith.constant 0 : i32
        %dma_start3A_210 = tpu.memref_slice %arg10[%dma_start3A_208, %dma_start3A_209] : memref<40x128xi32, #tpu.memory_space<vmem>> -> memref<40x128xi32, #tpu.memory_space<vmem>>
        %dma_start3A_211 = arith.constant 0 : i32
        %dma_start3A_212 = tpu.memref_slice %arg2[%add3A_47, %dma_start3A_211] : memref<5376x128xi32, #tpu.memory_space<hbm>> -> memref<40x128xi32, #tpu.memory_space<hbm>>
        tpu.enqueue_dma source(%dma_start3A_212 : memref<40x128xi32, #tpu.memory_space<hbm>>) target(%dma_start3A_210 : memref<40x128xi32, #tpu.memory_space<vmem>>) target_semaphore(%run_scoped3A_202 : memref<!tpu.dma_semaphore, #tpu.memory_space<semaphore_mem>>)
        %dma_wait3A_213 = arith.constant 0 : i32
        %dma_wait3A_214 = arith.constant 0 : i32
        %dma_wait3A_215 = tpu.memref_slice %arg10[%dma_wait3A_213, %dma_wait3A_214] : memref<40x128xi32, #tpu.memory_space<vmem>> -> memref<40x128xi32, #tpu.memory_space<vmem>>
        %dma_wait3A_216 = arith.constant 0 : i32
        %dma_wait3A_217 = tpu.memref_slice %arg2[%add3A_47, %dma_wait3A_216] : memref<5376x128xi32, #tpu.memory_space<hbm>> -> memref<40x128xi32, #tpu.memory_space<hbm>>
        %dma_wait3A_218 = arith.constant 0 : i32
        %dma_wait3A_219 = arith.constant 0 : i32
        %dma_wait3A_220 = tpu.memref_slice %arg10[%dma_wait3A_218, %dma_wait3A_219] : memref<40x128xi32, #tpu.memory_space<vmem>> -> memref<40x128xi32, #tpu.memory_space<vmem>>
        %dma_wait3A_221 = arith.constant 0 : i32
        %dma_wait3A_222 = tpu.memref_slice %arg2[%add3A_47, %dma_wait3A_221] : memref<5376x128xi32, #tpu.memory_space<hbm>> -> memref<40x128xi32, #tpu.memory_space<hbm>>
        tpu.wait_dma2 semaphore(%run_scoped3A_202 : memref<!tpu.dma_semaphore, #tpu.memory_space<semaphore_mem>>) src(%dma_wait3A_222 : memref<40x128xi32, #tpu.memory_space<hbm>>) dst(%dma_wait3A_220 : memref<40x128xi32, #tpu.memory_space<vmem>>)
        tpu.yield
      }) : () -> ()
      "tpu.region"() ({
        %run_scoped3A_202 = tpu.sem_alloc : memref<!tpu.dma_semaphore, #tpu.memory_space<semaphore_mem>>
        %dma_start3A_203 = arith.constant 0 : i32
        %dma_start3A_204 = arith.constant 0 : i32
        %dma_start3A_205 = tpu.memref_slice %arg11[%dma_start3A_203, %dma_start3A_204] : memref<40x128xi32, #tpu.memory_space<vmem>> -> memref<40x128xi32, #tpu.memory_space<vmem>>
        %dma_start3A_206 = arith.constant 0 : i32
        %dma_start3A_207 = tpu.memref_slice %arg3[%add3A_47, %dma_start3A_206] : memref<5376x128xi32, #tpu.memory_space<hbm>> -> memref<40x128xi32, #tpu.memory_space<hbm>>
        %dma_start3A_208 = arith.constant 0 : i32
        %dma_start3A_209 = arith.constant 0 : i32
        %dma_start3A_210 = tpu.memref_slice %arg11[%dma_start3A_208, %dma_start3A_209] : memref<40x128xi32, #tpu.memory_space<vmem>> -> memref<40x128xi32, #tpu.memory_space<vmem>>
        %dma_start3A_211 = arith.constant 0 : i32
        %dma_start3A_212 = tpu.memref_slice %arg3[%add3A_47, %dma_start3A_211] : memref<5376x128xi32, #tpu.memory_space<hbm>> -> memref<40x128xi32, #tpu.memory_space<hbm>>
        tpu.enqueue_dma source(%dma_start3A_212 : memref<40x128xi32, #tpu.memory_space<hbm>>) target(%dma_start3A_210 : memref<40x128xi32, #tpu.memory_space<vmem>>) target_semaphore(%run_scoped3A_202 : memref<!tpu.dma_semaphore, #tpu.memory_space<semaphore_mem>>)
        %dma_wait3A_213 = arith.constant 0 : i32
        %dma_wait3A_214 = arith.constant 0 : i32
        %dma_wait3A_215 = tpu.memref_slice %arg11[%dma_wait3A_213, %dma_wait3A_214] : memref<40x128xi32, #tpu.memory_space<vmem>> -> memref<40x128xi32, #tpu.memory_space<vmem>>
        %dma_wait3A_216 = arith.constant 0 : i32
        %dma_wait3A_217 = tpu.memref_slice %arg3[%add3A_47, %dma_wait3A_216] : memref<5376x128xi32, #tpu.memory_space<hbm>> -> memref<40x128xi32, #tpu.memory_space<hbm>>
        %dma_wait3A_218 = arith.constant 0 : i32
        %dma_wait3A_219 = arith.constant 0 : i32
        %dma_wait3A_220 = tpu.memref_slice %arg11[%dma_wait3A_218, %dma_wait3A_219] : memref<40x128xi32, #tpu.memory_space<vmem>> -> memref<40x128xi32, #tpu.memory_space<vmem>>
        %dma_wait3A_221 = arith.constant 0 : i32
        %dma_wait3A_222 = tpu.memref_slice %arg3[%add3A_47, %dma_wait3A_221] : memref<5376x128xi32, #tpu.memory_space<hbm>> -> memref<40x128xi32, #tpu.memory_space<hbm>>
        tpu.wait_dma2 semaphore(%run_scoped3A_202 : memref<!tpu.dma_semaphore, #tpu.memory_space<semaphore_mem>>) src(%dma_wait3A_222 : memref<40x128xi32, #tpu.memory_space<hbm>>) dst(%dma_wait3A_220 : memref<40x128xi32, #tpu.memory_space<vmem>>)
        tpu.yield
      }) : () -> ()
      %dma_start3A_48 = arith.constant 0 : i32
      %dma_start3A_49 = arith.constant 0 : i32
      %dma_start3A_50 = tpu.memref_slice %arg10[%dma_start3A_48, %dma_start3A_49] : memref<40x128xi32, #tpu.memory_space<vmem>> -> memref<1x128xi32, #tpu.memory_space<vmem>>
      %dma_start3A_51 = tpu.memref_squeeze %dma_start3A_50 : memref<1x128xi32, #tpu.memory_space<vmem>> -> memref<128xi32, #tpu.memory_space<vmem>>
      %dma_start3A_52 = arith.constant 0 : i32
      %dma_start3A_53 = arith.constant 0 : i32
      %dma_start3A_54 = tpu.memref_slice %arg4[%dma_start3A_52, %dma_start3A_53] : memref<10000x128xf32, #tpu.memory_space<hbm>> -> memref<10000x128xf32, #tpu.memory_space<hbm>>
      tpu.enqueue_indirect_dma source(%dma_start3A_54 : memref<10000x128xf32, #tpu.memory_space<hbm>>) target(%arg12 : memref<128x128xf32, #tpu.memory_space<vmem>>) offsets(%dma_start3A_51 : memref<128xi32, #tpu.memory_space<vmem>>) semaphore(%arg15 : memref<!tpu.dma_semaphore, #tpu.memory_space<semaphore_mem>>)
      %dma_start3A_55 = arith.constant 1 : i32
      %dma_start3A_56 = arith.constant 0 : i32
      %dma_start3A_57 = tpu.memref_slice %arg10[%dma_start3A_55, %dma_start3A_56] : memref<40x128xi32, #tpu.memory_space<vmem>> -> memref<1x128xi32, #tpu.memory_space<vmem>>
      %dma_start3A_58 = tpu.memref_squeeze %dma_start3A_57 : memref<1x128xi32, #tpu.memory_space<vmem>> -> memref<128xi32, #tpu.memory_space<vmem>>
      %dma_start3A_59 = arith.constant 0 : i32
      %dma_start3A_60 = arith.constant 0 : i32
      %dma_start3A_61 = tpu.memref_slice %arg4[%dma_start3A_59, %dma_start3A_60] : memref<10000x128xf32, #tpu.memory_space<hbm>> -> memref<10000x128xf32, #tpu.memory_space<hbm>>
      tpu.enqueue_indirect_dma source(%dma_start3A_61 : memref<10000x128xf32, #tpu.memory_space<hbm>>) target(%arg13 : memref<128x128xf32, #tpu.memory_space<vmem>>) offsets(%dma_start3A_58 : memref<128xi32, #tpu.memory_space<vmem>>) semaphore(%arg16 : memref<!tpu.dma_semaphore, #tpu.memory_space<semaphore_mem>>)
      %scan3A_62 = arith.constant 0 : i32
      %scan3A_63 = arith.constant 0 : i32
      %scan3A_64 = arith.constant 19 : i32
      %scan3A_65 = arith.addi %scan3A_63, %scan3A_64 : i32
      %scan3A_66 = arith.constant 1 : i32
      scf.for %scan3A_202 = %scan3A_63 to %scan3A_65 step %scan3A_66  : i32 {
        %mul3A_203 = arith.constant 2 : i32
        %mul3A_204 = arith.muli %scan3A_202, %mul3A_203 : i32
        %dma_wait3A_205 = arith.constant 0 : i32
        %dma_wait3A_206 = tpu.memref_slice %arg10[%mul3A_204, %dma_wait3A_205] : memref<40x128xi32, #tpu.memory_space<vmem>> -> memref<1x128xi32, #tpu.memory_space<vmem>>
        %dma_wait3A_207 = tpu.memref_squeeze %dma_wait3A_206 : memref<1x128xi32, #tpu.memory_space<vmem>> -> memref<128xi32, #tpu.memory_space<vmem>>
        %dma_wait3A_208 = arith.constant 0 : i32
        %dma_wait3A_209 = arith.constant 0 : i32
        %dma_wait3A_210 = tpu.memref_slice %arg4[%dma_wait3A_208, %dma_wait3A_209] : memref<10000x128xf32, #tpu.memory_space<hbm>> -> memref<10000x128xf32, #tpu.memory_space<hbm>>
        tpu.wait_indirect_dma semaphore(%arg15 : memref<!tpu.dma_semaphore, #tpu.memory_space<semaphore_mem>>) src(%dma_wait3A_210 : memref<10000x128xf32, #tpu.memory_space<hbm>>) dst(%arg12 : memref<128x128xf32, #tpu.memory_space<vmem>>)
        "tpu.region"() ({
          %run_scoped3A_237 = tpu.sem_alloc : memref<!tpu.dma_semaphore, #tpu.memory_space<semaphore_mem>>
          %dma_start3A_238 = arith.constant 0 : i32
          %dma_start3A_239 = tpu.memref_slice %arg11[%mul3A_204, %dma_start3A_238] : memref<40x128xi32, #tpu.memory_space<vmem>> -> memref<1x128xi32, #tpu.memory_space<vmem>>
          %dma_start3A_240 = tpu.memref_squeeze %dma_start3A_239 : memref<1x128xi32, #tpu.memory_space<vmem>> -> memref<128xi32, #tpu.memory_space<vmem>>
          %dma_start3A_241 = arith.constant 0 : i32
          %dma_start3A_242 = arith.constant 0 : i32
          %dma_start3A_243 = tpu.memref_slice %arg14[%dma_start3A_241, %dma_start3A_242] : memref<10112x128xf32, #tpu.memory_space<vmem_shared>> -> memref<10112x128xf32, #tpu.memory_space<vmem_shared>>
          tpu.enqueue_indirect_dma source(%arg12 : memref<128x128xf32, #tpu.memory_space<vmem>>) target(%dma_start3A_243 : memref<10112x128xf32, #tpu.memory_space<vmem_shared>>) offsets(%dma_start3A_240 : memref<128xi32, #tpu.memory_space<vmem>>) semaphore(%run_scoped3A_237 : memref<!tpu.dma_semaphore, #tpu.memory_space<semaphore_mem>>) {add = true}
          %dma_wait3A_244 = arith.constant 0 : i32
          %dma_wait3A_245 = tpu.memref_slice %arg11[%mul3A_204, %dma_wait3A_244] : memref<40x128xi32, #tpu.memory_space<vmem>> -> memref<1x128xi32, #tpu.memory_space<vmem>>
          %dma_wait3A_246 = tpu.memref_squeeze %dma_wait3A_245 : memref<1x128xi32, #tpu.memory_space<vmem>> -> memref<128xi32, #tpu.memory_space<vmem>>
          %dma_wait3A_247 = arith.constant 0 : i32
          %dma_wait3A_248 = arith.constant 0 : i32
          %dma_wait3A_249 = tpu.memref_slice %arg14[%dma_wait3A_247, %dma_wait3A_248] : memref<10112x128xf32, #tpu.memory_space<vmem_shared>> -> memref<10112x128xf32, #tpu.memory_space<vmem_shared>>
          tpu.wait_indirect_dma semaphore(%run_scoped3A_237 : memref<!tpu.dma_semaphore, #tpu.memory_space<semaphore_mem>>) src(%arg12 : memref<128x128xf32, #tpu.memory_space<vmem>>) dst(%dma_wait3A_249 : memref<10112x128xf32, #tpu.memory_space<vmem_shared>>)
          tpu.yield
        }) : () -> ()
        %add3A_211 = arith.constant 2 : i32
        %add3A_212 = arith.addi %mul3A_204, %add3A_211 : i32
        %dma_start3A_213 = arith.constant 0 : i32
        %dma_start3A_214 = tpu.memref_slice %arg10[%add3A_212, %dma_start3A_213] : memref<40x128xi32, #tpu.memory_space<vmem>> -> memref<1x128xi32, #tpu.memory_space<vmem>>
        %dma_start3A_215 = tpu.memref_squeeze %dma_start3A_214 : memref<1x128xi32, #tpu.memory_space<vmem>> -> memref<128xi32, #tpu.memory_space<vmem>>
        %dma_start3A_216 = arith.constant 0 : i32
        %dma_start3A_217 = arith.constant 0 : i32
        %dma_start3A_218 = tpu.memref_slice %arg4[%dma_start3A_216, %dma_start3A_217] : memref<10000x128xf32, #tpu.memory_space<hbm>> -> memref<10000x128xf32, #tpu.memory_space<hbm>>
        tpu.enqueue_indirect_dma source(%dma_start3A_218 : memref<10000x128xf32, #tpu.memory_space<hbm>>) target(%arg12 : memref<128x128xf32, #tpu.memory_space<vmem>>) offsets(%dma_start3A_215 : memref<128xi32, #tpu.memory_space<vmem>>) semaphore(%arg15 : memref<!tpu.dma_semaphore, #tpu.memory_space<semaphore_mem>>)
        %add3A_219 = arith.constant 1 : i32
        %add3A_220 = arith.addi %mul3A_204, %add3A_219 : i32
        %dma_wait3A_221 = arith.constant 0 : i32
        %dma_wait3A_222 = tpu.memref_slice %arg10[%add3A_220, %dma_wait3A_221] : memref<40x128xi32, #tpu.memory_space<vmem>> -> memref<1x128xi32, #tpu.memory_space<vmem>>
        %dma_wait3A_223 = tpu.memref_squeeze %dma_wait3A_222 : memref<1x128xi32, #tpu.memory_space<vmem>> -> memref<128xi32, #tpu.memory_space<vmem>>
        %dma_wait3A_224 = arith.constant 0 : i32
        %dma_wait3A_225 = arith.constant 0 : i32
        %dma_wait3A_226 = tpu.memref_slice %arg4[%dma_wait3A_224, %dma_wait3A_225] : memref<10000x128xf32, #tpu.memory_space<hbm>> -> memref<10000x128xf32, #tpu.memory_space<hbm>>
        tpu.wait_indirect_dma semaphore(%arg16 : memref<!tpu.dma_semaphore, #tpu.memory_space<semaphore_mem>>) src(%dma_wait3A_226 : memref<10000x128xf32, #tpu.memory_space<hbm>>) dst(%arg13 : memref<128x128xf32, #tpu.memory_space<vmem>>)
        %add3A_227 = arith.constant 1 : i32
        %add3A_228 = arith.addi %mul3A_204, %add3A_227 : i32
        "tpu.region"() ({
          %run_scoped3A_237 = tpu.sem_alloc : memref<!tpu.dma_semaphore, #tpu.memory_space<semaphore_mem>>
          %dma_start3A_238 = arith.constant 0 : i32
          %dma_start3A_239 = tpu.memref_slice %arg11[%add3A_228, %dma_start3A_238] : memref<40x128xi32, #tpu.memory_space<vmem>> -> memref<1x128xi32, #tpu.memory_space<vmem>>
          %dma_start3A_240 = tpu.memref_squeeze %dma_start3A_239 : memref<1x128xi32, #tpu.memory_space<vmem>> -> memref<128xi32, #tpu.memory_space<vmem>>
          %dma_start3A_241 = arith.constant 0 : i32
          %dma_start3A_242 = arith.constant 0 : i32
          %dma_start3A_243 = tpu.memref_slice %arg14[%dma_start3A_241, %dma_start3A_242] : memref<10112x128xf32, #tpu.memory_space<vmem_shared>> -> memref<10112x128xf32, #tpu.memory_space<vmem_shared>>
          tpu.enqueue_indirect_dma source(%arg13 : memref<128x128xf32, #tpu.memory_space<vmem>>) target(%dma_start3A_243 : memref<10112x128xf32, #tpu.memory_space<vmem_shared>>) offsets(%dma_start3A_240 : memref<128xi32, #tpu.memory_space<vmem>>) semaphore(%run_scoped3A_237 : memref<!tpu.dma_semaphore, #tpu.memory_space<semaphore_mem>>) {add = true}
          %dma_wait3A_244 = arith.constant 0 : i32
          %dma_wait3A_245 = tpu.memref_slice %arg11[%add3A_228, %dma_wait3A_244] : memref<40x128xi32, #tpu.memory_space<vmem>> -> memref<1x128xi32, #tpu.memory_space<vmem>>
          %dma_wait3A_246 = tpu.memref_squeeze %dma_wait3A_245 : memref<1x128xi32, #tpu.memory_space<vmem>> -> memref<128xi32, #tpu.memory_space<vmem>>
          %dma_wait3A_247 = arith.constant 0 : i32
          %dma_wait3A_248 = arith.constant 0 : i32
          %dma_wait3A_249 = tpu.memref_slice %arg14[%dma_wait3A_247, %dma_wait3A_248] : memref<10112x128xf32, #tpu.memory_space<vmem_shared>> -> memref<10112x128xf32, #tpu.memory_space<vmem_shared>>
          tpu.wait_indirect_dma semaphore(%run_scoped3A_237 : memref<!tpu.dma_semaphore, #tpu.memory_space<semaphore_mem>>) src(%arg13 : memref<128x128xf32, #tpu.memory_space<vmem>>) dst(%dma_wait3A_249 : memref<10112x128xf32, #tpu.memory_space<vmem_shared>>)
          tpu.yield
        }) : () -> ()
        %add3A_229 = arith.constant 3 : i32
        %add3A_230 = arith.addi %mul3A_204, %add3A_229 : i32
        %dma_start3A_231 = arith.constant 0 : i32
        %dma_start3A_232 = tpu.memref_slice %arg10[%add3A_230, %dma_start3A_231] : memref<40x128xi32, #tpu.memory_space<vmem>> -> memref<1x128xi32, #tpu.memory_space<vmem>>
        %dma_start3A_233 = tpu.memref_squeeze %dma_start3A_232 : memref<1x128xi32, #tpu.memory_space<vmem>> -> memref<128xi32, #tpu.memory_space<vmem>>
        %dma_start3A_234 = arith.constant 0 : i32
        %dma_start3A_235 = arith.constant 0 : i32
        %dma_start3A_236 = tpu.memref_slice %arg4[%dma_start3A_234, %dma_start3A_235] : memref<10000x128xf32, #tpu.memory_space<hbm>> -> memref<10000x128xf32, #tpu.memory_space<hbm>>
        tpu.enqueue_indirect_dma source(%dma_start3A_236 : memref<10000x128xf32, #tpu.memory_space<hbm>>) target(%arg13 : memref<128x128xf32, #tpu.memory_space<vmem>>) offsets(%dma_start3A_233 : memref<128xi32, #tpu.memory_space<vmem>>) semaphore(%arg16 : memref<!tpu.dma_semaphore, #tpu.memory_space<semaphore_mem>>)
      }
      %scan3A_67 = arith.constant 19 : i32
      %dma_wait3A_68 = arith.constant 38 : i32
      %dma_wait3A_69 = arith.constant 0 : i32
      %dma_wait3A_70 = tpu.memref_slice %arg10[%dma_wait3A_68, %dma_wait3A_69] : memref<40x128xi32, #tpu.memory_space<vmem>> -> memref<1x128xi32, #tpu.memory_space<vmem>>
      %dma_wait3A_71 = tpu.memref_squeeze %dma_wait3A_70 : memref<1x128xi32, #tpu.memory_space<vmem>> -> memref<128xi32, #tpu.memory_space<vmem>>
      %dma_wait3A_72 = arith.constant 0 : i32
      %dma_wait3A_73 = arith.constant 0 : i32
      %dma_wait3A_74 = tpu.memref_slice %arg4[%dma_wait3A_72, %dma_wait3A_73] : memref<10000x128xf32, #tpu.memory_space<hbm>> -> memref<10000x128xf32, #tpu.memory_space<hbm>>
      tpu.wait_indirect_dma semaphore(%arg15 : memref<!tpu.dma_semaphore, #tpu.memory_space<semaphore_mem>>) src(%dma_wait3A_74 : memref<10000x128xf32, #tpu.memory_space<hbm>>) dst(%arg12 : memref<128x128xf32, #tpu.memory_space<vmem>>)
      %run_scoped3A_75 = arith.constant 38 : i32
      "tpu.region"() ({
        %run_scoped3A_202 = tpu.sem_alloc : memref<!tpu.dma_semaphore, #tpu.memory_space<semaphore_mem>>
        %dma_start3A_203 = arith.constant 0 : i32
        %dma_start3A_204 = tpu.memref_slice %arg11[%run_scoped3A_75, %dma_start3A_203] : memref<40x128xi32, #tpu.memory_space<vmem>> -> memref<1x128xi32, #tpu.memory_space<vmem>>
        %dma_start3A_205 = tpu.memref_squeeze %dma_start3A_204 : memref<1x128xi32, #tpu.memory_space<vmem>> -> memref<128xi32, #tpu.memory_space<vmem>>
        %dma_start3A_206 = arith.constant 0 : i32
        %dma_start3A_207 = arith.constant 0 : i32
        %dma_start3A_208 = tpu.memref_slice %arg14[%dma_start3A_206, %dma_start3A_207] : memref<10112x128xf32, #tpu.memory_space<vmem_shared>> -> memref<10112x128xf32, #tpu.memory_space<vmem_shared>>
        tpu.enqueue_indirect_dma source(%arg12 : memref<128x128xf32, #tpu.memory_space<vmem>>) target(%dma_start3A_208 : memref<10112x128xf32, #tpu.memory_space<vmem_shared>>) offsets(%dma_start3A_205 : memref<128xi32, #tpu.memory_space<vmem>>) semaphore(%run_scoped3A_202 : memref<!tpu.dma_semaphore, #tpu.memory_space<semaphore_mem>>) {add = true}
        %dma_wait3A_209 = arith.constant 0 : i32
        %dma_wait3A_210 = tpu.memref_slice %arg11[%run_scoped3A_75, %dma_wait3A_209] : memref<40x128xi32, #tpu.memory_space<vmem>> -> memref<1x128xi32, #tpu.memory_space<vmem>>
        %dma_wait3A_211 = tpu.memref_squeeze %dma_wait3A_210 : memref<1x128xi32, #tpu.memory_space<vmem>> -> memref<128xi32, #tpu.memory_space<vmem>>
        %dma_wait3A_212 = arith.constant 0 : i32
        %dma_wait3A_213 = arith.constant 0 : i32
        %dma_wait3A_214 = tpu.memref_slice %arg14[%dma_wait3A_212, %dma_wait3A_213] : memref<10112x128xf32, #tpu.memory_space<vmem_shared>> -> memref<10112x128xf32, #tpu.memory_space<vmem_shared>>
        tpu.wait_indirect_dma semaphore(%run_scoped3A_202 : memref<!tpu.dma_semaphore, #tpu.memory_space<semaphore_mem>>) src(%arg12 : memref<128x128xf32, #tpu.memory_space<vmem>>) dst(%dma_wait3A_214 : memref<10112x128xf32, #tpu.memory_space<vmem_shared>>)
        tpu.yield
      }) : () -> ()
      %dma_wait3A_76 = arith.constant 39 : i32
      %dma_wait3A_77 = arith.constant 0 : i32
      %dma_wait3A_78 = tpu.memref_slice %arg10[%dma_wait3A_76, %dma_wait3A_77] : memref<40x128xi32, #tpu.memory_space<vmem>> -> memref<1x128xi32, #tpu.memory_space<vmem>>
      %dma_wait3A_79 = tpu.memref_squeeze %dma_wait3A_78 : memref<1x128xi32, #tpu.memory_space<vmem>> -> memref<128xi32, #tpu.memory_space<vmem>>
      %dma_wait3A_80 = arith.constant 0 : i32
      %dma_wait3A_81 = arith.constant 0 : i32
      %dma_wait3A_82 = tpu.memref_slice %arg4[%dma_wait3A_80, %dma_wait3A_81] : memref<10000x128xf32, #tpu.memory_space<hbm>> -> memref<10000x128xf32, #tpu.memory_space<hbm>>
      tpu.wait_indirect_dma semaphore(%arg16 : memref<!tpu.dma_semaphore, #tpu.memory_space<semaphore_mem>>) src(%dma_wait3A_82 : memref<10000x128xf32, #tpu.memory_space<hbm>>) dst(%arg13 : memref<128x128xf32, #tpu.memory_space<vmem>>)
      %run_scoped3A_83 = arith.constant 39 : i32
      "tpu.region"() ({
        %run_scoped3A_202 = tpu.sem_alloc : memref<!tpu.dma_semaphore, #tpu.memory_space<semaphore_mem>>
        %dma_start3A_203 = arith.constant 0 : i32
        %dma_start3A_204 = tpu.memref_slice %arg11[%run_scoped3A_83, %dma_start3A_203] : memref<40x128xi32, #tpu.memory_space<vmem>> -> memref<1x128xi32, #tpu.memory_space<vmem>>
        %dma_start3A_205 = tpu.memref_squeeze %dma_start3A_204 : memref<1x128xi32, #tpu.memory_space<vmem>> -> memref<128xi32, #tpu.memory_space<vmem>>
        %dma_start3A_206 = arith.constant 0 : i32
        %dma_start3A_207 = arith.constant 0 : i32
        %dma_start3A_208 = tpu.memref_slice %arg14[%dma_start3A_206, %dma_start3A_207] : memref<10112x128xf32, #tpu.memory_space<vmem_shared>> -> memref<10112x128xf32, #tpu.memory_space<vmem_shared>>
        tpu.enqueue_indirect_dma source(%arg13 : memref<128x128xf32, #tpu.memory_space<vmem>>) target(%dma_start3A_208 : memref<10112x128xf32, #tpu.memory_space<vmem_shared>>) offsets(%dma_start3A_205 : memref<128xi32, #tpu.memory_space<vmem>>) semaphore(%run_scoped3A_202 : memref<!tpu.dma_semaphore, #tpu.memory_space<semaphore_mem>>) {add = true}
        %dma_wait3A_209 = arith.constant 0 : i32
        %dma_wait3A_210 = tpu.memref_slice %arg11[%run_scoped3A_83, %dma_wait3A_209] : memref<40x128xi32, #tpu.memory_space<vmem>> -> memref<1x128xi32, #tpu.memory_space<vmem>>
        %dma_wait3A_211 = tpu.memref_squeeze %dma_wait3A_210 : memref<1x128xi32, #tpu.memory_space<vmem>> -> memref<128xi32, #tpu.memory_space<vmem>>
        %dma_wait3A_212 = arith.constant 0 : i32
        %dma_wait3A_213 = arith.constant 0 : i32
        %dma_wait3A_214 = tpu.memref_slice %arg14[%dma_wait3A_212, %dma_wait3A_213] : memref<10112x128xf32, #tpu.memory_space<vmem_shared>> -> memref<10112x128xf32, #tpu.memory_space<vmem_shared>>
        tpu.wait_indirect_dma semaphore(%run_scoped3A_202 : memref<!tpu.dma_semaphore, #tpu.memory_space<semaphore_mem>>) src(%arg13 : memref<128x128xf32, #tpu.memory_space<vmem>>) dst(%dma_wait3A_214 : memref<10112x128xf32, #tpu.memory_space<vmem_shared>>)
        tpu.yield
      }) : () -> ()
      %add3A_84 = arith.constant 80 : i32
      %add3A_85 = arith.addi %add3A_11, %add3A_84 : i32
      "tpu.region"() ({
        %run_scoped3A_202 = tpu.sem_alloc : memref<!tpu.dma_semaphore, #tpu.memory_space<semaphore_mem>>
        %dma_start3A_203 = arith.constant 0 : i32
        %dma_start3A_204 = arith.constant 0 : i32
        %dma_start3A_205 = tpu.memref_slice %arg10[%dma_start3A_203, %dma_start3A_204] : memref<40x128xi32, #tpu.memory_space<vmem>> -> memref<40x128xi32, #tpu.memory_space<vmem>>
        %dma_start3A_206 = arith.constant 0 : i32
        %dma_start3A_207 = tpu.memref_slice %arg2[%add3A_85, %dma_start3A_206] : memref<5376x128xi32, #tpu.memory_space<hbm>> -> memref<40x128xi32, #tpu.memory_space<hbm>>
        %dma_start3A_208 = arith.constant 0 : i32
        %dma_start3A_209 = arith.constant 0 : i32
        %dma_start3A_210 = tpu.memref_slice %arg10[%dma_start3A_208, %dma_start3A_209] : memref<40x128xi32, #tpu.memory_space<vmem>> -> memref<40x128xi32, #tpu.memory_space<vmem>>
        %dma_start3A_211 = arith.constant 0 : i32
        %dma_start3A_212 = tpu.memref_slice %arg2[%add3A_85, %dma_start3A_211] : memref<5376x128xi32, #tpu.memory_space<hbm>> -> memref<40x128xi32, #tpu.memory_space<hbm>>
        tpu.enqueue_dma source(%dma_start3A_212 : memref<40x128xi32, #tpu.memory_space<hbm>>) target(%dma_start3A_210 : memref<40x128xi32, #tpu.memory_space<vmem>>) target_semaphore(%run_scoped3A_202 : memref<!tpu.dma_semaphore, #tpu.memory_space<semaphore_mem>>)
        %dma_wait3A_213 = arith.constant 0 : i32
        %dma_wait3A_214 = arith.constant 0 : i32
        %dma_wait3A_215 = tpu.memref_slice %arg10[%dma_wait3A_213, %dma_wait3A_214] : memref<40x128xi32, #tpu.memory_space<vmem>> -> memref<40x128xi32, #tpu.memory_space<vmem>>
        %dma_wait3A_216 = arith.constant 0 : i32
        %dma_wait3A_217 = tpu.memref_slice %arg2[%add3A_85, %dma_wait3A_216] : memref<5376x128xi32, #tpu.memory_space<hbm>> -> memref<40x128xi32, #tpu.memory_space<hbm>>
        %dma_wait3A_218 = arith.constant 0 : i32
        %dma_wait3A_219 = arith.constant 0 : i32
        %dma_wait3A_220 = tpu.memref_slice %arg10[%dma_wait3A_218, %dma_wait3A_219] : memref<40x128xi32, #tpu.memory_space<vmem>> -> memref<40x128xi32, #tpu.memory_space<vmem>>
        %dma_wait3A_221 = arith.constant 0 : i32
        %dma_wait3A_222 = tpu.memref_slice %arg2[%add3A_85, %dma_wait3A_221] : memref<5376x128xi32, #tpu.memory_space<hbm>> -> memref<40x128xi32, #tpu.memory_space<hbm>>
        tpu.wait_dma2 semaphore(%run_scoped3A_202 : memref<!tpu.dma_semaphore, #tpu.memory_space<semaphore_mem>>) src(%dma_wait3A_222 : memref<40x128xi32, #tpu.memory_space<hbm>>) dst(%dma_wait3A_220 : memref<40x128xi32, #tpu.memory_space<vmem>>)
        tpu.yield
      }) : () -> ()
      "tpu.region"() ({
        %run_scoped3A_202 = tpu.sem_alloc : memref<!tpu.dma_semaphore, #tpu.memory_space<semaphore_mem>>
        %dma_start3A_203 = arith.constant 0 : i32
        %dma_start3A_204 = arith.constant 0 : i32
        %dma_start3A_205 = tpu.memref_slice %arg11[%dma_start3A_203, %dma_start3A_204] : memref<40x128xi32, #tpu.memory_space<vmem>> -> memref<40x128xi32, #tpu.memory_space<vmem>>
        %dma_start3A_206 = arith.constant 0 : i32
        %dma_start3A_207 = tpu.memref_slice %arg3[%add3A_85, %dma_start3A_206] : memref<5376x128xi32, #tpu.memory_space<hbm>> -> memref<40x128xi32, #tpu.memory_space<hbm>>
        %dma_start3A_208 = arith.constant 0 : i32
        %dma_start3A_209 = arith.constant 0 : i32
        %dma_start3A_210 = tpu.memref_slice %arg11[%dma_start3A_208, %dma_start3A_209] : memref<40x128xi32, #tpu.memory_space<vmem>> -> memref<40x128xi32, #tpu.memory_space<vmem>>
        %dma_start3A_211 = arith.constant 0 : i32
        %dma_start3A_212 = tpu.memref_slice %arg3[%add3A_85, %dma_start3A_211] : memref<5376x128xi32, #tpu.memory_space<hbm>> -> memref<40x128xi32, #tpu.memory_space<hbm>>
        tpu.enqueue_dma source(%dma_start3A_212 : memref<40x128xi32, #tpu.memory_space<hbm>>) target(%dma_start3A_210 : memref<40x128xi32, #tpu.memory_space<vmem>>) target_semaphore(%run_scoped3A_202 : memref<!tpu.dma_semaphore, #tpu.memory_space<semaphore_mem>>)
        %dma_wait3A_213 = arith.constant 0 : i32
        %dma_wait3A_214 = arith.constant 0 : i32
        %dma_wait3A_215 = tpu.memref_slice %arg11[%dma_wait3A_213, %dma_wait3A_214] : memref<40x128xi32, #tpu.memory_space<vmem>> -> memref<40x128xi32, #tpu.memory_space<vmem>>
        %dma_wait3A_216 = arith.constant 0 : i32
        %dma_wait3A_217 = tpu.memref_slice %arg3[%add3A_85, %dma_wait3A_216] : memref<5376x128xi32, #tpu.memory_space<hbm>> -> memref<40x128xi32, #tpu.memory_space<hbm>>
        %dma_wait3A_218 = arith.constant 0 : i32
        %dma_wait3A_219 = arith.constant 0 : i32
        %dma_wait3A_220 = tpu.memref_slice %arg11[%dma_wait3A_218, %dma_wait3A_219] : memref<40x128xi32, #tpu.memory_space<vmem>> -> memref<40x128xi32, #tpu.memory_space<vmem>>
        %dma_wait3A_221 = arith.constant 0 : i32
        %dma_wait3A_222 = tpu.memref_slice %arg3[%add3A_85, %dma_wait3A_221] : memref<5376x128xi32, #tpu.memory_space<hbm>> -> memref<40x128xi32, #tpu.memory_space<hbm>>
        tpu.wait_dma2 semaphore(%run_scoped3A_202 : memref<!tpu.dma_semaphore, #tpu.memory_space<semaphore_mem>>) src(%dma_wait3A_222 : memref<40x128xi32, #tpu.memory_space<hbm>>) dst(%dma_wait3A_220 : memref<40x128xi32, #tpu.memory_space<vmem>>)
        tpu.yield
      }) : () -> ()
      %dma_start3A_86 = arith.constant 0 : i32
      %dma_start3A_87 = arith.constant 0 : i32
      %dma_start3A_88 = tpu.memref_slice %arg10[%dma_start3A_86, %dma_start3A_87] : memref<40x128xi32, #tpu.memory_space<vmem>> -> memref<1x128xi32, #tpu.memory_space<vmem>>
      %dma_start3A_89 = tpu.memref_squeeze %dma_start3A_88 : memref<1x128xi32, #tpu.memory_space<vmem>> -> memref<128xi32, #tpu.memory_space<vmem>>
      %dma_start3A_90 = arith.constant 0 : i32
      %dma_start3A_91 = arith.constant 0 : i32
      %dma_start3A_92 = tpu.memref_slice %arg4[%dma_start3A_90, %dma_start3A_91] : memref<10000x128xf32, #tpu.memory_space<hbm>> -> memref<10000x128xf32, #tpu.memory_space<hbm>>
      tpu.enqueue_indirect_dma source(%dma_start3A_92 : memref<10000x128xf32, #tpu.memory_space<hbm>>) target(%arg12 : memref<128x128xf32, #tpu.memory_space<vmem>>) offsets(%dma_start3A_89 : memref<128xi32, #tpu.memory_space<vmem>>) semaphore(%arg15 : memref<!tpu.dma_semaphore, #tpu.memory_space<semaphore_mem>>)
      %dma_start3A_93 = arith.constant 1 : i32
      %dma_start3A_94 = arith.constant 0 : i32
      %dma_start3A_95 = tpu.memref_slice %arg10[%dma_start3A_93, %dma_start3A_94] : memref<40x128xi32, #tpu.memory_space<vmem>> -> memref<1x128xi32, #tpu.memory_space<vmem>>
      %dma_start3A_96 = tpu.memref_squeeze %dma_start3A_95 : memref<1x128xi32, #tpu.memory_space<vmem>> -> memref<128xi32, #tpu.memory_space<vmem>>
      %dma_start3A_97 = arith.constant 0 : i32
      %dma_start3A_98 = arith.constant 0 : i32
      %dma_start3A_99 = tpu.memref_slice %arg4[%dma_start3A_97, %dma_start3A_98] : memref<10000x128xf32, #tpu.memory_space<hbm>> -> memref<10000x128xf32, #tpu.memory_space<hbm>>
      tpu.enqueue_indirect_dma source(%dma_start3A_99 : memref<10000x128xf32, #tpu.memory_space<hbm>>) target(%arg13 : memref<128x128xf32, #tpu.memory_space<vmem>>) offsets(%dma_start3A_96 : memref<128xi32, #tpu.memory_space<vmem>>) semaphore(%arg16 : memref<!tpu.dma_semaphore, #tpu.memory_space<semaphore_mem>>)
      %scan3A_100 = arith.constant 0 : i32
      %scan3A_101 = arith.constant 0 : i32
      %scan3A_102 = arith.constant 19 : i32
      %scan3A_103 = arith.addi %scan3A_101, %scan3A_102 : i32
      %scan3A_104 = arith.constant 1 : i32
      scf.for %scan3A_202 = %scan3A_101 to %scan3A_103 step %scan3A_104  : i32 {
        %mul3A_203 = arith.constant 2 : i32
        %mul3A_204 = arith.muli %scan3A_202, %mul3A_203 : i32
        %dma_wait3A_205 = arith.constant 0 : i32
        %dma_wait3A_206 = tpu.memref_slice %arg10[%mul3A_204, %dma_wait3A_205] : memref<40x128xi32, #tpu.memory_space<vmem>> -> memref<1x128xi32, #tpu.memory_space<vmem>>
        %dma_wait3A_207 = tpu.memref_squeeze %dma_wait3A_206 : memref<1x128xi32, #tpu.memory_space<vmem>> -> memref<128xi32, #tpu.memory_space<vmem>>
        %dma_wait3A_208 = arith.constant 0 : i32
        %dma_wait3A_209 = arith.constant 0 : i32
        %dma_wait3A_210 = tpu.memref_slice %arg4[%dma_wait3A_208, %dma_wait3A_209] : memref<10000x128xf32, #tpu.memory_space<hbm>> -> memref<10000x128xf32, #tpu.memory_space<hbm>>
        tpu.wait_indirect_dma semaphore(%arg15 : memref<!tpu.dma_semaphore, #tpu.memory_space<semaphore_mem>>) src(%dma_wait3A_210 : memref<10000x128xf32, #tpu.memory_space<hbm>>) dst(%arg12 : memref<128x128xf32, #tpu.memory_space<vmem>>)
        "tpu.region"() ({
          %run_scoped3A_237 = tpu.sem_alloc : memref<!tpu.dma_semaphore, #tpu.memory_space<semaphore_mem>>
          %dma_start3A_238 = arith.constant 0 : i32
          %dma_start3A_239 = tpu.memref_slice %arg11[%mul3A_204, %dma_start3A_238] : memref<40x128xi32, #tpu.memory_space<vmem>> -> memref<1x128xi32, #tpu.memory_space<vmem>>
          %dma_start3A_240 = tpu.memref_squeeze %dma_start3A_239 : memref<1x128xi32, #tpu.memory_space<vmem>> -> memref<128xi32, #tpu.memory_space<vmem>>
          %dma_start3A_241 = arith.constant 0 : i32
          %dma_start3A_242 = arith.constant 0 : i32
          %dma_start3A_243 = tpu.memref_slice %arg14[%dma_start3A_241, %dma_start3A_242] : memref<10112x128xf32, #tpu.memory_space<vmem_shared>> -> memref<10112x128xf32, #tpu.memory_space<vmem_shared>>
          tpu.enqueue_indirect_dma source(%arg12 : memref<128x128xf32, #tpu.memory_space<vmem>>) target(%dma_start3A_243 : memref<10112x128xf32, #tpu.memory_space<vmem_shared>>) offsets(%dma_start3A_240 : memref<128xi32, #tpu.memory_space<vmem>>) semaphore(%run_scoped3A_237 : memref<!tpu.dma_semaphore, #tpu.memory_space<semaphore_mem>>) {add = true}
          %dma_wait3A_244 = arith.constant 0 : i32
          %dma_wait3A_245 = tpu.memref_slice %arg11[%mul3A_204, %dma_wait3A_244] : memref<40x128xi32, #tpu.memory_space<vmem>> -> memref<1x128xi32, #tpu.memory_space<vmem>>
          %dma_wait3A_246 = tpu.memref_squeeze %dma_wait3A_245 : memref<1x128xi32, #tpu.memory_space<vmem>> -> memref<128xi32, #tpu.memory_space<vmem>>
          %dma_wait3A_247 = arith.constant 0 : i32
          %dma_wait3A_248 = arith.constant 0 : i32
          %dma_wait3A_249 = tpu.memref_slice %arg14[%dma_wait3A_247, %dma_wait3A_248] : memref<10112x128xf32, #tpu.memory_space<vmem_shared>> -> memref<10112x128xf32, #tpu.memory_space<vmem_shared>>
          tpu.wait_indirect_dma semaphore(%run_scoped3A_237 : memref<!tpu.dma_semaphore, #tpu.memory_space<semaphore_mem>>) src(%arg12 : memref<128x128xf32, #tpu.memory_space<vmem>>) dst(%dma_wait3A_249 : memref<10112x128xf32, #tpu.memory_space<vmem_shared>>)
          tpu.yield
        }) : () -> ()
        %add3A_211 = arith.constant 2 : i32
        %add3A_212 = arith.addi %mul3A_204, %add3A_211 : i32
        %dma_start3A_213 = arith.constant 0 : i32
        %dma_start3A_214 = tpu.memref_slice %arg10[%add3A_212, %dma_start3A_213] : memref<40x128xi32, #tpu.memory_space<vmem>> -> memref<1x128xi32, #tpu.memory_space<vmem>>
        %dma_start3A_215 = tpu.memref_squeeze %dma_start3A_214 : memref<1x128xi32, #tpu.memory_space<vmem>> -> memref<128xi32, #tpu.memory_space<vmem>>
        %dma_start3A_216 = arith.constant 0 : i32
        %dma_start3A_217 = arith.constant 0 : i32
        %dma_start3A_218 = tpu.memref_slice %arg4[%dma_start3A_216, %dma_start3A_217] : memref<10000x128xf32, #tpu.memory_space<hbm>> -> memref<10000x128xf32, #tpu.memory_space<hbm>>
        tpu.enqueue_indirect_dma source(%dma_start3A_218 : memref<10000x128xf32, #tpu.memory_space<hbm>>) target(%arg12 : memref<128x128xf32, #tpu.memory_space<vmem>>) offsets(%dma_start3A_215 : memref<128xi32, #tpu.memory_space<vmem>>) semaphore(%arg15 : memref<!tpu.dma_semaphore, #tpu.memory_space<semaphore_mem>>)
        %add3A_219 = arith.constant 1 : i32
        %add3A_220 = arith.addi %mul3A_204, %add3A_219 : i32
        %dma_wait3A_221 = arith.constant 0 : i32
        %dma_wait3A_222 = tpu.memref_slice %arg10[%add3A_220, %dma_wait3A_221] : memref<40x128xi32, #tpu.memory_space<vmem>> -> memref<1x128xi32, #tpu.memory_space<vmem>>
        %dma_wait3A_223 = tpu.memref_squeeze %dma_wait3A_222 : memref<1x128xi32, #tpu.memory_space<vmem>> -> memref<128xi32, #tpu.memory_space<vmem>>
        %dma_wait3A_224 = arith.constant 0 : i32
        %dma_wait3A_225 = arith.constant 0 : i32
        %dma_wait3A_226 = tpu.memref_slice %arg4[%dma_wait3A_224, %dma_wait3A_225] : memref<10000x128xf32, #tpu.memory_space<hbm>> -> memref<10000x128xf32, #tpu.memory_space<hbm>>
        tpu.wait_indirect_dma semaphore(%arg16 : memref<!tpu.dma_semaphore, #tpu.memory_space<semaphore_mem>>) src(%dma_wait3A_226 : memref<10000x128xf32, #tpu.memory_space<hbm>>) dst(%arg13 : memref<128x128xf32, #tpu.memory_space<vmem>>)
        %add3A_227 = arith.constant 1 : i32
        %add3A_228 = arith.addi %mul3A_204, %add3A_227 : i32
        "tpu.region"() ({
          %run_scoped3A_237 = tpu.sem_alloc : memref<!tpu.dma_semaphore, #tpu.memory_space<semaphore_mem>>
          %dma_start3A_238 = arith.constant 0 : i32
          %dma_start3A_239 = tpu.memref_slice %arg11[%add3A_228, %dma_start3A_238] : memref<40x128xi32, #tpu.memory_space<vmem>> -> memref<1x128xi32, #tpu.memory_space<vmem>>
          %dma_start3A_240 = tpu.memref_squeeze %dma_start3A_239 : memref<1x128xi32, #tpu.memory_space<vmem>> -> memref<128xi32, #tpu.memory_space<vmem>>
          %dma_start3A_241 = arith.constant 0 : i32
          %dma_start3A_242 = arith.constant 0 : i32
          %dma_start3A_243 = tpu.memref_slice %arg14[%dma_start3A_241, %dma_start3A_242] : memref<10112x128xf32, #tpu.memory_space<vmem_shared>> -> memref<10112x128xf32, #tpu.memory_space<vmem_shared>>
          tpu.enqueue_indirect_dma source(%arg13 : memref<128x128xf32, #tpu.memory_space<vmem>>) target(%dma_start3A_243 : memref<10112x128xf32, #tpu.memory_space<vmem_shared>>) offsets(%dma_start3A_240 : memref<128xi32, #tpu.memory_space<vmem>>) semaphore(%run_scoped3A_237 : memref<!tpu.dma_semaphore, #tpu.memory_space<semaphore_mem>>) {add = true}
          %dma_wait3A_244 = arith.constant 0 : i32
          %dma_wait3A_245 = tpu.memref_slice %arg11[%add3A_228, %dma_wait3A_244] : memref<40x128xi32, #tpu.memory_space<vmem>> -> memref<1x128xi32, #tpu.memory_space<vmem>>
          %dma_wait3A_246 = tpu.memref_squeeze %dma_wait3A_245 : memref<1x128xi32, #tpu.memory_space<vmem>> -> memref<128xi32, #tpu.memory_space<vmem>>
          %dma_wait3A_247 = arith.constant 0 : i32
          %dma_wait3A_248 = arith.constant 0 : i32
          %dma_wait3A_249 = tpu.memref_slice %arg14[%dma_wait3A_247, %dma_wait3A_248] : memref<10112x128xf32, #tpu.memory_space<vmem_shared>> -> memref<10112x128xf32, #tpu.memory_space<vmem_shared>>
          tpu.wait_indirect_dma semaphore(%run_scoped3A_237 : memref<!tpu.dma_semaphore, #tpu.memory_space<semaphore_mem>>) src(%arg13 : memref<128x128xf32, #tpu.memory_space<vmem>>) dst(%dma_wait3A_249 : memref<10112x128xf32, #tpu.memory_space<vmem_shared>>)
          tpu.yield
        }) : () -> ()
        %add3A_229 = arith.constant 3 : i32
        %add3A_230 = arith.addi %mul3A_204, %add3A_229 : i32
        %dma_start3A_231 = arith.constant 0 : i32
        %dma_start3A_232 = tpu.memref_slice %arg10[%add3A_230, %dma_start3A_231] : memref<40x128xi32, #tpu.memory_space<vmem>> -> memref<1x128xi32, #tpu.memory_space<vmem>>
        %dma_start3A_233 = tpu.memref_squeeze %dma_start3A_232 : memref<1x128xi32, #tpu.memory_space<vmem>> -> memref<128xi32, #tpu.memory_space<vmem>>
        %dma_start3A_234 = arith.constant 0 : i32
        %dma_start3A_235 = arith.constant 0 : i32
        %dma_start3A_236 = tpu.memref_slice %arg4[%dma_start3A_234, %dma_start3A_235] : memref<10000x128xf32, #tpu.memory_space<hbm>> -> memref<10000x128xf32, #tpu.memory_space<hbm>>
        tpu.enqueue_indirect_dma source(%dma_start3A_236 : memref<10000x128xf32, #tpu.memory_space<hbm>>) target(%arg13 : memref<128x128xf32, #tpu.memory_space<vmem>>) offsets(%dma_start3A_233 : memref<128xi32, #tpu.memory_space<vmem>>) semaphore(%arg16 : memref<!tpu.dma_semaphore, #tpu.memory_space<semaphore_mem>>)
      }
      %scan3A_105 = arith.constant 19 : i32
      %dma_wait3A_106 = arith.constant 38 : i32
      %dma_wait3A_107 = arith.constant 0 : i32
      %dma_wait3A_108 = tpu.memref_slice %arg10[%dma_wait3A_106, %dma_wait3A_107] : memref<40x128xi32, #tpu.memory_space<vmem>> -> memref<1x128xi32, #tpu.memory_space<vmem>>
      %dma_wait3A_109 = tpu.memref_squeeze %dma_wait3A_108 : memref<1x128xi32, #tpu.memory_space<vmem>> -> memref<128xi32, #tpu.memory_space<vmem>>
      %dma_wait3A_110 = arith.constant 0 : i32
      %dma_wait3A_111 = arith.constant 0 : i32
      %dma_wait3A_112 = tpu.memref_slice %arg4[%dma_wait3A_110, %dma_wait3A_111] : memref<10000x128xf32, #tpu.memory_space<hbm>> -> memref<10000x128xf32, #tpu.memory_space<hbm>>
      tpu.wait_indirect_dma semaphore(%arg15 : memref<!tpu.dma_semaphore, #tpu.memory_space<semaphore_mem>>) src(%dma_wait3A_112 : memref<10000x128xf32, #tpu.memory_space<hbm>>) dst(%arg12 : memref<128x128xf32, #tpu.memory_space<vmem>>)
      %run_scoped3A_113 = arith.constant 38 : i32
      "tpu.region"() ({
        %run_scoped3A_202 = tpu.sem_alloc : memref<!tpu.dma_semaphore, #tpu.memory_space<semaphore_mem>>
        %dma_start3A_203 = arith.constant 0 : i32
        %dma_start3A_204 = tpu.memref_slice %arg11[%run_scoped3A_113, %dma_start3A_203] : memref<40x128xi32, #tpu.memory_space<vmem>> -> memref<1x128xi32, #tpu.memory_space<vmem>>
        %dma_start3A_205 = tpu.memref_squeeze %dma_start3A_204 : memref<1x128xi32, #tpu.memory_space<vmem>> -> memref<128xi32, #tpu.memory_space<vmem>>
        %dma_start3A_206 = arith.constant 0 : i32
        %dma_start3A_207 = arith.constant 0 : i32
        %dma_start3A_208 = tpu.memref_slice %arg14[%dma_start3A_206, %dma_start3A_207] : memref<10112x128xf32, #tpu.memory_space<vmem_shared>> -> memref<10112x128xf32, #tpu.memory_space<vmem_shared>>
        tpu.enqueue_indirect_dma source(%arg12 : memref<128x128xf32, #tpu.memory_space<vmem>>) target(%dma_start3A_208 : memref<10112x128xf32, #tpu.memory_space<vmem_shared>>) offsets(%dma_start3A_205 : memref<128xi32, #tpu.memory_space<vmem>>) semaphore(%run_scoped3A_202 : memref<!tpu.dma_semaphore, #tpu.memory_space<semaphore_mem>>) {add = true}
        %dma_wait3A_209 = arith.constant 0 : i32
        %dma_wait3A_210 = tpu.memref_slice %arg11[%run_scoped3A_113, %dma_wait3A_209] : memref<40x128xi32, #tpu.memory_space<vmem>> -> memref<1x128xi32, #tpu.memory_space<vmem>>
        %dma_wait3A_211 = tpu.memref_squeeze %dma_wait3A_210 : memref<1x128xi32, #tpu.memory_space<vmem>> -> memref<128xi32, #tpu.memory_space<vmem>>
        %dma_wait3A_212 = arith.constant 0 : i32
        %dma_wait3A_213 = arith.constant 0 : i32
        %dma_wait3A_214 = tpu.memref_slice %arg14[%dma_wait3A_212, %dma_wait3A_213] : memref<10112x128xf32, #tpu.memory_space<vmem_shared>> -> memref<10112x128xf32, #tpu.memory_space<vmem_shared>>
        tpu.wait_indirect_dma semaphore(%run_scoped3A_202 : memref<!tpu.dma_semaphore, #tpu.memory_space<semaphore_mem>>) src(%arg12 : memref<128x128xf32, #tpu.memory_space<vmem>>) dst(%dma_wait3A_214 : memref<10112x128xf32, #tpu.memory_space<vmem_shared>>)
        tpu.yield
      }) : () -> ()
      %dma_wait3A_114 = arith.constant 39 : i32
      %dma_wait3A_115 = arith.constant 0 : i32
      %dma_wait3A_116 = tpu.memref_slice %arg10[%dma_wait3A_114, %dma_wait3A_115] : memref<40x128xi32, #tpu.memory_space<vmem>> -> memref<1x128xi32, #tpu.memory_space<vmem>>
      %dma_wait3A_117 = tpu.memref_squeeze %dma_wait3A_116 : memref<1x128xi32, #tpu.memory_space<vmem>> -> memref<128xi32, #tpu.memory_space<vmem>>
      %dma_wait3A_118 = arith.constant 0 : i32
      %dma_wait3A_119 = arith.constant 0 : i32
      %dma_wait3A_120 = tpu.memref_slice %arg4[%dma_wait3A_118, %dma_wait3A_119] : memref<10000x128xf32, #tpu.memory_space<hbm>> -> memref<10000x128xf32, #tpu.memory_space<hbm>>
      tpu.wait_indirect_dma semaphore(%arg16 : memref<!tpu.dma_semaphore, #tpu.memory_space<semaphore_mem>>) src(%dma_wait3A_120 : memref<10000x128xf32, #tpu.memory_space<hbm>>) dst(%arg13 : memref<128x128xf32, #tpu.memory_space<vmem>>)
      %run_scoped3A_121 = arith.constant 39 : i32
      "tpu.region"() ({
        %run_scoped3A_202 = tpu.sem_alloc : memref<!tpu.dma_semaphore, #tpu.memory_space<semaphore_mem>>
        %dma_start3A_203 = arith.constant 0 : i32
        %dma_start3A_204 = tpu.memref_slice %arg11[%run_scoped3A_121, %dma_start3A_203] : memref<40x128xi32, #tpu.memory_space<vmem>> -> memref<1x128xi32, #tpu.memory_space<vmem>>
        %dma_start3A_205 = tpu.memref_squeeze %dma_start3A_204 : memref<1x128xi32, #tpu.memory_space<vmem>> -> memref<128xi32, #tpu.memory_space<vmem>>
        %dma_start3A_206 = arith.constant 0 : i32
        %dma_start3A_207 = arith.constant 0 : i32
        %dma_start3A_208 = tpu.memref_slice %arg14[%dma_start3A_206, %dma_start3A_207] : memref<10112x128xf32, #tpu.memory_space<vmem_shared>> -> memref<10112x128xf32, #tpu.memory_space<vmem_shared>>
        tpu.enqueue_indirect_dma source(%arg13 : memref<128x128xf32, #tpu.memory_space<vmem>>) target(%dma_start3A_208 : memref<10112x128xf32, #tpu.memory_space<vmem_shared>>) offsets(%dma_start3A_205 : memref<128xi32, #tpu.memory_space<vmem>>) semaphore(%run_scoped3A_202 : memref<!tpu.dma_semaphore, #tpu.memory_space<semaphore_mem>>) {add = true}
        %dma_wait3A_209 = arith.constant 0 : i32
        %dma_wait3A_210 = tpu.memref_slice %arg11[%run_scoped3A_121, %dma_wait3A_209] : memref<40x128xi32, #tpu.memory_space<vmem>> -> memref<1x128xi32, #tpu.memory_space<vmem>>
        %dma_wait3A_211 = tpu.memref_squeeze %dma_wait3A_210 : memref<1x128xi32, #tpu.memory_space<vmem>> -> memref<128xi32, #tpu.memory_space<vmem>>
        %dma_wait3A_212 = arith.constant 0 : i32
        %dma_wait3A_213 = arith.constant 0 : i32
        %dma_wait3A_214 = tpu.memref_slice %arg14[%dma_wait3A_212, %dma_wait3A_213] : memref<10112x128xf32, #tpu.memory_space<vmem_shared>> -> memref<10112x128xf32, #tpu.memory_space<vmem_shared>>
        tpu.wait_indirect_dma semaphore(%run_scoped3A_202 : memref<!tpu.dma_semaphore, #tpu.memory_space<semaphore_mem>>) src(%arg13 : memref<128x128xf32, #tpu.memory_space<vmem>>) dst(%dma_wait3A_214 : memref<10112x128xf32, #tpu.memory_space<vmem_shared>>)
        tpu.yield
      }) : () -> ()
      %add3A_122 = arith.constant 120 : i32
      %add3A_123 = arith.addi %add3A_11, %add3A_122 : i32
      "tpu.region"() ({
        %run_scoped3A_202 = tpu.sem_alloc : memref<!tpu.dma_semaphore, #tpu.memory_space<semaphore_mem>>
        %dma_start3A_203 = arith.constant 0 : i32
        %dma_start3A_204 = arith.constant 0 : i32
        %dma_start3A_205 = tpu.memref_slice %arg10[%dma_start3A_203, %dma_start3A_204] : memref<40x128xi32, #tpu.memory_space<vmem>> -> memref<40x128xi32, #tpu.memory_space<vmem>>
        %dma_start3A_206 = arith.constant 0 : i32
        %dma_start3A_207 = tpu.memref_slice %arg2[%add3A_123, %dma_start3A_206] : memref<5376x128xi32, #tpu.memory_space<hbm>> -> memref<40x128xi32, #tpu.memory_space<hbm>>
        %dma_start3A_208 = arith.constant 0 : i32
        %dma_start3A_209 = arith.constant 0 : i32
        %dma_start3A_210 = tpu.memref_slice %arg10[%dma_start3A_208, %dma_start3A_209] : memref<40x128xi32, #tpu.memory_space<vmem>> -> memref<40x128xi32, #tpu.memory_space<vmem>>
        %dma_start3A_211 = arith.constant 0 : i32
        %dma_start3A_212 = tpu.memref_slice %arg2[%add3A_123, %dma_start3A_211] : memref<5376x128xi32, #tpu.memory_space<hbm>> -> memref<40x128xi32, #tpu.memory_space<hbm>>
        tpu.enqueue_dma source(%dma_start3A_212 : memref<40x128xi32, #tpu.memory_space<hbm>>) target(%dma_start3A_210 : memref<40x128xi32, #tpu.memory_space<vmem>>) target_semaphore(%run_scoped3A_202 : memref<!tpu.dma_semaphore, #tpu.memory_space<semaphore_mem>>)
        %dma_wait3A_213 = arith.constant 0 : i32
        %dma_wait3A_214 = arith.constant 0 : i32
        %dma_wait3A_215 = tpu.memref_slice %arg10[%dma_wait3A_213, %dma_wait3A_214] : memref<40x128xi32, #tpu.memory_space<vmem>> -> memref<40x128xi32, #tpu.memory_space<vmem>>
        %dma_wait3A_216 = arith.constant 0 : i32
        %dma_wait3A_217 = tpu.memref_slice %arg2[%add3A_123, %dma_wait3A_216] : memref<5376x128xi32, #tpu.memory_space<hbm>> -> memref<40x128xi32, #tpu.memory_space<hbm>>
        %dma_wait3A_218 = arith.constant 0 : i32
        %dma_wait3A_219 = arith.constant 0 : i32
        %dma_wait3A_220 = tpu.memref_slice %arg10[%dma_wait3A_218, %dma_wait3A_219] : memref<40x128xi32, #tpu.memory_space<vmem>> -> memref<40x128xi32, #tpu.memory_space<vmem>>
        %dma_wait3A_221 = arith.constant 0 : i32
        %dma_wait3A_222 = tpu.memref_slice %arg2[%add3A_123, %dma_wait3A_221] : memref<5376x128xi32, #tpu.memory_space<hbm>> -> memref<40x128xi32, #tpu.memory_space<hbm>>
        tpu.wait_dma2 semaphore(%run_scoped3A_202 : memref<!tpu.dma_semaphore, #tpu.memory_space<semaphore_mem>>) src(%dma_wait3A_222 : memref<40x128xi32, #tpu.memory_space<hbm>>) dst(%dma_wait3A_220 : memref<40x128xi32, #tpu.memory_space<vmem>>)
        tpu.yield
      }) : () -> ()
      "tpu.region"() ({
        %run_scoped3A_202 = tpu.sem_alloc : memref<!tpu.dma_semaphore, #tpu.memory_space<semaphore_mem>>
        %dma_start3A_203 = arith.constant 0 : i32
        %dma_start3A_204 = arith.constant 0 : i32
        %dma_start3A_205 = tpu.memref_slice %arg11[%dma_start3A_203, %dma_start3A_204] : memref<40x128xi32, #tpu.memory_space<vmem>> -> memref<40x128xi32, #tpu.memory_space<vmem>>
        %dma_start3A_206 = arith.constant 0 : i32
        %dma_start3A_207 = tpu.memref_slice %arg3[%add3A_123, %dma_start3A_206] : memref<5376x128xi32, #tpu.memory_space<hbm>> -> memref<40x128xi32, #tpu.memory_space<hbm>>
        %dma_start3A_208 = arith.constant 0 : i32
        %dma_start3A_209 = arith.constant 0 : i32
        %dma_start3A_210 = tpu.memref_slice %arg11[%dma_start3A_208, %dma_start3A_209] : memref<40x128xi32, #tpu.memory_space<vmem>> -> memref<40x128xi32, #tpu.memory_space<vmem>>
        %dma_start3A_211 = arith.constant 0 : i32
        %dma_start3A_212 = tpu.memref_slice %arg3[%add3A_123, %dma_start3A_211] : memref<5376x128xi32, #tpu.memory_space<hbm>> -> memref<40x128xi32, #tpu.memory_space<hbm>>
        tpu.enqueue_dma source(%dma_start3A_212 : memref<40x128xi32, #tpu.memory_space<hbm>>) target(%dma_start3A_210 : memref<40x128xi32, #tpu.memory_space<vmem>>) target_semaphore(%run_scoped3A_202 : memref<!tpu.dma_semaphore, #tpu.memory_space<semaphore_mem>>)
        %dma_wait3A_213 = arith.constant 0 : i32
        %dma_wait3A_214 = arith.constant 0 : i32
        %dma_wait3A_215 = tpu.memref_slice %arg11[%dma_wait3A_213, %dma_wait3A_214] : memref<40x128xi32, #tpu.memory_space<vmem>> -> memref<40x128xi32, #tpu.memory_space<vmem>>
        %dma_wait3A_216 = arith.constant 0 : i32
        %dma_wait3A_217 = tpu.memref_slice %arg3[%add3A_123, %dma_wait3A_216] : memref<5376x128xi32, #tpu.memory_space<hbm>> -> memref<40x128xi32, #tpu.memory_space<hbm>>
        %dma_wait3A_218 = arith.constant 0 : i32
        %dma_wait3A_219 = arith.constant 0 : i32
        %dma_wait3A_220 = tpu.memref_slice %arg11[%dma_wait3A_218, %dma_wait3A_219] : memref<40x128xi32, #tpu.memory_space<vmem>> -> memref<40x128xi32, #tpu.memory_space<vmem>>
        %dma_wait3A_221 = arith.constant 0 : i32
        %dma_wait3A_222 = tpu.memref_slice %arg3[%add3A_123, %dma_wait3A_221] : memref<5376x128xi32, #tpu.memory_space<hbm>> -> memref<40x128xi32, #tpu.memory_space<hbm>>
        tpu.wait_dma2 semaphore(%run_scoped3A_202 : memref<!tpu.dma_semaphore, #tpu.memory_space<semaphore_mem>>) src(%dma_wait3A_222 : memref<40x128xi32, #tpu.memory_space<hbm>>) dst(%dma_wait3A_220 : memref<40x128xi32, #tpu.memory_space<vmem>>)
        tpu.yield
      }) : () -> ()
      %dma_start3A_124 = arith.constant 0 : i32
      %dma_start3A_125 = arith.constant 0 : i32
      %dma_start3A_126 = tpu.memref_slice %arg10[%dma_start3A_124, %dma_start3A_125] : memref<40x128xi32, #tpu.memory_space<vmem>> -> memref<1x128xi32, #tpu.memory_space<vmem>>
      %dma_start3A_127 = tpu.memref_squeeze %dma_start3A_126 : memref<1x128xi32, #tpu.memory_space<vmem>> -> memref<128xi32, #tpu.memory_space<vmem>>
      %dma_start3A_128 = arith.constant 0 : i32
      %dma_start3A_129 = arith.constant 0 : i32
      %dma_start3A_130 = tpu.memref_slice %arg4[%dma_start3A_128, %dma_start3A_129] : memref<10000x128xf32, #tpu.memory_space<hbm>> -> memref<10000x128xf32, #tpu.memory_space<hbm>>
      tpu.enqueue_indirect_dma source(%dma_start3A_130 : memref<10000x128xf32, #tpu.memory_space<hbm>>) target(%arg12 : memref<128x128xf32, #tpu.memory_space<vmem>>) offsets(%dma_start3A_127 : memref<128xi32, #tpu.memory_space<vmem>>) semaphore(%arg15 : memref<!tpu.dma_semaphore, #tpu.memory_space<semaphore_mem>>)
      %dma_start3A_131 = arith.constant 1 : i32
      %dma_start3A_132 = arith.constant 0 : i32
      %dma_start3A_133 = tpu.memref_slice %arg10[%dma_start3A_131, %dma_start3A_132] : memref<40x128xi32, #tpu.memory_space<vmem>> -> memref<1x128xi32, #tpu.memory_space<vmem>>
      %dma_start3A_134 = tpu.memref_squeeze %dma_start3A_133 : memref<1x128xi32, #tpu.memory_space<vmem>> -> memref<128xi32, #tpu.memory_space<vmem>>
      %dma_start3A_135 = arith.constant 0 : i32
      %dma_start3A_136 = arith.constant 0 : i32
      %dma_start3A_137 = tpu.memref_slice %arg4[%dma_start3A_135, %dma_start3A_136] : memref<10000x128xf32, #tpu.memory_space<hbm>> -> memref<10000x128xf32, #tpu.memory_space<hbm>>
      tpu.enqueue_indirect_dma source(%dma_start3A_137 : memref<10000x128xf32, #tpu.memory_space<hbm>>) target(%arg13 : memref<128x128xf32, #tpu.memory_space<vmem>>) offsets(%dma_start3A_134 : memref<128xi32, #tpu.memory_space<vmem>>) semaphore(%arg16 : memref<!tpu.dma_semaphore, #tpu.memory_space<semaphore_mem>>)
      %scan3A_138 = arith.constant 0 : i32
      %scan3A_139 = arith.constant 0 : i32
      %scan3A_140 = arith.constant 19 : i32
      %scan3A_141 = arith.addi %scan3A_139, %scan3A_140 : i32
      %scan3A_142 = arith.constant 1 : i32
      scf.for %scan3A_202 = %scan3A_139 to %scan3A_141 step %scan3A_142  : i32 {
        %mul3A_203 = arith.constant 2 : i32
        %mul3A_204 = arith.muli %scan3A_202, %mul3A_203 : i32
        %dma_wait3A_205 = arith.constant 0 : i32
        %dma_wait3A_206 = tpu.memref_slice %arg10[%mul3A_204, %dma_wait3A_205] : memref<40x128xi32, #tpu.memory_space<vmem>> -> memref<1x128xi32, #tpu.memory_space<vmem>>
        %dma_wait3A_207 = tpu.memref_squeeze %dma_wait3A_206 : memref<1x128xi32, #tpu.memory_space<vmem>> -> memref<128xi32, #tpu.memory_space<vmem>>
        %dma_wait3A_208 = arith.constant 0 : i32
        %dma_wait3A_209 = arith.constant 0 : i32
        %dma_wait3A_210 = tpu.memref_slice %arg4[%dma_wait3A_208, %dma_wait3A_209] : memref<10000x128xf32, #tpu.memory_space<hbm>> -> memref<10000x128xf32, #tpu.memory_space<hbm>>
        tpu.wait_indirect_dma semaphore(%arg15 : memref<!tpu.dma_semaphore, #tpu.memory_space<semaphore_mem>>) src(%dma_wait3A_210 : memref<10000x128xf32, #tpu.memory_space<hbm>>) dst(%arg12 : memref<128x128xf32, #tpu.memory_space<vmem>>)
        "tpu.region"() ({
          %run_scoped3A_237 = tpu.sem_alloc : memref<!tpu.dma_semaphore, #tpu.memory_space<semaphore_mem>>
          %dma_start3A_238 = arith.constant 0 : i32
          %dma_start3A_239 = tpu.memref_slice %arg11[%mul3A_204, %dma_start3A_238] : memref<40x128xi32, #tpu.memory_space<vmem>> -> memref<1x128xi32, #tpu.memory_space<vmem>>
          %dma_start3A_240 = tpu.memref_squeeze %dma_start3A_239 : memref<1x128xi32, #tpu.memory_space<vmem>> -> memref<128xi32, #tpu.memory_space<vmem>>
          %dma_start3A_241 = arith.constant 0 : i32
          %dma_start3A_242 = arith.constant 0 : i32
          %dma_start3A_243 = tpu.memref_slice %arg14[%dma_start3A_241, %dma_start3A_242] : memref<10112x128xf32, #tpu.memory_space<vmem_shared>> -> memref<10112x128xf32, #tpu.memory_space<vmem_shared>>
          tpu.enqueue_indirect_dma source(%arg12 : memref<128x128xf32, #tpu.memory_space<vmem>>) target(%dma_start3A_243 : memref<10112x128xf32, #tpu.memory_space<vmem_shared>>) offsets(%dma_start3A_240 : memref<128xi32, #tpu.memory_space<vmem>>) semaphore(%run_scoped3A_237 : memref<!tpu.dma_semaphore, #tpu.memory_space<semaphore_mem>>) {add = true}
          %dma_wait3A_244 = arith.constant 0 : i32
          %dma_wait3A_245 = tpu.memref_slice %arg11[%mul3A_204, %dma_wait3A_244] : memref<40x128xi32, #tpu.memory_space<vmem>> -> memref<1x128xi32, #tpu.memory_space<vmem>>
          %dma_wait3A_246 = tpu.memref_squeeze %dma_wait3A_245 : memref<1x128xi32, #tpu.memory_space<vmem>> -> memref<128xi32, #tpu.memory_space<vmem>>
          %dma_wait3A_247 = arith.constant 0 : i32
          %dma_wait3A_248 = arith.constant 0 : i32
          %dma_wait3A_249 = tpu.memref_slice %arg14[%dma_wait3A_247, %dma_wait3A_248] : memref<10112x128xf32, #tpu.memory_space<vmem_shared>> -> memref<10112x128xf32, #tpu.memory_space<vmem_shared>>
          tpu.wait_indirect_dma semaphore(%run_scoped3A_237 : memref<!tpu.dma_semaphore, #tpu.memory_space<semaphore_mem>>) src(%arg12 : memref<128x128xf32, #tpu.memory_space<vmem>>) dst(%dma_wait3A_249 : memref<10112x128xf32, #tpu.memory_space<vmem_shared>>)
          tpu.yield
        }) : () -> ()
        %add3A_211 = arith.constant 2 : i32
        %add3A_212 = arith.addi %mul3A_204, %add3A_211 : i32
        %dma_start3A_213 = arith.constant 0 : i32
        %dma_start3A_214 = tpu.memref_slice %arg10[%add3A_212, %dma_start3A_213] : memref<40x128xi32, #tpu.memory_space<vmem>> -> memref<1x128xi32, #tpu.memory_space<vmem>>
        %dma_start3A_215 = tpu.memref_squeeze %dma_start3A_214 : memref<1x128xi32, #tpu.memory_space<vmem>> -> memref<128xi32, #tpu.memory_space<vmem>>
        %dma_start3A_216 = arith.constant 0 : i32
        %dma_start3A_217 = arith.constant 0 : i32
        %dma_start3A_218 = tpu.memref_slice %arg4[%dma_start3A_216, %dma_start3A_217] : memref<10000x128xf32, #tpu.memory_space<hbm>> -> memref<10000x128xf32, #tpu.memory_space<hbm>>
        tpu.enqueue_indirect_dma source(%dma_start3A_218 : memref<10000x128xf32, #tpu.memory_space<hbm>>) target(%arg12 : memref<128x128xf32, #tpu.memory_space<vmem>>) offsets(%dma_start3A_215 : memref<128xi32, #tpu.memory_space<vmem>>) semaphore(%arg15 : memref<!tpu.dma_semaphore, #tpu.memory_space<semaphore_mem>>)
        %add3A_219 = arith.constant 1 : i32
        %add3A_220 = arith.addi %mul3A_204, %add3A_219 : i32
        %dma_wait3A_221 = arith.constant 0 : i32
        %dma_wait3A_222 = tpu.memref_slice %arg10[%add3A_220, %dma_wait3A_221] : memref<40x128xi32, #tpu.memory_space<vmem>> -> memref<1x128xi32, #tpu.memory_space<vmem>>
        %dma_wait3A_223 = tpu.memref_squeeze %dma_wait3A_222 : memref<1x128xi32, #tpu.memory_space<vmem>> -> memref<128xi32, #tpu.memory_space<vmem>>
        %dma_wait3A_224 = arith.constant 0 : i32
        %dma_wait3A_225 = arith.constant 0 : i32
        %dma_wait3A_226 = tpu.memref_slice %arg4[%dma_wait3A_224, %dma_wait3A_225] : memref<10000x128xf32, #tpu.memory_space<hbm>> -> memref<10000x128xf32, #tpu.memory_space<hbm>>
        tpu.wait_indirect_dma semaphore(%arg16 : memref<!tpu.dma_semaphore, #tpu.memory_space<semaphore_mem>>) src(%dma_wait3A_226 : memref<10000x128xf32, #tpu.memory_space<hbm>>) dst(%arg13 : memref<128x128xf32, #tpu.memory_space<vmem>>)
        %add3A_227 = arith.constant 1 : i32
        %add3A_228 = arith.addi %mul3A_204, %add3A_227 : i32
        "tpu.region"() ({
          %run_scoped3A_237 = tpu.sem_alloc : memref<!tpu.dma_semaphore, #tpu.memory_space<semaphore_mem>>
          %dma_start3A_238 = arith.constant 0 : i32
          %dma_start3A_239 = tpu.memref_slice %arg11[%add3A_228, %dma_start3A_238] : memref<40x128xi32, #tpu.memory_space<vmem>> -> memref<1x128xi32, #tpu.memory_space<vmem>>
          %dma_start3A_240 = tpu.memref_squeeze %dma_start3A_239 : memref<1x128xi32, #tpu.memory_space<vmem>> -> memref<128xi32, #tpu.memory_space<vmem>>
          %dma_start3A_241 = arith.constant 0 : i32
          %dma_start3A_242 = arith.constant 0 : i32
          %dma_start3A_243 = tpu.memref_slice %arg14[%dma_start3A_241, %dma_start3A_242] : memref<10112x128xf32, #tpu.memory_space<vmem_shared>> -> memref<10112x128xf32, #tpu.memory_space<vmem_shared>>
          tpu.enqueue_indirect_dma source(%arg13 : memref<128x128xf32, #tpu.memory_space<vmem>>) target(%dma_start3A_243 : memref<10112x128xf32, #tpu.memory_space<vmem_shared>>) offsets(%dma_start3A_240 : memref<128xi32, #tpu.memory_space<vmem>>) semaphore(%run_scoped3A_237 : memref<!tpu.dma_semaphore, #tpu.memory_space<semaphore_mem>>) {add = true}
          %dma_wait3A_244 = arith.constant 0 : i32
          %dma_wait3A_245 = tpu.memref_slice %arg11[%add3A_228, %dma_wait3A_244] : memref<40x128xi32, #tpu.memory_space<vmem>> -> memref<1x128xi32, #tpu.memory_space<vmem>>
          %dma_wait3A_246 = tpu.memref_squeeze %dma_wait3A_245 : memref<1x128xi32, #tpu.memory_space<vmem>> -> memref<128xi32, #tpu.memory_space<vmem>>
          %dma_wait3A_247 = arith.constant 0 : i32
          %dma_wait3A_248 = arith.constant 0 : i32
          %dma_wait3A_249 = tpu.memref_slice %arg14[%dma_wait3A_247, %dma_wait3A_248] : memref<10112x128xf32, #tpu.memory_space<vmem_shared>> -> memref<10112x128xf32, #tpu.memory_space<vmem_shared>>
          tpu.wait_indirect_dma semaphore(%run_scoped3A_237 : memref<!tpu.dma_semaphore, #tpu.memory_space<semaphore_mem>>) src(%arg13 : memref<128x128xf32, #tpu.memory_space<vmem>>) dst(%dma_wait3A_249 : memref<10112x128xf32, #tpu.memory_space<vmem_shared>>)
          tpu.yield
        }) : () -> ()
        %add3A_229 = arith.constant 3 : i32
        %add3A_230 = arith.addi %mul3A_204, %add3A_229 : i32
        %dma_start3A_231 = arith.constant 0 : i32
        %dma_start3A_232 = tpu.memref_slice %arg10[%add3A_230, %dma_start3A_231] : memref<40x128xi32, #tpu.memory_space<vmem>> -> memref<1x128xi32, #tpu.memory_space<vmem>>
        %dma_start3A_233 = tpu.memref_squeeze %dma_start3A_232 : memref<1x128xi32, #tpu.memory_space<vmem>> -> memref<128xi32, #tpu.memory_space<vmem>>
        %dma_start3A_234 = arith.constant 0 : i32
        %dma_start3A_235 = arith.constant 0 : i32
        %dma_start3A_236 = tpu.memref_slice %arg4[%dma_start3A_234, %dma_start3A_235] : memref<10000x128xf32, #tpu.memory_space<hbm>> -> memref<10000x128xf32, #tpu.memory_space<hbm>>
        tpu.enqueue_indirect_dma source(%dma_start3A_236 : memref<10000x128xf32, #tpu.memory_space<hbm>>) target(%arg13 : memref<128x128xf32, #tpu.memory_space<vmem>>) offsets(%dma_start3A_233 : memref<128xi32, #tpu.memory_space<vmem>>) semaphore(%arg16 : memref<!tpu.dma_semaphore, #tpu.memory_space<semaphore_mem>>)
      }
      %scan3A_143 = arith.constant 19 : i32
      %dma_wait3A_144 = arith.constant 38 : i32
      %dma_wait3A_145 = arith.constant 0 : i32
      %dma_wait3A_146 = tpu.memref_slice %arg10[%dma_wait3A_144, %dma_wait3A_145] : memref<40x128xi32, #tpu.memory_space<vmem>> -> memref<1x128xi32, #tpu.memory_space<vmem>>
      %dma_wait3A_147 = tpu.memref_squeeze %dma_wait3A_146 : memref<1x128xi32, #tpu.memory_space<vmem>> -> memref<128xi32, #tpu.memory_space<vmem>>
      %dma_wait3A_148 = arith.constant 0 : i32
      %dma_wait3A_149 = arith.constant 0 : i32
      %dma_wait3A_150 = tpu.memref_slice %arg4[%dma_wait3A_148, %dma_wait3A_149] : memref<10000x128xf32, #tpu.memory_space<hbm>> -> memref<10000x128xf32, #tpu.memory_space<hbm>>
      tpu.wait_indirect_dma semaphore(%arg15 : memref<!tpu.dma_semaphore, #tpu.memory_space<semaphore_mem>>) src(%dma_wait3A_150 : memref<10000x128xf32, #tpu.memory_space<hbm>>) dst(%arg12 : memref<128x128xf32, #tpu.memory_space<vmem>>)
      %run_scoped3A_151 = arith.constant 38 : i32
      "tpu.region"() ({
        %run_scoped3A_202 = tpu.sem_alloc : memref<!tpu.dma_semaphore, #tpu.memory_space<semaphore_mem>>
        %dma_start3A_203 = arith.constant 0 : i32
        %dma_start3A_204 = tpu.memref_slice %arg11[%run_scoped3A_151, %dma_start3A_203] : memref<40x128xi32, #tpu.memory_space<vmem>> -> memref<1x128xi32, #tpu.memory_space<vmem>>
        %dma_start3A_205 = tpu.memref_squeeze %dma_start3A_204 : memref<1x128xi32, #tpu.memory_space<vmem>> -> memref<128xi32, #tpu.memory_space<vmem>>
        %dma_start3A_206 = arith.constant 0 : i32
        %dma_start3A_207 = arith.constant 0 : i32
        %dma_start3A_208 = tpu.memref_slice %arg14[%dma_start3A_206, %dma_start3A_207] : memref<10112x128xf32, #tpu.memory_space<vmem_shared>> -> memref<10112x128xf32, #tpu.memory_space<vmem_shared>>
        tpu.enqueue_indirect_dma source(%arg12 : memref<128x128xf32, #tpu.memory_space<vmem>>) target(%dma_start3A_208 : memref<10112x128xf32, #tpu.memory_space<vmem_shared>>) offsets(%dma_start3A_205 : memref<128xi32, #tpu.memory_space<vmem>>) semaphore(%run_scoped3A_202 : memref<!tpu.dma_semaphore, #tpu.memory_space<semaphore_mem>>) {add = true}
        %dma_wait3A_209 = arith.constant 0 : i32
        %dma_wait3A_210 = tpu.memref_slice %arg11[%run_scoped3A_151, %dma_wait3A_209] : memref<40x128xi32, #tpu.memory_space<vmem>> -> memref<1x128xi32, #tpu.memory_space<vmem>>
        %dma_wait3A_211 = tpu.memref_squeeze %dma_wait3A_210 : memref<1x128xi32, #tpu.memory_space<vmem>> -> memref<128xi32, #tpu.memory_space<vmem>>
        %dma_wait3A_212 = arith.constant 0 : i32
        %dma_wait3A_213 = arith.constant 0 : i32
        %dma_wait3A_214 = tpu.memref_slice %arg14[%dma_wait3A_212, %dma_wait3A_213] : memref<10112x128xf32, #tpu.memory_space<vmem_shared>> -> memref<10112x128xf32, #tpu.memory_space<vmem_shared>>
        tpu.wait_indirect_dma semaphore(%run_scoped3A_202 : memref<!tpu.dma_semaphore, #tpu.memory_space<semaphore_mem>>) src(%arg12 : memref<128x128xf32, #tpu.memory_space<vmem>>) dst(%dma_wait3A_214 : memref<10112x128xf32, #tpu.memory_space<vmem_shared>>)
        tpu.yield
      }) : () -> ()
      %dma_wait3A_152 = arith.constant 39 : i32
      %dma_wait3A_153 = arith.constant 0 : i32
      %dma_wait3A_154 = tpu.memref_slice %arg10[%dma_wait3A_152, %dma_wait3A_153] : memref<40x128xi32, #tpu.memory_space<vmem>> -> memref<1x128xi32, #tpu.memory_space<vmem>>
      %dma_wait3A_155 = tpu.memref_squeeze %dma_wait3A_154 : memref<1x128xi32, #tpu.memory_space<vmem>> -> memref<128xi32, #tpu.memory_space<vmem>>
      %dma_wait3A_156 = arith.constant 0 : i32
      %dma_wait3A_157 = arith.constant 0 : i32
      %dma_wait3A_158 = tpu.memref_slice %arg4[%dma_wait3A_156, %dma_wait3A_157] : memref<10000x128xf32, #tpu.memory_space<hbm>> -> memref<10000x128xf32, #tpu.memory_space<hbm>>
      tpu.wait_indirect_dma semaphore(%arg16 : memref<!tpu.dma_semaphore, #tpu.memory_space<semaphore_mem>>) src(%dma_wait3A_158 : memref<10000x128xf32, #tpu.memory_space<hbm>>) dst(%arg13 : memref<128x128xf32, #tpu.memory_space<vmem>>)
      %run_scoped3A_159 = arith.constant 39 : i32
      "tpu.region"() ({
        %run_scoped3A_202 = tpu.sem_alloc : memref<!tpu.dma_semaphore, #tpu.memory_space<semaphore_mem>>
        %dma_start3A_203 = arith.constant 0 : i32
        %dma_start3A_204 = tpu.memref_slice %arg11[%run_scoped3A_159, %dma_start3A_203] : memref<40x128xi32, #tpu.memory_space<vmem>> -> memref<1x128xi32, #tpu.memory_space<vmem>>
        %dma_start3A_205 = tpu.memref_squeeze %dma_start3A_204 : memref<1x128xi32, #tpu.memory_space<vmem>> -> memref<128xi32, #tpu.memory_space<vmem>>
        %dma_start3A_206 = arith.constant 0 : i32
        %dma_start3A_207 = arith.constant 0 : i32
        %dma_start3A_208 = tpu.memref_slice %arg14[%dma_start3A_206, %dma_start3A_207] : memref<10112x128xf32, #tpu.memory_space<vmem_shared>> -> memref<10112x128xf32, #tpu.memory_space<vmem_shared>>
        tpu.enqueue_indirect_dma source(%arg13 : memref<128x128xf32, #tpu.memory_space<vmem>>) target(%dma_start3A_208 : memref<10112x128xf32, #tpu.memory_space<vmem_shared>>) offsets(%dma_start3A_205 : memref<128xi32, #tpu.memory_space<vmem>>) semaphore(%run_scoped3A_202 : memref<!tpu.dma_semaphore, #tpu.memory_space<semaphore_mem>>) {add = true}
        %dma_wait3A_209 = arith.constant 0 : i32
        %dma_wait3A_210 = tpu.memref_slice %arg11[%run_scoped3A_159, %dma_wait3A_209] : memref<40x128xi32, #tpu.memory_space<vmem>> -> memref<1x128xi32, #tpu.memory_space<vmem>>
        %dma_wait3A_211 = tpu.memref_squeeze %dma_wait3A_210 : memref<1x128xi32, #tpu.memory_space<vmem>> -> memref<128xi32, #tpu.memory_space<vmem>>
        %dma_wait3A_212 = arith.constant 0 : i32
        %dma_wait3A_213 = arith.constant 0 : i32
        %dma_wait3A_214 = tpu.memref_slice %arg14[%dma_wait3A_212, %dma_wait3A_213] : memref<10112x128xf32, #tpu.memory_space<vmem_shared>> -> memref<10112x128xf32, #tpu.memory_space<vmem_shared>>
        tpu.wait_indirect_dma semaphore(%run_scoped3A_202 : memref<!tpu.dma_semaphore, #tpu.memory_space<semaphore_mem>>) src(%arg13 : memref<128x128xf32, #tpu.memory_space<vmem>>) dst(%dma_wait3A_214 : memref<10112x128xf32, #tpu.memory_space<vmem_shared>>)
        tpu.yield
      }) : () -> ()
      %mul3A_160 = arith.constant 8 : i32
      %mul3A_161 = arith.muli %arg1, %mul3A_160 : i32
      %add3A_162 = arith.constant 5120 : i32
      %add3A_163 = arith.addi %add3A_162, %mul3A_161 : i32
      %add3A_164 = arith.constant 0 : i32
      %add3A_165 = arith.addi %add3A_163, %add3A_164 : i32
      "tpu.region"() ({
        %run_scoped3A_202 = tpu.sem_alloc : memref<!tpu.dma_semaphore, #tpu.memory_space<semaphore_mem>>
        %dma_start3A_203 = arith.constant 0 : i32
        %dma_start3A_204 = arith.constant 0 : i32
        %dma_start3A_205 = tpu.memref_slice %arg10[%dma_start3A_203, %dma_start3A_204] : memref<40x128xi32, #tpu.memory_space<vmem>> -> memref<8x128xi32, #tpu.memory_space<vmem>>
        %dma_start3A_206 = arith.constant 0 : i32
        %dma_start3A_207 = tpu.memref_slice %arg2[%add3A_165, %dma_start3A_206] : memref<5376x128xi32, #tpu.memory_space<hbm>> -> memref<8x128xi32, #tpu.memory_space<hbm>>
        %dma_start3A_208 = arith.constant 0 : i32
        %dma_start3A_209 = arith.constant 0 : i32
        %dma_start3A_210 = tpu.memref_slice %arg10[%dma_start3A_208, %dma_start3A_209] : memref<40x128xi32, #tpu.memory_space<vmem>> -> memref<8x128xi32, #tpu.memory_space<vmem>>
        %dma_start3A_211 = arith.constant 0 : i32
        %dma_start3A_212 = tpu.memref_slice %arg2[%add3A_165, %dma_start3A_211] : memref<5376x128xi32, #tpu.memory_space<hbm>> -> memref<8x128xi32, #tpu.memory_space<hbm>>
        tpu.enqueue_dma source(%dma_start3A_212 : memref<8x128xi32, #tpu.memory_space<hbm>>) target(%dma_start3A_210 : memref<8x128xi32, #tpu.memory_space<vmem>>) target_semaphore(%run_scoped3A_202 : memref<!tpu.dma_semaphore, #tpu.memory_space<semaphore_mem>>)
        %dma_wait3A_213 = arith.constant 0 : i32
        %dma_wait3A_214 = arith.constant 0 : i32
        %dma_wait3A_215 = tpu.memref_slice %arg10[%dma_wait3A_213, %dma_wait3A_214] : memref<40x128xi32, #tpu.memory_space<vmem>> -> memref<8x128xi32, #tpu.memory_space<vmem>>
        %dma_wait3A_216 = arith.constant 0 : i32
        %dma_wait3A_217 = tpu.memref_slice %arg2[%add3A_165, %dma_wait3A_216] : memref<5376x128xi32, #tpu.memory_space<hbm>> -> memref<8x128xi32, #tpu.memory_space<hbm>>
        %dma_wait3A_218 = arith.constant 0 : i32
        %dma_wait3A_219 = arith.constant 0 : i32
        %dma_wait3A_220 = tpu.memref_slice %arg10[%dma_wait3A_218, %dma_wait3A_219] : memref<40x128xi32, #tpu.memory_space<vmem>> -> memref<8x128xi32, #tpu.memory_space<vmem>>
        %dma_wait3A_221 = arith.constant 0 : i32
        %dma_wait3A_222 = tpu.memref_slice %arg2[%add3A_165, %dma_wait3A_221] : memref<5376x128xi32, #tpu.memory_space<hbm>> -> memref<8x128xi32, #tpu.memory_space<hbm>>
        tpu.wait_dma2 semaphore(%run_scoped3A_202 : memref<!tpu.dma_semaphore, #tpu.memory_space<semaphore_mem>>) src(%dma_wait3A_222 : memref<8x128xi32, #tpu.memory_space<hbm>>) dst(%dma_wait3A_220 : memref<8x128xi32, #tpu.memory_space<vmem>>)
        tpu.yield
      }) : () -> ()
      "tpu.region"() ({
        %run_scoped3A_202 = tpu.sem_alloc : memref<!tpu.dma_semaphore, #tpu.memory_space<semaphore_mem>>
        %dma_start3A_203 = arith.constant 0 : i32
        %dma_start3A_204 = arith.constant 0 : i32
        %dma_start3A_205 = tpu.memref_slice %arg11[%dma_start3A_203, %dma_start3A_204] : memref<40x128xi32, #tpu.memory_space<vmem>> -> memref<8x128xi32, #tpu.memory_space<vmem>>
        %dma_start3A_206 = arith.constant 0 : i32
        %dma_start3A_207 = tpu.memref_slice %arg3[%add3A_165, %dma_start3A_206] : memref<5376x128xi32, #tpu.memory_space<hbm>> -> memref<8x128xi32, #tpu.memory_space<hbm>>
        %dma_start3A_208 = arith.constant 0 : i32
        %dma_start3A_209 = arith.constant 0 : i32
        %dma_start3A_210 = tpu.memref_slice %arg11[%dma_start3A_208, %dma_start3A_209] : memref<40x128xi32, #tpu.memory_space<vmem>> -> memref<8x128xi32, #tpu.memory_space<vmem>>
        %dma_start3A_211 = arith.constant 0 : i32
        %dma_start3A_212 = tpu.memref_slice %arg3[%add3A_165, %dma_start3A_211] : memref<5376x128xi32, #tpu.memory_space<hbm>> -> memref<8x128xi32, #tpu.memory_space<hbm>>
        tpu.enqueue_dma source(%dma_start3A_212 : memref<8x128xi32, #tpu.memory_space<hbm>>) target(%dma_start3A_210 : memref<8x128xi32, #tpu.memory_space<vmem>>) target_semaphore(%run_scoped3A_202 : memref<!tpu.dma_semaphore, #tpu.memory_space<semaphore_mem>>)
        %dma_wait3A_213 = arith.constant 0 : i32
        %dma_wait3A_214 = arith.constant 0 : i32
        %dma_wait3A_215 = tpu.memref_slice %arg11[%dma_wait3A_213, %dma_wait3A_214] : memref<40x128xi32, #tpu.memory_space<vmem>> -> memref<8x128xi32, #tpu.memory_space<vmem>>
        %dma_wait3A_216 = arith.constant 0 : i32
        %dma_wait3A_217 = tpu.memref_slice %arg3[%add3A_165, %dma_wait3A_216] : memref<5376x128xi32, #tpu.memory_space<hbm>> -> memref<8x128xi32, #tpu.memory_space<hbm>>
        %dma_wait3A_218 = arith.constant 0 : i32
        %dma_wait3A_219 = arith.constant 0 : i32
        %dma_wait3A_220 = tpu.memref_slice %arg11[%dma_wait3A_218, %dma_wait3A_219] : memref<40x128xi32, #tpu.memory_space<vmem>> -> memref<8x128xi32, #tpu.memory_space<vmem>>
        %dma_wait3A_221 = arith.constant 0 : i32
        %dma_wait3A_222 = tpu.memref_slice %arg3[%add3A_165, %dma_wait3A_221] : memref<5376x128xi32, #tpu.memory_space<hbm>> -> memref<8x128xi32, #tpu.memory_space<hbm>>
        tpu.wait_dma2 semaphore(%run_scoped3A_202 : memref<!tpu.dma_semaphore, #tpu.memory_space<semaphore_mem>>) src(%dma_wait3A_222 : memref<8x128xi32, #tpu.memory_space<hbm>>) dst(%dma_wait3A_220 : memref<8x128xi32, #tpu.memory_space<vmem>>)
        tpu.yield
      }) : () -> ()
      %dma_start3A_166 = arith.constant 0 : i32
      %dma_start3A_167 = arith.constant 0 : i32
      %dma_start3A_168 = tpu.memref_slice %arg10[%dma_start3A_166, %dma_start3A_167] : memref<40x128xi32, #tpu.memory_space<vmem>> -> memref<1x128xi32, #tpu.memory_space<vmem>>
      %dma_start3A_169 = tpu.memref_squeeze %dma_start3A_168 : memref<1x128xi32, #tpu.memory_space<vmem>> -> memref<128xi32, #tpu.memory_space<vmem>>
      %dma_start3A_170 = arith.constant 0 : i32
      %dma_start3A_171 = arith.constant 0 : i32
      %dma_start3A_172 = tpu.memref_slice %arg5[%dma_start3A_170, %dma_start3A_171] : memref<10000x128xf32, #tpu.memory_space<hbm>> -> memref<10000x128xf32, #tpu.memory_space<hbm>>
      tpu.enqueue_indirect_dma source(%dma_start3A_172 : memref<10000x128xf32, #tpu.memory_space<hbm>>) target(%arg12 : memref<128x128xf32, #tpu.memory_space<vmem>>) offsets(%dma_start3A_169 : memref<128xi32, #tpu.memory_space<vmem>>) semaphore(%arg15 : memref<!tpu.dma_semaphore, #tpu.memory_space<semaphore_mem>>)
      %dma_start3A_173 = arith.constant 1 : i32
      %dma_start3A_174 = arith.constant 0 : i32
      %dma_start3A_175 = tpu.memref_slice %arg10[%dma_start3A_173, %dma_start3A_174] : memref<40x128xi32, #tpu.memory_space<vmem>> -> memref<1x128xi32, #tpu.memory_space<vmem>>
      %dma_start3A_176 = tpu.memref_squeeze %dma_start3A_175 : memref<1x128xi32, #tpu.memory_space<vmem>> -> memref<128xi32, #tpu.memory_space<vmem>>
      %dma_start3A_177 = arith.constant 0 : i32
      %dma_start3A_178 = arith.constant 0 : i32
      %dma_start3A_179 = tpu.memref_slice %arg5[%dma_start3A_177, %dma_start3A_178] : memref<10000x128xf32, #tpu.memory_space<hbm>> -> memref<10000x128xf32, #tpu.memory_space<hbm>>
      tpu.enqueue_indirect_dma source(%dma_start3A_179 : memref<10000x128xf32, #tpu.memory_space<hbm>>) target(%arg13 : memref<128x128xf32, #tpu.memory_space<vmem>>) offsets(%dma_start3A_176 : memref<128xi32, #tpu.memory_space<vmem>>) semaphore(%arg16 : memref<!tpu.dma_semaphore, #tpu.memory_space<semaphore_mem>>)
      %scan3A_180 = arith.constant 0 : i32
      %scan3A_181 = arith.constant 0 : i32
      %scan3A_182 = arith.constant 3 : i32
      %scan3A_183 = arith.addi %scan3A_181, %scan3A_182 : i32
      %scan3A_184 = arith.constant 1 : i32
      scf.for %scan3A_202 = %scan3A_181 to %scan3A_183 step %scan3A_184  : i32 {
        %mul3A_203 = arith.constant 2 : i32
        %mul3A_204 = arith.muli %scan3A_202, %mul3A_203 : i32
        %dma_wait3A_205 = arith.constant 0 : i32
        %dma_wait3A_206 = tpu.memref_slice %arg10[%mul3A_204, %dma_wait3A_205] : memref<40x128xi32, #tpu.memory_space<vmem>> -> memref<1x128xi32, #tpu.memory_space<vmem>>
        %dma_wait3A_207 = tpu.memref_squeeze %dma_wait3A_206 : memref<1x128xi32, #tpu.memory_space<vmem>> -> memref<128xi32, #tpu.memory_space<vmem>>
        %dma_wait3A_208 = arith.constant 0 : i32
        %dma_wait3A_209 = arith.constant 0 : i32
        %dma_wait3A_210 = tpu.memref_slice %arg5[%dma_wait3A_208, %dma_wait3A_209] : memref<10000x128xf32, #tpu.memory_space<hbm>> -> memref<10000x128xf32, #tpu.memory_space<hbm>>
        tpu.wait_indirect_dma semaphore(%arg15 : memref<!tpu.dma_semaphore, #tpu.memory_space<semaphore_mem>>) src(%dma_wait3A_210 : memref<10000x128xf32, #tpu.memory_space<hbm>>) dst(%arg12 : memref<128x128xf32, #tpu.memory_space<vmem>>)
        "tpu.region"() ({
          %run_scoped3A_237 = tpu.sem_alloc : memref<!tpu.dma_semaphore, #tpu.memory_space<semaphore_mem>>
          %dma_start3A_238 = arith.constant 0 : i32
          %dma_start3A_239 = tpu.memref_slice %arg11[%mul3A_204, %dma_start3A_238] : memref<40x128xi32, #tpu.memory_space<vmem>> -> memref<1x128xi32, #tpu.memory_space<vmem>>
          %dma_start3A_240 = tpu.memref_squeeze %dma_start3A_239 : memref<1x128xi32, #tpu.memory_space<vmem>> -> memref<128xi32, #tpu.memory_space<vmem>>
          %dma_start3A_241 = arith.constant 0 : i32
          %dma_start3A_242 = arith.constant 0 : i32
          %dma_start3A_243 = tpu.memref_slice %arg14[%dma_start3A_241, %dma_start3A_242] : memref<10112x128xf32, #tpu.memory_space<vmem_shared>> -> memref<10112x128xf32, #tpu.memory_space<vmem_shared>>
          tpu.enqueue_indirect_dma source(%arg12 : memref<128x128xf32, #tpu.memory_space<vmem>>) target(%dma_start3A_243 : memref<10112x128xf32, #tpu.memory_space<vmem_shared>>) offsets(%dma_start3A_240 : memref<128xi32, #tpu.memory_space<vmem>>) semaphore(%run_scoped3A_237 : memref<!tpu.dma_semaphore, #tpu.memory_space<semaphore_mem>>) {add = true}
          %dma_wait3A_244 = arith.constant 0 : i32
          %dma_wait3A_245 = tpu.memref_slice %arg11[%mul3A_204, %dma_wait3A_244] : memref<40x128xi32, #tpu.memory_space<vmem>> -> memref<1x128xi32, #tpu.memory_space<vmem>>
          %dma_wait3A_246 = tpu.memref_squeeze %dma_wait3A_245 : memref<1x128xi32, #tpu.memory_space<vmem>> -> memref<128xi32, #tpu.memory_space<vmem>>
          %dma_wait3A_247 = arith.constant 0 : i32
          %dma_wait3A_248 = arith.constant 0 : i32
          %dma_wait3A_249 = tpu.memref_slice %arg14[%dma_wait3A_247, %dma_wait3A_248] : memref<10112x128xf32, #tpu.memory_space<vmem_shared>> -> memref<10112x128xf32, #tpu.memory_space<vmem_shared>>
          tpu.wait_indirect_dma semaphore(%run_scoped3A_237 : memref<!tpu.dma_semaphore, #tpu.memory_space<semaphore_mem>>) src(%arg12 : memref<128x128xf32, #tpu.memory_space<vmem>>) dst(%dma_wait3A_249 : memref<10112x128xf32, #tpu.memory_space<vmem_shared>>)
          tpu.yield
        }) : () -> ()
        %add3A_211 = arith.constant 2 : i32
        %add3A_212 = arith.addi %mul3A_204, %add3A_211 : i32
        %dma_start3A_213 = arith.constant 0 : i32
        %dma_start3A_214 = tpu.memref_slice %arg10[%add3A_212, %dma_start3A_213] : memref<40x128xi32, #tpu.memory_space<vmem>> -> memref<1x128xi32, #tpu.memory_space<vmem>>
        %dma_start3A_215 = tpu.memref_squeeze %dma_start3A_214 : memref<1x128xi32, #tpu.memory_space<vmem>> -> memref<128xi32, #tpu.memory_space<vmem>>
        %dma_start3A_216 = arith.constant 0 : i32
        %dma_start3A_217 = arith.constant 0 : i32
        %dma_start3A_218 = tpu.memref_slice %arg5[%dma_start3A_216, %dma_start3A_217] : memref<10000x128xf32, #tpu.memory_space<hbm>> -> memref<10000x128xf32, #tpu.memory_space<hbm>>
        tpu.enqueue_indirect_dma source(%dma_start3A_218 : memref<10000x128xf32, #tpu.memory_space<hbm>>) target(%arg12 : memref<128x128xf32, #tpu.memory_space<vmem>>) offsets(%dma_start3A_215 : memref<128xi32, #tpu.memory_space<vmem>>) semaphore(%arg15 : memref<!tpu.dma_semaphore, #tpu.memory_space<semaphore_mem>>)
        %add3A_219 = arith.constant 1 : i32
        %add3A_220 = arith.addi %mul3A_204, %add3A_219 : i32
        %dma_wait3A_221 = arith.constant 0 : i32
        %dma_wait3A_222 = tpu.memref_slice %arg10[%add3A_220, %dma_wait3A_221] : memref<40x128xi32, #tpu.memory_space<vmem>> -> memref<1x128xi32, #tpu.memory_space<vmem>>
        %dma_wait3A_223 = tpu.memref_squeeze %dma_wait3A_222 : memref<1x128xi32, #tpu.memory_space<vmem>> -> memref<128xi32, #tpu.memory_space<vmem>>
        %dma_wait3A_224 = arith.constant 0 : i32
        %dma_wait3A_225 = arith.constant 0 : i32
        %dma_wait3A_226 = tpu.memref_slice %arg5[%dma_wait3A_224, %dma_wait3A_225] : memref<10000x128xf32, #tpu.memory_space<hbm>> -> memref<10000x128xf32, #tpu.memory_space<hbm>>
        tpu.wait_indirect_dma semaphore(%arg16 : memref<!tpu.dma_semaphore, #tpu.memory_space<semaphore_mem>>) src(%dma_wait3A_226 : memref<10000x128xf32, #tpu.memory_space<hbm>>) dst(%arg13 : memref<128x128xf32, #tpu.memory_space<vmem>>)
        %add3A_227 = arith.constant 1 : i32
        %add3A_228 = arith.addi %mul3A_204, %add3A_227 : i32
        "tpu.region"() ({
          %run_scoped3A_237 = tpu.sem_alloc : memref<!tpu.dma_semaphore, #tpu.memory_space<semaphore_mem>>
          %dma_start3A_238 = arith.constant 0 : i32
          %dma_start3A_239 = tpu.memref_slice %arg11[%add3A_228, %dma_start3A_238] : memref<40x128xi32, #tpu.memory_space<vmem>> -> memref<1x128xi32, #tpu.memory_space<vmem>>
          %dma_start3A_240 = tpu.memref_squeeze %dma_start3A_239 : memref<1x128xi32, #tpu.memory_space<vmem>> -> memref<128xi32, #tpu.memory_space<vmem>>
          %dma_start3A_241 = arith.constant 0 : i32
          %dma_start3A_242 = arith.constant 0 : i32
          %dma_start3A_243 = tpu.memref_slice %arg14[%dma_start3A_241, %dma_start3A_242] : memref<10112x128xf32, #tpu.memory_space<vmem_shared>> -> memref<10112x128xf32, #tpu.memory_space<vmem_shared>>
          tpu.enqueue_indirect_dma source(%arg13 : memref<128x128xf32, #tpu.memory_space<vmem>>) target(%dma_start3A_243 : memref<10112x128xf32, #tpu.memory_space<vmem_shared>>) offsets(%dma_start3A_240 : memref<128xi32, #tpu.memory_space<vmem>>) semaphore(%run_scoped3A_237 : memref<!tpu.dma_semaphore, #tpu.memory_space<semaphore_mem>>) {add = true}
          %dma_wait3A_244 = arith.constant 0 : i32
          %dma_wait3A_245 = tpu.memref_slice %arg11[%add3A_228, %dma_wait3A_244] : memref<40x128xi32, #tpu.memory_space<vmem>> -> memref<1x128xi32, #tpu.memory_space<vmem>>
          %dma_wait3A_246 = tpu.memref_squeeze %dma_wait3A_245 : memref<1x128xi32, #tpu.memory_space<vmem>> -> memref<128xi32, #tpu.memory_space<vmem>>
          %dma_wait3A_247 = arith.constant 0 : i32
          %dma_wait3A_248 = arith.constant 0 : i32
          %dma_wait3A_249 = tpu.memref_slice %arg14[%dma_wait3A_247, %dma_wait3A_248] : memref<10112x128xf32, #tpu.memory_space<vmem_shared>> -> memref<10112x128xf32, #tpu.memory_space<vmem_shared>>
          tpu.wait_indirect_dma semaphore(%run_scoped3A_237 : memref<!tpu.dma_semaphore, #tpu.memory_space<semaphore_mem>>) src(%arg13 : memref<128x128xf32, #tpu.memory_space<vmem>>) dst(%dma_wait3A_249 : memref<10112x128xf32, #tpu.memory_space<vmem_shared>>)
          tpu.yield
        }) : () -> ()
        %add3A_229 = arith.constant 3 : i32
        %add3A_230 = arith.addi %mul3A_204, %add3A_229 : i32
        %dma_start3A_231 = arith.constant 0 : i32
        %dma_start3A_232 = tpu.memref_slice %arg10[%add3A_230, %dma_start3A_231] : memref<40x128xi32, #tpu.memory_space<vmem>> -> memref<1x128xi32, #tpu.memory_space<vmem>>
        %dma_start3A_233 = tpu.memref_squeeze %dma_start3A_232 : memref<1x128xi32, #tpu.memory_space<vmem>> -> memref<128xi32, #tpu.memory_space<vmem>>
        %dma_start3A_234 = arith.constant 0 : i32
        %dma_start3A_235 = arith.constant 0 : i32
        %dma_start3A_236 = tpu.memref_slice %arg5[%dma_start3A_234, %dma_start3A_235] : memref<10000x128xf32, #tpu.memory_space<hbm>> -> memref<10000x128xf32, #tpu.memory_space<hbm>>
        tpu.enqueue_indirect_dma source(%dma_start3A_236 : memref<10000x128xf32, #tpu.memory_space<hbm>>) target(%arg13 : memref<128x128xf32, #tpu.memory_space<vmem>>) offsets(%dma_start3A_233 : memref<128xi32, #tpu.memory_space<vmem>>) semaphore(%arg16 : memref<!tpu.dma_semaphore, #tpu.memory_space<semaphore_mem>>)
      }
      %scan3A_185 = arith.constant 3 : i32
      %dma_wait3A_186 = arith.constant 6 : i32
      %dma_wait3A_187 = arith.constant 0 : i32
      %dma_wait3A_188 = tpu.memref_slice %arg10[%dma_wait3A_186, %dma_wait3A_187] : memref<40x128xi32, #tpu.memory_space<vmem>> -> memref<1x128xi32, #tpu.memory_space<vmem>>
      %dma_wait3A_189 = tpu.memref_squeeze %dma_wait3A_188 : memref<1x128xi32, #tpu.memory_space<vmem>> -> memref<128xi32, #tpu.memory_space<vmem>>
      %dma_wait3A_190 = arith.constant 0 : i32
      %dma_wait3A_191 = arith.constant 0 : i32
      %dma_wait3A_192 = tpu.memref_slice %arg5[%dma_wait3A_190, %dma_wait3A_191] : memref<10000x128xf32, #tpu.memory_space<hbm>> -> memref<10000x128xf32, #tpu.memory_space<hbm>>
      tpu.wait_indirect_dma semaphore(%arg15 : memref<!tpu.dma_semaphore, #tpu.memory_space<semaphore_mem>>) src(%dma_wait3A_192 : memref<10000x128xf32, #tpu.memory_space<hbm>>) dst(%arg12 : memref<128x128xf32, #tpu.memory_space<vmem>>)
      %run_scoped3A_193 = arith.constant 6 : i32
      "tpu.region"() ({
        %run_scoped3A_202 = tpu.sem_alloc : memref<!tpu.dma_semaphore, #tpu.memory_space<semaphore_mem>>
        %dma_start3A_203 = arith.constant 0 : i32
        %dma_start3A_204 = tpu.memref_slice %arg11[%run_scoped3A_193, %dma_start3A_203] : memref<40x128xi32, #tpu.memory_space<vmem>> -> memref<1x128xi32, #tpu.memory_space<vmem>>
        %dma_start3A_205 = tpu.memref_squeeze %dma_start3A_204 : memref<1x128xi32, #tpu.memory_space<vmem>> -> memref<128xi32, #tpu.memory_space<vmem>>
        %dma_start3A_206 = arith.constant 0 : i32
        %dma_start3A_207 = arith.constant 0 : i32
        %dma_start3A_208 = tpu.memref_slice %arg14[%dma_start3A_206, %dma_start3A_207] : memref<10112x128xf32, #tpu.memory_space<vmem_shared>> -> memref<10112x128xf32, #tpu.memory_space<vmem_shared>>
        tpu.enqueue_indirect_dma source(%arg12 : memref<128x128xf32, #tpu.memory_space<vmem>>) target(%dma_start3A_208 : memref<10112x128xf32, #tpu.memory_space<vmem_shared>>) offsets(%dma_start3A_205 : memref<128xi32, #tpu.memory_space<vmem>>) semaphore(%run_scoped3A_202 : memref<!tpu.dma_semaphore, #tpu.memory_space<semaphore_mem>>) {add = true}
        %dma_wait3A_209 = arith.constant 0 : i32
        %dma_wait3A_210 = tpu.memref_slice %arg11[%run_scoped3A_193, %dma_wait3A_209] : memref<40x128xi32, #tpu.memory_space<vmem>> -> memref<1x128xi32, #tpu.memory_space<vmem>>
        %dma_wait3A_211 = tpu.memref_squeeze %dma_wait3A_210 : memref<1x128xi32, #tpu.memory_space<vmem>> -> memref<128xi32, #tpu.memory_space<vmem>>
        %dma_wait3A_212 = arith.constant 0 : i32
        %dma_wait3A_213 = arith.constant 0 : i32
        %dma_wait3A_214 = tpu.memref_slice %arg14[%dma_wait3A_212, %dma_wait3A_213] : memref<10112x128xf32, #tpu.memory_space<vmem_shared>> -> memref<10112x128xf32, #tpu.memory_space<vmem_shared>>
        tpu.wait_indirect_dma semaphore(%run_scoped3A_202 : memref<!tpu.dma_semaphore, #tpu.memory_space<semaphore_mem>>) src(%arg12 : memref<128x128xf32, #tpu.memory_space<vmem>>) dst(%dma_wait3A_214 : memref<10112x128xf32, #tpu.memory_space<vmem_shared>>)
        tpu.yield
      }) : () -> ()
      %dma_wait3A_194 = arith.constant 7 : i32
      %dma_wait3A_195 = arith.constant 0 : i32
      %dma_wait3A_196 = tpu.memref_slice %arg10[%dma_wait3A_194, %dma_wait3A_195] : memref<40x128xi32, #tpu.memory_space<vmem>> -> memref<1x128xi32, #tpu.memory_space<vmem>>
      %dma_wait3A_197 = tpu.memref_squeeze %dma_wait3A_196 : memref<1x128xi32, #tpu.memory_space<vmem>> -> memref<128xi32, #tpu.memory_space<vmem>>
      %dma_wait3A_198 = arith.constant 0 : i32
      %dma_wait3A_199 = arith.constant 0 : i32
      %dma_wait3A_200 = tpu.memref_slice %arg5[%dma_wait3A_198, %dma_wait3A_199] : memref<10000x128xf32, #tpu.memory_space<hbm>> -> memref<10000x128xf32, #tpu.memory_space<hbm>>
      tpu.wait_indirect_dma semaphore(%arg16 : memref<!tpu.dma_semaphore, #tpu.memory_space<semaphore_mem>>) src(%dma_wait3A_200 : memref<10000x128xf32, #tpu.memory_space<hbm>>) dst(%arg13 : memref<128x128xf32, #tpu.memory_space<vmem>>)
      %run_scoped3A_201 = arith.constant 7 : i32
      "tpu.region"() ({
        %run_scoped3A_202 = tpu.sem_alloc : memref<!tpu.dma_semaphore, #tpu.memory_space<semaphore_mem>>
        %dma_start3A_203 = arith.constant 0 : i32
        %dma_start3A_204 = tpu.memref_slice %arg11[%run_scoped3A_201, %dma_start3A_203] : memref<40x128xi32, #tpu.memory_space<vmem>> -> memref<1x128xi32, #tpu.memory_space<vmem>>
        %dma_start3A_205 = tpu.memref_squeeze %dma_start3A_204 : memref<1x128xi32, #tpu.memory_space<vmem>> -> memref<128xi32, #tpu.memory_space<vmem>>
        %dma_start3A_206 = arith.constant 0 : i32
        %dma_start3A_207 = arith.constant 0 : i32
        %dma_start3A_208 = tpu.memref_slice %arg14[%dma_start3A_206, %dma_start3A_207] : memref<10112x128xf32, #tpu.memory_space<vmem_shared>> -> memref<10112x128xf32, #tpu.memory_space<vmem_shared>>
        tpu.enqueue_indirect_dma source(%arg13 : memref<128x128xf32, #tpu.memory_space<vmem>>) target(%dma_start3A_208 : memref<10112x128xf32, #tpu.memory_space<vmem_shared>>) offsets(%dma_start3A_205 : memref<128xi32, #tpu.memory_space<vmem>>) semaphore(%run_scoped3A_202 : memref<!tpu.dma_semaphore, #tpu.memory_space<semaphore_mem>>) {add = true}
        %dma_wait3A_209 = arith.constant 0 : i32
        %dma_wait3A_210 = tpu.memref_slice %arg11[%run_scoped3A_201, %dma_wait3A_209] : memref<40x128xi32, #tpu.memory_space<vmem>> -> memref<1x128xi32, #tpu.memory_space<vmem>>
        %dma_wait3A_211 = tpu.memref_squeeze %dma_wait3A_210 : memref<1x128xi32, #tpu.memory_space<vmem>> -> memref<128xi32, #tpu.memory_space<vmem>>
        %dma_wait3A_212 = arith.constant 0 : i32
        %dma_wait3A_213 = arith.constant 0 : i32
        %dma_wait3A_214 = tpu.memref_slice %arg14[%dma_wait3A_212, %dma_wait3A_213] : memref<10112x128xf32, #tpu.memory_space<vmem_shared>> -> memref<10112x128xf32, #tpu.memory_space<vmem_shared>>
        tpu.wait_indirect_dma semaphore(%run_scoped3A_202 : memref<!tpu.dma_semaphore, #tpu.memory_space<semaphore_mem>>) src(%arg13 : memref<128x128xf32, #tpu.memory_space<vmem>>) dst(%dma_wait3A_214 : memref<10112x128xf32, #tpu.memory_space<vmem_shared>>)
        tpu.yield
      }) : () -> ()
    } else {
    }
    %eq3A_3 = arith.constant 1 : i32
    %eq3A_4 = arith.cmpi eq, %arg0, %eq3A_3 : i32
    %convert_element_type3A_5 = arith.extui %eq3A_4 : i1 to i32
    %cond3A_6 = arith.constant 0 : i32
    %cond3A_7 = arith.cmpi ne, %convert_element_type3A_5, %cond3A_6 : i32
    scf.if %cond3A_7 {
      %mul3A_9 = arith.constant 160 : i32
      %mul3A_10 = arith.muli %arg1, %mul3A_9 : i32
      %add3A = arith.constant 2560 : i32
      %add3A_11 = arith.addi %add3A, %mul3A_10 : i32
      %add3A_12 = arith.constant 0 : i32
      %add3A_13 = arith.addi %add3A_11, %add3A_12 : i32
      "tpu.region"() ({
        %run_scoped3A_202 = tpu.sem_alloc : memref<!tpu.dma_semaphore, #tpu.memory_space<semaphore_mem>>
        %dma_start3A_203 = arith.constant 0 : i32
        %dma_start3A_204 = arith.constant 0 : i32
        %dma_start3A_205 = tpu.memref_slice %arg10[%dma_start3A_203, %dma_start3A_204] : memref<40x128xi32, #tpu.memory_space<vmem>> -> memref<40x128xi32, #tpu.memory_space<vmem>>
        %dma_start3A_206 = arith.constant 0 : i32
        %dma_start3A_207 = tpu.memref_slice %arg2[%add3A_13, %dma_start3A_206] : memref<5376x128xi32, #tpu.memory_space<hbm>> -> memref<40x128xi32, #tpu.memory_space<hbm>>
        %dma_start3A_208 = arith.constant 0 : i32
        %dma_start3A_209 = arith.constant 0 : i32
        %dma_start3A_210 = tpu.memref_slice %arg10[%dma_start3A_208, %dma_start3A_209] : memref<40x128xi32, #tpu.memory_space<vmem>> -> memref<40x128xi32, #tpu.memory_space<vmem>>
        %dma_start3A_211 = arith.constant 0 : i32
        %dma_start3A_212 = tpu.memref_slice %arg2[%add3A_13, %dma_start3A_211] : memref<5376x128xi32, #tpu.memory_space<hbm>> -> memref<40x128xi32, #tpu.memory_space<hbm>>
        tpu.enqueue_dma source(%dma_start3A_212 : memref<40x128xi32, #tpu.memory_space<hbm>>) target(%dma_start3A_210 : memref<40x128xi32, #tpu.memory_space<vmem>>) target_semaphore(%run_scoped3A_202 : memref<!tpu.dma_semaphore, #tpu.memory_space<semaphore_mem>>)
        %dma_wait3A_213 = arith.constant 0 : i32
        %dma_wait3A_214 = arith.constant 0 : i32
        %dma_wait3A_215 = tpu.memref_slice %arg10[%dma_wait3A_213, %dma_wait3A_214] : memref<40x128xi32, #tpu.memory_space<vmem>> -> memref<40x128xi32, #tpu.memory_space<vmem>>
        %dma_wait3A_216 = arith.constant 0 : i32
        %dma_wait3A_217 = tpu.memref_slice %arg2[%add3A_13, %dma_wait3A_216] : memref<5376x128xi32, #tpu.memory_space<hbm>> -> memref<40x128xi32, #tpu.memory_space<hbm>>
        %dma_wait3A_218 = arith.constant 0 : i32
        %dma_wait3A_219 = arith.constant 0 : i32
        %dma_wait3A_220 = tpu.memref_slice %arg10[%dma_wait3A_218, %dma_wait3A_219] : memref<40x128xi32, #tpu.memory_space<vmem>> -> memref<40x128xi32, #tpu.memory_space<vmem>>
        %dma_wait3A_221 = arith.constant 0 : i32
        %dma_wait3A_222 = tpu.memref_slice %arg2[%add3A_13, %dma_wait3A_221] : memref<5376x128xi32, #tpu.memory_space<hbm>> -> memref<40x128xi32, #tpu.memory_space<hbm>>
        tpu.wait_dma2 semaphore(%run_scoped3A_202 : memref<!tpu.dma_semaphore, #tpu.memory_space<semaphore_mem>>) src(%dma_wait3A_222 : memref<40x128xi32, #tpu.memory_space<hbm>>) dst(%dma_wait3A_220 : memref<40x128xi32, #tpu.memory_space<vmem>>)
        tpu.yield
      }) : () -> ()
      "tpu.region"() ({
        %run_scoped3A_202 = tpu.sem_alloc : memref<!tpu.dma_semaphore, #tpu.memory_space<semaphore_mem>>
        %dma_start3A_203 = arith.constant 0 : i32
        %dma_start3A_204 = arith.constant 0 : i32
        %dma_start3A_205 = tpu.memref_slice %arg11[%dma_start3A_203, %dma_start3A_204] : memref<40x128xi32, #tpu.memory_space<vmem>> -> memref<40x128xi32, #tpu.memory_space<vmem>>
        %dma_start3A_206 = arith.constant 0 : i32
        %dma_start3A_207 = tpu.memref_slice %arg3[%add3A_13, %dma_start3A_206] : memref<5376x128xi32, #tpu.memory_space<hbm>> -> memref<40x128xi32, #tpu.memory_space<hbm>>
        %dma_start3A_208 = arith.constant 0 : i32
        %dma_start3A_209 = arith.constant 0 : i32
        %dma_start3A_210 = tpu.memref_slice %arg11[%dma_start3A_208, %dma_start3A_209] : memref<40x128xi32, #tpu.memory_space<vmem>> -> memref<40x128xi32, #tpu.memory_space<vmem>>
        %dma_start3A_211 = arith.constant 0 : i32
        %dma_start3A_212 = tpu.memref_slice %arg3[%add3A_13, %dma_start3A_211] : memref<5376x128xi32, #tpu.memory_space<hbm>> -> memref<40x128xi32, #tpu.memory_space<hbm>>
        tpu.enqueue_dma source(%dma_start3A_212 : memref<40x128xi32, #tpu.memory_space<hbm>>) target(%dma_start3A_210 : memref<40x128xi32, #tpu.memory_space<vmem>>) target_semaphore(%run_scoped3A_202 : memref<!tpu.dma_semaphore, #tpu.memory_space<semaphore_mem>>)
        %dma_wait3A_213 = arith.constant 0 : i32
        %dma_wait3A_214 = arith.constant 0 : i32
        %dma_wait3A_215 = tpu.memref_slice %arg11[%dma_wait3A_213, %dma_wait3A_214] : memref<40x128xi32, #tpu.memory_space<vmem>> -> memref<40x128xi32, #tpu.memory_space<vmem>>
        %dma_wait3A_216 = arith.constant 0 : i32
        %dma_wait3A_217 = tpu.memref_slice %arg3[%add3A_13, %dma_wait3A_216] : memref<5376x128xi32, #tpu.memory_space<hbm>> -> memref<40x128xi32, #tpu.memory_space<hbm>>
        %dma_wait3A_218 = arith.constant 0 : i32
        %dma_wait3A_219 = arith.constant 0 : i32
        %dma_wait3A_220 = tpu.memref_slice %arg11[%dma_wait3A_218, %dma_wait3A_219] : memref<40x128xi32, #tpu.memory_space<vmem>> -> memref<40x128xi32, #tpu.memory_space<vmem>>
        %dma_wait3A_221 = arith.constant 0 : i32
        %dma_wait3A_222 = tpu.memref_slice %arg3[%add3A_13, %dma_wait3A_221] : memref<5376x128xi32, #tpu.memory_space<hbm>> -> memref<40x128xi32, #tpu.memory_space<hbm>>
        tpu.wait_dma2 semaphore(%run_scoped3A_202 : memref<!tpu.dma_semaphore, #tpu.memory_space<semaphore_mem>>) src(%dma_wait3A_222 : memref<40x128xi32, #tpu.memory_space<hbm>>) dst(%dma_wait3A_220 : memref<40x128xi32, #tpu.memory_space<vmem>>)
        tpu.yield
      }) : () -> ()
      %dma_start3A = arith.constant 0 : i32
      %dma_start3A_14 = arith.constant 0 : i32
      %dma_start3A_15 = tpu.memref_slice %arg10[%dma_start3A, %dma_start3A_14] : memref<40x128xi32, #tpu.memory_space<vmem>> -> memref<1x128xi32, #tpu.memory_space<vmem>>
      %dma_start3A_16 = tpu.memref_squeeze %dma_start3A_15 : memref<1x128xi32, #tpu.memory_space<vmem>> -> memref<128xi32, #tpu.memory_space<vmem>>
      %dma_start3A_17 = arith.constant 0 : i32
      %dma_start3A_18 = arith.constant 0 : i32
      %dma_start3A_19 = tpu.memref_slice %arg6[%dma_start3A_17, %dma_start3A_18] : memref<10000x128xf32, #tpu.memory_space<hbm>> -> memref<10000x128xf32, #tpu.memory_space<hbm>>
      tpu.enqueue_indirect_dma source(%dma_start3A_19 : memref<10000x128xf32, #tpu.memory_space<hbm>>) target(%arg12 : memref<128x128xf32, #tpu.memory_space<vmem>>) offsets(%dma_start3A_16 : memref<128xi32, #tpu.memory_space<vmem>>) semaphore(%arg15 : memref<!tpu.dma_semaphore, #tpu.memory_space<semaphore_mem>>)
      %dma_start3A_20 = arith.constant 1 : i32
      %dma_start3A_21 = arith.constant 0 : i32
      %dma_start3A_22 = tpu.memref_slice %arg10[%dma_start3A_20, %dma_start3A_21] : memref<40x128xi32, #tpu.memory_space<vmem>> -> memref<1x128xi32, #tpu.memory_space<vmem>>
      %dma_start3A_23 = tpu.memref_squeeze %dma_start3A_22 : memref<1x128xi32, #tpu.memory_space<vmem>> -> memref<128xi32, #tpu.memory_space<vmem>>
      %dma_start3A_24 = arith.constant 0 : i32
      %dma_start3A_25 = arith.constant 0 : i32
      %dma_start3A_26 = tpu.memref_slice %arg6[%dma_start3A_24, %dma_start3A_25] : memref<10000x128xf32, #tpu.memory_space<hbm>> -> memref<10000x128xf32, #tpu.memory_space<hbm>>
      tpu.enqueue_indirect_dma source(%dma_start3A_26 : memref<10000x128xf32, #tpu.memory_space<hbm>>) target(%arg13 : memref<128x128xf32, #tpu.memory_space<vmem>>) offsets(%dma_start3A_23 : memref<128xi32, #tpu.memory_space<vmem>>) semaphore(%arg16 : memref<!tpu.dma_semaphore, #tpu.memory_space<semaphore_mem>>)
      %scan3A = arith.constant 0 : i32
      %scan3A_27 = arith.constant 0 : i32
      %scan3A_28 = arith.constant 19 : i32
      %scan3A_29 = arith.addi %scan3A_27, %scan3A_28 : i32
      %scan3A_30 = arith.constant 1 : i32
      scf.for %scan3A_202 = %scan3A_27 to %scan3A_29 step %scan3A_30  : i32 {
        %mul3A_203 = arith.constant 2 : i32
        %mul3A_204 = arith.muli %scan3A_202, %mul3A_203 : i32
        %dma_wait3A_205 = arith.constant 0 : i32
        %dma_wait3A_206 = tpu.memref_slice %arg10[%mul3A_204, %dma_wait3A_205] : memref<40x128xi32, #tpu.memory_space<vmem>> -> memref<1x128xi32, #tpu.memory_space<vmem>>
        %dma_wait3A_207 = tpu.memref_squeeze %dma_wait3A_206 : memref<1x128xi32, #tpu.memory_space<vmem>> -> memref<128xi32, #tpu.memory_space<vmem>>
        %dma_wait3A_208 = arith.constant 0 : i32
        %dma_wait3A_209 = arith.constant 0 : i32
        %dma_wait3A_210 = tpu.memref_slice %arg6[%dma_wait3A_208, %dma_wait3A_209] : memref<10000x128xf32, #tpu.memory_space<hbm>> -> memref<10000x128xf32, #tpu.memory_space<hbm>>
        tpu.wait_indirect_dma semaphore(%arg15 : memref<!tpu.dma_semaphore, #tpu.memory_space<semaphore_mem>>) src(%dma_wait3A_210 : memref<10000x128xf32, #tpu.memory_space<hbm>>) dst(%arg12 : memref<128x128xf32, #tpu.memory_space<vmem>>)
        "tpu.region"() ({
          %run_scoped3A_237 = tpu.sem_alloc : memref<!tpu.dma_semaphore, #tpu.memory_space<semaphore_mem>>
          %dma_start3A_238 = arith.constant 0 : i32
          %dma_start3A_239 = tpu.memref_slice %arg11[%mul3A_204, %dma_start3A_238] : memref<40x128xi32, #tpu.memory_space<vmem>> -> memref<1x128xi32, #tpu.memory_space<vmem>>
          %dma_start3A_240 = tpu.memref_squeeze %dma_start3A_239 : memref<1x128xi32, #tpu.memory_space<vmem>> -> memref<128xi32, #tpu.memory_space<vmem>>
          %dma_start3A_241 = arith.constant 0 : i32
          %dma_start3A_242 = arith.constant 0 : i32
          %dma_start3A_243 = tpu.memref_slice %arg14[%dma_start3A_241, %dma_start3A_242] : memref<10112x128xf32, #tpu.memory_space<vmem_shared>> -> memref<10112x128xf32, #tpu.memory_space<vmem_shared>>
          tpu.enqueue_indirect_dma source(%arg12 : memref<128x128xf32, #tpu.memory_space<vmem>>) target(%dma_start3A_243 : memref<10112x128xf32, #tpu.memory_space<vmem_shared>>) offsets(%dma_start3A_240 : memref<128xi32, #tpu.memory_space<vmem>>) semaphore(%run_scoped3A_237 : memref<!tpu.dma_semaphore, #tpu.memory_space<semaphore_mem>>) {add = true}
          %dma_wait3A_244 = arith.constant 0 : i32
          %dma_wait3A_245 = tpu.memref_slice %arg11[%mul3A_204, %dma_wait3A_244] : memref<40x128xi32, #tpu.memory_space<vmem>> -> memref<1x128xi32, #tpu.memory_space<vmem>>
          %dma_wait3A_246 = tpu.memref_squeeze %dma_wait3A_245 : memref<1x128xi32, #tpu.memory_space<vmem>> -> memref<128xi32, #tpu.memory_space<vmem>>
          %dma_wait3A_247 = arith.constant 0 : i32
          %dma_wait3A_248 = arith.constant 0 : i32
          %dma_wait3A_249 = tpu.memref_slice %arg14[%dma_wait3A_247, %dma_wait3A_248] : memref<10112x128xf32, #tpu.memory_space<vmem_shared>> -> memref<10112x128xf32, #tpu.memory_space<vmem_shared>>
          tpu.wait_indirect_dma semaphore(%run_scoped3A_237 : memref<!tpu.dma_semaphore, #tpu.memory_space<semaphore_mem>>) src(%arg12 : memref<128x128xf32, #tpu.memory_space<vmem>>) dst(%dma_wait3A_249 : memref<10112x128xf32, #tpu.memory_space<vmem_shared>>)
          tpu.yield
        }) : () -> ()
        %add3A_211 = arith.constant 2 : i32
        %add3A_212 = arith.addi %mul3A_204, %add3A_211 : i32
        %dma_start3A_213 = arith.constant 0 : i32
        %dma_start3A_214 = tpu.memref_slice %arg10[%add3A_212, %dma_start3A_213] : memref<40x128xi32, #tpu.memory_space<vmem>> -> memref<1x128xi32, #tpu.memory_space<vmem>>
        %dma_start3A_215 = tpu.memref_squeeze %dma_start3A_214 : memref<1x128xi32, #tpu.memory_space<vmem>> -> memref<128xi32, #tpu.memory_space<vmem>>
        %dma_start3A_216 = arith.constant 0 : i32
        %dma_start3A_217 = arith.constant 0 : i32
        %dma_start3A_218 = tpu.memref_slice %arg6[%dma_start3A_216, %dma_start3A_217] : memref<10000x128xf32, #tpu.memory_space<hbm>> -> memref<10000x128xf32, #tpu.memory_space<hbm>>
        tpu.enqueue_indirect_dma source(%dma_start3A_218 : memref<10000x128xf32, #tpu.memory_space<hbm>>) target(%arg12 : memref<128x128xf32, #tpu.memory_space<vmem>>) offsets(%dma_start3A_215 : memref<128xi32, #tpu.memory_space<vmem>>) semaphore(%arg15 : memref<!tpu.dma_semaphore, #tpu.memory_space<semaphore_mem>>)
        %add3A_219 = arith.constant 1 : i32
        %add3A_220 = arith.addi %mul3A_204, %add3A_219 : i32
        %dma_wait3A_221 = arith.constant 0 : i32
        %dma_wait3A_222 = tpu.memref_slice %arg10[%add3A_220, %dma_wait3A_221] : memref<40x128xi32, #tpu.memory_space<vmem>> -> memref<1x128xi32, #tpu.memory_space<vmem>>
        %dma_wait3A_223 = tpu.memref_squeeze %dma_wait3A_222 : memref<1x128xi32, #tpu.memory_space<vmem>> -> memref<128xi32, #tpu.memory_space<vmem>>
        %dma_wait3A_224 = arith.constant 0 : i32
        %dma_wait3A_225 = arith.constant 0 : i32
        %dma_wait3A_226 = tpu.memref_slice %arg6[%dma_wait3A_224, %dma_wait3A_225] : memref<10000x128xf32, #tpu.memory_space<hbm>> -> memref<10000x128xf32, #tpu.memory_space<hbm>>
        tpu.wait_indirect_dma semaphore(%arg16 : memref<!tpu.dma_semaphore, #tpu.memory_space<semaphore_mem>>) src(%dma_wait3A_226 : memref<10000x128xf32, #tpu.memory_space<hbm>>) dst(%arg13 : memref<128x128xf32, #tpu.memory_space<vmem>>)
        %add3A_227 = arith.constant 1 : i32
        %add3A_228 = arith.addi %mul3A_204, %add3A_227 : i32
        "tpu.region"() ({
          %run_scoped3A_237 = tpu.sem_alloc : memref<!tpu.dma_semaphore, #tpu.memory_space<semaphore_mem>>
          %dma_start3A_238 = arith.constant 0 : i32
          %dma_start3A_239 = tpu.memref_slice %arg11[%add3A_228, %dma_start3A_238] : memref<40x128xi32, #tpu.memory_space<vmem>> -> memref<1x128xi32, #tpu.memory_space<vmem>>
          %dma_start3A_240 = tpu.memref_squeeze %dma_start3A_239 : memref<1x128xi32, #tpu.memory_space<vmem>> -> memref<128xi32, #tpu.memory_space<vmem>>
          %dma_start3A_241 = arith.constant 0 : i32
          %dma_start3A_242 = arith.constant 0 : i32
          %dma_start3A_243 = tpu.memref_slice %arg14[%dma_start3A_241, %dma_start3A_242] : memref<10112x128xf32, #tpu.memory_space<vmem_shared>> -> memref<10112x128xf32, #tpu.memory_space<vmem_shared>>
          tpu.enqueue_indirect_dma source(%arg13 : memref<128x128xf32, #tpu.memory_space<vmem>>) target(%dma_start3A_243 : memref<10112x128xf32, #tpu.memory_space<vmem_shared>>) offsets(%dma_start3A_240 : memref<128xi32, #tpu.memory_space<vmem>>) semaphore(%run_scoped3A_237 : memref<!tpu.dma_semaphore, #tpu.memory_space<semaphore_mem>>) {add = true}
          %dma_wait3A_244 = arith.constant 0 : i32
          %dma_wait3A_245 = tpu.memref_slice %arg11[%add3A_228, %dma_wait3A_244] : memref<40x128xi32, #tpu.memory_space<vmem>> -> memref<1x128xi32, #tpu.memory_space<vmem>>
          %dma_wait3A_246 = tpu.memref_squeeze %dma_wait3A_245 : memref<1x128xi32, #tpu.memory_space<vmem>> -> memref<128xi32, #tpu.memory_space<vmem>>
          %dma_wait3A_247 = arith.constant 0 : i32
          %dma_wait3A_248 = arith.constant 0 : i32
          %dma_wait3A_249 = tpu.memref_slice %arg14[%dma_wait3A_247, %dma_wait3A_248] : memref<10112x128xf32, #tpu.memory_space<vmem_shared>> -> memref<10112x128xf32, #tpu.memory_space<vmem_shared>>
          tpu.wait_indirect_dma semaphore(%run_scoped3A_237 : memref<!tpu.dma_semaphore, #tpu.memory_space<semaphore_mem>>) src(%arg13 : memref<128x128xf32, #tpu.memory_space<vmem>>) dst(%dma_wait3A_249 : memref<10112x128xf32, #tpu.memory_space<vmem_shared>>)
          tpu.yield
        }) : () -> ()
        %add3A_229 = arith.constant 3 : i32
        %add3A_230 = arith.addi %mul3A_204, %add3A_229 : i32
        %dma_start3A_231 = arith.constant 0 : i32
        %dma_start3A_232 = tpu.memref_slice %arg10[%add3A_230, %dma_start3A_231] : memref<40x128xi32, #tpu.memory_space<vmem>> -> memref<1x128xi32, #tpu.memory_space<vmem>>
        %dma_start3A_233 = tpu.memref_squeeze %dma_start3A_232 : memref<1x128xi32, #tpu.memory_space<vmem>> -> memref<128xi32, #tpu.memory_space<vmem>>
        %dma_start3A_234 = arith.constant 0 : i32
        %dma_start3A_235 = arith.constant 0 : i32
        %dma_start3A_236 = tpu.memref_slice %arg6[%dma_start3A_234, %dma_start3A_235] : memref<10000x128xf32, #tpu.memory_space<hbm>> -> memref<10000x128xf32, #tpu.memory_space<hbm>>
        tpu.enqueue_indirect_dma source(%dma_start3A_236 : memref<10000x128xf32, #tpu.memory_space<hbm>>) target(%arg13 : memref<128x128xf32, #tpu.memory_space<vmem>>) offsets(%dma_start3A_233 : memref<128xi32, #tpu.memory_space<vmem>>) semaphore(%arg16 : memref<!tpu.dma_semaphore, #tpu.memory_space<semaphore_mem>>)
      }
      %scan3A_31 = arith.constant 19 : i32
      %dma_wait3A = arith.constant 38 : i32
      %dma_wait3A_32 = arith.constant 0 : i32
      %dma_wait3A_33 = tpu.memref_slice %arg10[%dma_wait3A, %dma_wait3A_32] : memref<40x128xi32, #tpu.memory_space<vmem>> -> memref<1x128xi32, #tpu.memory_space<vmem>>
      %dma_wait3A_34 = tpu.memref_squeeze %dma_wait3A_33 : memref<1x128xi32, #tpu.memory_space<vmem>> -> memref<128xi32, #tpu.memory_space<vmem>>
      %dma_wait3A_35 = arith.constant 0 : i32
      %dma_wait3A_36 = arith.constant 0 : i32
      %dma_wait3A_37 = tpu.memref_slice %arg6[%dma_wait3A_35, %dma_wait3A_36] : memref<10000x128xf32, #tpu.memory_space<hbm>> -> memref<10000x128xf32, #tpu.memory_space<hbm>>
      tpu.wait_indirect_dma semaphore(%arg15 : memref<!tpu.dma_semaphore, #tpu.memory_space<semaphore_mem>>) src(%dma_wait3A_37 : memref<10000x128xf32, #tpu.memory_space<hbm>>) dst(%arg12 : memref<128x128xf32, #tpu.memory_space<vmem>>)
      %run_scoped3A = arith.constant 38 : i32
      "tpu.region"() ({
        %run_scoped3A_202 = tpu.sem_alloc : memref<!tpu.dma_semaphore, #tpu.memory_space<semaphore_mem>>
        %dma_start3A_203 = arith.constant 0 : i32
        %dma_start3A_204 = tpu.memref_slice %arg11[%run_scoped3A, %dma_start3A_203] : memref<40x128xi32, #tpu.memory_space<vmem>> -> memref<1x128xi32, #tpu.memory_space<vmem>>
        %dma_start3A_205 = tpu.memref_squeeze %dma_start3A_204 : memref<1x128xi32, #tpu.memory_space<vmem>> -> memref<128xi32, #tpu.memory_space<vmem>>
        %dma_start3A_206 = arith.constant 0 : i32
        %dma_start3A_207 = arith.constant 0 : i32
        %dma_start3A_208 = tpu.memref_slice %arg14[%dma_start3A_206, %dma_start3A_207] : memref<10112x128xf32, #tpu.memory_space<vmem_shared>> -> memref<10112x128xf32, #tpu.memory_space<vmem_shared>>
        tpu.enqueue_indirect_dma source(%arg12 : memref<128x128xf32, #tpu.memory_space<vmem>>) target(%dma_start3A_208 : memref<10112x128xf32, #tpu.memory_space<vmem_shared>>) offsets(%dma_start3A_205 : memref<128xi32, #tpu.memory_space<vmem>>) semaphore(%run_scoped3A_202 : memref<!tpu.dma_semaphore, #tpu.memory_space<semaphore_mem>>) {add = true}
        %dma_wait3A_209 = arith.constant 0 : i32
        %dma_wait3A_210 = tpu.memref_slice %arg11[%run_scoped3A, %dma_wait3A_209] : memref<40x128xi32, #tpu.memory_space<vmem>> -> memref<1x128xi32, #tpu.memory_space<vmem>>
        %dma_wait3A_211 = tpu.memref_squeeze %dma_wait3A_210 : memref<1x128xi32, #tpu.memory_space<vmem>> -> memref<128xi32, #tpu.memory_space<vmem>>
        %dma_wait3A_212 = arith.constant 0 : i32
        %dma_wait3A_213 = arith.constant 0 : i32
        %dma_wait3A_214 = tpu.memref_slice %arg14[%dma_wait3A_212, %dma_wait3A_213] : memref<10112x128xf32, #tpu.memory_space<vmem_shared>> -> memref<10112x128xf32, #tpu.memory_space<vmem_shared>>
        tpu.wait_indirect_dma semaphore(%run_scoped3A_202 : memref<!tpu.dma_semaphore, #tpu.memory_space<semaphore_mem>>) src(%arg12 : memref<128x128xf32, #tpu.memory_space<vmem>>) dst(%dma_wait3A_214 : memref<10112x128xf32, #tpu.memory_space<vmem_shared>>)
        tpu.yield
      }) : () -> ()
      %dma_wait3A_38 = arith.constant 39 : i32
      %dma_wait3A_39 = arith.constant 0 : i32
      %dma_wait3A_40 = tpu.memref_slice %arg10[%dma_wait3A_38, %dma_wait3A_39] : memref<40x128xi32, #tpu.memory_space<vmem>> -> memref<1x128xi32, #tpu.memory_space<vmem>>
      %dma_wait3A_41 = tpu.memref_squeeze %dma_wait3A_40 : memref<1x128xi32, #tpu.memory_space<vmem>> -> memref<128xi32, #tpu.memory_space<vmem>>
      %dma_wait3A_42 = arith.constant 0 : i32
      %dma_wait3A_43 = arith.constant 0 : i32
      %dma_wait3A_44 = tpu.memref_slice %arg6[%dma_wait3A_42, %dma_wait3A_43] : memref<10000x128xf32, #tpu.memory_space<hbm>> -> memref<10000x128xf32, #tpu.memory_space<hbm>>
      tpu.wait_indirect_dma semaphore(%arg16 : memref<!tpu.dma_semaphore, #tpu.memory_space<semaphore_mem>>) src(%dma_wait3A_44 : memref<10000x128xf32, #tpu.memory_space<hbm>>) dst(%arg13 : memref<128x128xf32, #tpu.memory_space<vmem>>)
      %run_scoped3A_45 = arith.constant 39 : i32
      "tpu.region"() ({
        %run_scoped3A_202 = tpu.sem_alloc : memref<!tpu.dma_semaphore, #tpu.memory_space<semaphore_mem>>
        %dma_start3A_203 = arith.constant 0 : i32
        %dma_start3A_204 = tpu.memref_slice %arg11[%run_scoped3A_45, %dma_start3A_203] : memref<40x128xi32, #tpu.memory_space<vmem>> -> memref<1x128xi32, #tpu.memory_space<vmem>>
        %dma_start3A_205 = tpu.memref_squeeze %dma_start3A_204 : memref<1x128xi32, #tpu.memory_space<vmem>> -> memref<128xi32, #tpu.memory_space<vmem>>
        %dma_start3A_206 = arith.constant 0 : i32
        %dma_start3A_207 = arith.constant 0 : i32
        %dma_start3A_208 = tpu.memref_slice %arg14[%dma_start3A_206, %dma_start3A_207] : memref<10112x128xf32, #tpu.memory_space<vmem_shared>> -> memref<10112x128xf32, #tpu.memory_space<vmem_shared>>
        tpu.enqueue_indirect_dma source(%arg13 : memref<128x128xf32, #tpu.memory_space<vmem>>) target(%dma_start3A_208 : memref<10112x128xf32, #tpu.memory_space<vmem_shared>>) offsets(%dma_start3A_205 : memref<128xi32, #tpu.memory_space<vmem>>) semaphore(%run_scoped3A_202 : memref<!tpu.dma_semaphore, #tpu.memory_space<semaphore_mem>>) {add = true}
        %dma_wait3A_209 = arith.constant 0 : i32
        %dma_wait3A_210 = tpu.memref_slice %arg11[%run_scoped3A_45, %dma_wait3A_209] : memref<40x128xi32, #tpu.memory_space<vmem>> -> memref<1x128xi32, #tpu.memory_space<vmem>>
        %dma_wait3A_211 = tpu.memref_squeeze %dma_wait3A_210 : memref<1x128xi32, #tpu.memory_space<vmem>> -> memref<128xi32, #tpu.memory_space<vmem>>
        %dma_wait3A_212 = arith.constant 0 : i32
        %dma_wait3A_213 = arith.constant 0 : i32
        %dma_wait3A_214 = tpu.memref_slice %arg14[%dma_wait3A_212, %dma_wait3A_213] : memref<10112x128xf32, #tpu.memory_space<vmem_shared>> -> memref<10112x128xf32, #tpu.memory_space<vmem_shared>>
        tpu.wait_indirect_dma semaphore(%run_scoped3A_202 : memref<!tpu.dma_semaphore, #tpu.memory_space<semaphore_mem>>) src(%arg13 : memref<128x128xf32, #tpu.memory_space<vmem>>) dst(%dma_wait3A_214 : memref<10112x128xf32, #tpu.memory_space<vmem_shared>>)
        tpu.yield
      }) : () -> ()
      %add3A_46 = arith.constant 40 : i32
      %add3A_47 = arith.addi %add3A_11, %add3A_46 : i32
      "tpu.region"() ({
        %run_scoped3A_202 = tpu.sem_alloc : memref<!tpu.dma_semaphore, #tpu.memory_space<semaphore_mem>>
        %dma_start3A_203 = arith.constant 0 : i32
        %dma_start3A_204 = arith.constant 0 : i32
        %dma_start3A_205 = tpu.memref_slice %arg10[%dma_start3A_203, %dma_start3A_204] : memref<40x128xi32, #tpu.memory_space<vmem>> -> memref<40x128xi32, #tpu.memory_space<vmem>>
        %dma_start3A_206 = arith.constant 0 : i32
        %dma_start3A_207 = tpu.memref_slice %arg2[%add3A_47, %dma_start3A_206] : memref<5376x128xi32, #tpu.memory_space<hbm>> -> memref<40x128xi32, #tpu.memory_space<hbm>>
        %dma_start3A_208 = arith.constant 0 : i32
        %dma_start3A_209 = arith.constant 0 : i32
        %dma_start3A_210 = tpu.memref_slice %arg10[%dma_start3A_208, %dma_start3A_209] : memref<40x128xi32, #tpu.memory_space<vmem>> -> memref<40x128xi32, #tpu.memory_space<vmem>>
        %dma_start3A_211 = arith.constant 0 : i32
        %dma_start3A_212 = tpu.memref_slice %arg2[%add3A_47, %dma_start3A_211] : memref<5376x128xi32, #tpu.memory_space<hbm>> -> memref<40x128xi32, #tpu.memory_space<hbm>>
        tpu.enqueue_dma source(%dma_start3A_212 : memref<40x128xi32, #tpu.memory_space<hbm>>) target(%dma_start3A_210 : memref<40x128xi32, #tpu.memory_space<vmem>>) target_semaphore(%run_scoped3A_202 : memref<!tpu.dma_semaphore, #tpu.memory_space<semaphore_mem>>)
        %dma_wait3A_213 = arith.constant 0 : i32
        %dma_wait3A_214 = arith.constant 0 : i32
        %dma_wait3A_215 = tpu.memref_slice %arg10[%dma_wait3A_213, %dma_wait3A_214] : memref<40x128xi32, #tpu.memory_space<vmem>> -> memref<40x128xi32, #tpu.memory_space<vmem>>
        %dma_wait3A_216 = arith.constant 0 : i32
        %dma_wait3A_217 = tpu.memref_slice %arg2[%add3A_47, %dma_wait3A_216] : memref<5376x128xi32, #tpu.memory_space<hbm>> -> memref<40x128xi32, #tpu.memory_space<hbm>>
        %dma_wait3A_218 = arith.constant 0 : i32
        %dma_wait3A_219 = arith.constant 0 : i32
        %dma_wait3A_220 = tpu.memref_slice %arg10[%dma_wait3A_218, %dma_wait3A_219] : memref<40x128xi32, #tpu.memory_space<vmem>> -> memref<40x128xi32, #tpu.memory_space<vmem>>
        %dma_wait3A_221 = arith.constant 0 : i32
        %dma_wait3A_222 = tpu.memref_slice %arg2[%add3A_47, %dma_wait3A_221] : memref<5376x128xi32, #tpu.memory_space<hbm>> -> memref<40x128xi32, #tpu.memory_space<hbm>>
        tpu.wait_dma2 semaphore(%run_scoped3A_202 : memref<!tpu.dma_semaphore, #tpu.memory_space<semaphore_mem>>) src(%dma_wait3A_222 : memref<40x128xi32, #tpu.memory_space<hbm>>) dst(%dma_wait3A_220 : memref<40x128xi32, #tpu.memory_space<vmem>>)
        tpu.yield
      }) : () -> ()
      "tpu.region"() ({
        %run_scoped3A_202 = tpu.sem_alloc : memref<!tpu.dma_semaphore, #tpu.memory_space<semaphore_mem>>
        %dma_start3A_203 = arith.constant 0 : i32
        %dma_start3A_204 = arith.constant 0 : i32
        %dma_start3A_205 = tpu.memref_slice %arg11[%dma_start3A_203, %dma_start3A_204] : memref<40x128xi32, #tpu.memory_space<vmem>> -> memref<40x128xi32, #tpu.memory_space<vmem>>
        %dma_start3A_206 = arith.constant 0 : i32
        %dma_start3A_207 = tpu.memref_slice %arg3[%add3A_47, %dma_start3A_206] : memref<5376x128xi32, #tpu.memory_space<hbm>> -> memref<40x128xi32, #tpu.memory_space<hbm>>
        %dma_start3A_208 = arith.constant 0 : i32
        %dma_start3A_209 = arith.constant 0 : i32
        %dma_start3A_210 = tpu.memref_slice %arg11[%dma_start3A_208, %dma_start3A_209] : memref<40x128xi32, #tpu.memory_space<vmem>> -> memref<40x128xi32, #tpu.memory_space<vmem>>
        %dma_start3A_211 = arith.constant 0 : i32
        %dma_start3A_212 = tpu.memref_slice %arg3[%add3A_47, %dma_start3A_211] : memref<5376x128xi32, #tpu.memory_space<hbm>> -> memref<40x128xi32, #tpu.memory_space<hbm>>
        tpu.enqueue_dma source(%dma_start3A_212 : memref<40x128xi32, #tpu.memory_space<hbm>>) target(%dma_start3A_210 : memref<40x128xi32, #tpu.memory_space<vmem>>) target_semaphore(%run_scoped3A_202 : memref<!tpu.dma_semaphore, #tpu.memory_space<semaphore_mem>>)
        %dma_wait3A_213 = arith.constant 0 : i32
        %dma_wait3A_214 = arith.constant 0 : i32
        %dma_wait3A_215 = tpu.memref_slice %arg11[%dma_wait3A_213, %dma_wait3A_214] : memref<40x128xi32, #tpu.memory_space<vmem>> -> memref<40x128xi32, #tpu.memory_space<vmem>>
        %dma_wait3A_216 = arith.constant 0 : i32
        %dma_wait3A_217 = tpu.memref_slice %arg3[%add3A_47, %dma_wait3A_216] : memref<5376x128xi32, #tpu.memory_space<hbm>> -> memref<40x128xi32, #tpu.memory_space<hbm>>
        %dma_wait3A_218 = arith.constant 0 : i32
        %dma_wait3A_219 = arith.constant 0 : i32
        %dma_wait3A_220 = tpu.memref_slice %arg11[%dma_wait3A_218, %dma_wait3A_219] : memref<40x128xi32, #tpu.memory_space<vmem>> -> memref<40x128xi32, #tpu.memory_space<vmem>>
        %dma_wait3A_221 = arith.constant 0 : i32
        %dma_wait3A_222 = tpu.memref_slice %arg3[%add3A_47, %dma_wait3A_221] : memref<5376x128xi32, #tpu.memory_space<hbm>> -> memref<40x128xi32, #tpu.memory_space<hbm>>
        tpu.wait_dma2 semaphore(%run_scoped3A_202 : memref<!tpu.dma_semaphore, #tpu.memory_space<semaphore_mem>>) src(%dma_wait3A_222 : memref<40x128xi32, #tpu.memory_space<hbm>>) dst(%dma_wait3A_220 : memref<40x128xi32, #tpu.memory_space<vmem>>)
        tpu.yield
      }) : () -> ()
      %dma_start3A_48 = arith.constant 0 : i32
      %dma_start3A_49 = arith.constant 0 : i32
      %dma_start3A_50 = tpu.memref_slice %arg10[%dma_start3A_48, %dma_start3A_49] : memref<40x128xi32, #tpu.memory_space<vmem>> -> memref<1x128xi32, #tpu.memory_space<vmem>>
      %dma_start3A_51 = tpu.memref_squeeze %dma_start3A_50 : memref<1x128xi32, #tpu.memory_space<vmem>> -> memref<128xi32, #tpu.memory_space<vmem>>
      %dma_start3A_52 = arith.constant 0 : i32
      %dma_start3A_53 = arith.constant 0 : i32
      %dma_start3A_54 = tpu.memref_slice %arg6[%dma_start3A_52, %dma_start3A_53] : memref<10000x128xf32, #tpu.memory_space<hbm>> -> memref<10000x128xf32, #tpu.memory_space<hbm>>
      tpu.enqueue_indirect_dma source(%dma_start3A_54 : memref<10000x128xf32, #tpu.memory_space<hbm>>) target(%arg12 : memref<128x128xf32, #tpu.memory_space<vmem>>) offsets(%dma_start3A_51 : memref<128xi32, #tpu.memory_space<vmem>>) semaphore(%arg15 : memref<!tpu.dma_semaphore, #tpu.memory_space<semaphore_mem>>)
      %dma_start3A_55 = arith.constant 1 : i32
      %dma_start3A_56 = arith.constant 0 : i32
      %dma_start3A_57 = tpu.memref_slice %arg10[%dma_start3A_55, %dma_start3A_56] : memref<40x128xi32, #tpu.memory_space<vmem>> -> memref<1x128xi32, #tpu.memory_space<vmem>>
      %dma_start3A_58 = tpu.memref_squeeze %dma_start3A_57 : memref<1x128xi32, #tpu.memory_space<vmem>> -> memref<128xi32, #tpu.memory_space<vmem>>
      %dma_start3A_59 = arith.constant 0 : i32
      %dma_start3A_60 = arith.constant 0 : i32
      %dma_start3A_61 = tpu.memref_slice %arg6[%dma_start3A_59, %dma_start3A_60] : memref<10000x128xf32, #tpu.memory_space<hbm>> -> memref<10000x128xf32, #tpu.memory_space<hbm>>
      tpu.enqueue_indirect_dma source(%dma_start3A_61 : memref<10000x128xf32, #tpu.memory_space<hbm>>) target(%arg13 : memref<128x128xf32, #tpu.memory_space<vmem>>) offsets(%dma_start3A_58 : memref<128xi32, #tpu.memory_space<vmem>>) semaphore(%arg16 : memref<!tpu.dma_semaphore, #tpu.memory_space<semaphore_mem>>)
      %scan3A_62 = arith.constant 0 : i32
      %scan3A_63 = arith.constant 0 : i32
      %scan3A_64 = arith.constant 19 : i32
      %scan3A_65 = arith.addi %scan3A_63, %scan3A_64 : i32
      %scan3A_66 = arith.constant 1 : i32
      scf.for %scan3A_202 = %scan3A_63 to %scan3A_65 step %scan3A_66  : i32 {
        %mul3A_203 = arith.constant 2 : i32
        %mul3A_204 = arith.muli %scan3A_202, %mul3A_203 : i32
        %dma_wait3A_205 = arith.constant 0 : i32
        %dma_wait3A_206 = tpu.memref_slice %arg10[%mul3A_204, %dma_wait3A_205] : memref<40x128xi32, #tpu.memory_space<vmem>> -> memref<1x128xi32, #tpu.memory_space<vmem>>
        %dma_wait3A_207 = tpu.memref_squeeze %dma_wait3A_206 : memref<1x128xi32, #tpu.memory_space<vmem>> -> memref<128xi32, #tpu.memory_space<vmem>>
        %dma_wait3A_208 = arith.constant 0 : i32
        %dma_wait3A_209 = arith.constant 0 : i32
        %dma_wait3A_210 = tpu.memref_slice %arg6[%dma_wait3A_208, %dma_wait3A_209] : memref<10000x128xf32, #tpu.memory_space<hbm>> -> memref<10000x128xf32, #tpu.memory_space<hbm>>
        tpu.wait_indirect_dma semaphore(%arg15 : memref<!tpu.dma_semaphore, #tpu.memory_space<semaphore_mem>>) src(%dma_wait3A_210 : memref<10000x128xf32, #tpu.memory_space<hbm>>) dst(%arg12 : memref<128x128xf32, #tpu.memory_space<vmem>>)
        "tpu.region"() ({
          %run_scoped3A_237 = tpu.sem_alloc : memref<!tpu.dma_semaphore, #tpu.memory_space<semaphore_mem>>
          %dma_start3A_238 = arith.constant 0 : i32
          %dma_start3A_239 = tpu.memref_slice %arg11[%mul3A_204, %dma_start3A_238] : memref<40x128xi32, #tpu.memory_space<vmem>> -> memref<1x128xi32, #tpu.memory_space<vmem>>
          %dma_start3A_240 = tpu.memref_squeeze %dma_start3A_239 : memref<1x128xi32, #tpu.memory_space<vmem>> -> memref<128xi32, #tpu.memory_space<vmem>>
          %dma_start3A_241 = arith.constant 0 : i32
          %dma_start3A_242 = arith.constant 0 : i32
          %dma_start3A_243 = tpu.memref_slice %arg14[%dma_start3A_241, %dma_start3A_242] : memref<10112x128xf32, #tpu.memory_space<vmem_shared>> -> memref<10112x128xf32, #tpu.memory_space<vmem_shared>>
          tpu.enqueue_indirect_dma source(%arg12 : memref<128x128xf32, #tpu.memory_space<vmem>>) target(%dma_start3A_243 : memref<10112x128xf32, #tpu.memory_space<vmem_shared>>) offsets(%dma_start3A_240 : memref<128xi32, #tpu.memory_space<vmem>>) semaphore(%run_scoped3A_237 : memref<!tpu.dma_semaphore, #tpu.memory_space<semaphore_mem>>) {add = true}
          %dma_wait3A_244 = arith.constant 0 : i32
          %dma_wait3A_245 = tpu.memref_slice %arg11[%mul3A_204, %dma_wait3A_244] : memref<40x128xi32, #tpu.memory_space<vmem>> -> memref<1x128xi32, #tpu.memory_space<vmem>>
          %dma_wait3A_246 = tpu.memref_squeeze %dma_wait3A_245 : memref<1x128xi32, #tpu.memory_space<vmem>> -> memref<128xi32, #tpu.memory_space<vmem>>
          %dma_wait3A_247 = arith.constant 0 : i32
          %dma_wait3A_248 = arith.constant 0 : i32
          %dma_wait3A_249 = tpu.memref_slice %arg14[%dma_wait3A_247, %dma_wait3A_248] : memref<10112x128xf32, #tpu.memory_space<vmem_shared>> -> memref<10112x128xf32, #tpu.memory_space<vmem_shared>>
          tpu.wait_indirect_dma semaphore(%run_scoped3A_237 : memref<!tpu.dma_semaphore, #tpu.memory_space<semaphore_mem>>) src(%arg12 : memref<128x128xf32, #tpu.memory_space<vmem>>) dst(%dma_wait3A_249 : memref<10112x128xf32, #tpu.memory_space<vmem_shared>>)
          tpu.yield
        }) : () -> ()
        %add3A_211 = arith.constant 2 : i32
        %add3A_212 = arith.addi %mul3A_204, %add3A_211 : i32
        %dma_start3A_213 = arith.constant 0 : i32
        %dma_start3A_214 = tpu.memref_slice %arg10[%add3A_212, %dma_start3A_213] : memref<40x128xi32, #tpu.memory_space<vmem>> -> memref<1x128xi32, #tpu.memory_space<vmem>>
        %dma_start3A_215 = tpu.memref_squeeze %dma_start3A_214 : memref<1x128xi32, #tpu.memory_space<vmem>> -> memref<128xi32, #tpu.memory_space<vmem>>
        %dma_start3A_216 = arith.constant 0 : i32
        %dma_start3A_217 = arith.constant 0 : i32
        %dma_start3A_218 = tpu.memref_slice %arg6[%dma_start3A_216, %dma_start3A_217] : memref<10000x128xf32, #tpu.memory_space<hbm>> -> memref<10000x128xf32, #tpu.memory_space<hbm>>
        tpu.enqueue_indirect_dma source(%dma_start3A_218 : memref<10000x128xf32, #tpu.memory_space<hbm>>) target(%arg12 : memref<128x128xf32, #tpu.memory_space<vmem>>) offsets(%dma_start3A_215 : memref<128xi32, #tpu.memory_space<vmem>>) semaphore(%arg15 : memref<!tpu.dma_semaphore, #tpu.memory_space<semaphore_mem>>)
        %add3A_219 = arith.constant 1 : i32
        %add3A_220 = arith.addi %mul3A_204, %add3A_219 : i32
        %dma_wait3A_221 = arith.constant 0 : i32
        %dma_wait3A_222 = tpu.memref_slice %arg10[%add3A_220, %dma_wait3A_221] : memref<40x128xi32, #tpu.memory_space<vmem>> -> memref<1x128xi32, #tpu.memory_space<vmem>>
        %dma_wait3A_223 = tpu.memref_squeeze %dma_wait3A_222 : memref<1x128xi32, #tpu.memory_space<vmem>> -> memref<128xi32, #tpu.memory_space<vmem>>
        %dma_wait3A_224 = arith.constant 0 : i32
        %dma_wait3A_225 = arith.constant 0 : i32
        %dma_wait3A_226 = tpu.memref_slice %arg6[%dma_wait3A_224, %dma_wait3A_225] : memref<10000x128xf32, #tpu.memory_space<hbm>> -> memref<10000x128xf32, #tpu.memory_space<hbm>>
        tpu.wait_indirect_dma semaphore(%arg16 : memref<!tpu.dma_semaphore, #tpu.memory_space<semaphore_mem>>) src(%dma_wait3A_226 : memref<10000x128xf32, #tpu.memory_space<hbm>>) dst(%arg13 : memref<128x128xf32, #tpu.memory_space<vmem>>)
        %add3A_227 = arith.constant 1 : i32
        %add3A_228 = arith.addi %mul3A_204, %add3A_227 : i32
        "tpu.region"() ({
          %run_scoped3A_237 = tpu.sem_alloc : memref<!tpu.dma_semaphore, #tpu.memory_space<semaphore_mem>>
          %dma_start3A_238 = arith.constant 0 : i32
          %dma_start3A_239 = tpu.memref_slice %arg11[%add3A_228, %dma_start3A_238] : memref<40x128xi32, #tpu.memory_space<vmem>> -> memref<1x128xi32, #tpu.memory_space<vmem>>
          %dma_start3A_240 = tpu.memref_squeeze %dma_start3A_239 : memref<1x128xi32, #tpu.memory_space<vmem>> -> memref<128xi32, #tpu.memory_space<vmem>>
          %dma_start3A_241 = arith.constant 0 : i32
          %dma_start3A_242 = arith.constant 0 : i32
          %dma_start3A_243 = tpu.memref_slice %arg14[%dma_start3A_241, %dma_start3A_242] : memref<10112x128xf32, #tpu.memory_space<vmem_shared>> -> memref<10112x128xf32, #tpu.memory_space<vmem_shared>>
          tpu.enqueue_indirect_dma source(%arg13 : memref<128x128xf32, #tpu.memory_space<vmem>>) target(%dma_start3A_243 : memref<10112x128xf32, #tpu.memory_space<vmem_shared>>) offsets(%dma_start3A_240 : memref<128xi32, #tpu.memory_space<vmem>>) semaphore(%run_scoped3A_237 : memref<!tpu.dma_semaphore, #tpu.memory_space<semaphore_mem>>) {add = true}
          %dma_wait3A_244 = arith.constant 0 : i32
          %dma_wait3A_245 = tpu.memref_slice %arg11[%add3A_228, %dma_wait3A_244] : memref<40x128xi32, #tpu.memory_space<vmem>> -> memref<1x128xi32, #tpu.memory_space<vmem>>
          %dma_wait3A_246 = tpu.memref_squeeze %dma_wait3A_245 : memref<1x128xi32, #tpu.memory_space<vmem>> -> memref<128xi32, #tpu.memory_space<vmem>>
          %dma_wait3A_247 = arith.constant 0 : i32
          %dma_wait3A_248 = arith.constant 0 : i32
          %dma_wait3A_249 = tpu.memref_slice %arg14[%dma_wait3A_247, %dma_wait3A_248] : memref<10112x128xf32, #tpu.memory_space<vmem_shared>> -> memref<10112x128xf32, #tpu.memory_space<vmem_shared>>
          tpu.wait_indirect_dma semaphore(%run_scoped3A_237 : memref<!tpu.dma_semaphore, #tpu.memory_space<semaphore_mem>>) src(%arg13 : memref<128x128xf32, #tpu.memory_space<vmem>>) dst(%dma_wait3A_249 : memref<10112x128xf32, #tpu.memory_space<vmem_shared>>)
          tpu.yield
        }) : () -> ()
        %add3A_229 = arith.constant 3 : i32
        %add3A_230 = arith.addi %mul3A_204, %add3A_229 : i32
        %dma_start3A_231 = arith.constant 0 : i32
        %dma_start3A_232 = tpu.memref_slice %arg10[%add3A_230, %dma_start3A_231] : memref<40x128xi32, #tpu.memory_space<vmem>> -> memref<1x128xi32, #tpu.memory_space<vmem>>
        %dma_start3A_233 = tpu.memref_squeeze %dma_start3A_232 : memref<1x128xi32, #tpu.memory_space<vmem>> -> memref<128xi32, #tpu.memory_space<vmem>>
        %dma_start3A_234 = arith.constant 0 : i32
        %dma_start3A_235 = arith.constant 0 : i32
        %dma_start3A_236 = tpu.memref_slice %arg6[%dma_start3A_234, %dma_start3A_235] : memref<10000x128xf32, #tpu.memory_space<hbm>> -> memref<10000x128xf32, #tpu.memory_space<hbm>>
        tpu.enqueue_indirect_dma source(%dma_start3A_236 : memref<10000x128xf32, #tpu.memory_space<hbm>>) target(%arg13 : memref<128x128xf32, #tpu.memory_space<vmem>>) offsets(%dma_start3A_233 : memref<128xi32, #tpu.memory_space<vmem>>) semaphore(%arg16 : memref<!tpu.dma_semaphore, #tpu.memory_space<semaphore_mem>>)
      }
      %scan3A_67 = arith.constant 19 : i32
      %dma_wait3A_68 = arith.constant 38 : i32
      %dma_wait3A_69 = arith.constant 0 : i32
      %dma_wait3A_70 = tpu.memref_slice %arg10[%dma_wait3A_68, %dma_wait3A_69] : memref<40x128xi32, #tpu.memory_space<vmem>> -> memref<1x128xi32, #tpu.memory_space<vmem>>
      %dma_wait3A_71 = tpu.memref_squeeze %dma_wait3A_70 : memref<1x128xi32, #tpu.memory_space<vmem>> -> memref<128xi32, #tpu.memory_space<vmem>>
      %dma_wait3A_72 = arith.constant 0 : i32
      %dma_wait3A_73 = arith.constant 0 : i32
      %dma_wait3A_74 = tpu.memref_slice %arg6[%dma_wait3A_72, %dma_wait3A_73] : memref<10000x128xf32, #tpu.memory_space<hbm>> -> memref<10000x128xf32, #tpu.memory_space<hbm>>
      tpu.wait_indirect_dma semaphore(%arg15 : memref<!tpu.dma_semaphore, #tpu.memory_space<semaphore_mem>>) src(%dma_wait3A_74 : memref<10000x128xf32, #tpu.memory_space<hbm>>) dst(%arg12 : memref<128x128xf32, #tpu.memory_space<vmem>>)
      %run_scoped3A_75 = arith.constant 38 : i32
      "tpu.region"() ({
        %run_scoped3A_202 = tpu.sem_alloc : memref<!tpu.dma_semaphore, #tpu.memory_space<semaphore_mem>>
        %dma_start3A_203 = arith.constant 0 : i32
        %dma_start3A_204 = tpu.memref_slice %arg11[%run_scoped3A_75, %dma_start3A_203] : memref<40x128xi32, #tpu.memory_space<vmem>> -> memref<1x128xi32, #tpu.memory_space<vmem>>
        %dma_start3A_205 = tpu.memref_squeeze %dma_start3A_204 : memref<1x128xi32, #tpu.memory_space<vmem>> -> memref<128xi32, #tpu.memory_space<vmem>>
        %dma_start3A_206 = arith.constant 0 : i32
        %dma_start3A_207 = arith.constant 0 : i32
        %dma_start3A_208 = tpu.memref_slice %arg14[%dma_start3A_206, %dma_start3A_207] : memref<10112x128xf32, #tpu.memory_space<vmem_shared>> -> memref<10112x128xf32, #tpu.memory_space<vmem_shared>>
        tpu.enqueue_indirect_dma source(%arg12 : memref<128x128xf32, #tpu.memory_space<vmem>>) target(%dma_start3A_208 : memref<10112x128xf32, #tpu.memory_space<vmem_shared>>) offsets(%dma_start3A_205 : memref<128xi32, #tpu.memory_space<vmem>>) semaphore(%run_scoped3A_202 : memref<!tpu.dma_semaphore, #tpu.memory_space<semaphore_mem>>) {add = true}
        %dma_wait3A_209 = arith.constant 0 : i32
        %dma_wait3A_210 = tpu.memref_slice %arg11[%run_scoped3A_75, %dma_wait3A_209] : memref<40x128xi32, #tpu.memory_space<vmem>> -> memref<1x128xi32, #tpu.memory_space<vmem>>
        %dma_wait3A_211 = tpu.memref_squeeze %dma_wait3A_210 : memref<1x128xi32, #tpu.memory_space<vmem>> -> memref<128xi32, #tpu.memory_space<vmem>>
        %dma_wait3A_212 = arith.constant 0 : i32
        %dma_wait3A_213 = arith.constant 0 : i32
        %dma_wait3A_214 = tpu.memref_slice %arg14[%dma_wait3A_212, %dma_wait3A_213] : memref<10112x128xf32, #tpu.memory_space<vmem_shared>> -> memref<10112x128xf32, #tpu.memory_space<vmem_shared>>
        tpu.wait_indirect_dma semaphore(%run_scoped3A_202 : memref<!tpu.dma_semaphore, #tpu.memory_space<semaphore_mem>>) src(%arg12 : memref<128x128xf32, #tpu.memory_space<vmem>>) dst(%dma_wait3A_214 : memref<10112x128xf32, #tpu.memory_space<vmem_shared>>)
        tpu.yield
      }) : () -> ()
      %dma_wait3A_76 = arith.constant 39 : i32
      %dma_wait3A_77 = arith.constant 0 : i32
      %dma_wait3A_78 = tpu.memref_slice %arg10[%dma_wait3A_76, %dma_wait3A_77] : memref<40x128xi32, #tpu.memory_space<vmem>> -> memref<1x128xi32, #tpu.memory_space<vmem>>
      %dma_wait3A_79 = tpu.memref_squeeze %dma_wait3A_78 : memref<1x128xi32, #tpu.memory_space<vmem>> -> memref<128xi32, #tpu.memory_space<vmem>>
      %dma_wait3A_80 = arith.constant 0 : i32
      %dma_wait3A_81 = arith.constant 0 : i32
      %dma_wait3A_82 = tpu.memref_slice %arg6[%dma_wait3A_80, %dma_wait3A_81] : memref<10000x128xf32, #tpu.memory_space<hbm>> -> memref<10000x128xf32, #tpu.memory_space<hbm>>
      tpu.wait_indirect_dma semaphore(%arg16 : memref<!tpu.dma_semaphore, #tpu.memory_space<semaphore_mem>>) src(%dma_wait3A_82 : memref<10000x128xf32, #tpu.memory_space<hbm>>) dst(%arg13 : memref<128x128xf32, #tpu.memory_space<vmem>>)
      %run_scoped3A_83 = arith.constant 39 : i32
      "tpu.region"() ({
        %run_scoped3A_202 = tpu.sem_alloc : memref<!tpu.dma_semaphore, #tpu.memory_space<semaphore_mem>>
        %dma_start3A_203 = arith.constant 0 : i32
        %dma_start3A_204 = tpu.memref_slice %arg11[%run_scoped3A_83, %dma_start3A_203] : memref<40x128xi32, #tpu.memory_space<vmem>> -> memref<1x128xi32, #tpu.memory_space<vmem>>
        %dma_start3A_205 = tpu.memref_squeeze %dma_start3A_204 : memref<1x128xi32, #tpu.memory_space<vmem>> -> memref<128xi32, #tpu.memory_space<vmem>>
        %dma_start3A_206 = arith.constant 0 : i32
        %dma_start3A_207 = arith.constant 0 : i32
        %dma_start3A_208 = tpu.memref_slice %arg14[%dma_start3A_206, %dma_start3A_207] : memref<10112x128xf32, #tpu.memory_space<vmem_shared>> -> memref<10112x128xf32, #tpu.memory_space<vmem_shared>>
        tpu.enqueue_indirect_dma source(%arg13 : memref<128x128xf32, #tpu.memory_space<vmem>>) target(%dma_start3A_208 : memref<10112x128xf32, #tpu.memory_space<vmem_shared>>) offsets(%dma_start3A_205 : memref<128xi32, #tpu.memory_space<vmem>>) semaphore(%run_scoped3A_202 : memref<!tpu.dma_semaphore, #tpu.memory_space<semaphore_mem>>) {add = true}
        %dma_wait3A_209 = arith.constant 0 : i32
        %dma_wait3A_210 = tpu.memref_slice %arg11[%run_scoped3A_83, %dma_wait3A_209] : memref<40x128xi32, #tpu.memory_space<vmem>> -> memref<1x128xi32, #tpu.memory_space<vmem>>
        %dma_wait3A_211 = tpu.memref_squeeze %dma_wait3A_210 : memref<1x128xi32, #tpu.memory_space<vmem>> -> memref<128xi32, #tpu.memory_space<vmem>>
        %dma_wait3A_212 = arith.constant 0 : i32
        %dma_wait3A_213 = arith.constant 0 : i32
        %dma_wait3A_214 = tpu.memref_slice %arg14[%dma_wait3A_212, %dma_wait3A_213] : memref<10112x128xf32, #tpu.memory_space<vmem_shared>> -> memref<10112x128xf32, #tpu.memory_space<vmem_shared>>
        tpu.wait_indirect_dma semaphore(%run_scoped3A_202 : memref<!tpu.dma_semaphore, #tpu.memory_space<semaphore_mem>>) src(%arg13 : memref<128x128xf32, #tpu.memory_space<vmem>>) dst(%dma_wait3A_214 : memref<10112x128xf32, #tpu.memory_space<vmem_shared>>)
        tpu.yield
      }) : () -> ()
      %add3A_84 = arith.constant 80 : i32
      %add3A_85 = arith.addi %add3A_11, %add3A_84 : i32
      "tpu.region"() ({
        %run_scoped3A_202 = tpu.sem_alloc : memref<!tpu.dma_semaphore, #tpu.memory_space<semaphore_mem>>
        %dma_start3A_203 = arith.constant 0 : i32
        %dma_start3A_204 = arith.constant 0 : i32
        %dma_start3A_205 = tpu.memref_slice %arg10[%dma_start3A_203, %dma_start3A_204] : memref<40x128xi32, #tpu.memory_space<vmem>> -> memref<40x128xi32, #tpu.memory_space<vmem>>
        %dma_start3A_206 = arith.constant 0 : i32
        %dma_start3A_207 = tpu.memref_slice %arg2[%add3A_85, %dma_start3A_206] : memref<5376x128xi32, #tpu.memory_space<hbm>> -> memref<40x128xi32, #tpu.memory_space<hbm>>
        %dma_start3A_208 = arith.constant 0 : i32
        %dma_start3A_209 = arith.constant 0 : i32
        %dma_start3A_210 = tpu.memref_slice %arg10[%dma_start3A_208, %dma_start3A_209] : memref<40x128xi32, #tpu.memory_space<vmem>> -> memref<40x128xi32, #tpu.memory_space<vmem>>
        %dma_start3A_211 = arith.constant 0 : i32
        %dma_start3A_212 = tpu.memref_slice %arg2[%add3A_85, %dma_start3A_211] : memref<5376x128xi32, #tpu.memory_space<hbm>> -> memref<40x128xi32, #tpu.memory_space<hbm>>
        tpu.enqueue_dma source(%dma_start3A_212 : memref<40x128xi32, #tpu.memory_space<hbm>>) target(%dma_start3A_210 : memref<40x128xi32, #tpu.memory_space<vmem>>) target_semaphore(%run_scoped3A_202 : memref<!tpu.dma_semaphore, #tpu.memory_space<semaphore_mem>>)
        %dma_wait3A_213 = arith.constant 0 : i32
        %dma_wait3A_214 = arith.constant 0 : i32
        %dma_wait3A_215 = tpu.memref_slice %arg10[%dma_wait3A_213, %dma_wait3A_214] : memref<40x128xi32, #tpu.memory_space<vmem>> -> memref<40x128xi32, #tpu.memory_space<vmem>>
        %dma_wait3A_216 = arith.constant 0 : i32
        %dma_wait3A_217 = tpu.memref_slice %arg2[%add3A_85, %dma_wait3A_216] : memref<5376x128xi32, #tpu.memory_space<hbm>> -> memref<40x128xi32, #tpu.memory_space<hbm>>
        %dma_wait3A_218 = arith.constant 0 : i32
        %dma_wait3A_219 = arith.constant 0 : i32
        %dma_wait3A_220 = tpu.memref_slice %arg10[%dma_wait3A_218, %dma_wait3A_219] : memref<40x128xi32, #tpu.memory_space<vmem>> -> memref<40x128xi32, #tpu.memory_space<vmem>>
        %dma_wait3A_221 = arith.constant 0 : i32
        %dma_wait3A_222 = tpu.memref_slice %arg2[%add3A_85, %dma_wait3A_221] : memref<5376x128xi32, #tpu.memory_space<hbm>> -> memref<40x128xi32, #tpu.memory_space<hbm>>
        tpu.wait_dma2 semaphore(%run_scoped3A_202 : memref<!tpu.dma_semaphore, #tpu.memory_space<semaphore_mem>>) src(%dma_wait3A_222 : memref<40x128xi32, #tpu.memory_space<hbm>>) dst(%dma_wait3A_220 : memref<40x128xi32, #tpu.memory_space<vmem>>)
        tpu.yield
      }) : () -> ()
      "tpu.region"() ({
        %run_scoped3A_202 = tpu.sem_alloc : memref<!tpu.dma_semaphore, #tpu.memory_space<semaphore_mem>>
        %dma_start3A_203 = arith.constant 0 : i32
        %dma_start3A_204 = arith.constant 0 : i32
        %dma_start3A_205 = tpu.memref_slice %arg11[%dma_start3A_203, %dma_start3A_204] : memref<40x128xi32, #tpu.memory_space<vmem>> -> memref<40x128xi32, #tpu.memory_space<vmem>>
        %dma_start3A_206 = arith.constant 0 : i32
        %dma_start3A_207 = tpu.memref_slice %arg3[%add3A_85, %dma_start3A_206] : memref<5376x128xi32, #tpu.memory_space<hbm>> -> memref<40x128xi32, #tpu.memory_space<hbm>>
        %dma_start3A_208 = arith.constant 0 : i32
        %dma_start3A_209 = arith.constant 0 : i32
        %dma_start3A_210 = tpu.memref_slice %arg11[%dma_start3A_208, %dma_start3A_209] : memref<40x128xi32, #tpu.memory_space<vmem>> -> memref<40x128xi32, #tpu.memory_space<vmem>>
        %dma_start3A_211 = arith.constant 0 : i32
        %dma_start3A_212 = tpu.memref_slice %arg3[%add3A_85, %dma_start3A_211] : memref<5376x128xi32, #tpu.memory_space<hbm>> -> memref<40x128xi32, #tpu.memory_space<hbm>>
        tpu.enqueue_dma source(%dma_start3A_212 : memref<40x128xi32, #tpu.memory_space<hbm>>) target(%dma_start3A_210 : memref<40x128xi32, #tpu.memory_space<vmem>>) target_semaphore(%run_scoped3A_202 : memref<!tpu.dma_semaphore, #tpu.memory_space<semaphore_mem>>)
        %dma_wait3A_213 = arith.constant 0 : i32
        %dma_wait3A_214 = arith.constant 0 : i32
        %dma_wait3A_215 = tpu.memref_slice %arg11[%dma_wait3A_213, %dma_wait3A_214] : memref<40x128xi32, #tpu.memory_space<vmem>> -> memref<40x128xi32, #tpu.memory_space<vmem>>
        %dma_wait3A_216 = arith.constant 0 : i32
        %dma_wait3A_217 = tpu.memref_slice %arg3[%add3A_85, %dma_wait3A_216] : memref<5376x128xi32, #tpu.memory_space<hbm>> -> memref<40x128xi32, #tpu.memory_space<hbm>>
        %dma_wait3A_218 = arith.constant 0 : i32
        %dma_wait3A_219 = arith.constant 0 : i32
        %dma_wait3A_220 = tpu.memref_slice %arg11[%dma_wait3A_218, %dma_wait3A_219] : memref<40x128xi32, #tpu.memory_space<vmem>> -> memref<40x128xi32, #tpu.memory_space<vmem>>
        %dma_wait3A_221 = arith.constant 0 : i32
        %dma_wait3A_222 = tpu.memref_slice %arg3[%add3A_85, %dma_wait3A_221] : memref<5376x128xi32, #tpu.memory_space<hbm>> -> memref<40x128xi32, #tpu.memory_space<hbm>>
        tpu.wait_dma2 semaphore(%run_scoped3A_202 : memref<!tpu.dma_semaphore, #tpu.memory_space<semaphore_mem>>) src(%dma_wait3A_222 : memref<40x128xi32, #tpu.memory_space<hbm>>) dst(%dma_wait3A_220 : memref<40x128xi32, #tpu.memory_space<vmem>>)
        tpu.yield
      }) : () -> ()
      %dma_start3A_86 = arith.constant 0 : i32
      %dma_start3A_87 = arith.constant 0 : i32
      %dma_start3A_88 = tpu.memref_slice %arg10[%dma_start3A_86, %dma_start3A_87] : memref<40x128xi32, #tpu.memory_space<vmem>> -> memref<1x128xi32, #tpu.memory_space<vmem>>
      %dma_start3A_89 = tpu.memref_squeeze %dma_start3A_88 : memref<1x128xi32, #tpu.memory_space<vmem>> -> memref<128xi32, #tpu.memory_space<vmem>>
      %dma_start3A_90 = arith.constant 0 : i32
      %dma_start3A_91 = arith.constant 0 : i32
      %dma_start3A_92 = tpu.memref_slice %arg6[%dma_start3A_90, %dma_start3A_91] : memref<10000x128xf32, #tpu.memory_space<hbm>> -> memref<10000x128xf32, #tpu.memory_space<hbm>>
      tpu.enqueue_indirect_dma source(%dma_start3A_92 : memref<10000x128xf32, #tpu.memory_space<hbm>>) target(%arg12 : memref<128x128xf32, #tpu.memory_space<vmem>>) offsets(%dma_start3A_89 : memref<128xi32, #tpu.memory_space<vmem>>) semaphore(%arg15 : memref<!tpu.dma_semaphore, #tpu.memory_space<semaphore_mem>>)
      %dma_start3A_93 = arith.constant 1 : i32
      %dma_start3A_94 = arith.constant 0 : i32
      %dma_start3A_95 = tpu.memref_slice %arg10[%dma_start3A_93, %dma_start3A_94] : memref<40x128xi32, #tpu.memory_space<vmem>> -> memref<1x128xi32, #tpu.memory_space<vmem>>
      %dma_start3A_96 = tpu.memref_squeeze %dma_start3A_95 : memref<1x128xi32, #tpu.memory_space<vmem>> -> memref<128xi32, #tpu.memory_space<vmem>>
      %dma_start3A_97 = arith.constant 0 : i32
      %dma_start3A_98 = arith.constant 0 : i32
      %dma_start3A_99 = tpu.memref_slice %arg6[%dma_start3A_97, %dma_start3A_98] : memref<10000x128xf32, #tpu.memory_space<hbm>> -> memref<10000x128xf32, #tpu.memory_space<hbm>>
      tpu.enqueue_indirect_dma source(%dma_start3A_99 : memref<10000x128xf32, #tpu.memory_space<hbm>>) target(%arg13 : memref<128x128xf32, #tpu.memory_space<vmem>>) offsets(%dma_start3A_96 : memref<128xi32, #tpu.memory_space<vmem>>) semaphore(%arg16 : memref<!tpu.dma_semaphore, #tpu.memory_space<semaphore_mem>>)
      %scan3A_100 = arith.constant 0 : i32
      %scan3A_101 = arith.constant 0 : i32
      %scan3A_102 = arith.constant 19 : i32
      %scan3A_103 = arith.addi %scan3A_101, %scan3A_102 : i32
      %scan3A_104 = arith.constant 1 : i32
      scf.for %scan3A_202 = %scan3A_101 to %scan3A_103 step %scan3A_104  : i32 {
        %mul3A_203 = arith.constant 2 : i32
        %mul3A_204 = arith.muli %scan3A_202, %mul3A_203 : i32
        %dma_wait3A_205 = arith.constant 0 : i32
        %dma_wait3A_206 = tpu.memref_slice %arg10[%mul3A_204, %dma_wait3A_205] : memref<40x128xi32, #tpu.memory_space<vmem>> -> memref<1x128xi32, #tpu.memory_space<vmem>>
        %dma_wait3A_207 = tpu.memref_squeeze %dma_wait3A_206 : memref<1x128xi32, #tpu.memory_space<vmem>> -> memref<128xi32, #tpu.memory_space<vmem>>
        %dma_wait3A_208 = arith.constant 0 : i32
        %dma_wait3A_209 = arith.constant 0 : i32
        %dma_wait3A_210 = tpu.memref_slice %arg6[%dma_wait3A_208, %dma_wait3A_209] : memref<10000x128xf32, #tpu.memory_space<hbm>> -> memref<10000x128xf32, #tpu.memory_space<hbm>>
        tpu.wait_indirect_dma semaphore(%arg15 : memref<!tpu.dma_semaphore, #tpu.memory_space<semaphore_mem>>) src(%dma_wait3A_210 : memref<10000x128xf32, #tpu.memory_space<hbm>>) dst(%arg12 : memref<128x128xf32, #tpu.memory_space<vmem>>)
        "tpu.region"() ({
          %run_scoped3A_237 = tpu.sem_alloc : memref<!tpu.dma_semaphore, #tpu.memory_space<semaphore_mem>>
          %dma_start3A_238 = arith.constant 0 : i32
          %dma_start3A_239 = tpu.memref_slice %arg11[%mul3A_204, %dma_start3A_238] : memref<40x128xi32, #tpu.memory_space<vmem>> -> memref<1x128xi32, #tpu.memory_space<vmem>>
          %dma_start3A_240 = tpu.memref_squeeze %dma_start3A_239 : memref<1x128xi32, #tpu.memory_space<vmem>> -> memref<128xi32, #tpu.memory_space<vmem>>
          %dma_start3A_241 = arith.constant 0 : i32
          %dma_start3A_242 = arith.constant 0 : i32
          %dma_start3A_243 = tpu.memref_slice %arg14[%dma_start3A_241, %dma_start3A_242] : memref<10112x128xf32, #tpu.memory_space<vmem_shared>> -> memref<10112x128xf32, #tpu.memory_space<vmem_shared>>
          tpu.enqueue_indirect_dma source(%arg12 : memref<128x128xf32, #tpu.memory_space<vmem>>) target(%dma_start3A_243 : memref<10112x128xf32, #tpu.memory_space<vmem_shared>>) offsets(%dma_start3A_240 : memref<128xi32, #tpu.memory_space<vmem>>) semaphore(%run_scoped3A_237 : memref<!tpu.dma_semaphore, #tpu.memory_space<semaphore_mem>>) {add = true}
          %dma_wait3A_244 = arith.constant 0 : i32
          %dma_wait3A_245 = tpu.memref_slice %arg11[%mul3A_204, %dma_wait3A_244] : memref<40x128xi32, #tpu.memory_space<vmem>> -> memref<1x128xi32, #tpu.memory_space<vmem>>
          %dma_wait3A_246 = tpu.memref_squeeze %dma_wait3A_245 : memref<1x128xi32, #tpu.memory_space<vmem>> -> memref<128xi32, #tpu.memory_space<vmem>>
          %dma_wait3A_247 = arith.constant 0 : i32
          %dma_wait3A_248 = arith.constant 0 : i32
          %dma_wait3A_249 = tpu.memref_slice %arg14[%dma_wait3A_247, %dma_wait3A_248] : memref<10112x128xf32, #tpu.memory_space<vmem_shared>> -> memref<10112x128xf32, #tpu.memory_space<vmem_shared>>
          tpu.wait_indirect_dma semaphore(%run_scoped3A_237 : memref<!tpu.dma_semaphore, #tpu.memory_space<semaphore_mem>>) src(%arg12 : memref<128x128xf32, #tpu.memory_space<vmem>>) dst(%dma_wait3A_249 : memref<10112x128xf32, #tpu.memory_space<vmem_shared>>)
          tpu.yield
        }) : () -> ()
        %add3A_211 = arith.constant 2 : i32
        %add3A_212 = arith.addi %mul3A_204, %add3A_211 : i32
        %dma_start3A_213 = arith.constant 0 : i32
        %dma_start3A_214 = tpu.memref_slice %arg10[%add3A_212, %dma_start3A_213] : memref<40x128xi32, #tpu.memory_space<vmem>> -> memref<1x128xi32, #tpu.memory_space<vmem>>
        %dma_start3A_215 = tpu.memref_squeeze %dma_start3A_214 : memref<1x128xi32, #tpu.memory_space<vmem>> -> memref<128xi32, #tpu.memory_space<vmem>>
        %dma_start3A_216 = arith.constant 0 : i32
        %dma_start3A_217 = arith.constant 0 : i32
        %dma_start3A_218 = tpu.memref_slice %arg6[%dma_start3A_216, %dma_start3A_217] : memref<10000x128xf32, #tpu.memory_space<hbm>> -> memref<10000x128xf32, #tpu.memory_space<hbm>>
        tpu.enqueue_indirect_dma source(%dma_start3A_218 : memref<10000x128xf32, #tpu.memory_space<hbm>>) target(%arg12 : memref<128x128xf32, #tpu.memory_space<vmem>>) offsets(%dma_start3A_215 : memref<128xi32, #tpu.memory_space<vmem>>) semaphore(%arg15 : memref<!tpu.dma_semaphore, #tpu.memory_space<semaphore_mem>>)
        %add3A_219 = arith.constant 1 : i32
        %add3A_220 = arith.addi %mul3A_204, %add3A_219 : i32
        %dma_wait3A_221 = arith.constant 0 : i32
        %dma_wait3A_222 = tpu.memref_slice %arg10[%add3A_220, %dma_wait3A_221] : memref<40x128xi32, #tpu.memory_space<vmem>> -> memref<1x128xi32, #tpu.memory_space<vmem>>
        %dma_wait3A_223 = tpu.memref_squeeze %dma_wait3A_222 : memref<1x128xi32, #tpu.memory_space<vmem>> -> memref<128xi32, #tpu.memory_space<vmem>>
        %dma_wait3A_224 = arith.constant 0 : i32
        %dma_wait3A_225 = arith.constant 0 : i32
        %dma_wait3A_226 = tpu.memref_slice %arg6[%dma_wait3A_224, %dma_wait3A_225] : memref<10000x128xf32, #tpu.memory_space<hbm>> -> memref<10000x128xf32, #tpu.memory_space<hbm>>
        tpu.wait_indirect_dma semaphore(%arg16 : memref<!tpu.dma_semaphore, #tpu.memory_space<semaphore_mem>>) src(%dma_wait3A_226 : memref<10000x128xf32, #tpu.memory_space<hbm>>) dst(%arg13 : memref<128x128xf32, #tpu.memory_space<vmem>>)
        %add3A_227 = arith.constant 1 : i32
        %add3A_228 = arith.addi %mul3A_204, %add3A_227 : i32
        "tpu.region"() ({
          %run_scoped3A_237 = tpu.sem_alloc : memref<!tpu.dma_semaphore, #tpu.memory_space<semaphore_mem>>
          %dma_start3A_238 = arith.constant 0 : i32
          %dma_start3A_239 = tpu.memref_slice %arg11[%add3A_228, %dma_start3A_238] : memref<40x128xi32, #tpu.memory_space<vmem>> -> memref<1x128xi32, #tpu.memory_space<vmem>>
          %dma_start3A_240 = tpu.memref_squeeze %dma_start3A_239 : memref<1x128xi32, #tpu.memory_space<vmem>> -> memref<128xi32, #tpu.memory_space<vmem>>
          %dma_start3A_241 = arith.constant 0 : i32
          %dma_start3A_242 = arith.constant 0 : i32
          %dma_start3A_243 = tpu.memref_slice %arg14[%dma_start3A_241, %dma_start3A_242] : memref<10112x128xf32, #tpu.memory_space<vmem_shared>> -> memref<10112x128xf32, #tpu.memory_space<vmem_shared>>
          tpu.enqueue_indirect_dma source(%arg13 : memref<128x128xf32, #tpu.memory_space<vmem>>) target(%dma_start3A_243 : memref<10112x128xf32, #tpu.memory_space<vmem_shared>>) offsets(%dma_start3A_240 : memref<128xi32, #tpu.memory_space<vmem>>) semaphore(%run_scoped3A_237 : memref<!tpu.dma_semaphore, #tpu.memory_space<semaphore_mem>>) {add = true}
          %dma_wait3A_244 = arith.constant 0 : i32
          %dma_wait3A_245 = tpu.memref_slice %arg11[%add3A_228, %dma_wait3A_244] : memref<40x128xi32, #tpu.memory_space<vmem>> -> memref<1x128xi32, #tpu.memory_space<vmem>>
          %dma_wait3A_246 = tpu.memref_squeeze %dma_wait3A_245 : memref<1x128xi32, #tpu.memory_space<vmem>> -> memref<128xi32, #tpu.memory_space<vmem>>
          %dma_wait3A_247 = arith.constant 0 : i32
          %dma_wait3A_248 = arith.constant 0 : i32
          %dma_wait3A_249 = tpu.memref_slice %arg14[%dma_wait3A_247, %dma_wait3A_248] : memref<10112x128xf32, #tpu.memory_space<vmem_shared>> -> memref<10112x128xf32, #tpu.memory_space<vmem_shared>>
          tpu.wait_indirect_dma semaphore(%run_scoped3A_237 : memref<!tpu.dma_semaphore, #tpu.memory_space<semaphore_mem>>) src(%arg13 : memref<128x128xf32, #tpu.memory_space<vmem>>) dst(%dma_wait3A_249 : memref<10112x128xf32, #tpu.memory_space<vmem_shared>>)
          tpu.yield
        }) : () -> ()
        %add3A_229 = arith.constant 3 : i32
        %add3A_230 = arith.addi %mul3A_204, %add3A_229 : i32
        %dma_start3A_231 = arith.constant 0 : i32
        %dma_start3A_232 = tpu.memref_slice %arg10[%add3A_230, %dma_start3A_231] : memref<40x128xi32, #tpu.memory_space<vmem>> -> memref<1x128xi32, #tpu.memory_space<vmem>>
        %dma_start3A_233 = tpu.memref_squeeze %dma_start3A_232 : memref<1x128xi32, #tpu.memory_space<vmem>> -> memref<128xi32, #tpu.memory_space<vmem>>
        %dma_start3A_234 = arith.constant 0 : i32
        %dma_start3A_235 = arith.constant 0 : i32
        %dma_start3A_236 = tpu.memref_slice %arg6[%dma_start3A_234, %dma_start3A_235] : memref<10000x128xf32, #tpu.memory_space<hbm>> -> memref<10000x128xf32, #tpu.memory_space<hbm>>
        tpu.enqueue_indirect_dma source(%dma_start3A_236 : memref<10000x128xf32, #tpu.memory_space<hbm>>) target(%arg13 : memref<128x128xf32, #tpu.memory_space<vmem>>) offsets(%dma_start3A_233 : memref<128xi32, #tpu.memory_space<vmem>>) semaphore(%arg16 : memref<!tpu.dma_semaphore, #tpu.memory_space<semaphore_mem>>)
      }
      %scan3A_105 = arith.constant 19 : i32
      %dma_wait3A_106 = arith.constant 38 : i32
      %dma_wait3A_107 = arith.constant 0 : i32
      %dma_wait3A_108 = tpu.memref_slice %arg10[%dma_wait3A_106, %dma_wait3A_107] : memref<40x128xi32, #tpu.memory_space<vmem>> -> memref<1x128xi32, #tpu.memory_space<vmem>>
      %dma_wait3A_109 = tpu.memref_squeeze %dma_wait3A_108 : memref<1x128xi32, #tpu.memory_space<vmem>> -> memref<128xi32, #tpu.memory_space<vmem>>
      %dma_wait3A_110 = arith.constant 0 : i32
      %dma_wait3A_111 = arith.constant 0 : i32
      %dma_wait3A_112 = tpu.memref_slice %arg6[%dma_wait3A_110, %dma_wait3A_111] : memref<10000x128xf32, #tpu.memory_space<hbm>> -> memref<10000x128xf32, #tpu.memory_space<hbm>>
      tpu.wait_indirect_dma semaphore(%arg15 : memref<!tpu.dma_semaphore, #tpu.memory_space<semaphore_mem>>) src(%dma_wait3A_112 : memref<10000x128xf32, #tpu.memory_space<hbm>>) dst(%arg12 : memref<128x128xf32, #tpu.memory_space<vmem>>)
      %run_scoped3A_113 = arith.constant 38 : i32
      "tpu.region"() ({
        %run_scoped3A_202 = tpu.sem_alloc : memref<!tpu.dma_semaphore, #tpu.memory_space<semaphore_mem>>
        %dma_start3A_203 = arith.constant 0 : i32
        %dma_start3A_204 = tpu.memref_slice %arg11[%run_scoped3A_113, %dma_start3A_203] : memref<40x128xi32, #tpu.memory_space<vmem>> -> memref<1x128xi32, #tpu.memory_space<vmem>>
        %dma_start3A_205 = tpu.memref_squeeze %dma_start3A_204 : memref<1x128xi32, #tpu.memory_space<vmem>> -> memref<128xi32, #tpu.memory_space<vmem>>
        %dma_start3A_206 = arith.constant 0 : i32
        %dma_start3A_207 = arith.constant 0 : i32
        %dma_start3A_208 = tpu.memref_slice %arg14[%dma_start3A_206, %dma_start3A_207] : memref<10112x128xf32, #tpu.memory_space<vmem_shared>> -> memref<10112x128xf32, #tpu.memory_space<vmem_shared>>
        tpu.enqueue_indirect_dma source(%arg12 : memref<128x128xf32, #tpu.memory_space<vmem>>) target(%dma_start3A_208 : memref<10112x128xf32, #tpu.memory_space<vmem_shared>>) offsets(%dma_start3A_205 : memref<128xi32, #tpu.memory_space<vmem>>) semaphore(%run_scoped3A_202 : memref<!tpu.dma_semaphore, #tpu.memory_space<semaphore_mem>>) {add = true}
        %dma_wait3A_209 = arith.constant 0 : i32
        %dma_wait3A_210 = tpu.memref_slice %arg11[%run_scoped3A_113, %dma_wait3A_209] : memref<40x128xi32, #tpu.memory_space<vmem>> -> memref<1x128xi32, #tpu.memory_space<vmem>>
        %dma_wait3A_211 = tpu.memref_squeeze %dma_wait3A_210 : memref<1x128xi32, #tpu.memory_space<vmem>> -> memref<128xi32, #tpu.memory_space<vmem>>
        %dma_wait3A_212 = arith.constant 0 : i32
        %dma_wait3A_213 = arith.constant 0 : i32
        %dma_wait3A_214 = tpu.memref_slice %arg14[%dma_wait3A_212, %dma_wait3A_213] : memref<10112x128xf32, #tpu.memory_space<vmem_shared>> -> memref<10112x128xf32, #tpu.memory_space<vmem_shared>>
        tpu.wait_indirect_dma semaphore(%run_scoped3A_202 : memref<!tpu.dma_semaphore, #tpu.memory_space<semaphore_mem>>) src(%arg12 : memref<128x128xf32, #tpu.memory_space<vmem>>) dst(%dma_wait3A_214 : memref<10112x128xf32, #tpu.memory_space<vmem_shared>>)
        tpu.yield
      }) : () -> ()
      %dma_wait3A_114 = arith.constant 39 : i32
      %dma_wait3A_115 = arith.constant 0 : i32
      %dma_wait3A_116 = tpu.memref_slice %arg10[%dma_wait3A_114, %dma_wait3A_115] : memref<40x128xi32, #tpu.memory_space<vmem>> -> memref<1x128xi32, #tpu.memory_space<vmem>>
      %dma_wait3A_117 = tpu.memref_squeeze %dma_wait3A_116 : memref<1x128xi32, #tpu.memory_space<vmem>> -> memref<128xi32, #tpu.memory_space<vmem>>
      %dma_wait3A_118 = arith.constant 0 : i32
      %dma_wait3A_119 = arith.constant 0 : i32
      %dma_wait3A_120 = tpu.memref_slice %arg6[%dma_wait3A_118, %dma_wait3A_119] : memref<10000x128xf32, #tpu.memory_space<hbm>> -> memref<10000x128xf32, #tpu.memory_space<hbm>>
      tpu.wait_indirect_dma semaphore(%arg16 : memref<!tpu.dma_semaphore, #tpu.memory_space<semaphore_mem>>) src(%dma_wait3A_120 : memref<10000x128xf32, #tpu.memory_space<hbm>>) dst(%arg13 : memref<128x128xf32, #tpu.memory_space<vmem>>)
      %run_scoped3A_121 = arith.constant 39 : i32
      "tpu.region"() ({
        %run_scoped3A_202 = tpu.sem_alloc : memref<!tpu.dma_semaphore, #tpu.memory_space<semaphore_mem>>
        %dma_start3A_203 = arith.constant 0 : i32
        %dma_start3A_204 = tpu.memref_slice %arg11[%run_scoped3A_121, %dma_start3A_203] : memref<40x128xi32, #tpu.memory_space<vmem>> -> memref<1x128xi32, #tpu.memory_space<vmem>>
        %dma_start3A_205 = tpu.memref_squeeze %dma_start3A_204 : memref<1x128xi32, #tpu.memory_space<vmem>> -> memref<128xi32, #tpu.memory_space<vmem>>
        %dma_start3A_206 = arith.constant 0 : i32
        %dma_start3A_207 = arith.constant 0 : i32
        %dma_start3A_208 = tpu.memref_slice %arg14[%dma_start3A_206, %dma_start3A_207] : memref<10112x128xf32, #tpu.memory_space<vmem_shared>> -> memref<10112x128xf32, #tpu.memory_space<vmem_shared>>
        tpu.enqueue_indirect_dma source(%arg13 : memref<128x128xf32, #tpu.memory_space<vmem>>) target(%dma_start3A_208 : memref<10112x128xf32, #tpu.memory_space<vmem_shared>>) offsets(%dma_start3A_205 : memref<128xi32, #tpu.memory_space<vmem>>) semaphore(%run_scoped3A_202 : memref<!tpu.dma_semaphore, #tpu.memory_space<semaphore_mem>>) {add = true}
        %dma_wait3A_209 = arith.constant 0 : i32
        %dma_wait3A_210 = tpu.memref_slice %arg11[%run_scoped3A_121, %dma_wait3A_209] : memref<40x128xi32, #tpu.memory_space<vmem>> -> memref<1x128xi32, #tpu.memory_space<vmem>>
        %dma_wait3A_211 = tpu.memref_squeeze %dma_wait3A_210 : memref<1x128xi32, #tpu.memory_space<vmem>> -> memref<128xi32, #tpu.memory_space<vmem>>
        %dma_wait3A_212 = arith.constant 0 : i32
        %dma_wait3A_213 = arith.constant 0 : i32
        %dma_wait3A_214 = tpu.memref_slice %arg14[%dma_wait3A_212, %dma_wait3A_213] : memref<10112x128xf32, #tpu.memory_space<vmem_shared>> -> memref<10112x128xf32, #tpu.memory_space<vmem_shared>>
        tpu.wait_indirect_dma semaphore(%run_scoped3A_202 : memref<!tpu.dma_semaphore, #tpu.memory_space<semaphore_mem>>) src(%arg13 : memref<128x128xf32, #tpu.memory_space<vmem>>) dst(%dma_wait3A_214 : memref<10112x128xf32, #tpu.memory_space<vmem_shared>>)
        tpu.yield
      }) : () -> ()
      %add3A_122 = arith.constant 120 : i32
      %add3A_123 = arith.addi %add3A_11, %add3A_122 : i32
      "tpu.region"() ({
        %run_scoped3A_202 = tpu.sem_alloc : memref<!tpu.dma_semaphore, #tpu.memory_space<semaphore_mem>>
        %dma_start3A_203 = arith.constant 0 : i32
        %dma_start3A_204 = arith.constant 0 : i32
        %dma_start3A_205 = tpu.memref_slice %arg10[%dma_start3A_203, %dma_start3A_204] : memref<40x128xi32, #tpu.memory_space<vmem>> -> memref<40x128xi32, #tpu.memory_space<vmem>>
        %dma_start3A_206 = arith.constant 0 : i32
        %dma_start3A_207 = tpu.memref_slice %arg2[%add3A_123, %dma_start3A_206] : memref<5376x128xi32, #tpu.memory_space<hbm>> -> memref<40x128xi32, #tpu.memory_space<hbm>>
        %dma_start3A_208 = arith.constant 0 : i32
        %dma_start3A_209 = arith.constant 0 : i32
        %dma_start3A_210 = tpu.memref_slice %arg10[%dma_start3A_208, %dma_start3A_209] : memref<40x128xi32, #tpu.memory_space<vmem>> -> memref<40x128xi32, #tpu.memory_space<vmem>>
        %dma_start3A_211 = arith.constant 0 : i32
        %dma_start3A_212 = tpu.memref_slice %arg2[%add3A_123, %dma_start3A_211] : memref<5376x128xi32, #tpu.memory_space<hbm>> -> memref<40x128xi32, #tpu.memory_space<hbm>>
        tpu.enqueue_dma source(%dma_start3A_212 : memref<40x128xi32, #tpu.memory_space<hbm>>) target(%dma_start3A_210 : memref<40x128xi32, #tpu.memory_space<vmem>>) target_semaphore(%run_scoped3A_202 : memref<!tpu.dma_semaphore, #tpu.memory_space<semaphore_mem>>)
        %dma_wait3A_213 = arith.constant 0 : i32
        %dma_wait3A_214 = arith.constant 0 : i32
        %dma_wait3A_215 = tpu.memref_slice %arg10[%dma_wait3A_213, %dma_wait3A_214] : memref<40x128xi32, #tpu.memory_space<vmem>> -> memref<40x128xi32, #tpu.memory_space<vmem>>
        %dma_wait3A_216 = arith.constant 0 : i32
        %dma_wait3A_217 = tpu.memref_slice %arg2[%add3A_123, %dma_wait3A_216] : memref<5376x128xi32, #tpu.memory_space<hbm>> -> memref<40x128xi32, #tpu.memory_space<hbm>>
        %dma_wait3A_218 = arith.constant 0 : i32
        %dma_wait3A_219 = arith.constant 0 : i32
        %dma_wait3A_220 = tpu.memref_slice %arg10[%dma_wait3A_218, %dma_wait3A_219] : memref<40x128xi32, #tpu.memory_space<vmem>> -> memref<40x128xi32, #tpu.memory_space<vmem>>
        %dma_wait3A_221 = arith.constant 0 : i32
        %dma_wait3A_222 = tpu.memref_slice %arg2[%add3A_123, %dma_wait3A_221] : memref<5376x128xi32, #tpu.memory_space<hbm>> -> memref<40x128xi32, #tpu.memory_space<hbm>>
        tpu.wait_dma2 semaphore(%run_scoped3A_202 : memref<!tpu.dma_semaphore, #tpu.memory_space<semaphore_mem>>) src(%dma_wait3A_222 : memref<40x128xi32, #tpu.memory_space<hbm>>) dst(%dma_wait3A_220 : memref<40x128xi32, #tpu.memory_space<vmem>>)
        tpu.yield
      }) : () -> ()
      "tpu.region"() ({
        %run_scoped3A_202 = tpu.sem_alloc : memref<!tpu.dma_semaphore, #tpu.memory_space<semaphore_mem>>
        %dma_start3A_203 = arith.constant 0 : i32
        %dma_start3A_204 = arith.constant 0 : i32
        %dma_start3A_205 = tpu.memref_slice %arg11[%dma_start3A_203, %dma_start3A_204] : memref<40x128xi32, #tpu.memory_space<vmem>> -> memref<40x128xi32, #tpu.memory_space<vmem>>
        %dma_start3A_206 = arith.constant 0 : i32
        %dma_start3A_207 = tpu.memref_slice %arg3[%add3A_123, %dma_start3A_206] : memref<5376x128xi32, #tpu.memory_space<hbm>> -> memref<40x128xi32, #tpu.memory_space<hbm>>
        %dma_start3A_208 = arith.constant 0 : i32
        %dma_start3A_209 = arith.constant 0 : i32
        %dma_start3A_210 = tpu.memref_slice %arg11[%dma_start3A_208, %dma_start3A_209] : memref<40x128xi32, #tpu.memory_space<vmem>> -> memref<40x128xi32, #tpu.memory_space<vmem>>
        %dma_start3A_211 = arith.constant 0 : i32
        %dma_start3A_212 = tpu.memref_slice %arg3[%add3A_123, %dma_start3A_211] : memref<5376x128xi32, #tpu.memory_space<hbm>> -> memref<40x128xi32, #tpu.memory_space<hbm>>
        tpu.enqueue_dma source(%dma_start3A_212 : memref<40x128xi32, #tpu.memory_space<hbm>>) target(%dma_start3A_210 : memref<40x128xi32, #tpu.memory_space<vmem>>) target_semaphore(%run_scoped3A_202 : memref<!tpu.dma_semaphore, #tpu.memory_space<semaphore_mem>>)
        %dma_wait3A_213 = arith.constant 0 : i32
        %dma_wait3A_214 = arith.constant 0 : i32
        %dma_wait3A_215 = tpu.memref_slice %arg11[%dma_wait3A_213, %dma_wait3A_214] : memref<40x128xi32, #tpu.memory_space<vmem>> -> memref<40x128xi32, #tpu.memory_space<vmem>>
        %dma_wait3A_216 = arith.constant 0 : i32
        %dma_wait3A_217 = tpu.memref_slice %arg3[%add3A_123, %dma_wait3A_216] : memref<5376x128xi32, #tpu.memory_space<hbm>> -> memref<40x128xi32, #tpu.memory_space<hbm>>
        %dma_wait3A_218 = arith.constant 0 : i32
        %dma_wait3A_219 = arith.constant 0 : i32
        %dma_wait3A_220 = tpu.memref_slice %arg11[%dma_wait3A_218, %dma_wait3A_219] : memref<40x128xi32, #tpu.memory_space<vmem>> -> memref<40x128xi32, #tpu.memory_space<vmem>>
        %dma_wait3A_221 = arith.constant 0 : i32
        %dma_wait3A_222 = tpu.memref_slice %arg3[%add3A_123, %dma_wait3A_221] : memref<5376x128xi32, #tpu.memory_space<hbm>> -> memref<40x128xi32, #tpu.memory_space<hbm>>
        tpu.wait_dma2 semaphore(%run_scoped3A_202 : memref<!tpu.dma_semaphore, #tpu.memory_space<semaphore_mem>>) src(%dma_wait3A_222 : memref<40x128xi32, #tpu.memory_space<hbm>>) dst(%dma_wait3A_220 : memref<40x128xi32, #tpu.memory_space<vmem>>)
        tpu.yield
      }) : () -> ()
      %dma_start3A_124 = arith.constant 0 : i32
      %dma_start3A_125 = arith.constant 0 : i32
      %dma_start3A_126 = tpu.memref_slice %arg10[%dma_start3A_124, %dma_start3A_125] : memref<40x128xi32, #tpu.memory_space<vmem>> -> memref<1x128xi32, #tpu.memory_space<vmem>>
      %dma_start3A_127 = tpu.memref_squeeze %dma_start3A_126 : memref<1x128xi32, #tpu.memory_space<vmem>> -> memref<128xi32, #tpu.memory_space<vmem>>
      %dma_start3A_128 = arith.constant 0 : i32
      %dma_start3A_129 = arith.constant 0 : i32
      %dma_start3A_130 = tpu.memref_slice %arg6[%dma_start3A_128, %dma_start3A_129] : memref<10000x128xf32, #tpu.memory_space<hbm>> -> memref<10000x128xf32, #tpu.memory_space<hbm>>
      tpu.enqueue_indirect_dma source(%dma_start3A_130 : memref<10000x128xf32, #tpu.memory_space<hbm>>) target(%arg12 : memref<128x128xf32, #tpu.memory_space<vmem>>) offsets(%dma_start3A_127 : memref<128xi32, #tpu.memory_space<vmem>>) semaphore(%arg15 : memref<!tpu.dma_semaphore, #tpu.memory_space<semaphore_mem>>)
      %dma_start3A_131 = arith.constant 1 : i32
      %dma_start3A_132 = arith.constant 0 : i32
      %dma_start3A_133 = tpu.memref_slice %arg10[%dma_start3A_131, %dma_start3A_132] : memref<40x128xi32, #tpu.memory_space<vmem>> -> memref<1x128xi32, #tpu.memory_space<vmem>>
      %dma_start3A_134 = tpu.memref_squeeze %dma_start3A_133 : memref<1x128xi32, #tpu.memory_space<vmem>> -> memref<128xi32, #tpu.memory_space<vmem>>
      %dma_start3A_135 = arith.constant 0 : i32
      %dma_start3A_136 = arith.constant 0 : i32
      %dma_start3A_137 = tpu.memref_slice %arg6[%dma_start3A_135, %dma_start3A_136] : memref<10000x128xf32, #tpu.memory_space<hbm>> -> memref<10000x128xf32, #tpu.memory_space<hbm>>
      tpu.enqueue_indirect_dma source(%dma_start3A_137 : memref<10000x128xf32, #tpu.memory_space<hbm>>) target(%arg13 : memref<128x128xf32, #tpu.memory_space<vmem>>) offsets(%dma_start3A_134 : memref<128xi32, #tpu.memory_space<vmem>>) semaphore(%arg16 : memref<!tpu.dma_semaphore, #tpu.memory_space<semaphore_mem>>)
      %scan3A_138 = arith.constant 0 : i32
      %scan3A_139 = arith.constant 0 : i32
      %scan3A_140 = arith.constant 19 : i32
      %scan3A_141 = arith.addi %scan3A_139, %scan3A_140 : i32
      %scan3A_142 = arith.constant 1 : i32
      scf.for %scan3A_202 = %scan3A_139 to %scan3A_141 step %scan3A_142  : i32 {
        %mul3A_203 = arith.constant 2 : i32
        %mul3A_204 = arith.muli %scan3A_202, %mul3A_203 : i32
        %dma_wait3A_205 = arith.constant 0 : i32
        %dma_wait3A_206 = tpu.memref_slice %arg10[%mul3A_204, %dma_wait3A_205] : memref<40x128xi32, #tpu.memory_space<vmem>> -> memref<1x128xi32, #tpu.memory_space<vmem>>
        %dma_wait3A_207 = tpu.memref_squeeze %dma_wait3A_206 : memref<1x128xi32, #tpu.memory_space<vmem>> -> memref<128xi32, #tpu.memory_space<vmem>>
        %dma_wait3A_208 = arith.constant 0 : i32
        %dma_wait3A_209 = arith.constant 0 : i32
        %dma_wait3A_210 = tpu.memref_slice %arg6[%dma_wait3A_208, %dma_wait3A_209] : memref<10000x128xf32, #tpu.memory_space<hbm>> -> memref<10000x128xf32, #tpu.memory_space<hbm>>
        tpu.wait_indirect_dma semaphore(%arg15 : memref<!tpu.dma_semaphore, #tpu.memory_space<semaphore_mem>>) src(%dma_wait3A_210 : memref<10000x128xf32, #tpu.memory_space<hbm>>) dst(%arg12 : memref<128x128xf32, #tpu.memory_space<vmem>>)
        "tpu.region"() ({
          %run_scoped3A_237 = tpu.sem_alloc : memref<!tpu.dma_semaphore, #tpu.memory_space<semaphore_mem>>
          %dma_start3A_238 = arith.constant 0 : i32
          %dma_start3A_239 = tpu.memref_slice %arg11[%mul3A_204, %dma_start3A_238] : memref<40x128xi32, #tpu.memory_space<vmem>> -> memref<1x128xi32, #tpu.memory_space<vmem>>
          %dma_start3A_240 = tpu.memref_squeeze %dma_start3A_239 : memref<1x128xi32, #tpu.memory_space<vmem>> -> memref<128xi32, #tpu.memory_space<vmem>>
          %dma_start3A_241 = arith.constant 0 : i32
          %dma_start3A_242 = arith.constant 0 : i32
          %dma_start3A_243 = tpu.memref_slice %arg14[%dma_start3A_241, %dma_start3A_242] : memref<10112x128xf32, #tpu.memory_space<vmem_shared>> -> memref<10112x128xf32, #tpu.memory_space<vmem_shared>>
          tpu.enqueue_indirect_dma source(%arg12 : memref<128x128xf32, #tpu.memory_space<vmem>>) target(%dma_start3A_243 : memref<10112x128xf32, #tpu.memory_space<vmem_shared>>) offsets(%dma_start3A_240 : memref<128xi32, #tpu.memory_space<vmem>>) semaphore(%run_scoped3A_237 : memref<!tpu.dma_semaphore, #tpu.memory_space<semaphore_mem>>) {add = true}
          %dma_wait3A_244 = arith.constant 0 : i32
          %dma_wait3A_245 = tpu.memref_slice %arg11[%mul3A_204, %dma_wait3A_244] : memref<40x128xi32, #tpu.memory_space<vmem>> -> memref<1x128xi32, #tpu.memory_space<vmem>>
          %dma_wait3A_246 = tpu.memref_squeeze %dma_wait3A_245 : memref<1x128xi32, #tpu.memory_space<vmem>> -> memref<128xi32, #tpu.memory_space<vmem>>
          %dma_wait3A_247 = arith.constant 0 : i32
          %dma_wait3A_248 = arith.constant 0 : i32
          %dma_wait3A_249 = tpu.memref_slice %arg14[%dma_wait3A_247, %dma_wait3A_248] : memref<10112x128xf32, #tpu.memory_space<vmem_shared>> -> memref<10112x128xf32, #tpu.memory_space<vmem_shared>>
          tpu.wait_indirect_dma semaphore(%run_scoped3A_237 : memref<!tpu.dma_semaphore, #tpu.memory_space<semaphore_mem>>) src(%arg12 : memref<128x128xf32, #tpu.memory_space<vmem>>) dst(%dma_wait3A_249 : memref<10112x128xf32, #tpu.memory_space<vmem_shared>>)
          tpu.yield
        }) : () -> ()
        %add3A_211 = arith.constant 2 : i32
        %add3A_212 = arith.addi %mul3A_204, %add3A_211 : i32
        %dma_start3A_213 = arith.constant 0 : i32
        %dma_start3A_214 = tpu.memref_slice %arg10[%add3A_212, %dma_start3A_213] : memref<40x128xi32, #tpu.memory_space<vmem>> -> memref<1x128xi32, #tpu.memory_space<vmem>>
        %dma_start3A_215 = tpu.memref_squeeze %dma_start3A_214 : memref<1x128xi32, #tpu.memory_space<vmem>> -> memref<128xi32, #tpu.memory_space<vmem>>
        %dma_start3A_216 = arith.constant 0 : i32
        %dma_start3A_217 = arith.constant 0 : i32
        %dma_start3A_218 = tpu.memref_slice %arg6[%dma_start3A_216, %dma_start3A_217] : memref<10000x128xf32, #tpu.memory_space<hbm>> -> memref<10000x128xf32, #tpu.memory_space<hbm>>
        tpu.enqueue_indirect_dma source(%dma_start3A_218 : memref<10000x128xf32, #tpu.memory_space<hbm>>) target(%arg12 : memref<128x128xf32, #tpu.memory_space<vmem>>) offsets(%dma_start3A_215 : memref<128xi32, #tpu.memory_space<vmem>>) semaphore(%arg15 : memref<!tpu.dma_semaphore, #tpu.memory_space<semaphore_mem>>)
        %add3A_219 = arith.constant 1 : i32
        %add3A_220 = arith.addi %mul3A_204, %add3A_219 : i32
        %dma_wait3A_221 = arith.constant 0 : i32
        %dma_wait3A_222 = tpu.memref_slice %arg10[%add3A_220, %dma_wait3A_221] : memref<40x128xi32, #tpu.memory_space<vmem>> -> memref<1x128xi32, #tpu.memory_space<vmem>>
        %dma_wait3A_223 = tpu.memref_squeeze %dma_wait3A_222 : memref<1x128xi32, #tpu.memory_space<vmem>> -> memref<128xi32, #tpu.memory_space<vmem>>
        %dma_wait3A_224 = arith.constant 0 : i32
        %dma_wait3A_225 = arith.constant 0 : i32
        %dma_wait3A_226 = tpu.memref_slice %arg6[%dma_wait3A_224, %dma_wait3A_225] : memref<10000x128xf32, #tpu.memory_space<hbm>> -> memref<10000x128xf32, #tpu.memory_space<hbm>>
        tpu.wait_indirect_dma semaphore(%arg16 : memref<!tpu.dma_semaphore, #tpu.memory_space<semaphore_mem>>) src(%dma_wait3A_226 : memref<10000x128xf32, #tpu.memory_space<hbm>>) dst(%arg13 : memref<128x128xf32, #tpu.memory_space<vmem>>)
        %add3A_227 = arith.constant 1 : i32
        %add3A_228 = arith.addi %mul3A_204, %add3A_227 : i32
        "tpu.region"() ({
          %run_scoped3A_237 = tpu.sem_alloc : memref<!tpu.dma_semaphore, #tpu.memory_space<semaphore_mem>>
          %dma_start3A_238 = arith.constant 0 : i32
          %dma_start3A_239 = tpu.memref_slice %arg11[%add3A_228, %dma_start3A_238] : memref<40x128xi32, #tpu.memory_space<vmem>> -> memref<1x128xi32, #tpu.memory_space<vmem>>
          %dma_start3A_240 = tpu.memref_squeeze %dma_start3A_239 : memref<1x128xi32, #tpu.memory_space<vmem>> -> memref<128xi32, #tpu.memory_space<vmem>>
          %dma_start3A_241 = arith.constant 0 : i32
          %dma_start3A_242 = arith.constant 0 : i32
          %dma_start3A_243 = tpu.memref_slice %arg14[%dma_start3A_241, %dma_start3A_242] : memref<10112x128xf32, #tpu.memory_space<vmem_shared>> -> memref<10112x128xf32, #tpu.memory_space<vmem_shared>>
          tpu.enqueue_indirect_dma source(%arg13 : memref<128x128xf32, #tpu.memory_space<vmem>>) target(%dma_start3A_243 : memref<10112x128xf32, #tpu.memory_space<vmem_shared>>) offsets(%dma_start3A_240 : memref<128xi32, #tpu.memory_space<vmem>>) semaphore(%run_scoped3A_237 : memref<!tpu.dma_semaphore, #tpu.memory_space<semaphore_mem>>) {add = true}
          %dma_wait3A_244 = arith.constant 0 : i32
          %dma_wait3A_245 = tpu.memref_slice %arg11[%add3A_228, %dma_wait3A_244] : memref<40x128xi32, #tpu.memory_space<vmem>> -> memref<1x128xi32, #tpu.memory_space<vmem>>
          %dma_wait3A_246 = tpu.memref_squeeze %dma_wait3A_245 : memref<1x128xi32, #tpu.memory_space<vmem>> -> memref<128xi32, #tpu.memory_space<vmem>>
          %dma_wait3A_247 = arith.constant 0 : i32
          %dma_wait3A_248 = arith.constant 0 : i32
          %dma_wait3A_249 = tpu.memref_slice %arg14[%dma_wait3A_247, %dma_wait3A_248] : memref<10112x128xf32, #tpu.memory_space<vmem_shared>> -> memref<10112x128xf32, #tpu.memory_space<vmem_shared>>
          tpu.wait_indirect_dma semaphore(%run_scoped3A_237 : memref<!tpu.dma_semaphore, #tpu.memory_space<semaphore_mem>>) src(%arg13 : memref<128x128xf32, #tpu.memory_space<vmem>>) dst(%dma_wait3A_249 : memref<10112x128xf32, #tpu.memory_space<vmem_shared>>)
          tpu.yield
        }) : () -> ()
        %add3A_229 = arith.constant 3 : i32
        %add3A_230 = arith.addi %mul3A_204, %add3A_229 : i32
        %dma_start3A_231 = arith.constant 0 : i32
        %dma_start3A_232 = tpu.memref_slice %arg10[%add3A_230, %dma_start3A_231] : memref<40x128xi32, #tpu.memory_space<vmem>> -> memref<1x128xi32, #tpu.memory_space<vmem>>
        %dma_start3A_233 = tpu.memref_squeeze %dma_start3A_232 : memref<1x128xi32, #tpu.memory_space<vmem>> -> memref<128xi32, #tpu.memory_space<vmem>>
        %dma_start3A_234 = arith.constant 0 : i32
        %dma_start3A_235 = arith.constant 0 : i32
        %dma_start3A_236 = tpu.memref_slice %arg6[%dma_start3A_234, %dma_start3A_235] : memref<10000x128xf32, #tpu.memory_space<hbm>> -> memref<10000x128xf32, #tpu.memory_space<hbm>>
        tpu.enqueue_indirect_dma source(%dma_start3A_236 : memref<10000x128xf32, #tpu.memory_space<hbm>>) target(%arg13 : memref<128x128xf32, #tpu.memory_space<vmem>>) offsets(%dma_start3A_233 : memref<128xi32, #tpu.memory_space<vmem>>) semaphore(%arg16 : memref<!tpu.dma_semaphore, #tpu.memory_space<semaphore_mem>>)
      }
      %scan3A_143 = arith.constant 19 : i32
      %dma_wait3A_144 = arith.constant 38 : i32
      %dma_wait3A_145 = arith.constant 0 : i32
      %dma_wait3A_146 = tpu.memref_slice %arg10[%dma_wait3A_144, %dma_wait3A_145] : memref<40x128xi32, #tpu.memory_space<vmem>> -> memref<1x128xi32, #tpu.memory_space<vmem>>
      %dma_wait3A_147 = tpu.memref_squeeze %dma_wait3A_146 : memref<1x128xi32, #tpu.memory_space<vmem>> -> memref<128xi32, #tpu.memory_space<vmem>>
      %dma_wait3A_148 = arith.constant 0 : i32
      %dma_wait3A_149 = arith.constant 0 : i32
      %dma_wait3A_150 = tpu.memref_slice %arg6[%dma_wait3A_148, %dma_wait3A_149] : memref<10000x128xf32, #tpu.memory_space<hbm>> -> memref<10000x128xf32, #tpu.memory_space<hbm>>
      tpu.wait_indirect_dma semaphore(%arg15 : memref<!tpu.dma_semaphore, #tpu.memory_space<semaphore_mem>>) src(%dma_wait3A_150 : memref<10000x128xf32, #tpu.memory_space<hbm>>) dst(%arg12 : memref<128x128xf32, #tpu.memory_space<vmem>>)
      %run_scoped3A_151 = arith.constant 38 : i32
      "tpu.region"() ({
        %run_scoped3A_202 = tpu.sem_alloc : memref<!tpu.dma_semaphore, #tpu.memory_space<semaphore_mem>>
        %dma_start3A_203 = arith.constant 0 : i32
        %dma_start3A_204 = tpu.memref_slice %arg11[%run_scoped3A_151, %dma_start3A_203] : memref<40x128xi32, #tpu.memory_space<vmem>> -> memref<1x128xi32, #tpu.memory_space<vmem>>
        %dma_start3A_205 = tpu.memref_squeeze %dma_start3A_204 : memref<1x128xi32, #tpu.memory_space<vmem>> -> memref<128xi32, #tpu.memory_space<vmem>>
        %dma_start3A_206 = arith.constant 0 : i32
        %dma_start3A_207 = arith.constant 0 : i32
        %dma_start3A_208 = tpu.memref_slice %arg14[%dma_start3A_206, %dma_start3A_207] : memref<10112x128xf32, #tpu.memory_space<vmem_shared>> -> memref<10112x128xf32, #tpu.memory_space<vmem_shared>>
        tpu.enqueue_indirect_dma source(%arg12 : memref<128x128xf32, #tpu.memory_space<vmem>>) target(%dma_start3A_208 : memref<10112x128xf32, #tpu.memory_space<vmem_shared>>) offsets(%dma_start3A_205 : memref<128xi32, #tpu.memory_space<vmem>>) semaphore(%run_scoped3A_202 : memref<!tpu.dma_semaphore, #tpu.memory_space<semaphore_mem>>) {add = true}
        %dma_wait3A_209 = arith.constant 0 : i32
        %dma_wait3A_210 = tpu.memref_slice %arg11[%run_scoped3A_151, %dma_wait3A_209] : memref<40x128xi32, #tpu.memory_space<vmem>> -> memref<1x128xi32, #tpu.memory_space<vmem>>
        %dma_wait3A_211 = tpu.memref_squeeze %dma_wait3A_210 : memref<1x128xi32, #tpu.memory_space<vmem>> -> memref<128xi32, #tpu.memory_space<vmem>>
        %dma_wait3A_212 = arith.constant 0 : i32
        %dma_wait3A_213 = arith.constant 0 : i32
        %dma_wait3A_214 = tpu.memref_slice %arg14[%dma_wait3A_212, %dma_wait3A_213] : memref<10112x128xf32, #tpu.memory_space<vmem_shared>> -> memref<10112x128xf32, #tpu.memory_space<vmem_shared>>
        tpu.wait_indirect_dma semaphore(%run_scoped3A_202 : memref<!tpu.dma_semaphore, #tpu.memory_space<semaphore_mem>>) src(%arg12 : memref<128x128xf32, #tpu.memory_space<vmem>>) dst(%dma_wait3A_214 : memref<10112x128xf32, #tpu.memory_space<vmem_shared>>)
        tpu.yield
      }) : () -> ()
      %dma_wait3A_152 = arith.constant 39 : i32
      %dma_wait3A_153 = arith.constant 0 : i32
      %dma_wait3A_154 = tpu.memref_slice %arg10[%dma_wait3A_152, %dma_wait3A_153] : memref<40x128xi32, #tpu.memory_space<vmem>> -> memref<1x128xi32, #tpu.memory_space<vmem>>
      %dma_wait3A_155 = tpu.memref_squeeze %dma_wait3A_154 : memref<1x128xi32, #tpu.memory_space<vmem>> -> memref<128xi32, #tpu.memory_space<vmem>>
      %dma_wait3A_156 = arith.constant 0 : i32
      %dma_wait3A_157 = arith.constant 0 : i32
      %dma_wait3A_158 = tpu.memref_slice %arg6[%dma_wait3A_156, %dma_wait3A_157] : memref<10000x128xf32, #tpu.memory_space<hbm>> -> memref<10000x128xf32, #tpu.memory_space<hbm>>
      tpu.wait_indirect_dma semaphore(%arg16 : memref<!tpu.dma_semaphore, #tpu.memory_space<semaphore_mem>>) src(%dma_wait3A_158 : memref<10000x128xf32, #tpu.memory_space<hbm>>) dst(%arg13 : memref<128x128xf32, #tpu.memory_space<vmem>>)
      %run_scoped3A_159 = arith.constant 39 : i32
      "tpu.region"() ({
        %run_scoped3A_202 = tpu.sem_alloc : memref<!tpu.dma_semaphore, #tpu.memory_space<semaphore_mem>>
        %dma_start3A_203 = arith.constant 0 : i32
        %dma_start3A_204 = tpu.memref_slice %arg11[%run_scoped3A_159, %dma_start3A_203] : memref<40x128xi32, #tpu.memory_space<vmem>> -> memref<1x128xi32, #tpu.memory_space<vmem>>
        %dma_start3A_205 = tpu.memref_squeeze %dma_start3A_204 : memref<1x128xi32, #tpu.memory_space<vmem>> -> memref<128xi32, #tpu.memory_space<vmem>>
        %dma_start3A_206 = arith.constant 0 : i32
        %dma_start3A_207 = arith.constant 0 : i32
        %dma_start3A_208 = tpu.memref_slice %arg14[%dma_start3A_206, %dma_start3A_207] : memref<10112x128xf32, #tpu.memory_space<vmem_shared>> -> memref<10112x128xf32, #tpu.memory_space<vmem_shared>>
        tpu.enqueue_indirect_dma source(%arg13 : memref<128x128xf32, #tpu.memory_space<vmem>>) target(%dma_start3A_208 : memref<10112x128xf32, #tpu.memory_space<vmem_shared>>) offsets(%dma_start3A_205 : memref<128xi32, #tpu.memory_space<vmem>>) semaphore(%run_scoped3A_202 : memref<!tpu.dma_semaphore, #tpu.memory_space<semaphore_mem>>) {add = true}
        %dma_wait3A_209 = arith.constant 0 : i32
        %dma_wait3A_210 = tpu.memref_slice %arg11[%run_scoped3A_159, %dma_wait3A_209] : memref<40x128xi32, #tpu.memory_space<vmem>> -> memref<1x128xi32, #tpu.memory_space<vmem>>
        %dma_wait3A_211 = tpu.memref_squeeze %dma_wait3A_210 : memref<1x128xi32, #tpu.memory_space<vmem>> -> memref<128xi32, #tpu.memory_space<vmem>>
        %dma_wait3A_212 = arith.constant 0 : i32
        %dma_wait3A_213 = arith.constant 0 : i32
        %dma_wait3A_214 = tpu.memref_slice %arg14[%dma_wait3A_212, %dma_wait3A_213] : memref<10112x128xf32, #tpu.memory_space<vmem_shared>> -> memref<10112x128xf32, #tpu.memory_space<vmem_shared>>
        tpu.wait_indirect_dma semaphore(%run_scoped3A_202 : memref<!tpu.dma_semaphore, #tpu.memory_space<semaphore_mem>>) src(%arg13 : memref<128x128xf32, #tpu.memory_space<vmem>>) dst(%dma_wait3A_214 : memref<10112x128xf32, #tpu.memory_space<vmem_shared>>)
        tpu.yield
      }) : () -> ()
      %mul3A_160 = arith.constant 8 : i32
      %mul3A_161 = arith.muli %arg1, %mul3A_160 : i32
      %add3A_162 = arith.constant 5248 : i32
      %add3A_163 = arith.addi %add3A_162, %mul3A_161 : i32
      %add3A_164 = arith.constant 0 : i32
      %add3A_165 = arith.addi %add3A_163, %add3A_164 : i32
      "tpu.region"() ({
        %run_scoped3A_202 = tpu.sem_alloc : memref<!tpu.dma_semaphore, #tpu.memory_space<semaphore_mem>>
        %dma_start3A_203 = arith.constant 0 : i32
        %dma_start3A_204 = arith.constant 0 : i32
        %dma_start3A_205 = tpu.memref_slice %arg10[%dma_start3A_203, %dma_start3A_204] : memref<40x128xi32, #tpu.memory_space<vmem>> -> memref<8x128xi32, #tpu.memory_space<vmem>>
        %dma_start3A_206 = arith.constant 0 : i32
        %dma_start3A_207 = tpu.memref_slice %arg2[%add3A_165, %dma_start3A_206] : memref<5376x128xi32, #tpu.memory_space<hbm>> -> memref<8x128xi32, #tpu.memory_space<hbm>>
        %dma_start3A_208 = arith.constant 0 : i32
        %dma_start3A_209 = arith.constant 0 : i32
        %dma_start3A_210 = tpu.memref_slice %arg10[%dma_start3A_208, %dma_start3A_209] : memref<40x128xi32, #tpu.memory_space<vmem>> -> memref<8x128xi32, #tpu.memory_space<vmem>>
        %dma_start3A_211 = arith.constant 0 : i32
        %dma_start3A_212 = tpu.memref_slice %arg2[%add3A_165, %dma_start3A_211] : memref<5376x128xi32, #tpu.memory_space<hbm>> -> memref<8x128xi32, #tpu.memory_space<hbm>>
        tpu.enqueue_dma source(%dma_start3A_212 : memref<8x128xi32, #tpu.memory_space<hbm>>) target(%dma_start3A_210 : memref<8x128xi32, #tpu.memory_space<vmem>>) target_semaphore(%run_scoped3A_202 : memref<!tpu.dma_semaphore, #tpu.memory_space<semaphore_mem>>)
        %dma_wait3A_213 = arith.constant 0 : i32
        %dma_wait3A_214 = arith.constant 0 : i32
        %dma_wait3A_215 = tpu.memref_slice %arg10[%dma_wait3A_213, %dma_wait3A_214] : memref<40x128xi32, #tpu.memory_space<vmem>> -> memref<8x128xi32, #tpu.memory_space<vmem>>
        %dma_wait3A_216 = arith.constant 0 : i32
        %dma_wait3A_217 = tpu.memref_slice %arg2[%add3A_165, %dma_wait3A_216] : memref<5376x128xi32, #tpu.memory_space<hbm>> -> memref<8x128xi32, #tpu.memory_space<hbm>>
        %dma_wait3A_218 = arith.constant 0 : i32
        %dma_wait3A_219 = arith.constant 0 : i32
        %dma_wait3A_220 = tpu.memref_slice %arg10[%dma_wait3A_218, %dma_wait3A_219] : memref<40x128xi32, #tpu.memory_space<vmem>> -> memref<8x128xi32, #tpu.memory_space<vmem>>
        %dma_wait3A_221 = arith.constant 0 : i32
        %dma_wait3A_222 = tpu.memref_slice %arg2[%add3A_165, %dma_wait3A_221] : memref<5376x128xi32, #tpu.memory_space<hbm>> -> memref<8x128xi32, #tpu.memory_space<hbm>>
        tpu.wait_dma2 semaphore(%run_scoped3A_202 : memref<!tpu.dma_semaphore, #tpu.memory_space<semaphore_mem>>) src(%dma_wait3A_222 : memref<8x128xi32, #tpu.memory_space<hbm>>) dst(%dma_wait3A_220 : memref<8x128xi32, #tpu.memory_space<vmem>>)
        tpu.yield
      }) : () -> ()
      "tpu.region"() ({
        %run_scoped3A_202 = tpu.sem_alloc : memref<!tpu.dma_semaphore, #tpu.memory_space<semaphore_mem>>
        %dma_start3A_203 = arith.constant 0 : i32
        %dma_start3A_204 = arith.constant 0 : i32
        %dma_start3A_205 = tpu.memref_slice %arg11[%dma_start3A_203, %dma_start3A_204] : memref<40x128xi32, #tpu.memory_space<vmem>> -> memref<8x128xi32, #tpu.memory_space<vmem>>
        %dma_start3A_206 = arith.constant 0 : i32
        %dma_start3A_207 = tpu.memref_slice %arg3[%add3A_165, %dma_start3A_206] : memref<5376x128xi32, #tpu.memory_space<hbm>> -> memref<8x128xi32, #tpu.memory_space<hbm>>
        %dma_start3A_208 = arith.constant 0 : i32
        %dma_start3A_209 = arith.constant 0 : i32
        %dma_start3A_210 = tpu.memref_slice %arg11[%dma_start3A_208, %dma_start3A_209] : memref<40x128xi32, #tpu.memory_space<vmem>> -> memref<8x128xi32, #tpu.memory_space<vmem>>
        %dma_start3A_211 = arith.constant 0 : i32
        %dma_start3A_212 = tpu.memref_slice %arg3[%add3A_165, %dma_start3A_211] : memref<5376x128xi32, #tpu.memory_space<hbm>> -> memref<8x128xi32, #tpu.memory_space<hbm>>
        tpu.enqueue_dma source(%dma_start3A_212 : memref<8x128xi32, #tpu.memory_space<hbm>>) target(%dma_start3A_210 : memref<8x128xi32, #tpu.memory_space<vmem>>) target_semaphore(%run_scoped3A_202 : memref<!tpu.dma_semaphore, #tpu.memory_space<semaphore_mem>>)
        %dma_wait3A_213 = arith.constant 0 : i32
        %dma_wait3A_214 = arith.constant 0 : i32
        %dma_wait3A_215 = tpu.memref_slice %arg11[%dma_wait3A_213, %dma_wait3A_214] : memref<40x128xi32, #tpu.memory_space<vmem>> -> memref<8x128xi32, #tpu.memory_space<vmem>>
        %dma_wait3A_216 = arith.constant 0 : i32
        %dma_wait3A_217 = tpu.memref_slice %arg3[%add3A_165, %dma_wait3A_216] : memref<5376x128xi32, #tpu.memory_space<hbm>> -> memref<8x128xi32, #tpu.memory_space<hbm>>
        %dma_wait3A_218 = arith.constant 0 : i32
        %dma_wait3A_219 = arith.constant 0 : i32
        %dma_wait3A_220 = tpu.memref_slice %arg11[%dma_wait3A_218, %dma_wait3A_219] : memref<40x128xi32, #tpu.memory_space<vmem>> -> memref<8x128xi32, #tpu.memory_space<vmem>>
        %dma_wait3A_221 = arith.constant 0 : i32
        %dma_wait3A_222 = tpu.memref_slice %arg3[%add3A_165, %dma_wait3A_221] : memref<5376x128xi32, #tpu.memory_space<hbm>> -> memref<8x128xi32, #tpu.memory_space<hbm>>
        tpu.wait_dma2 semaphore(%run_scoped3A_202 : memref<!tpu.dma_semaphore, #tpu.memory_space<semaphore_mem>>) src(%dma_wait3A_222 : memref<8x128xi32, #tpu.memory_space<hbm>>) dst(%dma_wait3A_220 : memref<8x128xi32, #tpu.memory_space<vmem>>)
        tpu.yield
      }) : () -> ()
      %dma_start3A_166 = arith.constant 0 : i32
      %dma_start3A_167 = arith.constant 0 : i32
      %dma_start3A_168 = tpu.memref_slice %arg10[%dma_start3A_166, %dma_start3A_167] : memref<40x128xi32, #tpu.memory_space<vmem>> -> memref<1x128xi32, #tpu.memory_space<vmem>>
      %dma_start3A_169 = tpu.memref_squeeze %dma_start3A_168 : memref<1x128xi32, #tpu.memory_space<vmem>> -> memref<128xi32, #tpu.memory_space<vmem>>
      %dma_start3A_170 = arith.constant 0 : i32
      %dma_start3A_171 = arith.constant 0 : i32
      %dma_start3A_172 = tpu.memref_slice %arg7[%dma_start3A_170, %dma_start3A_171] : memref<10000x128xf32, #tpu.memory_space<hbm>> -> memref<10000x128xf32, #tpu.memory_space<hbm>>
      tpu.enqueue_indirect_dma source(%dma_start3A_172 : memref<10000x128xf32, #tpu.memory_space<hbm>>) target(%arg12 : memref<128x128xf32, #tpu.memory_space<vmem>>) offsets(%dma_start3A_169 : memref<128xi32, #tpu.memory_space<vmem>>) semaphore(%arg15 : memref<!tpu.dma_semaphore, #tpu.memory_space<semaphore_mem>>)
      %dma_start3A_173 = arith.constant 1 : i32
      %dma_start3A_174 = arith.constant 0 : i32
      %dma_start3A_175 = tpu.memref_slice %arg10[%dma_start3A_173, %dma_start3A_174] : memref<40x128xi32, #tpu.memory_space<vmem>> -> memref<1x128xi32, #tpu.memory_space<vmem>>
      %dma_start3A_176 = tpu.memref_squeeze %dma_start3A_175 : memref<1x128xi32, #tpu.memory_space<vmem>> -> memref<128xi32, #tpu.memory_space<vmem>>
      %dma_start3A_177 = arith.constant 0 : i32
      %dma_start3A_178 = arith.constant 0 : i32
      %dma_start3A_179 = tpu.memref_slice %arg7[%dma_start3A_177, %dma_start3A_178] : memref<10000x128xf32, #tpu.memory_space<hbm>> -> memref<10000x128xf32, #tpu.memory_space<hbm>>
      tpu.enqueue_indirect_dma source(%dma_start3A_179 : memref<10000x128xf32, #tpu.memory_space<hbm>>) target(%arg13 : memref<128x128xf32, #tpu.memory_space<vmem>>) offsets(%dma_start3A_176 : memref<128xi32, #tpu.memory_space<vmem>>) semaphore(%arg16 : memref<!tpu.dma_semaphore, #tpu.memory_space<semaphore_mem>>)
      %scan3A_180 = arith.constant 0 : i32
      %scan3A_181 = arith.constant 0 : i32
      %scan3A_182 = arith.constant 3 : i32
      %scan3A_183 = arith.addi %scan3A_181, %scan3A_182 : i32
      %scan3A_184 = arith.constant 1 : i32
      scf.for %scan3A_202 = %scan3A_181 to %scan3A_183 step %scan3A_184  : i32 {
        %mul3A_203 = arith.constant 2 : i32
        %mul3A_204 = arith.muli %scan3A_202, %mul3A_203 : i32
        %dma_wait3A_205 = arith.constant 0 : i32
        %dma_wait3A_206 = tpu.memref_slice %arg10[%mul3A_204, %dma_wait3A_205] : memref<40x128xi32, #tpu.memory_space<vmem>> -> memref<1x128xi32, #tpu.memory_space<vmem>>
        %dma_wait3A_207 = tpu.memref_squeeze %dma_wait3A_206 : memref<1x128xi32, #tpu.memory_space<vmem>> -> memref<128xi32, #tpu.memory_space<vmem>>
        %dma_wait3A_208 = arith.constant 0 : i32
        %dma_wait3A_209 = arith.constant 0 : i32
        %dma_wait3A_210 = tpu.memref_slice %arg7[%dma_wait3A_208, %dma_wait3A_209] : memref<10000x128xf32, #tpu.memory_space<hbm>> -> memref<10000x128xf32, #tpu.memory_space<hbm>>
        tpu.wait_indirect_dma semaphore(%arg15 : memref<!tpu.dma_semaphore, #tpu.memory_space<semaphore_mem>>) src(%dma_wait3A_210 : memref<10000x128xf32, #tpu.memory_space<hbm>>) dst(%arg12 : memref<128x128xf32, #tpu.memory_space<vmem>>)
        "tpu.region"() ({
          %run_scoped3A_237 = tpu.sem_alloc : memref<!tpu.dma_semaphore, #tpu.memory_space<semaphore_mem>>
          %dma_start3A_238 = arith.constant 0 : i32
          %dma_start3A_239 = tpu.memref_slice %arg11[%mul3A_204, %dma_start3A_238] : memref<40x128xi32, #tpu.memory_space<vmem>> -> memref<1x128xi32, #tpu.memory_space<vmem>>
          %dma_start3A_240 = tpu.memref_squeeze %dma_start3A_239 : memref<1x128xi32, #tpu.memory_space<vmem>> -> memref<128xi32, #tpu.memory_space<vmem>>
          %dma_start3A_241 = arith.constant 0 : i32
          %dma_start3A_242 = arith.constant 0 : i32
          %dma_start3A_243 = tpu.memref_slice %arg14[%dma_start3A_241, %dma_start3A_242] : memref<10112x128xf32, #tpu.memory_space<vmem_shared>> -> memref<10112x128xf32, #tpu.memory_space<vmem_shared>>
          tpu.enqueue_indirect_dma source(%arg12 : memref<128x128xf32, #tpu.memory_space<vmem>>) target(%dma_start3A_243 : memref<10112x128xf32, #tpu.memory_space<vmem_shared>>) offsets(%dma_start3A_240 : memref<128xi32, #tpu.memory_space<vmem>>) semaphore(%run_scoped3A_237 : memref<!tpu.dma_semaphore, #tpu.memory_space<semaphore_mem>>) {add = true}
          %dma_wait3A_244 = arith.constant 0 : i32
          %dma_wait3A_245 = tpu.memref_slice %arg11[%mul3A_204, %dma_wait3A_244] : memref<40x128xi32, #tpu.memory_space<vmem>> -> memref<1x128xi32, #tpu.memory_space<vmem>>
          %dma_wait3A_246 = tpu.memref_squeeze %dma_wait3A_245 : memref<1x128xi32, #tpu.memory_space<vmem>> -> memref<128xi32, #tpu.memory_space<vmem>>
          %dma_wait3A_247 = arith.constant 0 : i32
          %dma_wait3A_248 = arith.constant 0 : i32
          %dma_wait3A_249 = tpu.memref_slice %arg14[%dma_wait3A_247, %dma_wait3A_248] : memref<10112x128xf32, #tpu.memory_space<vmem_shared>> -> memref<10112x128xf32, #tpu.memory_space<vmem_shared>>
          tpu.wait_indirect_dma semaphore(%run_scoped3A_237 : memref<!tpu.dma_semaphore, #tpu.memory_space<semaphore_mem>>) src(%arg12 : memref<128x128xf32, #tpu.memory_space<vmem>>) dst(%dma_wait3A_249 : memref<10112x128xf32, #tpu.memory_space<vmem_shared>>)
          tpu.yield
        }) : () -> ()
        %add3A_211 = arith.constant 2 : i32
        %add3A_212 = arith.addi %mul3A_204, %add3A_211 : i32
        %dma_start3A_213 = arith.constant 0 : i32
        %dma_start3A_214 = tpu.memref_slice %arg10[%add3A_212, %dma_start3A_213] : memref<40x128xi32, #tpu.memory_space<vmem>> -> memref<1x128xi32, #tpu.memory_space<vmem>>
        %dma_start3A_215 = tpu.memref_squeeze %dma_start3A_214 : memref<1x128xi32, #tpu.memory_space<vmem>> -> memref<128xi32, #tpu.memory_space<vmem>>
        %dma_start3A_216 = arith.constant 0 : i32
        %dma_start3A_217 = arith.constant 0 : i32
        %dma_start3A_218 = tpu.memref_slice %arg7[%dma_start3A_216, %dma_start3A_217] : memref<10000x128xf32, #tpu.memory_space<hbm>> -> memref<10000x128xf32, #tpu.memory_space<hbm>>
        tpu.enqueue_indirect_dma source(%dma_start3A_218 : memref<10000x128xf32, #tpu.memory_space<hbm>>) target(%arg12 : memref<128x128xf32, #tpu.memory_space<vmem>>) offsets(%dma_start3A_215 : memref<128xi32, #tpu.memory_space<vmem>>) semaphore(%arg15 : memref<!tpu.dma_semaphore, #tpu.memory_space<semaphore_mem>>)
        %add3A_219 = arith.constant 1 : i32
        %add3A_220 = arith.addi %mul3A_204, %add3A_219 : i32
        %dma_wait3A_221 = arith.constant 0 : i32
        %dma_wait3A_222 = tpu.memref_slice %arg10[%add3A_220, %dma_wait3A_221] : memref<40x128xi32, #tpu.memory_space<vmem>> -> memref<1x128xi32, #tpu.memory_space<vmem>>
        %dma_wait3A_223 = tpu.memref_squeeze %dma_wait3A_222 : memref<1x128xi32, #tpu.memory_space<vmem>> -> memref<128xi32, #tpu.memory_space<vmem>>
        %dma_wait3A_224 = arith.constant 0 : i32
        %dma_wait3A_225 = arith.constant 0 : i32
        %dma_wait3A_226 = tpu.memref_slice %arg7[%dma_wait3A_224, %dma_wait3A_225] : memref<10000x128xf32, #tpu.memory_space<hbm>> -> memref<10000x128xf32, #tpu.memory_space<hbm>>
        tpu.wait_indirect_dma semaphore(%arg16 : memref<!tpu.dma_semaphore, #tpu.memory_space<semaphore_mem>>) src(%dma_wait3A_226 : memref<10000x128xf32, #tpu.memory_space<hbm>>) dst(%arg13 : memref<128x128xf32, #tpu.memory_space<vmem>>)
        %add3A_227 = arith.constant 1 : i32
        %add3A_228 = arith.addi %mul3A_204, %add3A_227 : i32
        "tpu.region"() ({
          %run_scoped3A_237 = tpu.sem_alloc : memref<!tpu.dma_semaphore, #tpu.memory_space<semaphore_mem>>
          %dma_start3A_238 = arith.constant 0 : i32
          %dma_start3A_239 = tpu.memref_slice %arg11[%add3A_228, %dma_start3A_238] : memref<40x128xi32, #tpu.memory_space<vmem>> -> memref<1x128xi32, #tpu.memory_space<vmem>>
          %dma_start3A_240 = tpu.memref_squeeze %dma_start3A_239 : memref<1x128xi32, #tpu.memory_space<vmem>> -> memref<128xi32, #tpu.memory_space<vmem>>
          %dma_start3A_241 = arith.constant 0 : i32
          %dma_start3A_242 = arith.constant 0 : i32
          %dma_start3A_243 = tpu.memref_slice %arg14[%dma_start3A_241, %dma_start3A_242] : memref<10112x128xf32, #tpu.memory_space<vmem_shared>> -> memref<10112x128xf32, #tpu.memory_space<vmem_shared>>
          tpu.enqueue_indirect_dma source(%arg13 : memref<128x128xf32, #tpu.memory_space<vmem>>) target(%dma_start3A_243 : memref<10112x128xf32, #tpu.memory_space<vmem_shared>>) offsets(%dma_start3A_240 : memref<128xi32, #tpu.memory_space<vmem>>) semaphore(%run_scoped3A_237 : memref<!tpu.dma_semaphore, #tpu.memory_space<semaphore_mem>>) {add = true}
          %dma_wait3A_244 = arith.constant 0 : i32
          %dma_wait3A_245 = tpu.memref_slice %arg11[%add3A_228, %dma_wait3A_244] : memref<40x128xi32, #tpu.memory_space<vmem>> -> memref<1x128xi32, #tpu.memory_space<vmem>>
          %dma_wait3A_246 = tpu.memref_squeeze %dma_wait3A_245 : memref<1x128xi32, #tpu.memory_space<vmem>> -> memref<128xi32, #tpu.memory_space<vmem>>
          %dma_wait3A_247 = arith.constant 0 : i32
          %dma_wait3A_248 = arith.constant 0 : i32
          %dma_wait3A_249 = tpu.memref_slice %arg14[%dma_wait3A_247, %dma_wait3A_248] : memref<10112x128xf32, #tpu.memory_space<vmem_shared>> -> memref<10112x128xf32, #tpu.memory_space<vmem_shared>>
          tpu.wait_indirect_dma semaphore(%run_scoped3A_237 : memref<!tpu.dma_semaphore, #tpu.memory_space<semaphore_mem>>) src(%arg13 : memref<128x128xf32, #tpu.memory_space<vmem>>) dst(%dma_wait3A_249 : memref<10112x128xf32, #tpu.memory_space<vmem_shared>>)
          tpu.yield
        }) : () -> ()
        %add3A_229 = arith.constant 3 : i32
        %add3A_230 = arith.addi %mul3A_204, %add3A_229 : i32
        %dma_start3A_231 = arith.constant 0 : i32
        %dma_start3A_232 = tpu.memref_slice %arg10[%add3A_230, %dma_start3A_231] : memref<40x128xi32, #tpu.memory_space<vmem>> -> memref<1x128xi32, #tpu.memory_space<vmem>>
        %dma_start3A_233 = tpu.memref_squeeze %dma_start3A_232 : memref<1x128xi32, #tpu.memory_space<vmem>> -> memref<128xi32, #tpu.memory_space<vmem>>
        %dma_start3A_234 = arith.constant 0 : i32
        %dma_start3A_235 = arith.constant 0 : i32
        %dma_start3A_236 = tpu.memref_slice %arg7[%dma_start3A_234, %dma_start3A_235] : memref<10000x128xf32, #tpu.memory_space<hbm>> -> memref<10000x128xf32, #tpu.memory_space<hbm>>
        tpu.enqueue_indirect_dma source(%dma_start3A_236 : memref<10000x128xf32, #tpu.memory_space<hbm>>) target(%arg13 : memref<128x128xf32, #tpu.memory_space<vmem>>) offsets(%dma_start3A_233 : memref<128xi32, #tpu.memory_space<vmem>>) semaphore(%arg16 : memref<!tpu.dma_semaphore, #tpu.memory_space<semaphore_mem>>)
      }
      %scan3A_185 = arith.constant 3 : i32
      %dma_wait3A_186 = arith.constant 6 : i32
      %dma_wait3A_187 = arith.constant 0 : i32
      %dma_wait3A_188 = tpu.memref_slice %arg10[%dma_wait3A_186, %dma_wait3A_187] : memref<40x128xi32, #tpu.memory_space<vmem>> -> memref<1x128xi32, #tpu.memory_space<vmem>>
      %dma_wait3A_189 = tpu.memref_squeeze %dma_wait3A_188 : memref<1x128xi32, #tpu.memory_space<vmem>> -> memref<128xi32, #tpu.memory_space<vmem>>
      %dma_wait3A_190 = arith.constant 0 : i32
      %dma_wait3A_191 = arith.constant 0 : i32
      %dma_wait3A_192 = tpu.memref_slice %arg7[%dma_wait3A_190, %dma_wait3A_191] : memref<10000x128xf32, #tpu.memory_space<hbm>> -> memref<10000x128xf32, #tpu.memory_space<hbm>>
      tpu.wait_indirect_dma semaphore(%arg15 : memref<!tpu.dma_semaphore, #tpu.memory_space<semaphore_mem>>) src(%dma_wait3A_192 : memref<10000x128xf32, #tpu.memory_space<hbm>>) dst(%arg12 : memref<128x128xf32, #tpu.memory_space<vmem>>)
      %run_scoped3A_193 = arith.constant 6 : i32
      "tpu.region"() ({
        %run_scoped3A_202 = tpu.sem_alloc : memref<!tpu.dma_semaphore, #tpu.memory_space<semaphore_mem>>
        %dma_start3A_203 = arith.constant 0 : i32
        %dma_start3A_204 = tpu.memref_slice %arg11[%run_scoped3A_193, %dma_start3A_203] : memref<40x128xi32, #tpu.memory_space<vmem>> -> memref<1x128xi32, #tpu.memory_space<vmem>>
        %dma_start3A_205 = tpu.memref_squeeze %dma_start3A_204 : memref<1x128xi32, #tpu.memory_space<vmem>> -> memref<128xi32, #tpu.memory_space<vmem>>
        %dma_start3A_206 = arith.constant 0 : i32
        %dma_start3A_207 = arith.constant 0 : i32
        %dma_start3A_208 = tpu.memref_slice %arg14[%dma_start3A_206, %dma_start3A_207] : memref<10112x128xf32, #tpu.memory_space<vmem_shared>> -> memref<10112x128xf32, #tpu.memory_space<vmem_shared>>
        tpu.enqueue_indirect_dma source(%arg12 : memref<128x128xf32, #tpu.memory_space<vmem>>) target(%dma_start3A_208 : memref<10112x128xf32, #tpu.memory_space<vmem_shared>>) offsets(%dma_start3A_205 : memref<128xi32, #tpu.memory_space<vmem>>) semaphore(%run_scoped3A_202 : memref<!tpu.dma_semaphore, #tpu.memory_space<semaphore_mem>>) {add = true}
        %dma_wait3A_209 = arith.constant 0 : i32
        %dma_wait3A_210 = tpu.memref_slice %arg11[%run_scoped3A_193, %dma_wait3A_209] : memref<40x128xi32, #tpu.memory_space<vmem>> -> memref<1x128xi32, #tpu.memory_space<vmem>>
        %dma_wait3A_211 = tpu.memref_squeeze %dma_wait3A_210 : memref<1x128xi32, #tpu.memory_space<vmem>> -> memref<128xi32, #tpu.memory_space<vmem>>
        %dma_wait3A_212 = arith.constant 0 : i32
        %dma_wait3A_213 = arith.constant 0 : i32
        %dma_wait3A_214 = tpu.memref_slice %arg14[%dma_wait3A_212, %dma_wait3A_213] : memref<10112x128xf32, #tpu.memory_space<vmem_shared>> -> memref<10112x128xf32, #tpu.memory_space<vmem_shared>>
        tpu.wait_indirect_dma semaphore(%run_scoped3A_202 : memref<!tpu.dma_semaphore, #tpu.memory_space<semaphore_mem>>) src(%arg12 : memref<128x128xf32, #tpu.memory_space<vmem>>) dst(%dma_wait3A_214 : memref<10112x128xf32, #tpu.memory_space<vmem_shared>>)
        tpu.yield
      }) : () -> ()
      %dma_wait3A_194 = arith.constant 7 : i32
      %dma_wait3A_195 = arith.constant 0 : i32
      %dma_wait3A_196 = tpu.memref_slice %arg10[%dma_wait3A_194, %dma_wait3A_195] : memref<40x128xi32, #tpu.memory_space<vmem>> -> memref<1x128xi32, #tpu.memory_space<vmem>>
      %dma_wait3A_197 = tpu.memref_squeeze %dma_wait3A_196 : memref<1x128xi32, #tpu.memory_space<vmem>> -> memref<128xi32, #tpu.memory_space<vmem>>
      %dma_wait3A_198 = arith.constant 0 : i32
      %dma_wait3A_199 = arith.constant 0 : i32
      %dma_wait3A_200 = tpu.memref_slice %arg7[%dma_wait3A_198, %dma_wait3A_199] : memref<10000x128xf32, #tpu.memory_space<hbm>> -> memref<10000x128xf32, #tpu.memory_space<hbm>>
      tpu.wait_indirect_dma semaphore(%arg16 : memref<!tpu.dma_semaphore, #tpu.memory_space<semaphore_mem>>) src(%dma_wait3A_200 : memref<10000x128xf32, #tpu.memory_space<hbm>>) dst(%arg13 : memref<128x128xf32, #tpu.memory_space<vmem>>)
      %run_scoped3A_201 = arith.constant 7 : i32
      "tpu.region"() ({
        %run_scoped3A_202 = tpu.sem_alloc : memref<!tpu.dma_semaphore, #tpu.memory_space<semaphore_mem>>
        %dma_start3A_203 = arith.constant 0 : i32
        %dma_start3A_204 = tpu.memref_slice %arg11[%run_scoped3A_201, %dma_start3A_203] : memref<40x128xi32, #tpu.memory_space<vmem>> -> memref<1x128xi32, #tpu.memory_space<vmem>>
        %dma_start3A_205 = tpu.memref_squeeze %dma_start3A_204 : memref<1x128xi32, #tpu.memory_space<vmem>> -> memref<128xi32, #tpu.memory_space<vmem>>
        %dma_start3A_206 = arith.constant 0 : i32
        %dma_start3A_207 = arith.constant 0 : i32
        %dma_start3A_208 = tpu.memref_slice %arg14[%dma_start3A_206, %dma_start3A_207] : memref<10112x128xf32, #tpu.memory_space<vmem_shared>> -> memref<10112x128xf32, #tpu.memory_space<vmem_shared>>
        tpu.enqueue_indirect_dma source(%arg13 : memref<128x128xf32, #tpu.memory_space<vmem>>) target(%dma_start3A_208 : memref<10112x128xf32, #tpu.memory_space<vmem_shared>>) offsets(%dma_start3A_205 : memref<128xi32, #tpu.memory_space<vmem>>) semaphore(%run_scoped3A_202 : memref<!tpu.dma_semaphore, #tpu.memory_space<semaphore_mem>>) {add = true}
        %dma_wait3A_209 = arith.constant 0 : i32
        %dma_wait3A_210 = tpu.memref_slice %arg11[%run_scoped3A_201, %dma_wait3A_209] : memref<40x128xi32, #tpu.memory_space<vmem>> -> memref<1x128xi32, #tpu.memory_space<vmem>>
        %dma_wait3A_211 = tpu.memref_squeeze %dma_wait3A_210 : memref<1x128xi32, #tpu.memory_space<vmem>> -> memref<128xi32, #tpu.memory_space<vmem>>
        %dma_wait3A_212 = arith.constant 0 : i32
        %dma_wait3A_213 = arith.constant 0 : i32
        %dma_wait3A_214 = tpu.memref_slice %arg14[%dma_wait3A_212, %dma_wait3A_213] : memref<10112x128xf32, #tpu.memory_space<vmem_shared>> -> memref<10112x128xf32, #tpu.memory_space<vmem_shared>>
        tpu.wait_indirect_dma semaphore(%run_scoped3A_202 : memref<!tpu.dma_semaphore, #tpu.memory_space<semaphore_mem>>) src(%arg13 : memref<128x128xf32, #tpu.memory_space<vmem>>) dst(%dma_wait3A_214 : memref<10112x128xf32, #tpu.memory_space<vmem_shared>>)
        tpu.yield
      }) : () -> ()
    } else {
    }
    %barrier3A_8 = arith.constant 0 : index
    tpu.barrier barrier_id(%barrier3A_8)
    "tpu.region"() ({
      %run_scoped3A = tpu.sem_alloc : memref<!tpu.dma_semaphore, #tpu.memory_space<semaphore_mem>>
      %dma_start3A = arith.constant 0 : i32
      %dma_start3A_9 = tpu.memref_slice %arg9[%arg0, %mul3A_0, %dma_start3A] : memref<2x10112x128xf32, #tpu.memory_space<hbm>> -> memref<1x632x128xf32, #tpu.memory_space<hbm>>
      %dma_start3A_10 = tpu.memref_squeeze %dma_start3A_9 : memref<1x632x128xf32, #tpu.memory_space<hbm>> -> memref<632x128xf32, #tpu.memory_space<hbm>>
      %dma_start3A_11 = arith.constant 0 : i32
      %dma_start3A_12 = tpu.memref_slice %arg14[%mul3A_0, %dma_start3A_11] : memref<10112x128xf32, #tpu.memory_space<vmem_shared>> -> memref<632x128xf32, #tpu.memory_space<vmem_shared>>
      tpu.enqueue_dma source(%dma_start3A_12 : memref<632x128xf32, #tpu.memory_space<vmem_shared>>) target(%dma_start3A_10 : memref<632x128xf32, #tpu.memory_space<hbm>>) target_semaphore(%run_scoped3A : memref<!tpu.dma_semaphore, #tpu.memory_space<semaphore_mem>>)
      %dma_wait3A = arith.constant 0 : i32
      %dma_wait3A_13 = tpu.memref_slice %arg9[%arg0, %mul3A_0, %dma_wait3A] : memref<2x10112x128xf32, #tpu.memory_space<hbm>> -> memref<1x632x128xf32, #tpu.memory_space<hbm>>
      %dma_wait3A_14 = tpu.memref_squeeze %dma_wait3A_13 : memref<1x632x128xf32, #tpu.memory_space<hbm>> -> memref<632x128xf32, #tpu.memory_space<hbm>>
      %dma_wait3A_15 = arith.constant 0 : i32
      %dma_wait3A_16 = tpu.memref_slice %arg14[%mul3A_0, %dma_wait3A_15] : memref<10112x128xf32, #tpu.memory_space<vmem_shared>> -> memref<632x128xf32, #tpu.memory_space<vmem_shared>>
      tpu.wait_dma2 semaphore(%run_scoped3A : memref<!tpu.dma_semaphore, #tpu.memory_space<semaphore_mem>>) src(%dma_wait3A_16 : memref<632x128xf32, #tpu.memory_space<vmem_shared>>) dst(%dma_wait3A_14 : memref<632x128xf32, #tpu.memory_space<hbm>>)
      tpu.yield
    }) : () -> ()
    return
  }
}

#map = affine_map<(d0, d1) -> (0, 0)>
#map1 = affine_map<(d0, d1) -> (0, 0, 0)>
module attributes {stable_mosaic.version = 14 : i64} {
  func.func @_sc_layer2(%arg0: i32, %arg1: i32, %arg2: memref<5376x128xi32, #tpu.memory_space<hbm>>, %arg3: memref<5376x128xi32, #tpu.memory_space<hbm>>, %arg4: memref<10000x128xf32, #tpu.memory_space<hbm>>, %arg5: memref<10000x128xf32, #tpu.memory_space<hbm>>, %arg6: memref<2x10112x128xf32, #tpu.memory_space<hbm>>, %arg7: memref<2x10112x128xf32, #tpu.memory_space<hbm>>, %arg8: memref<40x128xi32, #tpu.memory_space<vmem>>, %arg9: memref<40x128xi32, #tpu.memory_space<vmem>>, %arg10: memref<128x128xf32, #tpu.memory_space<vmem>>, %arg11: memref<128x128xf32, #tpu.memory_space<vmem>>, %arg12: memref<10112x128xf32, #tpu.memory_space<vmem_shared>>, %arg13: memref<!tpu.dma_semaphore, #tpu.memory_space<semaphore_mem>>, %arg14: memref<!tpu.dma_semaphore, #tpu.memory_space<semaphore_mem>>, %arg15: memref<!tpu.dma_semaphore, #tpu.memory_space<semaphore_mem>>, %arg16: memref<!tpu.dma_semaphore, #tpu.memory_space<semaphore_mem>>) attributes {dimension_semantics = [#tpu.dimension_semantics<core_parallel>, #tpu.dimension_semantics<subcore_parallel>], iteration_bounds = array<i64: 2, 16>, scalar_prefetch = 0 : i64, scratch_operands = 9 : i64, tpu.core_type = #tpu.core_type<sc_vector_subcore>, window_params = [{transform_indices = #map}, {transform_indices = #map}, {transform_indices = #map}, {transform_indices = #map}, {transform_indices = #map1}, {transform_indices = #map1}]} {
    %mul3A = arith.constant 632 : i32
    %mul3A_0 = arith.muli %arg1, %mul3A : i32
    "tpu.region"() ({
      %run_scoped3A_82 = tpu.sem_alloc : memref<!tpu.dma_semaphore, #tpu.memory_space<semaphore_mem>>
      %dma_start3A_83 = arith.constant 0 : i32
      %dma_start3A_84 = tpu.memref_slice %arg12[%mul3A_0, %dma_start3A_83] : memref<10112x128xf32, #tpu.memory_space<vmem_shared>> -> memref<632x128xf32, #tpu.memory_space<vmem_shared>>
      %dma_start3A_85 = arith.constant 0 : i32
      %dma_start3A_86 = tpu.memref_slice %arg6[%arg0, %mul3A_0, %dma_start3A_85] : memref<2x10112x128xf32, #tpu.memory_space<hbm>> -> memref<1x632x128xf32, #tpu.memory_space<hbm>>
      %dma_start3A_87 = tpu.memref_squeeze %dma_start3A_86 : memref<1x632x128xf32, #tpu.memory_space<hbm>> -> memref<632x128xf32, #tpu.memory_space<hbm>>
      tpu.enqueue_dma source(%dma_start3A_87 : memref<632x128xf32, #tpu.memory_space<hbm>>) target(%dma_start3A_84 : memref<632x128xf32, #tpu.memory_space<vmem_shared>>) target_semaphore(%run_scoped3A_82 : memref<!tpu.dma_semaphore, #tpu.memory_space<semaphore_mem>>)
      %dma_wait3A_88 = arith.constant 0 : i32
      %dma_wait3A_89 = tpu.memref_slice %arg12[%mul3A_0, %dma_wait3A_88] : memref<10112x128xf32, #tpu.memory_space<vmem_shared>> -> memref<632x128xf32, #tpu.memory_space<vmem_shared>>
      %dma_wait3A_90 = arith.constant 0 : i32
      %dma_wait3A_91 = tpu.memref_slice %arg6[%arg0, %mul3A_0, %dma_wait3A_90] : memref<2x10112x128xf32, #tpu.memory_space<hbm>> -> memref<1x632x128xf32, #tpu.memory_space<hbm>>
      %dma_wait3A_92 = tpu.memref_squeeze %dma_wait3A_91 : memref<1x632x128xf32, #tpu.memory_space<hbm>> -> memref<632x128xf32, #tpu.memory_space<hbm>>
      tpu.wait_dma2 semaphore(%run_scoped3A_82 : memref<!tpu.dma_semaphore, #tpu.memory_space<semaphore_mem>>) src(%dma_wait3A_92 : memref<632x128xf32, #tpu.memory_space<hbm>>) dst(%dma_wait3A_89 : memref<632x128xf32, #tpu.memory_space<vmem_shared>>)
      tpu.yield
    }) : () -> ()
    %barrier3A = arith.constant 0 : index
    tpu.barrier barrier_id(%barrier3A)
    %mul3A_1 = arith.constant 1280 : i32
    %mul3A_2 = arith.muli %arg0, %mul3A_1 : i32
    %add3A = arith.constant 0 : i32
    %add3A_3 = arith.addi %add3A, %mul3A_2 : i32
    %mul3A_4 = arith.constant 80 : i32
    %mul3A_5 = arith.muli %arg1, %mul3A_4 : i32
    %add3A_6 = arith.addi %add3A_3, %mul3A_5 : i32
    %add3A_7 = arith.constant 0 : i32
    %add3A_8 = arith.addi %add3A_6, %add3A_7 : i32
    "tpu.region"() ({
      %run_scoped3A_82 = tpu.sem_alloc : memref<!tpu.dma_semaphore, #tpu.memory_space<semaphore_mem>>
      %dma_start3A_83 = arith.constant 0 : i32
      %dma_start3A_84 = arith.constant 0 : i32
      %dma_start3A_85 = tpu.memref_slice %arg8[%dma_start3A_83, %dma_start3A_84] : memref<40x128xi32, #tpu.memory_space<vmem>> -> memref<40x128xi32, #tpu.memory_space<vmem>>
      %dma_start3A_86 = arith.constant 0 : i32
      %dma_start3A_87 = tpu.memref_slice %arg2[%add3A_8, %dma_start3A_86] : memref<5376x128xi32, #tpu.memory_space<hbm>> -> memref<40x128xi32, #tpu.memory_space<hbm>>
      %dma_start3A_88 = arith.constant 0 : i32
      %dma_start3A_89 = arith.constant 0 : i32
      %dma_start3A_90 = tpu.memref_slice %arg8[%dma_start3A_88, %dma_start3A_89] : memref<40x128xi32, #tpu.memory_space<vmem>> -> memref<40x128xi32, #tpu.memory_space<vmem>>
      %dma_start3A_91 = arith.constant 0 : i32
      %dma_start3A_92 = tpu.memref_slice %arg2[%add3A_8, %dma_start3A_91] : memref<5376x128xi32, #tpu.memory_space<hbm>> -> memref<40x128xi32, #tpu.memory_space<hbm>>
      tpu.enqueue_dma source(%dma_start3A_92 : memref<40x128xi32, #tpu.memory_space<hbm>>) target(%dma_start3A_90 : memref<40x128xi32, #tpu.memory_space<vmem>>) target_semaphore(%run_scoped3A_82 : memref<!tpu.dma_semaphore, #tpu.memory_space<semaphore_mem>>)
      %dma_wait3A_93 = arith.constant 0 : i32
      %dma_wait3A_94 = arith.constant 0 : i32
      %dma_wait3A_95 = tpu.memref_slice %arg8[%dma_wait3A_93, %dma_wait3A_94] : memref<40x128xi32, #tpu.memory_space<vmem>> -> memref<40x128xi32, #tpu.memory_space<vmem>>
      %dma_wait3A_96 = arith.constant 0 : i32
      %dma_wait3A_97 = tpu.memref_slice %arg2[%add3A_8, %dma_wait3A_96] : memref<5376x128xi32, #tpu.memory_space<hbm>> -> memref<40x128xi32, #tpu.memory_space<hbm>>
      %dma_wait3A_98 = arith.constant 0 : i32
      %dma_wait3A_99 = arith.constant 0 : i32
      %dma_wait3A_100 = tpu.memref_slice %arg8[%dma_wait3A_98, %dma_wait3A_99] : memref<40x128xi32, #tpu.memory_space<vmem>> -> memref<40x128xi32, #tpu.memory_space<vmem>>
      %dma_wait3A_101 = arith.constant 0 : i32
      %dma_wait3A_102 = tpu.memref_slice %arg2[%add3A_8, %dma_wait3A_101] : memref<5376x128xi32, #tpu.memory_space<hbm>> -> memref<40x128xi32, #tpu.memory_space<hbm>>
      tpu.wait_dma2 semaphore(%run_scoped3A_82 : memref<!tpu.dma_semaphore, #tpu.memory_space<semaphore_mem>>) src(%dma_wait3A_102 : memref<40x128xi32, #tpu.memory_space<hbm>>) dst(%dma_wait3A_100 : memref<40x128xi32, #tpu.memory_space<vmem>>)
      tpu.yield
    }) : () -> ()
    "tpu.region"() ({
      %run_scoped3A_82 = tpu.sem_alloc : memref<!tpu.dma_semaphore, #tpu.memory_space<semaphore_mem>>
      %dma_start3A_83 = arith.constant 0 : i32
      %dma_start3A_84 = arith.constant 0 : i32
      %dma_start3A_85 = tpu.memref_slice %arg9[%dma_start3A_83, %dma_start3A_84] : memref<40x128xi32, #tpu.memory_space<vmem>> -> memref<40x128xi32, #tpu.memory_space<vmem>>
      %dma_start3A_86 = arith.constant 0 : i32
      %dma_start3A_87 = tpu.memref_slice %arg3[%add3A_8, %dma_start3A_86] : memref<5376x128xi32, #tpu.memory_space<hbm>> -> memref<40x128xi32, #tpu.memory_space<hbm>>
      %dma_start3A_88 = arith.constant 0 : i32
      %dma_start3A_89 = arith.constant 0 : i32
      %dma_start3A_90 = tpu.memref_slice %arg9[%dma_start3A_88, %dma_start3A_89] : memref<40x128xi32, #tpu.memory_space<vmem>> -> memref<40x128xi32, #tpu.memory_space<vmem>>
      %dma_start3A_91 = arith.constant 0 : i32
      %dma_start3A_92 = tpu.memref_slice %arg3[%add3A_8, %dma_start3A_91] : memref<5376x128xi32, #tpu.memory_space<hbm>> -> memref<40x128xi32, #tpu.memory_space<hbm>>
      tpu.enqueue_dma source(%dma_start3A_92 : memref<40x128xi32, #tpu.memory_space<hbm>>) target(%dma_start3A_90 : memref<40x128xi32, #tpu.memory_space<vmem>>) target_semaphore(%run_scoped3A_82 : memref<!tpu.dma_semaphore, #tpu.memory_space<semaphore_mem>>)
      %dma_wait3A_93 = arith.constant 0 : i32
      %dma_wait3A_94 = arith.constant 0 : i32
      %dma_wait3A_95 = tpu.memref_slice %arg9[%dma_wait3A_93, %dma_wait3A_94] : memref<40x128xi32, #tpu.memory_space<vmem>> -> memref<40x128xi32, #tpu.memory_space<vmem>>
      %dma_wait3A_96 = arith.constant 0 : i32
      %dma_wait3A_97 = tpu.memref_slice %arg3[%add3A_8, %dma_wait3A_96] : memref<5376x128xi32, #tpu.memory_space<hbm>> -> memref<40x128xi32, #tpu.memory_space<hbm>>
      %dma_wait3A_98 = arith.constant 0 : i32
      %dma_wait3A_99 = arith.constant 0 : i32
      %dma_wait3A_100 = tpu.memref_slice %arg9[%dma_wait3A_98, %dma_wait3A_99] : memref<40x128xi32, #tpu.memory_space<vmem>> -> memref<40x128xi32, #tpu.memory_space<vmem>>
      %dma_wait3A_101 = arith.constant 0 : i32
      %dma_wait3A_102 = tpu.memref_slice %arg3[%add3A_8, %dma_wait3A_101] : memref<5376x128xi32, #tpu.memory_space<hbm>> -> memref<40x128xi32, #tpu.memory_space<hbm>>
      tpu.wait_dma2 semaphore(%run_scoped3A_82 : memref<!tpu.dma_semaphore, #tpu.memory_space<semaphore_mem>>) src(%dma_wait3A_102 : memref<40x128xi32, #tpu.memory_space<hbm>>) dst(%dma_wait3A_100 : memref<40x128xi32, #tpu.memory_space<vmem>>)
      tpu.yield
    }) : () -> ()
    %dma_start3A = arith.constant 0 : i32
    %dma_start3A_9 = arith.constant 0 : i32
    %dma_start3A_10 = tpu.memref_slice %arg8[%dma_start3A, %dma_start3A_9] : memref<40x128xi32, #tpu.memory_space<vmem>> -> memref<1x128xi32, #tpu.memory_space<vmem>>
    %dma_start3A_11 = tpu.memref_squeeze %dma_start3A_10 : memref<1x128xi32, #tpu.memory_space<vmem>> -> memref<128xi32, #tpu.memory_space<vmem>>
    %dma_start3A_12 = arith.constant 0 : i32
    %dma_start3A_13 = arith.constant 0 : i32
    %dma_start3A_14 = tpu.memref_slice %arg4[%dma_start3A_12, %dma_start3A_13] : memref<10000x128xf32, #tpu.memory_space<hbm>> -> memref<10000x128xf32, #tpu.memory_space<hbm>>
    tpu.enqueue_indirect_dma source(%dma_start3A_14 : memref<10000x128xf32, #tpu.memory_space<hbm>>) target(%arg10 : memref<128x128xf32, #tpu.memory_space<vmem>>) offsets(%dma_start3A_11 : memref<128xi32, #tpu.memory_space<vmem>>) semaphore(%arg13 : memref<!tpu.dma_semaphore, #tpu.memory_space<semaphore_mem>>)
    %dma_start3A_15 = arith.constant 1 : i32
    %dma_start3A_16 = arith.constant 0 : i32
    %dma_start3A_17 = tpu.memref_slice %arg8[%dma_start3A_15, %dma_start3A_16] : memref<40x128xi32, #tpu.memory_space<vmem>> -> memref<1x128xi32, #tpu.memory_space<vmem>>
    %dma_start3A_18 = tpu.memref_squeeze %dma_start3A_17 : memref<1x128xi32, #tpu.memory_space<vmem>> -> memref<128xi32, #tpu.memory_space<vmem>>
    %dma_start3A_19 = arith.constant 0 : i32
    %dma_start3A_20 = arith.constant 0 : i32
    %dma_start3A_21 = tpu.memref_slice %arg4[%dma_start3A_19, %dma_start3A_20] : memref<10000x128xf32, #tpu.memory_space<hbm>> -> memref<10000x128xf32, #tpu.memory_space<hbm>>
    tpu.enqueue_indirect_dma source(%dma_start3A_21 : memref<10000x128xf32, #tpu.memory_space<hbm>>) target(%arg11 : memref<128x128xf32, #tpu.memory_space<vmem>>) offsets(%dma_start3A_18 : memref<128xi32, #tpu.memory_space<vmem>>) semaphore(%arg14 : memref<!tpu.dma_semaphore, #tpu.memory_space<semaphore_mem>>)
    %scan3A = arith.constant 0 : i32
    %scan3A_22 = arith.constant 0 : i32
    %scan3A_23 = arith.constant 19 : i32
    %scan3A_24 = arith.addi %scan3A_22, %scan3A_23 : i32
    %scan3A_25 = arith.constant 1 : i32
    scf.for %scan3A_82 = %scan3A_22 to %scan3A_24 step %scan3A_25  : i32 {
      %mul3A_83 = arith.constant 2 : i32
      %mul3A_84 = arith.muli %scan3A_82, %mul3A_83 : i32
      %dma_wait3A_85 = arith.constant 0 : i32
      %dma_wait3A_86 = tpu.memref_slice %arg8[%mul3A_84, %dma_wait3A_85] : memref<40x128xi32, #tpu.memory_space<vmem>> -> memref<1x128xi32, #tpu.memory_space<vmem>>
      %dma_wait3A_87 = tpu.memref_squeeze %dma_wait3A_86 : memref<1x128xi32, #tpu.memory_space<vmem>> -> memref<128xi32, #tpu.memory_space<vmem>>
      %dma_wait3A_88 = arith.constant 0 : i32
      %dma_wait3A_89 = arith.constant 0 : i32
      %dma_wait3A_90 = tpu.memref_slice %arg4[%dma_wait3A_88, %dma_wait3A_89] : memref<10000x128xf32, #tpu.memory_space<hbm>> -> memref<10000x128xf32, #tpu.memory_space<hbm>>
      tpu.wait_indirect_dma semaphore(%arg13 : memref<!tpu.dma_semaphore, #tpu.memory_space<semaphore_mem>>) src(%dma_wait3A_90 : memref<10000x128xf32, #tpu.memory_space<hbm>>) dst(%arg10 : memref<128x128xf32, #tpu.memory_space<vmem>>)
      "tpu.region"() ({
        %run_scoped3A_117 = tpu.sem_alloc : memref<!tpu.dma_semaphore, #tpu.memory_space<semaphore_mem>>
        %dma_start3A_118 = arith.constant 0 : i32
        %dma_start3A_119 = tpu.memref_slice %arg9[%mul3A_84, %dma_start3A_118] : memref<40x128xi32, #tpu.memory_space<vmem>> -> memref<1x128xi32, #tpu.memory_space<vmem>>
        %dma_start3A_120 = tpu.memref_squeeze %dma_start3A_119 : memref<1x128xi32, #tpu.memory_space<vmem>> -> memref<128xi32, #tpu.memory_space<vmem>>
        %dma_start3A_121 = arith.constant 0 : i32
        %dma_start3A_122 = arith.constant 0 : i32
        %dma_start3A_123 = tpu.memref_slice %arg12[%dma_start3A_121, %dma_start3A_122] : memref<10112x128xf32, #tpu.memory_space<vmem_shared>> -> memref<10112x128xf32, #tpu.memory_space<vmem_shared>>
        tpu.enqueue_indirect_dma source(%arg10 : memref<128x128xf32, #tpu.memory_space<vmem>>) target(%dma_start3A_123 : memref<10112x128xf32, #tpu.memory_space<vmem_shared>>) offsets(%dma_start3A_120 : memref<128xi32, #tpu.memory_space<vmem>>) semaphore(%run_scoped3A_117 : memref<!tpu.dma_semaphore, #tpu.memory_space<semaphore_mem>>) {add = true}
        %dma_wait3A_124 = arith.constant 0 : i32
        %dma_wait3A_125 = tpu.memref_slice %arg9[%mul3A_84, %dma_wait3A_124] : memref<40x128xi32, #tpu.memory_space<vmem>> -> memref<1x128xi32, #tpu.memory_space<vmem>>
        %dma_wait3A_126 = tpu.memref_squeeze %dma_wait3A_125 : memref<1x128xi32, #tpu.memory_space<vmem>> -> memref<128xi32, #tpu.memory_space<vmem>>
        %dma_wait3A_127 = arith.constant 0 : i32
        %dma_wait3A_128 = arith.constant 0 : i32
        %dma_wait3A_129 = tpu.memref_slice %arg12[%dma_wait3A_127, %dma_wait3A_128] : memref<10112x128xf32, #tpu.memory_space<vmem_shared>> -> memref<10112x128xf32, #tpu.memory_space<vmem_shared>>
        tpu.wait_indirect_dma semaphore(%run_scoped3A_117 : memref<!tpu.dma_semaphore, #tpu.memory_space<semaphore_mem>>) src(%arg10 : memref<128x128xf32, #tpu.memory_space<vmem>>) dst(%dma_wait3A_129 : memref<10112x128xf32, #tpu.memory_space<vmem_shared>>)
        tpu.yield
      }) : () -> ()
      %add3A_91 = arith.constant 2 : i32
      %add3A_92 = arith.addi %mul3A_84, %add3A_91 : i32
      %dma_start3A_93 = arith.constant 0 : i32
      %dma_start3A_94 = tpu.memref_slice %arg8[%add3A_92, %dma_start3A_93] : memref<40x128xi32, #tpu.memory_space<vmem>> -> memref<1x128xi32, #tpu.memory_space<vmem>>
      %dma_start3A_95 = tpu.memref_squeeze %dma_start3A_94 : memref<1x128xi32, #tpu.memory_space<vmem>> -> memref<128xi32, #tpu.memory_space<vmem>>
      %dma_start3A_96 = arith.constant 0 : i32
      %dma_start3A_97 = arith.constant 0 : i32
      %dma_start3A_98 = tpu.memref_slice %arg4[%dma_start3A_96, %dma_start3A_97] : memref<10000x128xf32, #tpu.memory_space<hbm>> -> memref<10000x128xf32, #tpu.memory_space<hbm>>
      tpu.enqueue_indirect_dma source(%dma_start3A_98 : memref<10000x128xf32, #tpu.memory_space<hbm>>) target(%arg10 : memref<128x128xf32, #tpu.memory_space<vmem>>) offsets(%dma_start3A_95 : memref<128xi32, #tpu.memory_space<vmem>>) semaphore(%arg13 : memref<!tpu.dma_semaphore, #tpu.memory_space<semaphore_mem>>)
      %add3A_99 = arith.constant 1 : i32
      %add3A_100 = arith.addi %mul3A_84, %add3A_99 : i32
      %dma_wait3A_101 = arith.constant 0 : i32
      %dma_wait3A_102 = tpu.memref_slice %arg8[%add3A_100, %dma_wait3A_101] : memref<40x128xi32, #tpu.memory_space<vmem>> -> memref<1x128xi32, #tpu.memory_space<vmem>>
      %dma_wait3A_103 = tpu.memref_squeeze %dma_wait3A_102 : memref<1x128xi32, #tpu.memory_space<vmem>> -> memref<128xi32, #tpu.memory_space<vmem>>
      %dma_wait3A_104 = arith.constant 0 : i32
      %dma_wait3A_105 = arith.constant 0 : i32
      %dma_wait3A_106 = tpu.memref_slice %arg4[%dma_wait3A_104, %dma_wait3A_105] : memref<10000x128xf32, #tpu.memory_space<hbm>> -> memref<10000x128xf32, #tpu.memory_space<hbm>>
      tpu.wait_indirect_dma semaphore(%arg14 : memref<!tpu.dma_semaphore, #tpu.memory_space<semaphore_mem>>) src(%dma_wait3A_106 : memref<10000x128xf32, #tpu.memory_space<hbm>>) dst(%arg11 : memref<128x128xf32, #tpu.memory_space<vmem>>)
      %add3A_107 = arith.constant 1 : i32
      %add3A_108 = arith.addi %mul3A_84, %add3A_107 : i32
      "tpu.region"() ({
        %run_scoped3A_117 = tpu.sem_alloc : memref<!tpu.dma_semaphore, #tpu.memory_space<semaphore_mem>>
        %dma_start3A_118 = arith.constant 0 : i32
        %dma_start3A_119 = tpu.memref_slice %arg9[%add3A_108, %dma_start3A_118] : memref<40x128xi32, #tpu.memory_space<vmem>> -> memref<1x128xi32, #tpu.memory_space<vmem>>
        %dma_start3A_120 = tpu.memref_squeeze %dma_start3A_119 : memref<1x128xi32, #tpu.memory_space<vmem>> -> memref<128xi32, #tpu.memory_space<vmem>>
        %dma_start3A_121 = arith.constant 0 : i32
        %dma_start3A_122 = arith.constant 0 : i32
        %dma_start3A_123 = tpu.memref_slice %arg12[%dma_start3A_121, %dma_start3A_122] : memref<10112x128xf32, #tpu.memory_space<vmem_shared>> -> memref<10112x128xf32, #tpu.memory_space<vmem_shared>>
        tpu.enqueue_indirect_dma source(%arg11 : memref<128x128xf32, #tpu.memory_space<vmem>>) target(%dma_start3A_123 : memref<10112x128xf32, #tpu.memory_space<vmem_shared>>) offsets(%dma_start3A_120 : memref<128xi32, #tpu.memory_space<vmem>>) semaphore(%run_scoped3A_117 : memref<!tpu.dma_semaphore, #tpu.memory_space<semaphore_mem>>) {add = true}
        %dma_wait3A_124 = arith.constant 0 : i32
        %dma_wait3A_125 = tpu.memref_slice %arg9[%add3A_108, %dma_wait3A_124] : memref<40x128xi32, #tpu.memory_space<vmem>> -> memref<1x128xi32, #tpu.memory_space<vmem>>
        %dma_wait3A_126 = tpu.memref_squeeze %dma_wait3A_125 : memref<1x128xi32, #tpu.memory_space<vmem>> -> memref<128xi32, #tpu.memory_space<vmem>>
        %dma_wait3A_127 = arith.constant 0 : i32
        %dma_wait3A_128 = arith.constant 0 : i32
        %dma_wait3A_129 = tpu.memref_slice %arg12[%dma_wait3A_127, %dma_wait3A_128] : memref<10112x128xf32, #tpu.memory_space<vmem_shared>> -> memref<10112x128xf32, #tpu.memory_space<vmem_shared>>
        tpu.wait_indirect_dma semaphore(%run_scoped3A_117 : memref<!tpu.dma_semaphore, #tpu.memory_space<semaphore_mem>>) src(%arg11 : memref<128x128xf32, #tpu.memory_space<vmem>>) dst(%dma_wait3A_129 : memref<10112x128xf32, #tpu.memory_space<vmem_shared>>)
        tpu.yield
      }) : () -> ()
      %add3A_109 = arith.constant 3 : i32
      %add3A_110 = arith.addi %mul3A_84, %add3A_109 : i32
      %dma_start3A_111 = arith.constant 0 : i32
      %dma_start3A_112 = tpu.memref_slice %arg8[%add3A_110, %dma_start3A_111] : memref<40x128xi32, #tpu.memory_space<vmem>> -> memref<1x128xi32, #tpu.memory_space<vmem>>
      %dma_start3A_113 = tpu.memref_squeeze %dma_start3A_112 : memref<1x128xi32, #tpu.memory_space<vmem>> -> memref<128xi32, #tpu.memory_space<vmem>>
      %dma_start3A_114 = arith.constant 0 : i32
      %dma_start3A_115 = arith.constant 0 : i32
      %dma_start3A_116 = tpu.memref_slice %arg4[%dma_start3A_114, %dma_start3A_115] : memref<10000x128xf32, #tpu.memory_space<hbm>> -> memref<10000x128xf32, #tpu.memory_space<hbm>>
      tpu.enqueue_indirect_dma source(%dma_start3A_116 : memref<10000x128xf32, #tpu.memory_space<hbm>>) target(%arg11 : memref<128x128xf32, #tpu.memory_space<vmem>>) offsets(%dma_start3A_113 : memref<128xi32, #tpu.memory_space<vmem>>) semaphore(%arg14 : memref<!tpu.dma_semaphore, #tpu.memory_space<semaphore_mem>>)
    }
    %scan3A_26 = arith.constant 19 : i32
    %dma_wait3A = arith.constant 38 : i32
    %dma_wait3A_27 = arith.constant 0 : i32
    %dma_wait3A_28 = tpu.memref_slice %arg8[%dma_wait3A, %dma_wait3A_27] : memref<40x128xi32, #tpu.memory_space<vmem>> -> memref<1x128xi32, #tpu.memory_space<vmem>>
    %dma_wait3A_29 = tpu.memref_squeeze %dma_wait3A_28 : memref<1x128xi32, #tpu.memory_space<vmem>> -> memref<128xi32, #tpu.memory_space<vmem>>
    %dma_wait3A_30 = arith.constant 0 : i32
    %dma_wait3A_31 = arith.constant 0 : i32
    %dma_wait3A_32 = tpu.memref_slice %arg4[%dma_wait3A_30, %dma_wait3A_31] : memref<10000x128xf32, #tpu.memory_space<hbm>> -> memref<10000x128xf32, #tpu.memory_space<hbm>>
    tpu.wait_indirect_dma semaphore(%arg13 : memref<!tpu.dma_semaphore, #tpu.memory_space<semaphore_mem>>) src(%dma_wait3A_32 : memref<10000x128xf32, #tpu.memory_space<hbm>>) dst(%arg10 : memref<128x128xf32, #tpu.memory_space<vmem>>)
    %run_scoped3A = arith.constant 38 : i32
    "tpu.region"() ({
      %run_scoped3A_82 = tpu.sem_alloc : memref<!tpu.dma_semaphore, #tpu.memory_space<semaphore_mem>>
      %dma_start3A_83 = arith.constant 0 : i32
      %dma_start3A_84 = tpu.memref_slice %arg9[%run_scoped3A, %dma_start3A_83] : memref<40x128xi32, #tpu.memory_space<vmem>> -> memref<1x128xi32, #tpu.memory_space<vmem>>
      %dma_start3A_85 = tpu.memref_squeeze %dma_start3A_84 : memref<1x128xi32, #tpu.memory_space<vmem>> -> memref<128xi32, #tpu.memory_space<vmem>>
      %dma_start3A_86 = arith.constant 0 : i32
      %dma_start3A_87 = arith.constant 0 : i32
      %dma_start3A_88 = tpu.memref_slice %arg12[%dma_start3A_86, %dma_start3A_87] : memref<10112x128xf32, #tpu.memory_space<vmem_shared>> -> memref<10112x128xf32, #tpu.memory_space<vmem_shared>>
      tpu.enqueue_indirect_dma source(%arg10 : memref<128x128xf32, #tpu.memory_space<vmem>>) target(%dma_start3A_88 : memref<10112x128xf32, #tpu.memory_space<vmem_shared>>) offsets(%dma_start3A_85 : memref<128xi32, #tpu.memory_space<vmem>>) semaphore(%run_scoped3A_82 : memref<!tpu.dma_semaphore, #tpu.memory_space<semaphore_mem>>) {add = true}
      %dma_wait3A_89 = arith.constant 0 : i32
      %dma_wait3A_90 = tpu.memref_slice %arg9[%run_scoped3A, %dma_wait3A_89] : memref<40x128xi32, #tpu.memory_space<vmem>> -> memref<1x128xi32, #tpu.memory_space<vmem>>
      %dma_wait3A_91 = tpu.memref_squeeze %dma_wait3A_90 : memref<1x128xi32, #tpu.memory_space<vmem>> -> memref<128xi32, #tpu.memory_space<vmem>>
      %dma_wait3A_92 = arith.constant 0 : i32
      %dma_wait3A_93 = arith.constant 0 : i32
      %dma_wait3A_94 = tpu.memref_slice %arg12[%dma_wait3A_92, %dma_wait3A_93] : memref<10112x128xf32, #tpu.memory_space<vmem_shared>> -> memref<10112x128xf32, #tpu.memory_space<vmem_shared>>
      tpu.wait_indirect_dma semaphore(%run_scoped3A_82 : memref<!tpu.dma_semaphore, #tpu.memory_space<semaphore_mem>>) src(%arg10 : memref<128x128xf32, #tpu.memory_space<vmem>>) dst(%dma_wait3A_94 : memref<10112x128xf32, #tpu.memory_space<vmem_shared>>)
      tpu.yield
    }) : () -> ()
    %dma_wait3A_33 = arith.constant 39 : i32
    %dma_wait3A_34 = arith.constant 0 : i32
    %dma_wait3A_35 = tpu.memref_slice %arg8[%dma_wait3A_33, %dma_wait3A_34] : memref<40x128xi32, #tpu.memory_space<vmem>> -> memref<1x128xi32, #tpu.memory_space<vmem>>
    %dma_wait3A_36 = tpu.memref_squeeze %dma_wait3A_35 : memref<1x128xi32, #tpu.memory_space<vmem>> -> memref<128xi32, #tpu.memory_space<vmem>>
    %dma_wait3A_37 = arith.constant 0 : i32
    %dma_wait3A_38 = arith.constant 0 : i32
    %dma_wait3A_39 = tpu.memref_slice %arg4[%dma_wait3A_37, %dma_wait3A_38] : memref<10000x128xf32, #tpu.memory_space<hbm>> -> memref<10000x128xf32, #tpu.memory_space<hbm>>
    tpu.wait_indirect_dma semaphore(%arg14 : memref<!tpu.dma_semaphore, #tpu.memory_space<semaphore_mem>>) src(%dma_wait3A_39 : memref<10000x128xf32, #tpu.memory_space<hbm>>) dst(%arg11 : memref<128x128xf32, #tpu.memory_space<vmem>>)
    %run_scoped3A_40 = arith.constant 39 : i32
    "tpu.region"() ({
      %run_scoped3A_82 = tpu.sem_alloc : memref<!tpu.dma_semaphore, #tpu.memory_space<semaphore_mem>>
      %dma_start3A_83 = arith.constant 0 : i32
      %dma_start3A_84 = tpu.memref_slice %arg9[%run_scoped3A_40, %dma_start3A_83] : memref<40x128xi32, #tpu.memory_space<vmem>> -> memref<1x128xi32, #tpu.memory_space<vmem>>
      %dma_start3A_85 = tpu.memref_squeeze %dma_start3A_84 : memref<1x128xi32, #tpu.memory_space<vmem>> -> memref<128xi32, #tpu.memory_space<vmem>>
      %dma_start3A_86 = arith.constant 0 : i32
      %dma_start3A_87 = arith.constant 0 : i32
      %dma_start3A_88 = tpu.memref_slice %arg12[%dma_start3A_86, %dma_start3A_87] : memref<10112x128xf32, #tpu.memory_space<vmem_shared>> -> memref<10112x128xf32, #tpu.memory_space<vmem_shared>>
      tpu.enqueue_indirect_dma source(%arg11 : memref<128x128xf32, #tpu.memory_space<vmem>>) target(%dma_start3A_88 : memref<10112x128xf32, #tpu.memory_space<vmem_shared>>) offsets(%dma_start3A_85 : memref<128xi32, #tpu.memory_space<vmem>>) semaphore(%run_scoped3A_82 : memref<!tpu.dma_semaphore, #tpu.memory_space<semaphore_mem>>) {add = true}
      %dma_wait3A_89 = arith.constant 0 : i32
      %dma_wait3A_90 = tpu.memref_slice %arg9[%run_scoped3A_40, %dma_wait3A_89] : memref<40x128xi32, #tpu.memory_space<vmem>> -> memref<1x128xi32, #tpu.memory_space<vmem>>
      %dma_wait3A_91 = tpu.memref_squeeze %dma_wait3A_90 : memref<1x128xi32, #tpu.memory_space<vmem>> -> memref<128xi32, #tpu.memory_space<vmem>>
      %dma_wait3A_92 = arith.constant 0 : i32
      %dma_wait3A_93 = arith.constant 0 : i32
      %dma_wait3A_94 = tpu.memref_slice %arg12[%dma_wait3A_92, %dma_wait3A_93] : memref<10112x128xf32, #tpu.memory_space<vmem_shared>> -> memref<10112x128xf32, #tpu.memory_space<vmem_shared>>
      tpu.wait_indirect_dma semaphore(%run_scoped3A_82 : memref<!tpu.dma_semaphore, #tpu.memory_space<semaphore_mem>>) src(%arg11 : memref<128x128xf32, #tpu.memory_space<vmem>>) dst(%dma_wait3A_94 : memref<10112x128xf32, #tpu.memory_space<vmem_shared>>)
      tpu.yield
    }) : () -> ()
    %add3A_41 = arith.constant 40 : i32
    %add3A_42 = arith.addi %add3A_6, %add3A_41 : i32
    "tpu.region"() ({
      %run_scoped3A_82 = tpu.sem_alloc : memref<!tpu.dma_semaphore, #tpu.memory_space<semaphore_mem>>
      %dma_start3A_83 = arith.constant 0 : i32
      %dma_start3A_84 = arith.constant 0 : i32
      %dma_start3A_85 = tpu.memref_slice %arg8[%dma_start3A_83, %dma_start3A_84] : memref<40x128xi32, #tpu.memory_space<vmem>> -> memref<40x128xi32, #tpu.memory_space<vmem>>
      %dma_start3A_86 = arith.constant 0 : i32
      %dma_start3A_87 = tpu.memref_slice %arg2[%add3A_42, %dma_start3A_86] : memref<5376x128xi32, #tpu.memory_space<hbm>> -> memref<40x128xi32, #tpu.memory_space<hbm>>
      %dma_start3A_88 = arith.constant 0 : i32
      %dma_start3A_89 = arith.constant 0 : i32
      %dma_start3A_90 = tpu.memref_slice %arg8[%dma_start3A_88, %dma_start3A_89] : memref<40x128xi32, #tpu.memory_space<vmem>> -> memref<40x128xi32, #tpu.memory_space<vmem>>
      %dma_start3A_91 = arith.constant 0 : i32
      %dma_start3A_92 = tpu.memref_slice %arg2[%add3A_42, %dma_start3A_91] : memref<5376x128xi32, #tpu.memory_space<hbm>> -> memref<40x128xi32, #tpu.memory_space<hbm>>
      tpu.enqueue_dma source(%dma_start3A_92 : memref<40x128xi32, #tpu.memory_space<hbm>>) target(%dma_start3A_90 : memref<40x128xi32, #tpu.memory_space<vmem>>) target_semaphore(%run_scoped3A_82 : memref<!tpu.dma_semaphore, #tpu.memory_space<semaphore_mem>>)
      %dma_wait3A_93 = arith.constant 0 : i32
      %dma_wait3A_94 = arith.constant 0 : i32
      %dma_wait3A_95 = tpu.memref_slice %arg8[%dma_wait3A_93, %dma_wait3A_94] : memref<40x128xi32, #tpu.memory_space<vmem>> -> memref<40x128xi32, #tpu.memory_space<vmem>>
      %dma_wait3A_96 = arith.constant 0 : i32
      %dma_wait3A_97 = tpu.memref_slice %arg2[%add3A_42, %dma_wait3A_96] : memref<5376x128xi32, #tpu.memory_space<hbm>> -> memref<40x128xi32, #tpu.memory_space<hbm>>
      %dma_wait3A_98 = arith.constant 0 : i32
      %dma_wait3A_99 = arith.constant 0 : i32
      %dma_wait3A_100 = tpu.memref_slice %arg8[%dma_wait3A_98, %dma_wait3A_99] : memref<40x128xi32, #tpu.memory_space<vmem>> -> memref<40x128xi32, #tpu.memory_space<vmem>>
      %dma_wait3A_101 = arith.constant 0 : i32
      %dma_wait3A_102 = tpu.memref_slice %arg2[%add3A_42, %dma_wait3A_101] : memref<5376x128xi32, #tpu.memory_space<hbm>> -> memref<40x128xi32, #tpu.memory_space<hbm>>
      tpu.wait_dma2 semaphore(%run_scoped3A_82 : memref<!tpu.dma_semaphore, #tpu.memory_space<semaphore_mem>>) src(%dma_wait3A_102 : memref<40x128xi32, #tpu.memory_space<hbm>>) dst(%dma_wait3A_100 : memref<40x128xi32, #tpu.memory_space<vmem>>)
      tpu.yield
    }) : () -> ()
    "tpu.region"() ({
      %run_scoped3A_82 = tpu.sem_alloc : memref<!tpu.dma_semaphore, #tpu.memory_space<semaphore_mem>>
      %dma_start3A_83 = arith.constant 0 : i32
      %dma_start3A_84 = arith.constant 0 : i32
      %dma_start3A_85 = tpu.memref_slice %arg9[%dma_start3A_83, %dma_start3A_84] : memref<40x128xi32, #tpu.memory_space<vmem>> -> memref<40x128xi32, #tpu.memory_space<vmem>>
      %dma_start3A_86 = arith.constant 0 : i32
      %dma_start3A_87 = tpu.memref_slice %arg3[%add3A_42, %dma_start3A_86] : memref<5376x128xi32, #tpu.memory_space<hbm>> -> memref<40x128xi32, #tpu.memory_space<hbm>>
      %dma_start3A_88 = arith.constant 0 : i32
      %dma_start3A_89 = arith.constant 0 : i32
      %dma_start3A_90 = tpu.memref_slice %arg9[%dma_start3A_88, %dma_start3A_89] : memref<40x128xi32, #tpu.memory_space<vmem>> -> memref<40x128xi32, #tpu.memory_space<vmem>>
      %dma_start3A_91 = arith.constant 0 : i32
      %dma_start3A_92 = tpu.memref_slice %arg3[%add3A_42, %dma_start3A_91] : memref<5376x128xi32, #tpu.memory_space<hbm>> -> memref<40x128xi32, #tpu.memory_space<hbm>>
      tpu.enqueue_dma source(%dma_start3A_92 : memref<40x128xi32, #tpu.memory_space<hbm>>) target(%dma_start3A_90 : memref<40x128xi32, #tpu.memory_space<vmem>>) target_semaphore(%run_scoped3A_82 : memref<!tpu.dma_semaphore, #tpu.memory_space<semaphore_mem>>)
      %dma_wait3A_93 = arith.constant 0 : i32
      %dma_wait3A_94 = arith.constant 0 : i32
      %dma_wait3A_95 = tpu.memref_slice %arg9[%dma_wait3A_93, %dma_wait3A_94] : memref<40x128xi32, #tpu.memory_space<vmem>> -> memref<40x128xi32, #tpu.memory_space<vmem>>
      %dma_wait3A_96 = arith.constant 0 : i32
      %dma_wait3A_97 = tpu.memref_slice %arg3[%add3A_42, %dma_wait3A_96] : memref<5376x128xi32, #tpu.memory_space<hbm>> -> memref<40x128xi32, #tpu.memory_space<hbm>>
      %dma_wait3A_98 = arith.constant 0 : i32
      %dma_wait3A_99 = arith.constant 0 : i32
      %dma_wait3A_100 = tpu.memref_slice %arg9[%dma_wait3A_98, %dma_wait3A_99] : memref<40x128xi32, #tpu.memory_space<vmem>> -> memref<40x128xi32, #tpu.memory_space<vmem>>
      %dma_wait3A_101 = arith.constant 0 : i32
      %dma_wait3A_102 = tpu.memref_slice %arg3[%add3A_42, %dma_wait3A_101] : memref<5376x128xi32, #tpu.memory_space<hbm>> -> memref<40x128xi32, #tpu.memory_space<hbm>>
      tpu.wait_dma2 semaphore(%run_scoped3A_82 : memref<!tpu.dma_semaphore, #tpu.memory_space<semaphore_mem>>) src(%dma_wait3A_102 : memref<40x128xi32, #tpu.memory_space<hbm>>) dst(%dma_wait3A_100 : memref<40x128xi32, #tpu.memory_space<vmem>>)
      tpu.yield
    }) : () -> ()
    %dma_start3A_43 = arith.constant 0 : i32
    %dma_start3A_44 = arith.constant 0 : i32
    %dma_start3A_45 = tpu.memref_slice %arg8[%dma_start3A_43, %dma_start3A_44] : memref<40x128xi32, #tpu.memory_space<vmem>> -> memref<1x128xi32, #tpu.memory_space<vmem>>
    %dma_start3A_46 = tpu.memref_squeeze %dma_start3A_45 : memref<1x128xi32, #tpu.memory_space<vmem>> -> memref<128xi32, #tpu.memory_space<vmem>>
    %dma_start3A_47 = arith.constant 0 : i32
    %dma_start3A_48 = arith.constant 0 : i32
    %dma_start3A_49 = tpu.memref_slice %arg4[%dma_start3A_47, %dma_start3A_48] : memref<10000x128xf32, #tpu.memory_space<hbm>> -> memref<10000x128xf32, #tpu.memory_space<hbm>>
    tpu.enqueue_indirect_dma source(%dma_start3A_49 : memref<10000x128xf32, #tpu.memory_space<hbm>>) target(%arg10 : memref<128x128xf32, #tpu.memory_space<vmem>>) offsets(%dma_start3A_46 : memref<128xi32, #tpu.memory_space<vmem>>) semaphore(%arg13 : memref<!tpu.dma_semaphore, #tpu.memory_space<semaphore_mem>>)
    %dma_start3A_50 = arith.constant 1 : i32
    %dma_start3A_51 = arith.constant 0 : i32
    %dma_start3A_52 = tpu.memref_slice %arg8[%dma_start3A_50, %dma_start3A_51] : memref<40x128xi32, #tpu.memory_space<vmem>> -> memref<1x128xi32, #tpu.memory_space<vmem>>
    %dma_start3A_53 = tpu.memref_squeeze %dma_start3A_52 : memref<1x128xi32, #tpu.memory_space<vmem>> -> memref<128xi32, #tpu.memory_space<vmem>>
    %dma_start3A_54 = arith.constant 0 : i32
    %dma_start3A_55 = arith.constant 0 : i32
    %dma_start3A_56 = tpu.memref_slice %arg4[%dma_start3A_54, %dma_start3A_55] : memref<10000x128xf32, #tpu.memory_space<hbm>> -> memref<10000x128xf32, #tpu.memory_space<hbm>>
    tpu.enqueue_indirect_dma source(%dma_start3A_56 : memref<10000x128xf32, #tpu.memory_space<hbm>>) target(%arg11 : memref<128x128xf32, #tpu.memory_space<vmem>>) offsets(%dma_start3A_53 : memref<128xi32, #tpu.memory_space<vmem>>) semaphore(%arg14 : memref<!tpu.dma_semaphore, #tpu.memory_space<semaphore_mem>>)
    %scan3A_57 = arith.constant 0 : i32
    %scan3A_58 = arith.constant 0 : i32
    %scan3A_59 = arith.constant 19 : i32
    %scan3A_60 = arith.addi %scan3A_58, %scan3A_59 : i32
    %scan3A_61 = arith.constant 1 : i32
    scf.for %scan3A_82 = %scan3A_58 to %scan3A_60 step %scan3A_61  : i32 {
      %mul3A_83 = arith.constant 2 : i32
      %mul3A_84 = arith.muli %scan3A_82, %mul3A_83 : i32
      %dma_wait3A_85 = arith.constant 0 : i32
      %dma_wait3A_86 = tpu.memref_slice %arg8[%mul3A_84, %dma_wait3A_85] : memref<40x128xi32, #tpu.memory_space<vmem>> -> memref<1x128xi32, #tpu.memory_space<vmem>>
      %dma_wait3A_87 = tpu.memref_squeeze %dma_wait3A_86 : memref<1x128xi32, #tpu.memory_space<vmem>> -> memref<128xi32, #tpu.memory_space<vmem>>
      %dma_wait3A_88 = arith.constant 0 : i32
      %dma_wait3A_89 = arith.constant 0 : i32
      %dma_wait3A_90 = tpu.memref_slice %arg4[%dma_wait3A_88, %dma_wait3A_89] : memref<10000x128xf32, #tpu.memory_space<hbm>> -> memref<10000x128xf32, #tpu.memory_space<hbm>>
      tpu.wait_indirect_dma semaphore(%arg13 : memref<!tpu.dma_semaphore, #tpu.memory_space<semaphore_mem>>) src(%dma_wait3A_90 : memref<10000x128xf32, #tpu.memory_space<hbm>>) dst(%arg10 : memref<128x128xf32, #tpu.memory_space<vmem>>)
      "tpu.region"() ({
        %run_scoped3A_117 = tpu.sem_alloc : memref<!tpu.dma_semaphore, #tpu.memory_space<semaphore_mem>>
        %dma_start3A_118 = arith.constant 0 : i32
        %dma_start3A_119 = tpu.memref_slice %arg9[%mul3A_84, %dma_start3A_118] : memref<40x128xi32, #tpu.memory_space<vmem>> -> memref<1x128xi32, #tpu.memory_space<vmem>>
        %dma_start3A_120 = tpu.memref_squeeze %dma_start3A_119 : memref<1x128xi32, #tpu.memory_space<vmem>> -> memref<128xi32, #tpu.memory_space<vmem>>
        %dma_start3A_121 = arith.constant 0 : i32
        %dma_start3A_122 = arith.constant 0 : i32
        %dma_start3A_123 = tpu.memref_slice %arg12[%dma_start3A_121, %dma_start3A_122] : memref<10112x128xf32, #tpu.memory_space<vmem_shared>> -> memref<10112x128xf32, #tpu.memory_space<vmem_shared>>
        tpu.enqueue_indirect_dma source(%arg10 : memref<128x128xf32, #tpu.memory_space<vmem>>) target(%dma_start3A_123 : memref<10112x128xf32, #tpu.memory_space<vmem_shared>>) offsets(%dma_start3A_120 : memref<128xi32, #tpu.memory_space<vmem>>) semaphore(%run_scoped3A_117 : memref<!tpu.dma_semaphore, #tpu.memory_space<semaphore_mem>>) {add = true}
        %dma_wait3A_124 = arith.constant 0 : i32
        %dma_wait3A_125 = tpu.memref_slice %arg9[%mul3A_84, %dma_wait3A_124] : memref<40x128xi32, #tpu.memory_space<vmem>> -> memref<1x128xi32, #tpu.memory_space<vmem>>
        %dma_wait3A_126 = tpu.memref_squeeze %dma_wait3A_125 : memref<1x128xi32, #tpu.memory_space<vmem>> -> memref<128xi32, #tpu.memory_space<vmem>>
        %dma_wait3A_127 = arith.constant 0 : i32
        %dma_wait3A_128 = arith.constant 0 : i32
        %dma_wait3A_129 = tpu.memref_slice %arg12[%dma_wait3A_127, %dma_wait3A_128] : memref<10112x128xf32, #tpu.memory_space<vmem_shared>> -> memref<10112x128xf32, #tpu.memory_space<vmem_shared>>
        tpu.wait_indirect_dma semaphore(%run_scoped3A_117 : memref<!tpu.dma_semaphore, #tpu.memory_space<semaphore_mem>>) src(%arg10 : memref<128x128xf32, #tpu.memory_space<vmem>>) dst(%dma_wait3A_129 : memref<10112x128xf32, #tpu.memory_space<vmem_shared>>)
        tpu.yield
      }) : () -> ()
      %add3A_91 = arith.constant 2 : i32
      %add3A_92 = arith.addi %mul3A_84, %add3A_91 : i32
      %dma_start3A_93 = arith.constant 0 : i32
      %dma_start3A_94 = tpu.memref_slice %arg8[%add3A_92, %dma_start3A_93] : memref<40x128xi32, #tpu.memory_space<vmem>> -> memref<1x128xi32, #tpu.memory_space<vmem>>
      %dma_start3A_95 = tpu.memref_squeeze %dma_start3A_94 : memref<1x128xi32, #tpu.memory_space<vmem>> -> memref<128xi32, #tpu.memory_space<vmem>>
      %dma_start3A_96 = arith.constant 0 : i32
      %dma_start3A_97 = arith.constant 0 : i32
      %dma_start3A_98 = tpu.memref_slice %arg4[%dma_start3A_96, %dma_start3A_97] : memref<10000x128xf32, #tpu.memory_space<hbm>> -> memref<10000x128xf32, #tpu.memory_space<hbm>>
      tpu.enqueue_indirect_dma source(%dma_start3A_98 : memref<10000x128xf32, #tpu.memory_space<hbm>>) target(%arg10 : memref<128x128xf32, #tpu.memory_space<vmem>>) offsets(%dma_start3A_95 : memref<128xi32, #tpu.memory_space<vmem>>) semaphore(%arg13 : memref<!tpu.dma_semaphore, #tpu.memory_space<semaphore_mem>>)
      %add3A_99 = arith.constant 1 : i32
      %add3A_100 = arith.addi %mul3A_84, %add3A_99 : i32
      %dma_wait3A_101 = arith.constant 0 : i32
      %dma_wait3A_102 = tpu.memref_slice %arg8[%add3A_100, %dma_wait3A_101] : memref<40x128xi32, #tpu.memory_space<vmem>> -> memref<1x128xi32, #tpu.memory_space<vmem>>
      %dma_wait3A_103 = tpu.memref_squeeze %dma_wait3A_102 : memref<1x128xi32, #tpu.memory_space<vmem>> -> memref<128xi32, #tpu.memory_space<vmem>>
      %dma_wait3A_104 = arith.constant 0 : i32
      %dma_wait3A_105 = arith.constant 0 : i32
      %dma_wait3A_106 = tpu.memref_slice %arg4[%dma_wait3A_104, %dma_wait3A_105] : memref<10000x128xf32, #tpu.memory_space<hbm>> -> memref<10000x128xf32, #tpu.memory_space<hbm>>
      tpu.wait_indirect_dma semaphore(%arg14 : memref<!tpu.dma_semaphore, #tpu.memory_space<semaphore_mem>>) src(%dma_wait3A_106 : memref<10000x128xf32, #tpu.memory_space<hbm>>) dst(%arg11 : memref<128x128xf32, #tpu.memory_space<vmem>>)
      %add3A_107 = arith.constant 1 : i32
      %add3A_108 = arith.addi %mul3A_84, %add3A_107 : i32
      "tpu.region"() ({
        %run_scoped3A_117 = tpu.sem_alloc : memref<!tpu.dma_semaphore, #tpu.memory_space<semaphore_mem>>
        %dma_start3A_118 = arith.constant 0 : i32
        %dma_start3A_119 = tpu.memref_slice %arg9[%add3A_108, %dma_start3A_118] : memref<40x128xi32, #tpu.memory_space<vmem>> -> memref<1x128xi32, #tpu.memory_space<vmem>>
        %dma_start3A_120 = tpu.memref_squeeze %dma_start3A_119 : memref<1x128xi32, #tpu.memory_space<vmem>> -> memref<128xi32, #tpu.memory_space<vmem>>
        %dma_start3A_121 = arith.constant 0 : i32
        %dma_start3A_122 = arith.constant 0 : i32
        %dma_start3A_123 = tpu.memref_slice %arg12[%dma_start3A_121, %dma_start3A_122] : memref<10112x128xf32, #tpu.memory_space<vmem_shared>> -> memref<10112x128xf32, #tpu.memory_space<vmem_shared>>
        tpu.enqueue_indirect_dma source(%arg11 : memref<128x128xf32, #tpu.memory_space<vmem>>) target(%dma_start3A_123 : memref<10112x128xf32, #tpu.memory_space<vmem_shared>>) offsets(%dma_start3A_120 : memref<128xi32, #tpu.memory_space<vmem>>) semaphore(%run_scoped3A_117 : memref<!tpu.dma_semaphore, #tpu.memory_space<semaphore_mem>>) {add = true}
        %dma_wait3A_124 = arith.constant 0 : i32
        %dma_wait3A_125 = tpu.memref_slice %arg9[%add3A_108, %dma_wait3A_124] : memref<40x128xi32, #tpu.memory_space<vmem>> -> memref<1x128xi32, #tpu.memory_space<vmem>>
        %dma_wait3A_126 = tpu.memref_squeeze %dma_wait3A_125 : memref<1x128xi32, #tpu.memory_space<vmem>> -> memref<128xi32, #tpu.memory_space<vmem>>
        %dma_wait3A_127 = arith.constant 0 : i32
        %dma_wait3A_128 = arith.constant 0 : i32
        %dma_wait3A_129 = tpu.memref_slice %arg12[%dma_wait3A_127, %dma_wait3A_128] : memref<10112x128xf32, #tpu.memory_space<vmem_shared>> -> memref<10112x128xf32, #tpu.memory_space<vmem_shared>>
        tpu.wait_indirect_dma semaphore(%run_scoped3A_117 : memref<!tpu.dma_semaphore, #tpu.memory_space<semaphore_mem>>) src(%arg11 : memref<128x128xf32, #tpu.memory_space<vmem>>) dst(%dma_wait3A_129 : memref<10112x128xf32, #tpu.memory_space<vmem_shared>>)
        tpu.yield
      }) : () -> ()
      %add3A_109 = arith.constant 3 : i32
      %add3A_110 = arith.addi %mul3A_84, %add3A_109 : i32
      %dma_start3A_111 = arith.constant 0 : i32
      %dma_start3A_112 = tpu.memref_slice %arg8[%add3A_110, %dma_start3A_111] : memref<40x128xi32, #tpu.memory_space<vmem>> -> memref<1x128xi32, #tpu.memory_space<vmem>>
      %dma_start3A_113 = tpu.memref_squeeze %dma_start3A_112 : memref<1x128xi32, #tpu.memory_space<vmem>> -> memref<128xi32, #tpu.memory_space<vmem>>
      %dma_start3A_114 = arith.constant 0 : i32
      %dma_start3A_115 = arith.constant 0 : i32
      %dma_start3A_116 = tpu.memref_slice %arg4[%dma_start3A_114, %dma_start3A_115] : memref<10000x128xf32, #tpu.memory_space<hbm>> -> memref<10000x128xf32, #tpu.memory_space<hbm>>
      tpu.enqueue_indirect_dma source(%dma_start3A_116 : memref<10000x128xf32, #tpu.memory_space<hbm>>) target(%arg11 : memref<128x128xf32, #tpu.memory_space<vmem>>) offsets(%dma_start3A_113 : memref<128xi32, #tpu.memory_space<vmem>>) semaphore(%arg14 : memref<!tpu.dma_semaphore, #tpu.memory_space<semaphore_mem>>)
    }
    %scan3A_62 = arith.constant 19 : i32
    %dma_wait3A_63 = arith.constant 38 : i32
    %dma_wait3A_64 = arith.constant 0 : i32
    %dma_wait3A_65 = tpu.memref_slice %arg8[%dma_wait3A_63, %dma_wait3A_64] : memref<40x128xi32, #tpu.memory_space<vmem>> -> memref<1x128xi32, #tpu.memory_space<vmem>>
    %dma_wait3A_66 = tpu.memref_squeeze %dma_wait3A_65 : memref<1x128xi32, #tpu.memory_space<vmem>> -> memref<128xi32, #tpu.memory_space<vmem>>
    %dma_wait3A_67 = arith.constant 0 : i32
    %dma_wait3A_68 = arith.constant 0 : i32
    %dma_wait3A_69 = tpu.memref_slice %arg4[%dma_wait3A_67, %dma_wait3A_68] : memref<10000x128xf32, #tpu.memory_space<hbm>> -> memref<10000x128xf32, #tpu.memory_space<hbm>>
    tpu.wait_indirect_dma semaphore(%arg13 : memref<!tpu.dma_semaphore, #tpu.memory_space<semaphore_mem>>) src(%dma_wait3A_69 : memref<10000x128xf32, #tpu.memory_space<hbm>>) dst(%arg10 : memref<128x128xf32, #tpu.memory_space<vmem>>)
    %run_scoped3A_70 = arith.constant 38 : i32
    "tpu.region"() ({
      %run_scoped3A_82 = tpu.sem_alloc : memref<!tpu.dma_semaphore, #tpu.memory_space<semaphore_mem>>
      %dma_start3A_83 = arith.constant 0 : i32
      %dma_start3A_84 = tpu.memref_slice %arg9[%run_scoped3A_70, %dma_start3A_83] : memref<40x128xi32, #tpu.memory_space<vmem>> -> memref<1x128xi32, #tpu.memory_space<vmem>>
      %dma_start3A_85 = tpu.memref_squeeze %dma_start3A_84 : memref<1x128xi32, #tpu.memory_space<vmem>> -> memref<128xi32, #tpu.memory_space<vmem>>
      %dma_start3A_86 = arith.constant 0 : i32
      %dma_start3A_87 = arith.constant 0 : i32
      %dma_start3A_88 = tpu.memref_slice %arg12[%dma_start3A_86, %dma_start3A_87] : memref<10112x128xf32, #tpu.memory_space<vmem_shared>> -> memref<10112x128xf32, #tpu.memory_space<vmem_shared>>
      tpu.enqueue_indirect_dma source(%arg10 : memref<128x128xf32, #tpu.memory_space<vmem>>) target(%dma_start3A_88 : memref<10112x128xf32, #tpu.memory_space<vmem_shared>>) offsets(%dma_start3A_85 : memref<128xi32, #tpu.memory_space<vmem>>) semaphore(%run_scoped3A_82 : memref<!tpu.dma_semaphore, #tpu.memory_space<semaphore_mem>>) {add = true}
      %dma_wait3A_89 = arith.constant 0 : i32
      %dma_wait3A_90 = tpu.memref_slice %arg9[%run_scoped3A_70, %dma_wait3A_89] : memref<40x128xi32, #tpu.memory_space<vmem>> -> memref<1x128xi32, #tpu.memory_space<vmem>>
      %dma_wait3A_91 = tpu.memref_squeeze %dma_wait3A_90 : memref<1x128xi32, #tpu.memory_space<vmem>> -> memref<128xi32, #tpu.memory_space<vmem>>
      %dma_wait3A_92 = arith.constant 0 : i32
      %dma_wait3A_93 = arith.constant 0 : i32
      %dma_wait3A_94 = tpu.memref_slice %arg12[%dma_wait3A_92, %dma_wait3A_93] : memref<10112x128xf32, #tpu.memory_space<vmem_shared>> -> memref<10112x128xf32, #tpu.memory_space<vmem_shared>>
      tpu.wait_indirect_dma semaphore(%run_scoped3A_82 : memref<!tpu.dma_semaphore, #tpu.memory_space<semaphore_mem>>) src(%arg10 : memref<128x128xf32, #tpu.memory_space<vmem>>) dst(%dma_wait3A_94 : memref<10112x128xf32, #tpu.memory_space<vmem_shared>>)
      tpu.yield
    }) : () -> ()
    %dma_wait3A_71 = arith.constant 39 : i32
    %dma_wait3A_72 = arith.constant 0 : i32
    %dma_wait3A_73 = tpu.memref_slice %arg8[%dma_wait3A_71, %dma_wait3A_72] : memref<40x128xi32, #tpu.memory_space<vmem>> -> memref<1x128xi32, #tpu.memory_space<vmem>>
    %dma_wait3A_74 = tpu.memref_squeeze %dma_wait3A_73 : memref<1x128xi32, #tpu.memory_space<vmem>> -> memref<128xi32, #tpu.memory_space<vmem>>
    %dma_wait3A_75 = arith.constant 0 : i32
    %dma_wait3A_76 = arith.constant 0 : i32
    %dma_wait3A_77 = tpu.memref_slice %arg4[%dma_wait3A_75, %dma_wait3A_76] : memref<10000x128xf32, #tpu.memory_space<hbm>> -> memref<10000x128xf32, #tpu.memory_space<hbm>>
    tpu.wait_indirect_dma semaphore(%arg14 : memref<!tpu.dma_semaphore, #tpu.memory_space<semaphore_mem>>) src(%dma_wait3A_77 : memref<10000x128xf32, #tpu.memory_space<hbm>>) dst(%arg11 : memref<128x128xf32, #tpu.memory_space<vmem>>)
    %run_scoped3A_78 = arith.constant 39 : i32
    "tpu.region"() ({
      %run_scoped3A_82 = tpu.sem_alloc : memref<!tpu.dma_semaphore, #tpu.memory_space<semaphore_mem>>
      %dma_start3A_83 = arith.constant 0 : i32
      %dma_start3A_84 = tpu.memref_slice %arg9[%run_scoped3A_78, %dma_start3A_83] : memref<40x128xi32, #tpu.memory_space<vmem>> -> memref<1x128xi32, #tpu.memory_space<vmem>>
      %dma_start3A_85 = tpu.memref_squeeze %dma_start3A_84 : memref<1x128xi32, #tpu.memory_space<vmem>> -> memref<128xi32, #tpu.memory_space<vmem>>
      %dma_start3A_86 = arith.constant 0 : i32
      %dma_start3A_87 = arith.constant 0 : i32
      %dma_start3A_88 = tpu.memref_slice %arg12[%dma_start3A_86, %dma_start3A_87] : memref<10112x128xf32, #tpu.memory_space<vmem_shared>> -> memref<10112x128xf32, #tpu.memory_space<vmem_shared>>
      tpu.enqueue_indirect_dma source(%arg11 : memref<128x128xf32, #tpu.memory_space<vmem>>) target(%dma_start3A_88 : memref<10112x128xf32, #tpu.memory_space<vmem_shared>>) offsets(%dma_start3A_85 : memref<128xi32, #tpu.memory_space<vmem>>) semaphore(%run_scoped3A_82 : memref<!tpu.dma_semaphore, #tpu.memory_space<semaphore_mem>>) {add = true}
      %dma_wait3A_89 = arith.constant 0 : i32
      %dma_wait3A_90 = tpu.memref_slice %arg9[%run_scoped3A_78, %dma_wait3A_89] : memref<40x128xi32, #tpu.memory_space<vmem>> -> memref<1x128xi32, #tpu.memory_space<vmem>>
      %dma_wait3A_91 = tpu.memref_squeeze %dma_wait3A_90 : memref<1x128xi32, #tpu.memory_space<vmem>> -> memref<128xi32, #tpu.memory_space<vmem>>
      %dma_wait3A_92 = arith.constant 0 : i32
      %dma_wait3A_93 = arith.constant 0 : i32
      %dma_wait3A_94 = tpu.memref_slice %arg12[%dma_wait3A_92, %dma_wait3A_93] : memref<10112x128xf32, #tpu.memory_space<vmem_shared>> -> memref<10112x128xf32, #tpu.memory_space<vmem_shared>>
      tpu.wait_indirect_dma semaphore(%run_scoped3A_82 : memref<!tpu.dma_semaphore, #tpu.memory_space<semaphore_mem>>) src(%arg11 : memref<128x128xf32, #tpu.memory_space<vmem>>) dst(%dma_wait3A_94 : memref<10112x128xf32, #tpu.memory_space<vmem_shared>>)
      tpu.yield
    }) : () -> ()
    %lt3A = arith.constant 8 : i32
    %lt3A_79 = arith.cmpi slt, %arg1, %lt3A : i32
    %convert_element_type3A = arith.extui %lt3A_79 : i1 to i32
    %cond3A = arith.constant 0 : i32
    %cond3A_80 = arith.cmpi ne, %convert_element_type3A, %cond3A : i32
    scf.if %cond3A_80 {
      %mul3A_82 = arith.constant 64 : i32
      %mul3A_83 = arith.muli %arg0, %mul3A_82 : i32
      %add3A_84 = arith.constant 5120 : i32
      %add3A_85 = arith.addi %add3A_84, %mul3A_83 : i32
      %mul3A_86 = arith.constant 8 : i32
      %mul3A_87 = arith.muli %arg1, %mul3A_86 : i32
      %add3A_88 = arith.addi %add3A_85, %mul3A_87 : i32
      %add3A_89 = arith.constant 0 : i32
      %add3A_90 = arith.addi %add3A_88, %add3A_89 : i32
      "tpu.region"() ({
        %run_scoped3A_127 = tpu.sem_alloc : memref<!tpu.dma_semaphore, #tpu.memory_space<semaphore_mem>>
        %dma_start3A_128 = arith.constant 0 : i32
        %dma_start3A_129 = arith.constant 0 : i32
        %dma_start3A_130 = tpu.memref_slice %arg8[%dma_start3A_128, %dma_start3A_129] : memref<40x128xi32, #tpu.memory_space<vmem>> -> memref<8x128xi32, #tpu.memory_space<vmem>>
        %dma_start3A_131 = arith.constant 0 : i32
        %dma_start3A_132 = tpu.memref_slice %arg2[%add3A_90, %dma_start3A_131] : memref<5376x128xi32, #tpu.memory_space<hbm>> -> memref<8x128xi32, #tpu.memory_space<hbm>>
        %dma_start3A_133 = arith.constant 0 : i32
        %dma_start3A_134 = arith.constant 0 : i32
        %dma_start3A_135 = tpu.memref_slice %arg8[%dma_start3A_133, %dma_start3A_134] : memref<40x128xi32, #tpu.memory_space<vmem>> -> memref<8x128xi32, #tpu.memory_space<vmem>>
        %dma_start3A_136 = arith.constant 0 : i32
        %dma_start3A_137 = tpu.memref_slice %arg2[%add3A_90, %dma_start3A_136] : memref<5376x128xi32, #tpu.memory_space<hbm>> -> memref<8x128xi32, #tpu.memory_space<hbm>>
        tpu.enqueue_dma source(%dma_start3A_137 : memref<8x128xi32, #tpu.memory_space<hbm>>) target(%dma_start3A_135 : memref<8x128xi32, #tpu.memory_space<vmem>>) target_semaphore(%run_scoped3A_127 : memref<!tpu.dma_semaphore, #tpu.memory_space<semaphore_mem>>)
        %dma_wait3A_138 = arith.constant 0 : i32
        %dma_wait3A_139 = arith.constant 0 : i32
        %dma_wait3A_140 = tpu.memref_slice %arg8[%dma_wait3A_138, %dma_wait3A_139] : memref<40x128xi32, #tpu.memory_space<vmem>> -> memref<8x128xi32, #tpu.memory_space<vmem>>
        %dma_wait3A_141 = arith.constant 0 : i32
        %dma_wait3A_142 = tpu.memref_slice %arg2[%add3A_90, %dma_wait3A_141] : memref<5376x128xi32, #tpu.memory_space<hbm>> -> memref<8x128xi32, #tpu.memory_space<hbm>>
        %dma_wait3A_143 = arith.constant 0 : i32
        %dma_wait3A_144 = arith.constant 0 : i32
        %dma_wait3A_145 = tpu.memref_slice %arg8[%dma_wait3A_143, %dma_wait3A_144] : memref<40x128xi32, #tpu.memory_space<vmem>> -> memref<8x128xi32, #tpu.memory_space<vmem>>
        %dma_wait3A_146 = arith.constant 0 : i32
        %dma_wait3A_147 = tpu.memref_slice %arg2[%add3A_90, %dma_wait3A_146] : memref<5376x128xi32, #tpu.memory_space<hbm>> -> memref<8x128xi32, #tpu.memory_space<hbm>>
        tpu.wait_dma2 semaphore(%run_scoped3A_127 : memref<!tpu.dma_semaphore, #tpu.memory_space<semaphore_mem>>) src(%dma_wait3A_147 : memref<8x128xi32, #tpu.memory_space<hbm>>) dst(%dma_wait3A_145 : memref<8x128xi32, #tpu.memory_space<vmem>>)
        tpu.yield
      }) : () -> ()
      "tpu.region"() ({
        %run_scoped3A_127 = tpu.sem_alloc : memref<!tpu.dma_semaphore, #tpu.memory_space<semaphore_mem>>
        %dma_start3A_128 = arith.constant 0 : i32
        %dma_start3A_129 = arith.constant 0 : i32
        %dma_start3A_130 = tpu.memref_slice %arg9[%dma_start3A_128, %dma_start3A_129] : memref<40x128xi32, #tpu.memory_space<vmem>> -> memref<8x128xi32, #tpu.memory_space<vmem>>
        %dma_start3A_131 = arith.constant 0 : i32
        %dma_start3A_132 = tpu.memref_slice %arg3[%add3A_90, %dma_start3A_131] : memref<5376x128xi32, #tpu.memory_space<hbm>> -> memref<8x128xi32, #tpu.memory_space<hbm>>
        %dma_start3A_133 = arith.constant 0 : i32
        %dma_start3A_134 = arith.constant 0 : i32
        %dma_start3A_135 = tpu.memref_slice %arg9[%dma_start3A_133, %dma_start3A_134] : memref<40x128xi32, #tpu.memory_space<vmem>> -> memref<8x128xi32, #tpu.memory_space<vmem>>
        %dma_start3A_136 = arith.constant 0 : i32
        %dma_start3A_137 = tpu.memref_slice %arg3[%add3A_90, %dma_start3A_136] : memref<5376x128xi32, #tpu.memory_space<hbm>> -> memref<8x128xi32, #tpu.memory_space<hbm>>
        tpu.enqueue_dma source(%dma_start3A_137 : memref<8x128xi32, #tpu.memory_space<hbm>>) target(%dma_start3A_135 : memref<8x128xi32, #tpu.memory_space<vmem>>) target_semaphore(%run_scoped3A_127 : memref<!tpu.dma_semaphore, #tpu.memory_space<semaphore_mem>>)
        %dma_wait3A_138 = arith.constant 0 : i32
        %dma_wait3A_139 = arith.constant 0 : i32
        %dma_wait3A_140 = tpu.memref_slice %arg9[%dma_wait3A_138, %dma_wait3A_139] : memref<40x128xi32, #tpu.memory_space<vmem>> -> memref<8x128xi32, #tpu.memory_space<vmem>>
        %dma_wait3A_141 = arith.constant 0 : i32
        %dma_wait3A_142 = tpu.memref_slice %arg3[%add3A_90, %dma_wait3A_141] : memref<5376x128xi32, #tpu.memory_space<hbm>> -> memref<8x128xi32, #tpu.memory_space<hbm>>
        %dma_wait3A_143 = arith.constant 0 : i32
        %dma_wait3A_144 = arith.constant 0 : i32
        %dma_wait3A_145 = tpu.memref_slice %arg9[%dma_wait3A_143, %dma_wait3A_144] : memref<40x128xi32, #tpu.memory_space<vmem>> -> memref<8x128xi32, #tpu.memory_space<vmem>>
        %dma_wait3A_146 = arith.constant 0 : i32
        %dma_wait3A_147 = tpu.memref_slice %arg3[%add3A_90, %dma_wait3A_146] : memref<5376x128xi32, #tpu.memory_space<hbm>> -> memref<8x128xi32, #tpu.memory_space<hbm>>
        tpu.wait_dma2 semaphore(%run_scoped3A_127 : memref<!tpu.dma_semaphore, #tpu.memory_space<semaphore_mem>>) src(%dma_wait3A_147 : memref<8x128xi32, #tpu.memory_space<hbm>>) dst(%dma_wait3A_145 : memref<8x128xi32, #tpu.memory_space<vmem>>)
        tpu.yield
      }) : () -> ()
      %dma_start3A_91 = arith.constant 0 : i32
      %dma_start3A_92 = arith.constant 0 : i32
      %dma_start3A_93 = tpu.memref_slice %arg8[%dma_start3A_91, %dma_start3A_92] : memref<40x128xi32, #tpu.memory_space<vmem>> -> memref<1x128xi32, #tpu.memory_space<vmem>>
      %dma_start3A_94 = tpu.memref_squeeze %dma_start3A_93 : memref<1x128xi32, #tpu.memory_space<vmem>> -> memref<128xi32, #tpu.memory_space<vmem>>
      %dma_start3A_95 = arith.constant 0 : i32
      %dma_start3A_96 = arith.constant 0 : i32
      %dma_start3A_97 = tpu.memref_slice %arg5[%dma_start3A_95, %dma_start3A_96] : memref<10000x128xf32, #tpu.memory_space<hbm>> -> memref<10000x128xf32, #tpu.memory_space<hbm>>
      tpu.enqueue_indirect_dma source(%dma_start3A_97 : memref<10000x128xf32, #tpu.memory_space<hbm>>) target(%arg10 : memref<128x128xf32, #tpu.memory_space<vmem>>) offsets(%dma_start3A_94 : memref<128xi32, #tpu.memory_space<vmem>>) semaphore(%arg13 : memref<!tpu.dma_semaphore, #tpu.memory_space<semaphore_mem>>)
      %dma_start3A_98 = arith.constant 1 : i32
      %dma_start3A_99 = arith.constant 0 : i32
      %dma_start3A_100 = tpu.memref_slice %arg8[%dma_start3A_98, %dma_start3A_99] : memref<40x128xi32, #tpu.memory_space<vmem>> -> memref<1x128xi32, #tpu.memory_space<vmem>>
      %dma_start3A_101 = tpu.memref_squeeze %dma_start3A_100 : memref<1x128xi32, #tpu.memory_space<vmem>> -> memref<128xi32, #tpu.memory_space<vmem>>
      %dma_start3A_102 = arith.constant 0 : i32
      %dma_start3A_103 = arith.constant 0 : i32
      %dma_start3A_104 = tpu.memref_slice %arg5[%dma_start3A_102, %dma_start3A_103] : memref<10000x128xf32, #tpu.memory_space<hbm>> -> memref<10000x128xf32, #tpu.memory_space<hbm>>
      tpu.enqueue_indirect_dma source(%dma_start3A_104 : memref<10000x128xf32, #tpu.memory_space<hbm>>) target(%arg11 : memref<128x128xf32, #tpu.memory_space<vmem>>) offsets(%dma_start3A_101 : memref<128xi32, #tpu.memory_space<vmem>>) semaphore(%arg14 : memref<!tpu.dma_semaphore, #tpu.memory_space<semaphore_mem>>)
      %scan3A_105 = arith.constant 0 : i32
      %scan3A_106 = arith.constant 0 : i32
      %scan3A_107 = arith.constant 3 : i32
      %scan3A_108 = arith.addi %scan3A_106, %scan3A_107 : i32
      %scan3A_109 = arith.constant 1 : i32
      scf.for %scan3A_127 = %scan3A_106 to %scan3A_108 step %scan3A_109  : i32 {
        %mul3A_128 = arith.constant 2 : i32
        %mul3A_129 = arith.muli %scan3A_127, %mul3A_128 : i32
        %dma_wait3A_130 = arith.constant 0 : i32
        %dma_wait3A_131 = tpu.memref_slice %arg8[%mul3A_129, %dma_wait3A_130] : memref<40x128xi32, #tpu.memory_space<vmem>> -> memref<1x128xi32, #tpu.memory_space<vmem>>
        %dma_wait3A_132 = tpu.memref_squeeze %dma_wait3A_131 : memref<1x128xi32, #tpu.memory_space<vmem>> -> memref<128xi32, #tpu.memory_space<vmem>>
        %dma_wait3A_133 = arith.constant 0 : i32
        %dma_wait3A_134 = arith.constant 0 : i32
        %dma_wait3A_135 = tpu.memref_slice %arg5[%dma_wait3A_133, %dma_wait3A_134] : memref<10000x128xf32, #tpu.memory_space<hbm>> -> memref<10000x128xf32, #tpu.memory_space<hbm>>
        tpu.wait_indirect_dma semaphore(%arg13 : memref<!tpu.dma_semaphore, #tpu.memory_space<semaphore_mem>>) src(%dma_wait3A_135 : memref<10000x128xf32, #tpu.memory_space<hbm>>) dst(%arg10 : memref<128x128xf32, #tpu.memory_space<vmem>>)
        "tpu.region"() ({
          %run_scoped3A_162 = tpu.sem_alloc : memref<!tpu.dma_semaphore, #tpu.memory_space<semaphore_mem>>
          %dma_start3A_163 = arith.constant 0 : i32
          %dma_start3A_164 = tpu.memref_slice %arg9[%mul3A_129, %dma_start3A_163] : memref<40x128xi32, #tpu.memory_space<vmem>> -> memref<1x128xi32, #tpu.memory_space<vmem>>
          %dma_start3A_165 = tpu.memref_squeeze %dma_start3A_164 : memref<1x128xi32, #tpu.memory_space<vmem>> -> memref<128xi32, #tpu.memory_space<vmem>>
          %dma_start3A_166 = arith.constant 0 : i32
          %dma_start3A_167 = arith.constant 0 : i32
          %dma_start3A_168 = tpu.memref_slice %arg12[%dma_start3A_166, %dma_start3A_167] : memref<10112x128xf32, #tpu.memory_space<vmem_shared>> -> memref<10112x128xf32, #tpu.memory_space<vmem_shared>>
          tpu.enqueue_indirect_dma source(%arg10 : memref<128x128xf32, #tpu.memory_space<vmem>>) target(%dma_start3A_168 : memref<10112x128xf32, #tpu.memory_space<vmem_shared>>) offsets(%dma_start3A_165 : memref<128xi32, #tpu.memory_space<vmem>>) semaphore(%run_scoped3A_162 : memref<!tpu.dma_semaphore, #tpu.memory_space<semaphore_mem>>) {add = true}
          %dma_wait3A_169 = arith.constant 0 : i32
          %dma_wait3A_170 = tpu.memref_slice %arg9[%mul3A_129, %dma_wait3A_169] : memref<40x128xi32, #tpu.memory_space<vmem>> -> memref<1x128xi32, #tpu.memory_space<vmem>>
          %dma_wait3A_171 = tpu.memref_squeeze %dma_wait3A_170 : memref<1x128xi32, #tpu.memory_space<vmem>> -> memref<128xi32, #tpu.memory_space<vmem>>
          %dma_wait3A_172 = arith.constant 0 : i32
          %dma_wait3A_173 = arith.constant 0 : i32
          %dma_wait3A_174 = tpu.memref_slice %arg12[%dma_wait3A_172, %dma_wait3A_173] : memref<10112x128xf32, #tpu.memory_space<vmem_shared>> -> memref<10112x128xf32, #tpu.memory_space<vmem_shared>>
          tpu.wait_indirect_dma semaphore(%run_scoped3A_162 : memref<!tpu.dma_semaphore, #tpu.memory_space<semaphore_mem>>) src(%arg10 : memref<128x128xf32, #tpu.memory_space<vmem>>) dst(%dma_wait3A_174 : memref<10112x128xf32, #tpu.memory_space<vmem_shared>>)
          tpu.yield
        }) : () -> ()
        %add3A_136 = arith.constant 2 : i32
        %add3A_137 = arith.addi %mul3A_129, %add3A_136 : i32
        %dma_start3A_138 = arith.constant 0 : i32
        %dma_start3A_139 = tpu.memref_slice %arg8[%add3A_137, %dma_start3A_138] : memref<40x128xi32, #tpu.memory_space<vmem>> -> memref<1x128xi32, #tpu.memory_space<vmem>>
        %dma_start3A_140 = tpu.memref_squeeze %dma_start3A_139 : memref<1x128xi32, #tpu.memory_space<vmem>> -> memref<128xi32, #tpu.memory_space<vmem>>
        %dma_start3A_141 = arith.constant 0 : i32
        %dma_start3A_142 = arith.constant 0 : i32
        %dma_start3A_143 = tpu.memref_slice %arg5[%dma_start3A_141, %dma_start3A_142] : memref<10000x128xf32, #tpu.memory_space<hbm>> -> memref<10000x128xf32, #tpu.memory_space<hbm>>
        tpu.enqueue_indirect_dma source(%dma_start3A_143 : memref<10000x128xf32, #tpu.memory_space<hbm>>) target(%arg10 : memref<128x128xf32, #tpu.memory_space<vmem>>) offsets(%dma_start3A_140 : memref<128xi32, #tpu.memory_space<vmem>>) semaphore(%arg13 : memref<!tpu.dma_semaphore, #tpu.memory_space<semaphore_mem>>)
        %add3A_144 = arith.constant 1 : i32
        %add3A_145 = arith.addi %mul3A_129, %add3A_144 : i32
        %dma_wait3A_146 = arith.constant 0 : i32
        %dma_wait3A_147 = tpu.memref_slice %arg8[%add3A_145, %dma_wait3A_146] : memref<40x128xi32, #tpu.memory_space<vmem>> -> memref<1x128xi32, #tpu.memory_space<vmem>>
        %dma_wait3A_148 = tpu.memref_squeeze %dma_wait3A_147 : memref<1x128xi32, #tpu.memory_space<vmem>> -> memref<128xi32, #tpu.memory_space<vmem>>
        %dma_wait3A_149 = arith.constant 0 : i32
        %dma_wait3A_150 = arith.constant 0 : i32
        %dma_wait3A_151 = tpu.memref_slice %arg5[%dma_wait3A_149, %dma_wait3A_150] : memref<10000x128xf32, #tpu.memory_space<hbm>> -> memref<10000x128xf32, #tpu.memory_space<hbm>>
        tpu.wait_indirect_dma semaphore(%arg14 : memref<!tpu.dma_semaphore, #tpu.memory_space<semaphore_mem>>) src(%dma_wait3A_151 : memref<10000x128xf32, #tpu.memory_space<hbm>>) dst(%arg11 : memref<128x128xf32, #tpu.memory_space<vmem>>)
        %add3A_152 = arith.constant 1 : i32
        %add3A_153 = arith.addi %mul3A_129, %add3A_152 : i32
        "tpu.region"() ({
          %run_scoped3A_162 = tpu.sem_alloc : memref<!tpu.dma_semaphore, #tpu.memory_space<semaphore_mem>>
          %dma_start3A_163 = arith.constant 0 : i32
          %dma_start3A_164 = tpu.memref_slice %arg9[%add3A_153, %dma_start3A_163] : memref<40x128xi32, #tpu.memory_space<vmem>> -> memref<1x128xi32, #tpu.memory_space<vmem>>
          %dma_start3A_165 = tpu.memref_squeeze %dma_start3A_164 : memref<1x128xi32, #tpu.memory_space<vmem>> -> memref<128xi32, #tpu.memory_space<vmem>>
          %dma_start3A_166 = arith.constant 0 : i32
          %dma_start3A_167 = arith.constant 0 : i32
          %dma_start3A_168 = tpu.memref_slice %arg12[%dma_start3A_166, %dma_start3A_167] : memref<10112x128xf32, #tpu.memory_space<vmem_shared>> -> memref<10112x128xf32, #tpu.memory_space<vmem_shared>>
          tpu.enqueue_indirect_dma source(%arg11 : memref<128x128xf32, #tpu.memory_space<vmem>>) target(%dma_start3A_168 : memref<10112x128xf32, #tpu.memory_space<vmem_shared>>) offsets(%dma_start3A_165 : memref<128xi32, #tpu.memory_space<vmem>>) semaphore(%run_scoped3A_162 : memref<!tpu.dma_semaphore, #tpu.memory_space<semaphore_mem>>) {add = true}
          %dma_wait3A_169 = arith.constant 0 : i32
          %dma_wait3A_170 = tpu.memref_slice %arg9[%add3A_153, %dma_wait3A_169] : memref<40x128xi32, #tpu.memory_space<vmem>> -> memref<1x128xi32, #tpu.memory_space<vmem>>
          %dma_wait3A_171 = tpu.memref_squeeze %dma_wait3A_170 : memref<1x128xi32, #tpu.memory_space<vmem>> -> memref<128xi32, #tpu.memory_space<vmem>>
          %dma_wait3A_172 = arith.constant 0 : i32
          %dma_wait3A_173 = arith.constant 0 : i32
          %dma_wait3A_174 = tpu.memref_slice %arg12[%dma_wait3A_172, %dma_wait3A_173] : memref<10112x128xf32, #tpu.memory_space<vmem_shared>> -> memref<10112x128xf32, #tpu.memory_space<vmem_shared>>
          tpu.wait_indirect_dma semaphore(%run_scoped3A_162 : memref<!tpu.dma_semaphore, #tpu.memory_space<semaphore_mem>>) src(%arg11 : memref<128x128xf32, #tpu.memory_space<vmem>>) dst(%dma_wait3A_174 : memref<10112x128xf32, #tpu.memory_space<vmem_shared>>)
          tpu.yield
        }) : () -> ()
        %add3A_154 = arith.constant 3 : i32
        %add3A_155 = arith.addi %mul3A_129, %add3A_154 : i32
        %dma_start3A_156 = arith.constant 0 : i32
        %dma_start3A_157 = tpu.memref_slice %arg8[%add3A_155, %dma_start3A_156] : memref<40x128xi32, #tpu.memory_space<vmem>> -> memref<1x128xi32, #tpu.memory_space<vmem>>
        %dma_start3A_158 = tpu.memref_squeeze %dma_start3A_157 : memref<1x128xi32, #tpu.memory_space<vmem>> -> memref<128xi32, #tpu.memory_space<vmem>>
        %dma_start3A_159 = arith.constant 0 : i32
        %dma_start3A_160 = arith.constant 0 : i32
        %dma_start3A_161 = tpu.memref_slice %arg5[%dma_start3A_159, %dma_start3A_160] : memref<10000x128xf32, #tpu.memory_space<hbm>> -> memref<10000x128xf32, #tpu.memory_space<hbm>>
        tpu.enqueue_indirect_dma source(%dma_start3A_161 : memref<10000x128xf32, #tpu.memory_space<hbm>>) target(%arg11 : memref<128x128xf32, #tpu.memory_space<vmem>>) offsets(%dma_start3A_158 : memref<128xi32, #tpu.memory_space<vmem>>) semaphore(%arg14 : memref<!tpu.dma_semaphore, #tpu.memory_space<semaphore_mem>>)
      }
      %scan3A_110 = arith.constant 3 : i32
      %dma_wait3A_111 = arith.constant 6 : i32
      %dma_wait3A_112 = arith.constant 0 : i32
      %dma_wait3A_113 = tpu.memref_slice %arg8[%dma_wait3A_111, %dma_wait3A_112] : memref<40x128xi32, #tpu.memory_space<vmem>> -> memref<1x128xi32, #tpu.memory_space<vmem>>
      %dma_wait3A_114 = tpu.memref_squeeze %dma_wait3A_113 : memref<1x128xi32, #tpu.memory_space<vmem>> -> memref<128xi32, #tpu.memory_space<vmem>>
      %dma_wait3A_115 = arith.constant 0 : i32
      %dma_wait3A_116 = arith.constant 0 : i32
      %dma_wait3A_117 = tpu.memref_slice %arg5[%dma_wait3A_115, %dma_wait3A_116] : memref<10000x128xf32, #tpu.memory_space<hbm>> -> memref<10000x128xf32, #tpu.memory_space<hbm>>
      tpu.wait_indirect_dma semaphore(%arg13 : memref<!tpu.dma_semaphore, #tpu.memory_space<semaphore_mem>>) src(%dma_wait3A_117 : memref<10000x128xf32, #tpu.memory_space<hbm>>) dst(%arg10 : memref<128x128xf32, #tpu.memory_space<vmem>>)
      %run_scoped3A_118 = arith.constant 6 : i32
      "tpu.region"() ({
        %run_scoped3A_127 = tpu.sem_alloc : memref<!tpu.dma_semaphore, #tpu.memory_space<semaphore_mem>>
        %dma_start3A_128 = arith.constant 0 : i32
        %dma_start3A_129 = tpu.memref_slice %arg9[%run_scoped3A_118, %dma_start3A_128] : memref<40x128xi32, #tpu.memory_space<vmem>> -> memref<1x128xi32, #tpu.memory_space<vmem>>
        %dma_start3A_130 = tpu.memref_squeeze %dma_start3A_129 : memref<1x128xi32, #tpu.memory_space<vmem>> -> memref<128xi32, #tpu.memory_space<vmem>>
        %dma_start3A_131 = arith.constant 0 : i32
        %dma_start3A_132 = arith.constant 0 : i32
        %dma_start3A_133 = tpu.memref_slice %arg12[%dma_start3A_131, %dma_start3A_132] : memref<10112x128xf32, #tpu.memory_space<vmem_shared>> -> memref<10112x128xf32, #tpu.memory_space<vmem_shared>>
        tpu.enqueue_indirect_dma source(%arg10 : memref<128x128xf32, #tpu.memory_space<vmem>>) target(%dma_start3A_133 : memref<10112x128xf32, #tpu.memory_space<vmem_shared>>) offsets(%dma_start3A_130 : memref<128xi32, #tpu.memory_space<vmem>>) semaphore(%run_scoped3A_127 : memref<!tpu.dma_semaphore, #tpu.memory_space<semaphore_mem>>) {add = true}
        %dma_wait3A_134 = arith.constant 0 : i32
        %dma_wait3A_135 = tpu.memref_slice %arg9[%run_scoped3A_118, %dma_wait3A_134] : memref<40x128xi32, #tpu.memory_space<vmem>> -> memref<1x128xi32, #tpu.memory_space<vmem>>
        %dma_wait3A_136 = tpu.memref_squeeze %dma_wait3A_135 : memref<1x128xi32, #tpu.memory_space<vmem>> -> memref<128xi32, #tpu.memory_space<vmem>>
        %dma_wait3A_137 = arith.constant 0 : i32
        %dma_wait3A_138 = arith.constant 0 : i32
        %dma_wait3A_139 = tpu.memref_slice %arg12[%dma_wait3A_137, %dma_wait3A_138] : memref<10112x128xf32, #tpu.memory_space<vmem_shared>> -> memref<10112x128xf32, #tpu.memory_space<vmem_shared>>
        tpu.wait_indirect_dma semaphore(%run_scoped3A_127 : memref<!tpu.dma_semaphore, #tpu.memory_space<semaphore_mem>>) src(%arg10 : memref<128x128xf32, #tpu.memory_space<vmem>>) dst(%dma_wait3A_139 : memref<10112x128xf32, #tpu.memory_space<vmem_shared>>)
        tpu.yield
      }) : () -> ()
      %dma_wait3A_119 = arith.constant 7 : i32
      %dma_wait3A_120 = arith.constant 0 : i32
      %dma_wait3A_121 = tpu.memref_slice %arg8[%dma_wait3A_119, %dma_wait3A_120] : memref<40x128xi32, #tpu.memory_space<vmem>> -> memref<1x128xi32, #tpu.memory_space<vmem>>
      %dma_wait3A_122 = tpu.memref_squeeze %dma_wait3A_121 : memref<1x128xi32, #tpu.memory_space<vmem>> -> memref<128xi32, #tpu.memory_space<vmem>>
      %dma_wait3A_123 = arith.constant 0 : i32
      %dma_wait3A_124 = arith.constant 0 : i32
      %dma_wait3A_125 = tpu.memref_slice %arg5[%dma_wait3A_123, %dma_wait3A_124] : memref<10000x128xf32, #tpu.memory_space<hbm>> -> memref<10000x128xf32, #tpu.memory_space<hbm>>
      tpu.wait_indirect_dma semaphore(%arg14 : memref<!tpu.dma_semaphore, #tpu.memory_space<semaphore_mem>>) src(%dma_wait3A_125 : memref<10000x128xf32, #tpu.memory_space<hbm>>) dst(%arg11 : memref<128x128xf32, #tpu.memory_space<vmem>>)
      %run_scoped3A_126 = arith.constant 7 : i32
      "tpu.region"() ({
        %run_scoped3A_127 = tpu.sem_alloc : memref<!tpu.dma_semaphore, #tpu.memory_space<semaphore_mem>>
        %dma_start3A_128 = arith.constant 0 : i32
        %dma_start3A_129 = tpu.memref_slice %arg9[%run_scoped3A_126, %dma_start3A_128] : memref<40x128xi32, #tpu.memory_space<vmem>> -> memref<1x128xi32, #tpu.memory_space<vmem>>
        %dma_start3A_130 = tpu.memref_squeeze %dma_start3A_129 : memref<1x128xi32, #tpu.memory_space<vmem>> -> memref<128xi32, #tpu.memory_space<vmem>>
        %dma_start3A_131 = arith.constant 0 : i32
        %dma_start3A_132 = arith.constant 0 : i32
        %dma_start3A_133 = tpu.memref_slice %arg12[%dma_start3A_131, %dma_start3A_132] : memref<10112x128xf32, #tpu.memory_space<vmem_shared>> -> memref<10112x128xf32, #tpu.memory_space<vmem_shared>>
        tpu.enqueue_indirect_dma source(%arg11 : memref<128x128xf32, #tpu.memory_space<vmem>>) target(%dma_start3A_133 : memref<10112x128xf32, #tpu.memory_space<vmem_shared>>) offsets(%dma_start3A_130 : memref<128xi32, #tpu.memory_space<vmem>>) semaphore(%run_scoped3A_127 : memref<!tpu.dma_semaphore, #tpu.memory_space<semaphore_mem>>) {add = true}
        %dma_wait3A_134 = arith.constant 0 : i32
        %dma_wait3A_135 = tpu.memref_slice %arg9[%run_scoped3A_126, %dma_wait3A_134] : memref<40x128xi32, #tpu.memory_space<vmem>> -> memref<1x128xi32, #tpu.memory_space<vmem>>
        %dma_wait3A_136 = tpu.memref_squeeze %dma_wait3A_135 : memref<1x128xi32, #tpu.memory_space<vmem>> -> memref<128xi32, #tpu.memory_space<vmem>>
        %dma_wait3A_137 = arith.constant 0 : i32
        %dma_wait3A_138 = arith.constant 0 : i32
        %dma_wait3A_139 = tpu.memref_slice %arg12[%dma_wait3A_137, %dma_wait3A_138] : memref<10112x128xf32, #tpu.memory_space<vmem_shared>> -> memref<10112x128xf32, #tpu.memory_space<vmem_shared>>
        tpu.wait_indirect_dma semaphore(%run_scoped3A_127 : memref<!tpu.dma_semaphore, #tpu.memory_space<semaphore_mem>>) src(%arg11 : memref<128x128xf32, #tpu.memory_space<vmem>>) dst(%dma_wait3A_139 : memref<10112x128xf32, #tpu.memory_space<vmem_shared>>)
        tpu.yield
      }) : () -> ()
    } else {
    }
    %barrier3A_81 = arith.constant 0 : index
    tpu.barrier barrier_id(%barrier3A_81)
    "tpu.region"() ({
      %run_scoped3A_82 = tpu.sem_alloc : memref<!tpu.dma_semaphore, #tpu.memory_space<semaphore_mem>>
      %dma_start3A_83 = arith.constant 0 : i32
      %dma_start3A_84 = tpu.memref_slice %arg7[%arg0, %mul3A_0, %dma_start3A_83] : memref<2x10112x128xf32, #tpu.memory_space<hbm>> -> memref<1x632x128xf32, #tpu.memory_space<hbm>>
      %dma_start3A_85 = tpu.memref_squeeze %dma_start3A_84 : memref<1x632x128xf32, #tpu.memory_space<hbm>> -> memref<632x128xf32, #tpu.memory_space<hbm>>
      %dma_start3A_86 = arith.constant 0 : i32
      %dma_start3A_87 = tpu.memref_slice %arg12[%mul3A_0, %dma_start3A_86] : memref<10112x128xf32, #tpu.memory_space<vmem_shared>> -> memref<632x128xf32, #tpu.memory_space<vmem_shared>>
      tpu.enqueue_dma source(%dma_start3A_87 : memref<632x128xf32, #tpu.memory_space<vmem_shared>>) target(%dma_start3A_85 : memref<632x128xf32, #tpu.memory_space<hbm>>) target_semaphore(%run_scoped3A_82 : memref<!tpu.dma_semaphore, #tpu.memory_space<semaphore_mem>>)
      %dma_wait3A_88 = arith.constant 0 : i32
      %dma_wait3A_89 = tpu.memref_slice %arg7[%arg0, %mul3A_0, %dma_wait3A_88] : memref<2x10112x128xf32, #tpu.memory_space<hbm>> -> memref<1x632x128xf32, #tpu.memory_space<hbm>>
      %dma_wait3A_90 = tpu.memref_squeeze %dma_wait3A_89 : memref<1x632x128xf32, #tpu.memory_space<hbm>> -> memref<632x128xf32, #tpu.memory_space<hbm>>
      %dma_wait3A_91 = arith.constant 0 : i32
      %dma_wait3A_92 = tpu.memref_slice %arg12[%mul3A_0, %dma_wait3A_91] : memref<10112x128xf32, #tpu.memory_space<vmem_shared>> -> memref<632x128xf32, #tpu.memory_space<vmem_shared>>
      tpu.wait_dma2 semaphore(%run_scoped3A_82 : memref<!tpu.dma_semaphore, #tpu.memory_space<semaphore_mem>>) src(%dma_wait3A_92 : memref<632x128xf32, #tpu.memory_space<vmem_shared>>) dst(%dma_wait3A_90 : memref<632x128xf32, #tpu.memory_space<hbm>>)
      tpu.yield
    }) : () -> ()
    return
  }
}

module attributes {stable_mosaic.version = 14 : i64} {
  func.func @_stage_a_body(%arg0: i32, %arg1: memref<1000x128xf32, #tpu.memory_space<vmem>>, %arg2: memref<1000x128xf32, #tpu.memory_space<vmem>>, %arg3: memref<128x384xf32, #tpu.memory_space<vmem>>, %arg4: memref<128x384xf32, #tpu.memory_space<vmem>>, %arg5: memref<2x128xf32, #tpu.memory_space<vmem>>, %arg6: memref<1000x128xf32, #tpu.memory_space<vmem>>, %arg7: memref<1000x128xf32, #tpu.memory_space<vmem>>, %arg8: memref<1000x128xf32, #tpu.memory_space<vmem>>, %arg9: memref<1000x128xf32, #tpu.memory_space<vmem>>, %arg10: memref<2x1000x128xf32, #tpu.memory_space<vmem>>) attributes {dimension_semantics = [#tpu.dimension_semantics<arbitrary>], iteration_bounds = array<i64: 10>, scalar_prefetch = 0 : i64, scratch_operands = 0 : i64, tpu.core_type = #tpu.core_type<tc>, window_params = [{transform_indices = @transform_0, window_bounds = array<i64: 1000, 128>}, {transform_indices = @transform_1, window_bounds = array<i64: 1000, 128>}, {pipeline_mode = #tpu.pipeline_mode<synchronous>, transform_indices = @transform_2, window_bounds = array<i64: 128, 384>}, {pipeline_mode = #tpu.pipeline_mode<synchronous>, transform_indices = @transform_3, window_bounds = array<i64: 128, 384>}, {pipeline_mode = #tpu.pipeline_mode<synchronous>, transform_indices = @transform_4, window_bounds = array<i64: 2, 128>}, {transform_indices = @transform_5, window_bounds = array<i64: 1000, 128>}, {transform_indices = @transform_6, window_bounds = array<i64: 1000, 128>}, {transform_indices = @transform_7, window_bounds = array<i64: 1000, 128>}, {transform_indices = @transform_8, window_bounds = array<i64: 1000, 128>}, {transform_indices = @transform_9, window_bounds = array<i64: 2, 1000, 128>}]} {
    %get3A = arith.constant 0 : index
    %get3A_0 = arith.constant 0 : index
    %get3A_1 = vector.load %arg1[%get3A, %get3A_0] : memref<1000x128xf32, #tpu.memory_space<vmem>>, vector<1000x128xf32>
    %get3A_2 = arith.constant 0 : index
    %get3A_3 = arith.constant 0 : index
    %get3A_4 = vector.load %arg3[%get3A_2, %get3A_3] : memref<128x384xf32, #tpu.memory_space<vmem>>, vector<128x384xf32>
    %dot_general3A = arith.constant dense<0.000000e+00> : vector<1000x384xf32>
    %dot_general3A_5 = tpu.matmul %get3A_1, %get3A_4, %dot_general3A {dimension_numbers = #tpu.dot_dimension_numbers<[1], [0], [0], [1], [0, 0, 1, 1], [], []>, transpose_lhs_hint = false} : vector<1000x128xf32>, vector<128x384xf32>, vector<1000x384xf32> -> vector<1000x384xf32>
    %get3A_6 = arith.constant 0 : index
    %get3A_7 = arith.constant 0 : index
    %get3A_8 = vector.load %arg2[%get3A_6, %get3A_7] : memref<1000x128xf32, #tpu.memory_space<vmem>>, vector<1000x128xf32>
    %get3A_9 = arith.constant 0 : index
    %get3A_10 = arith.constant 0 : index
    %get3A_11 = vector.load %arg4[%get3A_9, %get3A_10] : memref<128x384xf32, #tpu.memory_space<vmem>>, vector<128x384xf32>
    %dot_general3A_12 = arith.constant dense<0.000000e+00> : vector<1000x384xf32>
    %dot_general3A_13 = tpu.matmul %get3A_8, %get3A_11, %dot_general3A_12 {dimension_numbers = #tpu.dot_dimension_numbers<[1], [0], [0], [1], [0, 0, 1, 1], [], []>, transpose_lhs_hint = false} : vector<1000x128xf32>, vector<128x384xf32>, vector<1000x384xf32> -> vector<1000x384xf32>
    %slice3A = vector.extract_strided_slice %dot_general3A_5 {offsets = [0, 0], sizes = [1000, 128], strides = [1, 1]} : vector<1000x384xf32> to vector<1000x128xf32>
    %swap3A = arith.constant 0 : index
    %swap3A_14 = arith.constant 0 : index
    %swap3A_15 = vector.load %arg6[%swap3A, %swap3A_14] : memref<1000x128xf32, #tpu.memory_space<vmem>>, vector<1000x128xf32>
    tpu.vector_store %arg6[%swap3A, %swap3A_14], %slice3A {strides = array<i32>} : memref<1000x128xf32, #tpu.memory_space<vmem>>, vector<1000x128xf32>,
    %slice3A_16 = vector.extract_strided_slice %dot_general3A_5 {offsets = [0, 128], sizes = [1000, 128], strides = [1, 1]} : vector<1000x384xf32> to vector<1000x128xf32>
    %swap3A_17 = arith.constant 0 : index
    %swap3A_18 = arith.constant 0 : index
    %swap3A_19 = vector.load %arg9[%swap3A_17, %swap3A_18] : memref<1000x128xf32, #tpu.memory_space<vmem>>, vector<1000x128xf32>
    tpu.vector_store %arg9[%swap3A_17, %swap3A_18], %slice3A_16 {strides = array<i32>} : memref<1000x128xf32, #tpu.memory_space<vmem>>, vector<1000x128xf32>,
    %slice3A_20 = vector.extract_strided_slice %dot_general3A_5 {offsets = [0, 256], sizes = [1000, 128], strides = [1, 1]} : vector<1000x384xf32> to vector<1000x128xf32>
    %get3A_21 = arith.constant 1 : index
    %get3A_22 = arith.constant 0 : index
    %get3A_23 = vector.load %arg5[%get3A_21, %get3A_22] : memref<2x128xf32, #tpu.memory_space<vmem>>, vector<1x128xf32>
    %get3A_24 = vector.shape_cast %get3A_23 : vector<1x128xf32> to vector<128xf32>
    %broadcast_in_dim3A = vector.shape_cast %get3A_24 : vector<128xf32> to vector<1x128xf32>
    %add3A = vector.broadcast %broadcast_in_dim3A : vector<1x128xf32> to vector<1000x128xf32>
    %add3A_25 = arith.addf %slice3A_20, %add3A : vector<1000x128xf32>
    %swap3A_26 = arith.constant 1 : index
    %swap3A_27 = arith.constant 0 : index
    %swap3A_28 = arith.constant 0 : index
    %swap3A_29 = vector.load %arg10[%swap3A_26, %swap3A_27, %swap3A_28] : memref<2x1000x128xf32, #tpu.memory_space<vmem>>, vector<1x1000x128xf32>
    %swap3A_30 = vector.shape_cast %swap3A_29 : vector<1x1000x128xf32> to vector<1000x128xf32>
    %swap3A_31 = vector.shape_cast %add3A_25 : vector<1000x128xf32> to vector<1x1000x128xf32>
    tpu.vector_store %arg10[%swap3A_26, %swap3A_27, %swap3A_28], %swap3A_31 {strides = array<i32>} : memref<2x1000x128xf32, #tpu.memory_space<vmem>>, vector<1x1000x128xf32>,
    %slice3A_32 = vector.extract_strided_slice %dot_general3A_13 {offsets = [0, 0], sizes = [1000, 128], strides = [1, 1]} : vector<1000x384xf32> to vector<1000x128xf32>
    %swap3A_33 = arith.constant 0 : index
    %swap3A_34 = arith.constant 0 : index
    %swap3A_35 = vector.load %arg7[%swap3A_33, %swap3A_34] : memref<1000x128xf32, #tpu.memory_space<vmem>>, vector<1000x128xf32>
    tpu.vector_store %arg7[%swap3A_33, %swap3A_34], %slice3A_32 {strides = array<i32>} : memref<1000x128xf32, #tpu.memory_space<vmem>>, vector<1000x128xf32>,
    %slice3A_36 = vector.extract_strided_slice %dot_general3A_13 {offsets = [0, 128], sizes = [1000, 128], strides = [1, 1]} : vector<1000x384xf32> to vector<1000x128xf32>
    %swap3A_37 = arith.constant 0 : index
    %swap3A_38 = arith.constant 0 : index
    %swap3A_39 = vector.load %arg8[%swap3A_37, %swap3A_38] : memref<1000x128xf32, #tpu.memory_space<vmem>>, vector<1000x128xf32>
    tpu.vector_store %arg8[%swap3A_37, %swap3A_38], %slice3A_36 {strides = array<i32>} : memref<1000x128xf32, #tpu.memory_space<vmem>>, vector<1000x128xf32>,
    %slice3A_40 = vector.extract_strided_slice %dot_general3A_13 {offsets = [0, 256], sizes = [1000, 128], strides = [1, 1]} : vector<1000x384xf32> to vector<1000x128xf32>
    %get3A_41 = arith.constant 0 : index
    %get3A_42 = arith.constant 0 : index
    %get3A_43 = vector.load %arg5[%get3A_41, %get3A_42] : memref<2x128xf32, #tpu.memory_space<vmem>>, vector<1x128xf32>
    %get3A_44 = vector.shape_cast %get3A_43 : vector<1x128xf32> to vector<128xf32>
    %broadcast_in_dim3A_45 = vector.shape_cast %get3A_44 : vector<128xf32> to vector<1x128xf32>
    %add3A_46 = vector.broadcast %broadcast_in_dim3A_45 : vector<1x128xf32> to vector<1000x128xf32>
    %add3A_47 = arith.addf %slice3A_40, %add3A_46 : vector<1000x128xf32>
    %swap3A_48 = arith.constant 0 : index
    %swap3A_49 = arith.constant 0 : index
    %swap3A_50 = arith.constant 0 : index
    %swap3A_51 = vector.load %arg10[%swap3A_48, %swap3A_49, %swap3A_50] : memref<2x1000x128xf32, #tpu.memory_space<vmem>>, vector<1x1000x128xf32>
    %swap3A_52 = vector.shape_cast %swap3A_51 : vector<1x1000x128xf32> to vector<1000x128xf32>
    %swap3A_53 = vector.shape_cast %add3A_47 : vector<1000x128xf32> to vector<1x1000x128xf32>
    tpu.vector_store %arg10[%swap3A_48, %swap3A_49, %swap3A_50], %swap3A_53 {strides = array<i32>} : memref<2x1000x128xf32, #tpu.memory_space<vmem>>, vector<1x1000x128xf32>,
    return
  }
  func.func @transform_0(%arg0: i32) -> (i32, i32) {
    %c0_i32 = arith.constant 0 : i32
    %c0_i32_0 = arith.constant 0 : i32
    return %arg0, %c0_i32 : i32, i32
  }
  func.func @transform_1(%arg0: i32) -> (i32, i32) {
    %c0_i32 = arith.constant 0 : i32
    %c0_i32_0 = arith.constant 0 : i32
    return %arg0, %c0_i32 : i32, i32
  }
  func.func @transform_2(%arg0: i32) -> (i32, i32) {
    %c0_i32 = arith.constant 0 : i32
    %c0_i32_0 = arith.constant 0 : i32
    %c0_i32_1 = arith.constant 0 : i32
    return %c0_i32, %c0_i32_0 : i32, i32
  }
  func.func @transform_3(%arg0: i32) -> (i32, i32) {
    %c0_i32 = arith.constant 0 : i32
    %c0_i32_0 = arith.constant 0 : i32
    %c0_i32_1 = arith.constant 0 : i32
    return %c0_i32, %c0_i32_0 : i32, i32
  }
  func.func @transform_4(%arg0: i32) -> (i32, i32) {
    %c0_i32 = arith.constant 0 : i32
    %c0_i32_0 = arith.constant 0 : i32
    %c0_i32_1 = arith.constant 0 : i32
    return %c0_i32, %c0_i32_0 : i32, i32
  }
  func.func @transform_5(%arg0: i32) -> (i32, i32) {
    %c0_i32 = arith.constant 0 : i32
    %c0_i32_0 = arith.constant 0 : i32
    return %arg0, %c0_i32 : i32, i32
  }
  func.func @transform_6(%arg0: i32) -> (i32, i32) {
    %c0_i32 = arith.constant 0 : i32
    %c0_i32_0 = arith.constant 0 : i32
    return %arg0, %c0_i32 : i32, i32
  }
  func.func @transform_7(%arg0: i32) -> (i32, i32) {
    %c0_i32 = arith.constant 0 : i32
    %c0_i32_0 = arith.constant 0 : i32
    return %arg0, %c0_i32 : i32, i32
  }
  func.func @transform_8(%arg0: i32) -> (i32, i32) {
    %c0_i32 = arith.constant 0 : i32
    %c0_i32_0 = arith.constant 0 : i32
    return %arg0, %c0_i32 : i32, i32
  }
  func.func @transform_9(%arg0: i32) -> (i32, i32, i32) {
    %c0_i32 = arith.constant 0 : i32
    %c0_i32_0 = arith.constant 0 : i32
    %c0_i32_1 = arith.constant 0 : i32
    return %c0_i32, %arg0, %c0_i32_0 : i32, i32, i32
  }
}

module attributes {stable_mosaic.version = 14 : i64} {
  func.func @_stage_b_body(%arg0: i32, %arg1: memref<2x1000x128xf32, #tpu.memory_space<vmem>>, %arg2: memref<128x128xf32, #tpu.memory_space<vmem>>, %arg3: memref<128x256xf32, #tpu.memory_space<vmem>>, %arg4: memref<1x128xf32, #tpu.memory_space<vmem>>, %arg5: memref<1000x128xf32, #tpu.memory_space<vmem>>, %arg6: memref<1000x128xf32, #tpu.memory_space<vmem>>, %arg7: memref<2x1000x128xf32, #tpu.memory_space<vmem>>) attributes {dimension_semantics = [#tpu.dimension_semantics<arbitrary>], iteration_bounds = array<i64: 10>, scalar_prefetch = 0 : i64, scratch_operands = 0 : i64, tpu.core_type = #tpu.core_type<tc>, window_params = [{transform_indices = @transform_0, window_bounds = array<i64: 2, 1000, 128>}, {pipeline_mode = #tpu.pipeline_mode<synchronous>, transform_indices = @transform_1, window_bounds = array<i64: 128, 128>}, {pipeline_mode = #tpu.pipeline_mode<synchronous>, transform_indices = @transform_2, window_bounds = array<i64: 128, 256>}, {pipeline_mode = #tpu.pipeline_mode<synchronous>, transform_indices = @transform_3, window_bounds = array<i64: 1, 128>}, {transform_indices = @transform_4, window_bounds = array<i64: 1000, 128>}, {transform_indices = @transform_5, window_bounds = array<i64: 1000, 128>}, {transform_indices = @transform_6, window_bounds = array<i64: 2, 1000, 128>}]} {
    %get3A = arith.constant 0 : index
    %get3A_0 = arith.constant 0 : index
    %get3A_1 = arith.constant 0 : index
    %get3A_2 = vector.load %arg1[%get3A, %get3A_0, %get3A_1] : memref<2x1000x128xf32, #tpu.memory_space<vmem>>, vector<1x1000x128xf32>
    %get3A_3 = vector.shape_cast %get3A_2 : vector<1x1000x128xf32> to vector<1000x128xf32>
    %max3A = arith.constant 0.000000e+00 : f32
    %max3A_4 = vector.broadcast %max3A : f32 to vector<1000x128xf32>
    %max3A_5 = arith.maximumf %get3A_3, %max3A_4 : vector<1000x128xf32>
    %get3A_6 = arith.constant 1 : index
    %get3A_7 = arith.constant 0 : index
    %get3A_8 = arith.constant 0 : index
    %get3A_9 = vector.load %arg1[%get3A_6, %get3A_7, %get3A_8] : memref<2x1000x128xf32, #tpu.memory_space<vmem>>, vector<1x1000x128xf32>
    %get3A_10 = vector.shape_cast %get3A_9 : vector<1x1000x128xf32> to vector<1000x128xf32>
    %max3A_11 = arith.constant 0.000000e+00 : f32
    %max3A_12 = vector.broadcast %max3A_11 : f32 to vector<1000x128xf32>
    %max3A_13 = arith.maximumf %get3A_10, %max3A_12 : vector<1000x128xf32>
    %get3A_14 = arith.constant 0 : index
    %get3A_15 = arith.constant 0 : index
    %get3A_16 = vector.load %arg3[%get3A_14, %get3A_15] : memref<128x256xf32, #tpu.memory_space<vmem>>, vector<128x256xf32>
    %dot_general3A = arith.constant dense<0.000000e+00> : vector<1000x256xf32>
    %dot_general3A_17 = tpu.matmul %max3A_5, %get3A_16, %dot_general3A {dimension_numbers = #tpu.dot_dimension_numbers<[1], [0], [0], [1], [0, 0, 1, 1], [], []>, transpose_lhs_hint = false} : vector<1000x128xf32>, vector<128x256xf32>, vector<1000x256xf32> -> vector<1000x256xf32>
    %get3A_18 = arith.constant 0 : index
    %get3A_19 = arith.constant 0 : index
    %get3A_20 = vector.load %arg2[%get3A_18, %get3A_19] : memref<128x128xf32, #tpu.memory_space<vmem>>, vector<128x128xf32>
    %dot_general3A_21 = arith.constant dense<0.000000e+00> : vector<1000x128xf32>
    %dot_general3A_22 = tpu.matmul %max3A_13, %get3A_20, %dot_general3A_21 {dimension_numbers = #tpu.dot_dimension_numbers<[1], [0], [0], [1], [0, 0, 1, 1], [], []>, transpose_lhs_hint = false} : vector<1000x128xf32>, vector<128x128xf32>, vector<1000x128xf32> -> vector<1000x128xf32>
    %swap3A = arith.constant 0 : index
    %swap3A_23 = arith.constant 0 : index
    %swap3A_24 = vector.load %arg5[%swap3A, %swap3A_23] : memref<1000x128xf32, #tpu.memory_space<vmem>>, vector<1000x128xf32>
    tpu.vector_store %arg5[%swap3A, %swap3A_23], %dot_general3A_22 {strides = array<i32>} : memref<1000x128xf32, #tpu.memory_space<vmem>>, vector<1000x128xf32>,
    %slice3A = vector.extract_strided_slice %dot_general3A_17 {offsets = [0, 0], sizes = [1000, 128], strides = [1, 1]} : vector<1000x256xf32> to vector<1000x128xf32>
    %swap3A_25 = arith.constant 0 : index
    %swap3A_26 = arith.constant 0 : index
    %swap3A_27 = vector.load %arg6[%swap3A_25, %swap3A_26] : memref<1000x128xf32, #tpu.memory_space<vmem>>, vector<1000x128xf32>
    tpu.vector_store %arg6[%swap3A_25, %swap3A_26], %slice3A {strides = array<i32>} : memref<1000x128xf32, #tpu.memory_space<vmem>>, vector<1000x128xf32>,
    %slice3A_28 = vector.extract_strided_slice %dot_general3A_17 {offsets = [0, 128], sizes = [1000, 128], strides = [1, 1]} : vector<1000x256xf32> to vector<1000x128xf32>
    %get3A_29 = arith.constant 0 : index
    %get3A_30 = arith.constant 0 : index
    %get3A_31 = vector.load %arg4[%get3A_29, %get3A_30] : memref<1x128xf32, #tpu.memory_space<vmem>>, vector<1x128xf32>
    %get3A_32 = vector.shape_cast %get3A_31 : vector<1x128xf32> to vector<128xf32>
    %broadcast_in_dim3A = vector.shape_cast %get3A_32 : vector<128xf32> to vector<1x128xf32>
    %add3A = vector.broadcast %broadcast_in_dim3A : vector<1x128xf32> to vector<1000x128xf32>
    %add3A_33 = arith.addf %slice3A_28, %add3A : vector<1000x128xf32>
    %swap3A_34 = arith.constant 0 : index
    %swap3A_35 = arith.constant 0 : index
    %swap3A_36 = arith.constant 0 : index
    %swap3A_37 = vector.load %arg7[%swap3A_34, %swap3A_35, %swap3A_36] : memref<2x1000x128xf32, #tpu.memory_space<vmem>>, vector<1x1000x128xf32>
    %swap3A_38 = vector.shape_cast %swap3A_37 : vector<1x1000x128xf32> to vector<1000x128xf32>
    %swap3A_39 = vector.shape_cast %add3A_33 : vector<1000x128xf32> to vector<1x1000x128xf32>
    tpu.vector_store %arg7[%swap3A_34, %swap3A_35, %swap3A_36], %swap3A_39 {strides = array<i32>} : memref<2x1000x128xf32, #tpu.memory_space<vmem>>, vector<1x1000x128xf32>,
    %broadcast_in_dim3A_40 = arith.constant 0.000000e+00 : f32
    %broadcast_in_dim3A_41 = vector.broadcast %broadcast_in_dim3A_40 : f32 to vector<1000x128xf32>
    %swap3A_42 = arith.constant 1 : index
    %swap3A_43 = arith.constant 0 : index
    %swap3A_44 = arith.constant 0 : index
    %swap3A_45 = vector.load %arg7[%swap3A_42, %swap3A_43, %swap3A_44] : memref<2x1000x128xf32, #tpu.memory_space<vmem>>, vector<1x1000x128xf32>
    %swap3A_46 = vector.shape_cast %swap3A_45 : vector<1x1000x128xf32> to vector<1000x128xf32>
    %swap3A_47 = vector.shape_cast %broadcast_in_dim3A_41 : vector<1000x128xf32> to vector<1x1000x128xf32>
    tpu.vector_store %arg7[%swap3A_42, %swap3A_43, %swap3A_44], %swap3A_47 {strides = array<i32>} : memref<2x1000x128xf32, #tpu.memory_space<vmem>>, vector<1x1000x128xf32>,
    return
  }
  func.func @transform_0(%arg0: i32) -> (i32, i32, i32) {
    %c0_i32 = arith.constant 0 : i32
    %c0_i32_0 = arith.constant 0 : i32
    %c0_i32_1 = arith.constant 0 : i32
    return %c0_i32, %arg0, %c0_i32_0 : i32, i32, i32
  }
  func.func @transform_1(%arg0: i32) -> (i32, i32) {
    %c0_i32 = arith.constant 0 : i32
    %c0_i32_0 = arith.constant 0 : i32
    %c0_i32_1 = arith.constant 0 : i32
    return %c0_i32, %c0_i32_0 : i32, i32
  }
  func.func @transform_2(%arg0: i32) -> (i32, i32) {
    %c0_i32 = arith.constant 0 : i32
    %c0_i32_0 = arith.constant 0 : i32
    %c0_i32_1 = arith.constant 0 : i32
    return %c0_i32, %c0_i32_0 : i32, i32
  }
  func.func @transform_3(%arg0: i32) -> (i32, i32) {
    %c0_i32 = arith.constant 0 : i32
    %c0_i32_0 = arith.constant 0 : i32
    %c0_i32_1 = arith.constant 0 : i32
    return %c0_i32, %c0_i32_0 : i32, i32
  }
  func.func @transform_4(%arg0: i32) -> (i32, i32) {
    %c0_i32 = arith.constant 0 : i32
    %c0_i32_0 = arith.constant 0 : i32
    return %arg0, %c0_i32 : i32, i32
  }
  func.func @transform_5(%arg0: i32) -> (i32, i32) {
    %c0_i32 = arith.constant 0 : i32
    %c0_i32_0 = arith.constant 0 : i32
    return %arg0, %c0_i32 : i32, i32
  }
  func.func @transform_6(%arg0: i32) -> (i32, i32, i32) {
    %c0_i32 = arith.constant 0 : i32
    %c0_i32_0 = arith.constant 0 : i32
    %c0_i32_1 = arith.constant 0 : i32
    return %c0_i32, %arg0, %c0_i32_0 : i32, i32, i32
  }
}

module attributes {stable_mosaic.version = 14 : i64} {
  func.func @_stage_c_body(%arg0: i32, %arg1: memref<2x1000x128xf32, #tpu.memory_space<vmem>>, %arg2: memref<128x64xf32, #tpu.memory_space<vmem>>, %arg3: memref<1x64xf32, #tpu.memory_space<vmem>>, %arg4: memref<1000x64xf32, #tpu.memory_space<vmem>>) attributes {dimension_semantics = [#tpu.dimension_semantics<arbitrary>], iteration_bounds = array<i64: 10>, scalar_prefetch = 0 : i64, scratch_operands = 0 : i64, tpu.core_type = #tpu.core_type<tc>, window_params = [{transform_indices = @transform_0, window_bounds = array<i64: 2, 1000, 128>}, {pipeline_mode = #tpu.pipeline_mode<synchronous>, transform_indices = @transform_1, window_bounds = array<i64: 128, 64>}, {pipeline_mode = #tpu.pipeline_mode<synchronous>, transform_indices = @transform_2, window_bounds = array<i64: 1, 64>}, {transform_indices = @transform_3, window_bounds = array<i64: 1000, 64>}]} {
    %get3A = arith.constant 0 : index
    %get3A_0 = arith.constant 0 : index
    %get3A_1 = arith.constant 0 : index
    %get3A_2 = vector.load %arg1[%get3A, %get3A_0, %get3A_1] : memref<2x1000x128xf32, #tpu.memory_space<vmem>>, vector<1x1000x128xf32>
    %get3A_3 = vector.shape_cast %get3A_2 : vector<1x1000x128xf32> to vector<1000x128xf32>
    %get3A_4 = arith.constant 1 : index
    %get3A_5 = arith.constant 0 : index
    %get3A_6 = arith.constant 0 : index
    %get3A_7 = vector.load %arg1[%get3A_4, %get3A_5, %get3A_6] : memref<2x1000x128xf32, #tpu.memory_space<vmem>>, vector<1x1000x128xf32>
    %get3A_8 = vector.shape_cast %get3A_7 : vector<1x1000x128xf32> to vector<1000x128xf32>
    %add3A = arith.addf %get3A_3, %get3A_8 : vector<1000x128xf32>
    %max3A = arith.constant 0.000000e+00 : f32
    %max3A_9 = vector.broadcast %max3A : f32 to vector<1000x128xf32>
    %max3A_10 = arith.maximumf %add3A, %max3A_9 : vector<1000x128xf32>
    %get3A_11 = arith.constant 0 : index
    %get3A_12 = arith.constant 0 : index
    %get3A_13 = vector.load %arg2[%get3A_11, %get3A_12] : memref<128x64xf32, #tpu.memory_space<vmem>>, vector<128x64xf32>
    %dot_general3A = arith.constant dense<0.000000e+00> : vector<1000x64xf32>
    %dot_general3A_14 = tpu.matmul %max3A_10, %get3A_13, %dot_general3A {dimension_numbers = #tpu.dot_dimension_numbers<[1], [0], [0], [1], [0, 0, 1, 1], [], []>, transpose_lhs_hint = false} : vector<1000x128xf32>, vector<128x64xf32>, vector<1000x64xf32> -> vector<1000x64xf32>
    %get3A_15 = arith.constant 0 : index
    %get3A_16 = arith.constant 0 : index
    %get3A_17 = vector.load %arg3[%get3A_15, %get3A_16] : memref<1x64xf32, #tpu.memory_space<vmem>>, vector<1x64xf32>
    %get3A_18 = vector.shape_cast %get3A_17 : vector<1x64xf32> to vector<64xf32>
    %broadcast_in_dim3A = vector.shape_cast %get3A_18 : vector<64xf32> to vector<1x64xf32>
    %add3A_19 = vector.broadcast %broadcast_in_dim3A : vector<1x64xf32> to vector<1000x64xf32>
    %add3A_20 = arith.addf %dot_general3A_14, %add3A_19 : vector<1000x64xf32>
    %swap3A = arith.constant 0 : index
    %swap3A_21 = arith.constant 0 : index
    %swap3A_22 = vector.load %arg4[%swap3A, %swap3A_21] : memref<1000x64xf32, #tpu.memory_space<vmem>>, vector<1000x64xf32>
    tpu.vector_store %arg4[%swap3A, %swap3A_21], %add3A_20 {strides = array<i32>} : memref<1000x64xf32, #tpu.memory_space<vmem>>, vector<1000x64xf32>,
    return
  }
  func.func @transform_0(%arg0: i32) -> (i32, i32, i32) {
    %c0_i32 = arith.constant 0 : i32
    %c0_i32_0 = arith.constant 0 : i32
    %c0_i32_1 = arith.constant 0 : i32
    return %c0_i32, %arg0, %c0_i32_0 : i32, i32, i32
  }
  func.func @transform_1(%arg0: i32) -> (i32, i32) {
    %c0_i32 = arith.constant 0 : i32
    %c0_i32_0 = arith.constant 0 : i32
    %c0_i32_1 = arith.constant 0 : i32
    return %c0_i32, %c0_i32_0 : i32, i32
  }
  func.func @transform_2(%arg0: i32) -> (i32, i32) {
    %c0_i32 = arith.constant 0 : i32
    %c0_i32_0 = arith.constant 0 : i32
    %c0_i32_1 = arith.constant 0 : i32
    return %c0_i32, %c0_i32_0 : i32, i32
  }
  func.func @transform_3(%arg0: i32) -> (i32, i32) {
    %c0_i32 = arith.constant 0 : i32
    %c0_i32_0 = arith.constant 0 : i32
    return %arg0, %c0_i32 : i32, i32
  }
}

</mosaic_0001>

<sc_bundles>
// kernel: kernel.10.cloned.1.call-start
scs
__scs_entry_jumppad:
0x0: {  	(pc) =	sbr.rel $0x88, $3  }
0x1: {  	(tag) =	ssettag $0x0;
	lr =	simm.s32 $0x1  }
0x2: {  	[smem:$0x3F87] =	sst lr;
	_ =	strace $0xD0000000  }
0x3: {  	_ = 	snop  }
0x4: {  	_ = 	snop  }
0x5: {  	_ = 	snop  }
0x6: {  	_ = 	snop  }
0x7: {  	_ = 	snop  }
__scs_overlays_trampoline_lowered:
0x8: {  	[smem:$0x3F96] =	sst s0  }
0x9: {  	[smem:$0x3F97] =	sst s1  }
0xa: {  	[smem:$0x3F98] =	sst s2  }
0xb: {  	[smem:$0x3F99] =	sst s3  }
0xc: {  	[smem:$0x3F9A] =	sst s4  }
0xd: {  	[smem:$0x3F9B] =	sst s5  }
0xe: {  	[smem:$0x3F9C] =	sst s6  }
0xf: {  	[smem:$0x3F9D] =	sst s7  }
0x10: {  	[smem:$0x3F9E] =	sst s8  }
0x11: {  	[smem:$0x3F9F] =	sst s9;
	s0 =	simm.s32 @!p0 $0x0  }
0x12: {  	s1 =	sld [smem:$0x3F85];
	s0 =	simm.s32 @p0 $0x1  }
0x13: {  	[smem:$0x3FA0] =	sst s0;
	s0 =	simm.s32 @!p1 $0x0  }
0x14: {  	s2 =	sld [smem:$0x3F84];
	s0 =	simm.s32 @p1 $0x1  }
0x15: {  	[smem:$0x3FA1] =	sst s0;
	s0 =	simm.s32 @!p2 $0x0  }
0x16: {  	s3 =	sld [smem:$0x3FDB];
	s0 =	simm.s32 @p2 $0x1  }
0x17: {  	s4 =	simm.s32 $0x1BF5;
	[smem:$0x3FA3] =	sst s0  }
0x18: {  	s0 =	sld [smem:$0x3F86];
	_ =	swait.ge [sflag:s4], $0x0  }
0x19: {  	s7 =	sld [smem:$0x3F87]  }
0x1a: {  	s8 =	sadd.s32 $0xFFFFE003, lr  }
0x1b: {  	s9 =	sadd.s32 $0xFFFFFEF7, lr;
	s5 =	simm.s32 $0xFFFFFFFF;
	p2 =	slt.u32 s8, $0xFFFFF086  }
0x1c: {  	p1 =	slt.u32 s9, $0xF7A;
	s5 =	simm.s32 @!p2 $0x0  }
0x1d: {  	s5 =	simm.s32 @p1 $0x1;
	p0 =	seq.s32 s7, s2  }
0x1e: {  	s7 =	smul.u32 @!p0 $0xF7A, s2;
	p2 =	seq.s32 @!p0 s5, $0x0  }
0x1f: {  	s9 =	smul.u32 $0xF7A, s1;
	s8 =	simm.s32 @!p0 $0x1BF5;
	p2 =	por !p2, p0  }
0x20: {  	[sflag:s8] =	ssyncset.s32 @!p0 $0xFFFFF086;
	s6 =	sadd.s32 @!p0 s3, s7;
	s7 =	simm.s32 @!p0 $0x108  }
0x21: {  	s3 =	sadd.s32 s3, s9;
	s6 =	sadd.s32 @!p0 $0x88, s6;
	s7 =	simm.s32 @p2 $0x1082  }
0x22: {  	[simem:s7], [sflag:s8] =	dma.local @!p0 [hbm:s6], $0xF7A  }
0x23: {  	s9 =	sor.u32 $0xD0000000, s2;
	s6 =	simm.s32 $0x108;
	_ =	swait.ge @!p0 [sflag:s8], $0x0  }
0x24: {  	s3 =	sadd.s32 $0x88, s3;
	s6 =	simm.s32 @!p1 $0x1082;
	[sflag:s4] =	ssyncset.s32 $0xFFFFF086  }
0x25: {  	[simem:s6], [sflag:s4] =	dma.local [hbm:s3], $0xF7A  }
0x26: {  	[smem:$0x3F87] =	sst s1;
	(tag) =	ssettag s2;
	_ =	strace s9  }
0x27: {  	s1 =	sld [smem:$0x3F97]  }
0x28: {  	s2 =	sld [smem:$0x3F98]  }
0x29: {  	s4 =	sld [smem:$0x3F9A]  }
0x2a: {  	p0 =	seq.s32 s5, $0x0;
	s5 =	sld [smem:$0x3F9B]  }
0x2b: {  	s6 =	sld [smem:$0x3F9C]  }
0x2c: {  	s7 =	sld [smem:$0x3F9D]  }
0x2d: {  	s3 =	simm.s32 $0x108;
	s8 =	sld [smem:$0x3F9E]  }
0x2e: {  	s3 =	simm.s32 @!p0 $0x1082;
	s9 =	sld [smem:$0x3F9F]  }
0x2f: {  	lr =	sadd.s32 s0, s3;
	s0 =	sld [smem:$0x3F96]  }
0x30: {  	s3 =	sld [smem:$0x3F99]  }
0x31: {  	[smem:$0x3FA2] =	sst s10  }
0x32: {  	s10 =	sld [smem:$0x3FA0];
	_ =	sdelay $0x3  }
0x33: {  	p0 =	seq.s32 s10, $0x1;
	s10 =	sld [smem:$0x3FA2];
	_ =	sdelay $0x3  }
0x34: {  	[smem:$0x3FA2] =	sst s10  }
0x35: {  	s10 =	sld [smem:$0x3FA1];
	_ =	sdelay $0x3  }
0x36: {  	p1 =	seq.s32 s10, $0x1;
	s10 =	sld [smem:$0x3FA2];
	_ =	sdelay $0x3  }
0x37: {  	[smem:$0x3FA2] =	sst s10  }
0x38: {  	s10 =	sld [smem:$0x3FA3]  }
0x39: {  	_ = 	snop;
	(pc) =	sbr.ind lr, $3  }
0x3a: {  	_ = 	snop  }
0x3b: {  	_ = 	snop  }
0x3c: {  	p2 =	seq.s32 s10, $0x1;
	s10 =	sld [smem:$0x3FA2]  }
0x3d: {  	_ =	shalt  }
0x3e: {  	_ =	shalt  }
0x3f: {  	_ =	shalt  }
0x40: {  	_ =	shalt  }
0x41: {  	_ =	shalt  }
0x42: {  	_ =	shalt  }
0x43: {  	_ =	shalt  }
0x44: {  	_ =	shalt  }
0x45: {  	_ =	shalt  }
0x46: {  	_ =	shalt  }
0x47: {  	_ =	shalt  }
0x48: {  	_ =	shalt  }
0x49: {  	_ =	shalt  }
0x4a: {  	_ =	shalt  }
0x4b: {  	_ =	shalt  }
0x4c: {  	_ =	shalt  }
0x4d: {  	_ =	shalt  }
0x4e: {  	_ =	shalt  }
0x4f: {  	_ =	shalt  }
0x50: {  	_ =	shalt  }
0x51: {  	_ =	shalt  }
0x52: {  	_ =	shalt  }
0x53: {  	_ =	shalt  }
0x54: {  	_ =	shalt  }
0x55: {  	_ =	shalt  }
0x56: {  	_ =	shalt  }
0x57: {  	_ =	shalt  }
0x58: {  	_ =	shalt  }
0x59: {  	_ =	shalt  }
0x5a: {  	_ =	shalt  }
0x5b: {  	_ =	shalt  }
0x5c: {  	_ =	shalt  }
0x5d: {  	_ =	shalt  }
0x5e: {  	_ =	shalt  }
0x5f: {  	_ =	shalt  }
0x60: {  	_ =	shalt  }
0x61: {  	_ =	shalt  }
0x62: {  	_ =	shalt  }
0x63: {  	_ =	shalt  }
0x64: {  	_ =	shalt  }
0x65: {  	_ =	shalt  }
0x66: {  	_ =	shalt  }
0x67: {  	_ =	shalt  }
0x68: {  	_ =	shalt  }
0x69: {  	_ =	shalt  }
0x6a: {  	_ =	shalt  }
0x6b: {  	_ =	shalt  }
0x6c: {  	_ =	shalt  }
0x6d: {  	_ =	shalt  }
0x6e: {  	_ =	shalt  }
0x6f: {  	_ =	shalt  }
0x70: {  	_ =	shalt  }
0x71: {  	_ =	shalt  }
0x72: {  	_ =	shalt  }
0x73: {  	_ =	shalt  }
0x74: {  	_ =	shalt  }
0x75: {  	_ =	shalt  }
0x76: {  	_ =	shalt  }
0x77: {  	_ =	shalt  }
0x78: {  	_ =	shalt  }
0x79: {  	_ =	shalt  }
0x7a: {  	_ =	shalt  }
0x7b: {  	_ =	shalt  }
0x7c: {  	_ =	shalt  }
0x7d: {  	_ =	shalt  }
0x7e: {  	_ =	shalt  }
0x7f: {  	_ =	shalt  }
0x80: {  	_ =	shalt  }
0x81: {  	_ =	shalt  }
0x82: {  	_ =	shalt  }
0x83: {  	_ =	shalt  }
0x84: {  	_ =	shalt  }
0x85: {  	_ =	shalt  }
0x86: {  	_ =	shalt  }
0x87: {  	_ =	shalt  }
.Lfunc_end0:
.L_simem_size_0:
called_computation.1_lowered:
.L_overlay_start_0:
0x88: {  	s2 =	sld [smem:$0x3FD9]  }
0x89: {  	s3 =	sld [smem:$0x3FFE];
	_ =	sdelay $0x1  }
0x8a: {  	s1 =	srdreg.scid  }
0x8b: {  	s0 =	sand.u32 $0x1, s1  }
0x8c: {  	s16 =	sshll.u32 s0, $0xA;
	s2 =	sadd.s32 s3, s2  }
0x8d: {  	s2 =	sadd.s32 s2, s16  }
0x8e: {  	[smem:$0x3FAE] =	sst s2  }
0x8f: {  	_ = 	snop  }
0x90: {  	(tm) =	ssettm $0x1  }
0x91: {  	s17 =	sld [smem:$0x3FFB];
	_ =	sdelay $0x3  }
0x92: {  	_ =	strace s17  }
0x93: {  	s2 =	sld [smem:$0x3FFC];
	_ =	sdelay $0x3  }
0x94: {  	_ =	strace s2  }
0x95: {  	s2 =	sld [smem:$0x3FFD];
	_ =	sdelay $0x3  }
0x96: {  	_ =	strace s2  }
0x97: {  	_ =	strace $0x8FFFFFFF  }
0x98: {  	s18 =	sld [smem:$0x3FDB];
	_ =	sdelay $0x1  }
0x99: {  	s19 =	simm.s32 $_scs_section_size  }
0x9a: {  	s4 =	simm.s32 $_size__tile_overlayer_lowered;
	s5 =	simm.s32 $_tile_overlayer_lowered  }
0x9b: {  	s22 =	simm.s32 $0x1BFF;
	s21 =	sshll.u32 s5, $0x1;
	s2 =	sadd.s32 s19, s18  }
0x9c: {  	s6 =	simm.s32 $0x0;
	s20 =	sshll.u32 s4, $0x1;
	s4 =	sadd.s32 s21, s2  }
0x9d: {  	[timem:s6], [sflag:s22] =	dma.local [hbm:s4], s20  }
0x9e: {  	_ =	swait.ge [sflag:s22], s20  }
0x9f: {  	s3 =	ssub.s32 $0x0, s20;
	[sflag:s22] =	ssyncset.done $0x0  }
0xa0: {  	[sflag:s22] =	ssyncadd.s32 s3;
	_ =	sdelay $0x1  }
0xa1: {  	s23 =	simm.s32 $0x1B8B  }
0xa2: {  	_ =	swait.ge [sflag:s23], $0x1  }
0xa3: {  	[sflag:s23] =	ssyncset.done $0x0  }
0xa4: {  	s25 =	simm.s32 $0x1B8E;
	s24 =	sld [smem:$0x3FFE];
	[sflag:s23] =	ssyncadd.s32 $0xFFFFFFFF  }
0xa5: {  	s26 =	simm.s32 $execute0_lowered;
	[smem:$0x3FD2] =	sst s25  }
0xa6: {  	s4 =	sshll.u32 s26, $0x1;
	_ =	strace $0x80000049;
	[dreg:$0x1] =	wrdreg $0xFFFFFFFF  }
0xa7: {  	s28 =	simm.s32 $_size_execute0_lowered;
	s2 =	sadd.s32 s2, s4;
	[dreg:$0x0] =	wrdreg $0x0  }
0xa8: {  	s4 =	sshll.u32 s28, $0x1;
	[dreg:$0x2] =	wrdreg s2  }
0xa9: {  	[dreg:$0x3] =	wrdreg s4  }
0xaa: {  	[dreg:$0x4] =	wrdreg $0xC0  }
0xab: {  	_ =	task [dreg:s6], $0x5FFFF  }
0xac: {  	[dreg:$0x1] =	wrdreg $0xFFFFFFFF  }
0xad: {  	[dreg:$0x0] =	wrdreg $0x60  }
0xae: {  	[dreg:$0x2] =	wrdreg s24  }
0xaf: {  	[dreg:$0x3] =	wrdreg $0xA8000  }
0xb0: {  	[dreg:$0x4] =	wrdreg $0x9  }
0xb1: {  	_ =	task.clear_ibuf [dreg:s6], $0x5FFFF;
	_ =	strace $0x90000049  }
0xb2: {  	s29 =	simm.s32 $0x9;
	_ =	strace $0x8000004B  }
0xb3: {  	_ =	swait.ge [sflag:s29], $0x1  }
0xb4: {  	[sflag:s29] =	ssyncadd.s32 $0xFFFFFFFF  }
0xb5: {  	_ =	strace $0x9000004B  }
0xb6: {  	_ =	sfence  }
0xb7: {  	s30 =	sld [smem:$0x0];
	_ =	sdelay $0x2  }
0xb8: {  	s31 =	sshll.u32 s1, $0xD;
	s1 =	sshrl.u32 s1, $0x2  }
0xb9: {  	s3 =	sand.u32 $0x4000, s31;
	s1 =	sadd.s32 s1, s30  }
0xba: {  	s0 =	sor.u32 s3, s0;
	s1 =	sshll.u32 s1, $0x11  }
0xbb: {  	s0 =	sor.u32 s1, s0  }
0xbc: {  	s0 =	sadd.s32 $0x8F2B, s0  }
0xbd: {  	[sflag:s0] =	ssyncadd.remote.s32 $0x1  }
0xbe: {  	_ =	sfence.sel $0xFFFF  }
0xbf: {  	[dreg:$0x0] =	wrdreg $0xFFFFFFFF;
	(pc) =	sbr.abs _section_cstart, $3  }
0xc0: {  	[dreg:$0x1] =	wrdreg $0xFFFFFFFF  }
0xc1: {  	_ =	task.clear_ibuf [dreg:s6], $0x2FFFF;
	_ =	strace $0x9FFFFFFF  }
0xc2: {  	(tm) =	ssettm $0x7FFFFFFF  }
0xc3: {  	_ =	shalt  }
tec
execute0_lowered:
.L_overlay_start_1:
0x0: {  	(tag) =	ssettag $0x1  }
0x1: {  	s0 =	rddreg [dreg:$0x0]  }
0x2: {  	s1 =	rddreg [dreg:$0x1]  }
0x3: {  	s2 =	srdreg.scid;
	s3 =	simm.s32 $0x0;
	s26 =	stileid.u32  }
0x4: {  	s17 =	simm.s32 $0x3;
	s18 =	simm.s32 $0x1400;
	s19 =	simm.s32 $0x80  }
0x5: {  	s20 =	simm.s32 $0x2800;
	s21 =	simm.s32 $0x6800;
	s22 =	simm.s32 $0x1  }
0x6: {  	s23 =	simm.s32 $0x2;
	s30 =	simm.s32 $0x380;
	s31 =	simm.s32 $0x1700  }
0x7: {  	s2 =	sand.u32 $0x1, s2;
	[smem:$0x7FF] =	sst s3;
	s6 =	smul.u32 $0x13C00, s26  }
0x8: {  	s12 =	sadd.s32 $0x101A00, s0;
	s13 =	sadd.s32 $0xECA00, s0;
	s7 =	smul.u32 $0x4F000, s26  }
0x9: {  	s4 =	sadd.s32 $0x50200, s0;
	s10 =	smul.u32 $0x50, s26;
	s25 =	sshll.u32 s26, $0x6  }
0xa: {  	s29 =	sshll.u32 s26, $0x7;
	p0 =	sgt.u32 s26, $0x7;
	s5 =	smul.u32 $0x13C000, s2  }
0xb: {  	_ =	strace $0x8000004A;
	s24 =	ssub.s32 $0x2, s2;
	s8 =	smul.u32 $0x500, s2  }
0xc: {  	s2 =	sshll.u32 s2, $0xA;
	s9 =	sshrl.u32 s24, $0x1;
	s7 =	sshrl.u32 s7, $0x2  }
0xd: {  	s2 =	sadd.s32 s29, s2;
	s6 =	sadd.s32 s6, s5;
	s5 =	sadd.s32 $0x77400, s0  }
0xe: {  	s15 =	ssub.s32 s24, s9;
	s16 =	sadd.s32 s7, s1;
	s7 =	sor.u32 $0x1C03, s25  }
0xf: {  	s8 =	sadd.s32 s10, s8;
	s2 =	sor.u32 $0x14000, s2;
	s24 =	simm.s32 $0x2700  }
0x10: {  	s25 =	simm.s32 $0x2780;
	s6 =	sshrl.u32 s6, $0x3;
	s28 =	sshll.u32 s8, $0x4  }
.Ltmp0:
0x11: {  	s15 =	smax.u32 s15, $0x1;
	s16 =	sshrl.u32 s16, $0x3;
	(pc) =	sbr.rel .LBB2_1-.Ltmp0, $4  }
0x12: {  	s0 =	sadd.s32 s6, s0;
	s8 =	sadd.s32 s12, s28;
	s11 =	sadd.s32 $0x280, s28  }
0x13: {  	s9 =	sadd.s32 s13, s28;
	s6 =	sadd.s32 $0x1200, s0;
	s10 =	sadd.s32 s12, s11  }
0x14: {  	s11 =	sadd.s32 s13, s11;
	s12 =	sadd.s32 s12, s2;
	s13 =	sadd.s32 s13, s2  }
0x15: {  	s14 =	sadd.s32 $0x116A00, s0;
	s0 =	simm.s32 $0x1780;
	s2 =	simm.s32 $0x0  }
.LBB2_7:
0x16: {  	s2 =	sadd.s32 $0x1, s2  }
0x17: {  	p1 =	sne.s32 s2, s15  }
.Ltmp1:
0x18: {  	[bflag:$0x0] =	sbarrier.arrive $0xFFFF;
	(pc) =	sbr.rel @!p1 .LBB2_8-.Ltmp1, $4  }
0x19: {  	[hbm:s14], [sflag:s7] =	dma.local [spmem:s16], $0x2780  }
0x1a: {  	_ =	swait.ge [sflag:s17], $0x2780  }
0x1b: {  	[sflag:s17] =	ssyncset.done $0x0  }
0x1c: {  	[sflag:s17] =	ssyncadd.s32 $0xFFFFD880  }
.LBB2_1:
0x1d: {  	[spmem:s16], [sflag:s7] =	dma.local [hbm:s6], $0x2780  }
0x1e: {  	_ =	swait.ge [sflag:s17], $0x2780  }
0x1f: {  	[sflag:s17] =	ssyncset.done $0x0  }
0x20: {  	[sflag:s17] =	ssyncadd.s32 $0xFFFFD880  }
0x21: {  	[bflag:$0x0] =	sbarrier.arrive $0xFFFF  }
0x22: {  	[tilespmem:s3], [sflag:$0x3] =	stream.linear.gather [hbm4b:s8+s3], $0x1400, $0x38;
	[tilespmem:$0x1E400] =	vst v63  }
0x23: {  	_ =	swait.ge [sflag:s17], $0x1400  }
0x24: {  	[sflag:s17] =	ssyncset.done $0x0  }
0x25: {  	[sflag:s17] =	ssyncadd.s32 $0xFFFFEC00  }
0x26: {  	[tilespmem:s18], [sflag:$0x3] =	stream.linear.gather [hbm4b:s9+s3], $0x1400, $0x38;
	[tilespmem:$0x1E400] =	vst v63  }
0x27: {  	_ =	swait.ge [sflag:s17], $0x1400  }
0x28: {  	[sflag:s17] =	ssyncset.done $0x0  }
0x29: {  	[sflag:s17] =	ssyncadd.s32 $0xFFFFEC00  }
0x2a: {  	[tilespmem:s20], [sflag:$0x1] =	stream.indirect.gather [hbm4b:s4+s19], $0x80, s3, s19, $0xb8;
	[tilespmem:$0x1E400] =	vst v63  }
0x2b: {  	_ = 	snop  }
0x2c: {  	[tilespmem:s21], [sflag:$0x2] =	stream.indirect.gather [hbm4b:s4+s19], $0x80, s19, s19, $0xb8;
	[tilespmem:$0x1E400] =	vst v63  }
0x2d: {  	_ =	swait.ge [sflag:s22], $0x4000  }
0x2e: {  	[sflag:s22] =	ssyncset.done $0x0  }
0x2f: {  	s26 =	simm.s32 $0x1400;
	[sflag:s22] =	ssyncadd.s32 $0xFFFFC000  }
0x30: {  	[spmem:s1] =	stream.indirect.scatter.add.f32 [tilespmem:s20], [sflag:$0x3], $0x80, s26, s19, $0xb8;
	[tilespmem:$0x1E400] =	vst v63  }
0x31: {  	_ =	swait.ge [sflag:s17], $0x4000  }
0x32: {  	[sflag:s17] =	ssyncset.done $0x0  }
0x33: {  	s29 =	simm.s32 $0x100;
	[sflag:s17] =	ssyncadd.s32 $0xFFFFC000  }
0x34: {  	[tilespmem:s20], [sflag:$0x1] =	stream.indirect.gather [hbm4b:s4+s19], $0x80, s29, s19, $0xb8;
	[tilespmem:$0x1E400] =	vst v63  }
0x35: {  	_ =	swait.ge [sflag:s23], $0x4000  }
0x36: {  	[sflag:s23] =	ssyncset.done $0x0  }
0x37: {  	s29 =	simm.s32 $0x1480;
	[sflag:s23] =	ssyncadd.s32 $0xFFFFC000  }
0x38: {  	[spmem:s1] =	stream.indirect.scatter.add.f32 [tilespmem:s21], [sflag:$0x3], $0x80, s29, s19, $0xb8;
	[tilespmem:$0x1E400] =	vst v63  }
0x39: {  	_ =	swait.ge [sflag:s17], $0x4000  }
0x3a: {  	[sflag:s17] =	ssyncset.done $0x0  }
0x3b: {  	s28 =	simm.s32 $0x180;
	s26 =	simm.s32 $0x400;
	[sflag:s17] =	ssyncadd.s32 $0xFFFFC000  }
.LBB2_2:
0x3c: {  	[tilespmem:s21], [sflag:$0x2] =	stream.indirect.gather [hbm4b:s4+s19], $0x80, s28, s19, $0xb8;
	[tilespmem:$0x1E400] =	vst v63  }
0x3d: {  	s28 =	smov.u32 s26  }
0x3e: {  	p1 =	sne.s32 s26, $0x4800;
	s26 =	sadd.s32 $0x400, s26;
	_ =	swait.ge [sflag:s22], $0x4000  }
0x3f: {  	s28 =	sshra.s32 s28, $0x2;
	[sflag:s22] =	ssyncset.done $0x0  }
0x40: {  	s29 =	sadd.s32 $0x1400, s28;
	[sflag:s22] =	ssyncadd.s32 $0xFFFFC000  }
0x41: {  	[spmem:s1] =	stream.indirect.scatter.add.f32 [tilespmem:s20], [sflag:$0x3], $0x80, s29, s19, $0xb8;
	[tilespmem:$0x1E400] =	vst v63  }
0x42: {  	_ =	swait.ge [sflag:s17], $0x4000  }
0x43: {  	[sflag:s17] =	ssyncset.done $0x0  }
0x44: {  	s29 =	sadd.s32 $0x100, s28;
	[sflag:s17] =	ssyncadd.s32 $0xFFFFC000  }
0x45: {  	[tilespmem:s20], [sflag:$0x1] =	stream.indirect.gather [hbm4b:s4+s19], $0x80, s29, s19, $0xb8;
	[tilespmem:$0x1E400] =	vst v63  }
0x46: {  	_ =	swait.ge [sflag:s23], $0x4000  }
0x47: {  	[sflag:s23] =	ssyncset.done $0x0  }
.Ltmp2:
0x48: {  	s29 =	sadd.s32 $0x1480, s28;
	[sflag:s23] =	ssyncadd.s32 $0xFFFFC000;
	(pc) =	sbr.rel @p1 .LBB2_2-.Ltmp2, $4  }
0x49: {  	[spmem:s1] =	stream.indirect.scatter.add.f32 [tilespmem:s21], [sflag:$0x3], $0x80, s29, s19, $0xb8;
	[tilespmem:$0x1E400] =	vst v63  }
0x4a: {  	_ =	swait.ge [sflag:s17], $0x4000  }
0x4b: {  	[sflag:s17] =	ssyncset.done $0x0  }
0x4c: {  	s28 =	sadd.s32 $0x180, s28;
	[sflag:s17] =	ssyncadd.s32 $0xFFFFC000  }
0x4d: {  	[tilespmem:s21], [sflag:$0x2] =	stream.indirect.gather [hbm4b:s4+s19], $0x80, s28, s19, $0xb8;
	[tilespmem:$0x1E400] =	vst v63  }
0x4e: {  	_ =	swait.ge [sflag:s22], $0x4000  }
0x4f: {  	[sflag:s22] =	ssyncset.done $0x0  }
0x50: {  	[sflag:s22] =	ssyncadd.s32 $0xFFFFC000  }
0x51: {  	[spmem:s1] =	stream.indirect.scatter.add.f32 [tilespmem:s20], [sflag:$0x3], $0x80, s24, s19, $0xb8;
	[tilespmem:$0x1E400] =	vst v63  }
0x52: {  	_ =	swait.ge [sflag:s17], $0x4000  }
0x53: {  	[sflag:s17] =	ssyncset.done $0x0  }
0x54: {  	[sflag:s17] =	ssyncadd.s32 $0xFFFFC000  }
0x55: {  	_ =	swait.ge [sflag:s23], $0x4000  }
0x56: {  	[sflag:s23] =	ssyncset.done $0x0  }
0x57: {  	[sflag:s23] =	ssyncadd.s32 $0xFFFFC000  }
0x58: {  	[spmem:s1] =	stream.indirect.scatter.add.f32 [tilespmem:s21], [sflag:$0x3], $0x80, s25, s19, $0xb8;
	[tilespmem:$0x1E400] =	vst v63  }
0x59: {  	_ =	swait.ge [sflag:s17], $0x4000  }
0x5a: {  	[sflag:s17] =	ssyncset.done $0x0  }
0x5b: {  	s26 =	simm.s32 $0x0;
	[sflag:s17] =	ssyncadd.s32 $0xFFFFC000  }
0x5c: {  	[tilespmem:s26], [sflag:$0x3] =	stream.linear.gather [hbm4b:s10+s26], $0x1400, $0x38;
	[tilespmem:$0x1E400] =	vst v63  }
0x5d: {  	_ =	swait.ge [sflag:s17], $0x1400  }
0x5e: {  	[sflag:s17] =	ssyncset.done $0x0  }
0x5f: {  	[sflag:s17] =	ssyncadd.s32 $0xFFFFEC00  }
0x60: {  	[tilespmem:s18], [sflag:$0x3] =	stream.linear.gather [hbm4b:s11+s26], $0x1400, $0x38;
	[tilespmem:$0x1E400] =	vst v63  }
0x61: {  	_ =	swait.ge [sflag:s17], $0x1400  }
0x62: {  	[sflag:s17] =	ssyncset.done $0x0  }
0x63: {  	[sflag:s17] =	ssyncadd.s32 $0xFFFFEC00  }
0x64: {  	[tilespmem:s20], [sflag:$0x1] =	stream.indirect.gather [hbm4b:s4+s19], $0x80, s26, s19, $0xb8;
	[tilespmem:$0x1E400] =	vst v63  }
0x65: {  	_ = 	snop  }
0x66: {  	[tilespmem:s21], [sflag:$0x2] =	stream.indirect.gather [hbm4b:s4+s19], $0x80, s19, s19, $0xb8;
	[tilespmem:$0x1E400] =	vst v63  }
0x67: {  	_ =	swait.ge [sflag:s22], $0x4000  }
0x68: {  	[sflag:s22] =	ssyncset.done $0x0  }
0x69: {  	s29 =	simm.s32 $0x1400;
	[sflag:s22] =	ssyncadd.s32 $0xFFFFC000  }
0x6a: {  	[spmem:s1] =	stream.indirect.scatter.add.f32 [tilespmem:s20], [sflag:$0x3], $0x80, s29, s19, $0xb8;
	[tilespmem:$0x1E400] =	vst v63  }
0x6b: {  	_ =	swait.ge [sflag:s17], $0x4000  }
0x6c: {  	[sflag:s17] =	ssyncset.done $0x0  }
0x6d: {  	s29 =	simm.s32 $0x100;
	[sflag:s17] =	ssyncadd.s32 $0xFFFFC000  }
0x6e: {  	[tilespmem:s20], [sflag:$0x1] =	stream.indirect.gather [hbm4b:s4+s19], $0x80, s29, s19, $0xb8;
	[tilespmem:$0x1E400] =	vst v63  }
0x6f: {  	_ =	swait.ge [sflag:s23], $0x4000  }
0x70: {  	[sflag:s23] =	ssyncset.done $0x0  }
0x71: {  	s29 =	simm.s32 $0x1480;
	[sflag:s23] =	ssyncadd.s32 $0xFFFFC000  }
0x72: {  	[spmem:s1] =	stream.indirect.scatter.add.f32 [tilespmem:s21], [sflag:$0x3], $0x80, s29, s19, $0xb8;
	[tilespmem:$0x1E400] =	vst v63  }
0x73: {  	_ =	swait.ge [sflag:s17], $0x4000  }
0x74: {  	[sflag:s17] =	ssyncset.done $0x0  }
0x75: {  	s28 =	simm.s32 $0x180;
	s26 =	simm.s32 $0x400;
	[sflag:s17] =	ssyncadd.s32 $0xFFFFC000  }
.LBB2_4:
0x76: {  	[tilespmem:s21], [sflag:$0x2] =	stream.indirect.gather [hbm4b:s4+s19], $0x80, s28, s19, $0xb8;
	[tilespmem:$0x1E400] =	vst v63  }
0x77: {  	s28 =	smov.u32 s26  }
0x78: {  	p1 =	sne.s32 s26, $0x4800;
	s26 =	sadd.s32 $0x400, s26;
	_ =	swait.ge [sflag:s22], $0x4000  }
0x79: {  	s28 =	sshra.s32 s28, $0x2;
	[sflag:s22] =	ssyncset.done $0x0  }
0x7a: {  	s29 =	sadd.s32 $0x1400, s28;
	[sflag:s22] =	ssyncadd.s32 $0xFFFFC000  }
0x7b: {  	[spmem:s1] =	stream.indirect.scatter.add.f32 [tilespmem:s20], [sflag:$0x3], $0x80, s29, s19, $0xb8;
	[tilespmem:$0x1E400] =	vst v63  }
0x7c: {  	_ =	swait.ge [sflag:s17], $0x4000  }
0x7d: {  	[sflag:s17] =	ssyncset.done $0x0  }
0x7e: {  	s29 =	sadd.s32 $0x100, s28;
	[sflag:s17] =	ssyncadd.s32 $0xFFFFC000  }
0x7f: {  	[tilespmem:s20], [sflag:$0x1] =	stream.indirect.gather [hbm4b:s4+s19], $0x80, s29, s19, $0xb8;
	[tilespmem:$0x1E400] =	vst v63  }
0x80: {  	_ =	swait.ge [sflag:s23], $0x4000  }
0x81: {  	[sflag:s23] =	ssyncset.done $0x0  }
.Ltmp3:
0x82: {  	s29 =	sadd.s32 $0x1480, s28;
	[sflag:s23] =	ssyncadd.s32 $0xFFFFC000;
	(pc) =	sbr.rel @p1 .LBB2_4-.Ltmp3, $4  }
0x83: {  	[spmem:s1] =	stream.indirect.scatter.add.f32 [tilespmem:s21], [sflag:$0x3], $0x80, s29, s19, $0xb8;
	[tilespmem:$0x1E400] =	vst v63  }
0x84: {  	_ =	swait.ge [sflag:s17], $0x4000  }
0x85: {  	[sflag:s17] =	ssyncset.done $0x0  }
0x86: {  	s28 =	sadd.s32 $0x180, s28;
	[sflag:s17] =	ssyncadd.s32 $0xFFFFC000  }
0x87: {  	[tilespmem:s21], [sflag:$0x2] =	stream.indirect.gather [hbm4b:s4+s19], $0x80, s28, s19, $0xb8;
	[tilespmem:$0x1E400] =	vst v63  }
0x88: {  	_ =	swait.ge [sflag:s22], $0x4000  }
0x89: {  	[sflag:s22] =	ssyncset.done $0x0  }
0x8a: {  	[sflag:s22] =	ssyncadd.s32 $0xFFFFC000  }
0x8b: {  	[spmem:s1] =	stream.indirect.scatter.add.f32 [tilespmem:s20], [sflag:$0x3], $0x80, s24, s19, $0xb8;
	[tilespmem:$0x1E400] =	vst v63  }
0x8c: {  	_ =	swait.ge [sflag:s17], $0x4000  }
0x8d: {  	[sflag:s17] =	ssyncset.done $0x0  }
0x8e: {  	[sflag:s17] =	ssyncadd.s32 $0xFFFFC000  }
0x8f: {  	_ =	swait.ge [sflag:s23], $0x4000  }
0x90: {  	[sflag:s23] =	ssyncset.done $0x0  }
.Ltmp4:
0x91: {  	[sflag:s23] =	ssyncadd.s32 $0xFFFFC000;
	(pc) =	sbr.rel @p0 .LBB2_7-.Ltmp4, $4  }
0x92: {  	[spmem:s1] =	stream.indirect.scatter.add.f32 [tilespmem:s21], [sflag:$0x3], $0x80, s25, s19, $0xb8;
	[tilespmem:$0x1E400] =	vst v63  }
0x93: {  	_ =	swait.ge [sflag:s17], $0x4000  }
0x94: {  	[sflag:s17] =	ssyncset.done $0x0  }
0x95: {  	[sflag:s17] =	ssyncadd.s32 $0xFFFFC000  }
0x96: {  	[tilespmem:s3], [sflag:$0x3] =	stream.linear.gather [hbm4b:s12+s3], $0x400, $0x38;
	[tilespmem:$0x1E400] =	vst v63  }
0x97: {  	_ =	swait.ge [sflag:s17], $0x400  }
0x98: {  	[sflag:s17] =	ssyncset.done $0x0  }
0x99: {  	[sflag:s17] =	ssyncadd.s32 $0xFFFFFC00  }
0x9a: {  	[tilespmem:s18], [sflag:$0x3] =	stream.linear.gather [hbm4b:s13+s3], $0x400, $0x38;
	[tilespmem:$0x1E400] =	vst v63  }
0x9b: {  	_ =	swait.ge [sflag:s17], $0x400  }
0x9c: {  	[sflag:s17] =	ssyncset.done $0x0  }
0x9d: {  	[sflag:s17] =	ssyncadd.s32 $0xFFFFFC00  }
0x9e: {  	[tilespmem:s20], [sflag:$0x1] =	stream.indirect.gather [hbm4b:s5+s19], $0x80, s3, s19, $0xb8;
	[tilespmem:$0x1E400] =	vst v63  }
0x9f: {  	_ = 	snop  }
0xa0: {  	[tilespmem:s21], [sflag:$0x2] =	stream.indirect.gather [hbm4b:s5+s19], $0x80, s19, s19, $0xb8;
	[tilespmem:$0x1E400] =	vst v63  }
0xa1: {  	_ =	swait.ge [sflag:s22], $0x4000  }
0xa2: {  	[sflag:s22] =	ssyncset.done $0x0  }
0xa3: {  	[sflag:s22] =	ssyncadd.s32 $0xFFFFC000  }
0xa4: {  	[spmem:s1] =	stream.indirect.scatter.add.f32 [tilespmem:s20], [sflag:$0x3], $0x80, s18, s19, $0xb8;
	[tilespmem:$0x1E400] =	vst v63  }
0xa5: {  	_ =	swait.ge [sflag:s17], $0x4000  }
0xa6: {  	[sflag:s17] =	ssyncset.done $0x0  }
0xa7: {  	s26 =	simm.s32 $0x100;
	[sflag:s17] =	ssyncadd.s32 $0xFFFFC000  }
0xa8: {  	[tilespmem:s20], [sflag:$0x1] =	stream.indirect.gather [hbm4b:s5+s19], $0x80, s26, s19, $0xb8;
	[tilespmem:$0x1E400] =	vst v63  }
0xa9: {  	_ =	swait.ge [sflag:s23], $0x4000  }
0xaa: {  	[sflag:s23] =	ssyncset.done $0x0  }
0xab: {  	s29 =	simm.s32 $0x1480;
	[sflag:s23] =	ssyncadd.s32 $0xFFFFC000  }
0xac: {  	[spmem:s1] =	stream.indirect.scatter.add.f32 [tilespmem:s21], [sflag:$0x3], $0x80, s29, s19, $0xb8;
	[tilespmem:$0x1E400] =	vst v63  }
0xad: {  	_ =	swait.ge [sflag:s17], $0x4000  }
0xae: {  	[sflag:s17] =	ssyncset.done $0x0  }
0xaf: {  	s28 =	simm.s32 $0x180;
	[sflag:s17] =	ssyncadd.s32 $0xFFFFC000  }
0xb0: {  	[tilespmem:s21], [sflag:$0x2] =	stream.indirect.gather [hbm4b:s5+s19], $0x80, s28, s19, $0xb8;
	[tilespmem:$0x1E400] =	vst v63  }
0xb1: {  	_ =	swait.ge [sflag:s22], $0x4000  }
0xb2: {  	[sflag:s22] =	ssyncset.done $0x0  }
0xb3: {  	s29 =	simm.s32 $0x1500;
	[sflag:s22] =	ssyncadd.s32 $0xFFFFC000  }
0xb4: {  	[spmem:s1] =	stream.indirect.scatter.add.f32 [tilespmem:s20], [sflag:$0x3], $0x80, s29, s19, $0xb8;
	[tilespmem:$0x1E400] =	vst v63  }
0xb5: {  	_ =	swait.ge [sflag:s17], $0x4000  }
0xb6: {  	[sflag:s17] =	ssyncset.done $0x0  }
0xb7: {  	s28 =	simm.s32 $0x200;
	[sflag:s17] =	ssyncadd.s32 $0xFFFFC000  }
0xb8: {  	[tilespmem:s20], [sflag:$0x1] =	stream.indirect.gather [hbm4b:s5+s19], $0x80, s28, s19, $0xb8;
	[tilespmem:$0x1E400] =	vst v63  }
0xb9: {  	_ =	swait.ge [sflag:s23], $0x4000  }
0xba: {  	[sflag:s23] =	ssyncset.done $0x0  }
0xbb: {  	s29 =	simm.s32 $0x1580;
	[sflag:s23] =	ssyncadd.s32 $0xFFFFC000  }
0xbc: {  	[spmem:s1] =	stream.indirect.scatter.add.f32 [tilespmem:s21], [sflag:$0x3], $0x80, s29, s19, $0xb8;
	[tilespmem:$0x1E400] =	vst v63  }
0xbd: {  	_ =	swait.ge [sflag:s17], $0x4000  }
0xbe: {  	[sflag:s17] =	ssyncset.done $0x0  }
0xbf: {  	s28 =	simm.s32 $0x280;
	[sflag:s17] =	ssyncadd.s32 $0xFFFFC000  }
0xc0: {  	[tilespmem:s21], [sflag:$0x2] =	stream.indirect.gather [hbm4b:s5+s19], $0x80, s28, s19, $0xb8;
	[tilespmem:$0x1E400] =	vst v63  }
0xc1: {  	_ =	swait.ge [sflag:s22], $0x4000  }
0xc2: {  	[sflag:s22] =	ssyncset.done $0x0  }
0xc3: {  	s29 =	simm.s32 $0x1600;
	[sflag:s22] =	ssyncadd.s32 $0xFFFFC000  }
0xc4: {  	[spmem:s1] =	stream.indirect.scatter.add.f32 [tilespmem:s20], [sflag:$0x3], $0x80, s29, s19, $0xb8;
	[tilespmem:$0x1E400] =	vst v63  }
0xc5: {  	_ =	swait.ge [sflag:s17], $0x4000  }
0xc6: {  	[sflag:s17] =	ssyncset.done $0x0  }
0xc7: {  	s28 =	simm.s32 $0x300;
	[sflag:s17] =	ssyncadd.s32 $0xFFFFC000  }
0xc8: {  	[tilespmem:s20], [sflag:$0x1] =	stream.indirect.gather [hbm4b:s5+s19], $0x80, s28, s19, $0xb8;
	[tilespmem:$0x1E400] =	vst v63  }
0xc9: {  	_ =	swait.ge [sflag:s23], $0x4000  }
0xca: {  	[sflag:s23] =	ssyncset.done $0x0  }
0xcb: {  	s29 =	simm.s32 $0x1680;
	[sflag:s23] =	ssyncadd.s32 $0xFFFFC000  }
0xcc: {  	[spmem:s1] =	stream.indirect.scatter.add.f32 [tilespmem:s21], [sflag:$0x3], $0x80, s29, s19, $0xb8;
	[tilespmem:$0x1E400] =	vst v63  }
0xcd: {  	_ =	swait.ge [sflag:s17], $0x4000  }
0xce: {  	[sflag:s17] =	ssyncset.done $0x0  }
0xcf: {  	[sflag:s17] =	ssyncadd.s32 $0xFFFFC000  }
0xd0: {  	[tilespmem:s21], [sflag:$0x2] =	stream.indirect.gather [hbm4b:s5+s19], $0x80, s30, s19, $0xb8;
	[tilespmem:$0x1E400] =	vst v63  }
0xd1: {  	_ =	swait.ge [sflag:s22], $0x4000  }
0xd2: {  	[sflag:s22] =	ssyncset.done $0x0  }
0xd3: {  	[sflag:s22] =	ssyncadd.s32 $0xFFFFC000  }
0xd4: {  	[spmem:s1] =	stream.indirect.scatter.add.f32 [tilespmem:s20], [sflag:$0x3], $0x80, s31, s19, $0xb8;
	[tilespmem:$0x1E400] =	vst v63  }
0xd5: {  	_ =	swait.ge [sflag:s17], $0x4000  }
0xd6: {  	[sflag:s17] =	ssyncset.done $0x0  }
0xd7: {  	[sflag:s17] =	ssyncadd.s32 $0xFFFFC000  }
0xd8: {  	_ =	swait.ge [sflag:s23], $0x4000  }
0xd9: {  	[sflag:s23] =	ssyncset.done $0x0  }
.Ltmp5:
0xda: {  	[sflag:s23] =	ssyncadd.s32 $0xFFFFC000;
	(pc) =	sbr.rel .LBB2_7-.Ltmp5, $4  }
0xdb: {  	[spmem:s1] =	stream.indirect.scatter.add.f32 [tilespmem:s21], [sflag:$0x3], $0x80, s0, s19, $0xb8;
	[tilespmem:$0x1E400] =	vst v63  }
0xdc: {  	_ =	swait.ge [sflag:s17], $0x4000  }
0xdd: {  	[sflag:s17] =	ssyncset.done $0x0  }
0xde: {  	[sflag:s17] =	ssyncadd.s32 $0xFFFFC000  }
.LBB2_8:
0xdf: {  	_ =	sfence.sel $0x180000  }
0xe0: {  	[bflag:$0x0] =	sbarrier.arrive $0xFFFF  }
0xe1: {  	_ =	strace $0x9000004A  }
0xe2: {  	s0 =	stileid.u32;
	[bflag:$0x2] =	sbarrier.arrive $0xFFFF  }
0xe3: {  	p0 =	sne.s32 s0, $0x0;
	s0 =	rddreg [dreg:$0x2]  }
0xe4: {  	s0 =	sadd.s32 @!p0 $0x100000, s0  }
0xe5: {  	[sflag:s0] =	ssyncadd.tile.s32 @!p0 $0x1;
	_ =	shalt  }
.Lfunc_end2:
_tile_overlayer_lowered:
.L_overlay_start_2:
0xe6: {  	(tag) =	ssettag $0x2  }
0xe7: {  	s0 =	rddreg [dreg:$0x0];
	s2 =	stileid.u32  }
0xe8: {  	s1 =	rddreg [dreg:$0x1];
	p0 =	sne.s32 s2, $0x0  }
0xe9: {  	s3 =	rddreg [dreg:$0x2];
	[bflag:$0x3] =	sbarrier.arrive $0xFFFF;
	s2 =	simm.s32 @!p0 $0x1C03  }
0xea: {  	[timem:s3], [sflag:s2] =	dma.local @!p0 [hbm:s0], s1  }
0xeb: {  	s0 =	simm.s32 @!p0 $0x3  }
0xec: {  	_ =	swait.ge @!p0 [sflag:s0], s1  }
0xed: {  	s1 =	ssub.s32 @!p0 $0x0, s1;
	[sflag:s0] =	ssyncset.done @!p0 $0x0  }
0xee: {  	[sflag:s0] =	ssyncadd.s32 @!p0 s1  }
0xef: {  	[bflag:$0x3] =	sbarrier.arrive $0xFFFF  }
0xf0: {  	_ =	shalt  }

// kernel: kernel.7.cloned.1.call-start
scs
__scs_entry_jumppad:
0x0: {  	(pc) =	sbr.rel $0x88, $3  }
0x1: {  	(tag) =	ssettag $0x0;
	lr =	simm.s32 $0x1  }
0x2: {  	[smem:$0x3F87] =	sst lr;
	_ =	strace $0xD0000000  }
0x3: {  	_ = 	snop  }
0x4: {  	_ = 	snop  }
0x5: {  	_ = 	snop  }
0x6: {  	_ = 	snop  }
0x7: {  	_ = 	snop  }
__scs_overlays_trampoline_lowered:
0x8: {  	[smem:$0x3F96] =	sst s0  }
0x9: {  	[smem:$0x3F97] =	sst s1  }
0xa: {  	[smem:$0x3F98] =	sst s2  }
0xb: {  	[smem:$0x3F99] =	sst s3  }
0xc: {  	[smem:$0x3F9A] =	sst s4  }
0xd: {  	[smem:$0x3F9B] =	sst s5  }
0xe: {  	[smem:$0x3F9C] =	sst s6  }
0xf: {  	[smem:$0x3F9D] =	sst s7  }
0x10: {  	[smem:$0x3F9E] =	sst s8  }
0x11: {  	[smem:$0x3F9F] =	sst s9;
	s0 =	simm.s32 @!p0 $0x0  }
0x12: {  	s1 =	sld [smem:$0x3F85];
	s0 =	simm.s32 @p0 $0x1  }
0x13: {  	[smem:$0x3FA0] =	sst s0;
	s0 =	simm.s32 @!p1 $0x0  }
0x14: {  	s2 =	sld [smem:$0x3F84];
	s0 =	simm.s32 @p1 $0x1  }
0x15: {  	[smem:$0x3FA1] =	sst s0;
	s0 =	simm.s32 @!p2 $0x0  }
0x16: {  	s3 =	sld [smem:$0x3FDB];
	s0 =	simm.s32 @p2 $0x1  }
0x17: {  	s4 =	simm.s32 $0x1BF5;
	[smem:$0x3FA3] =	sst s0  }
0x18: {  	s0 =	sld [smem:$0x3F86];
	_ =	swait.ge [sflag:s4], $0x0  }
0x19: {  	s7 =	sld [smem:$0x3F87]  }
0x1a: {  	s8 =	sadd.s32 $0xFFFFE003, lr  }
0x1b: {  	s9 =	sadd.s32 $0xFFFFFEF7, lr;
	s5 =	simm.s32 $0xFFFFFFFF;
	p2 =	slt.u32 s8, $0xFFFFF086  }
0x1c: {  	p1 =	slt.u32 s9, $0xF7A;
	s5 =	simm.s32 @!p2 $0x0  }
0x1d: {  	s5 =	simm.s32 @p1 $0x1;
	p0 =	seq.s32 s7, s2  }
0x1e: {  	s7 =	smul.u32 @!p0 $0xF7A, s2;
	p2 =	seq.s32 @!p0 s5, $0x0  }
0x1f: {  	s9 =	smul.u32 $0xF7A, s1;
	s8 =	simm.s32 @!p0 $0x1BF5;
	p2 =	por !p2, p0  }
0x20: {  	[sflag:s8] =	ssyncset.s32 @!p0 $0xFFFFF086;
	s6 =	sadd.s32 @!p0 s3, s7;
	s7 =	simm.s32 @!p0 $0x108  }
0x21: {  	s3 =	sadd.s32 s3, s9;
	s6 =	sadd.s32 @!p0 $0x88, s6;
	s7 =	simm.s32 @p2 $0x1082  }
0x22: {  	[simem:s7], [sflag:s8] =	dma.local @!p0 [hbm:s6], $0xF7A  }
0x23: {  	s9 =	sor.u32 $0xD0000000, s2;
	s6 =	simm.s32 $0x108;
	_ =	swait.ge @!p0 [sflag:s8], $0x0  }
0x24: {  	s3 =	sadd.s32 $0x88, s3;
	s6 =	simm.s32 @!p1 $0x1082;
	[sflag:s4] =	ssyncset.s32 $0xFFFFF086  }
0x25: {  	[simem:s6], [sflag:s4] =	dma.local [hbm:s3], $0xF7A  }
0x26: {  	[smem:$0x3F87] =	sst s1;
	(tag) =	ssettag s2;
	_ =	strace s9  }
0x27: {  	s1 =	sld [smem:$0x3F97]  }
0x28: {  	s2 =	sld [smem:$0x3F98]  }
0x29: {  	s4 =	sld [smem:$0x3F9A]  }
0x2a: {  	p0 =	seq.s32 s5, $0x0;
	s5 =	sld [smem:$0x3F9B]  }
0x2b: {  	s6 =	sld [smem:$0x3F9C]  }
0x2c: {  	s7 =	sld [smem:$0x3F9D]  }
0x2d: {  	s3 =	simm.s32 $0x108;
	s8 =	sld [smem:$0x3F9E]  }
0x2e: {  	s3 =	simm.s32 @!p0 $0x1082;
	s9 =	sld [smem:$0x3F9F]  }
0x2f: {  	lr =	sadd.s32 s0, s3;
	s0 =	sld [smem:$0x3F96]  }
0x30: {  	s3 =	sld [smem:$0x3F99]  }
0x31: {  	[smem:$0x3FA2] =	sst s10  }
0x32: {  	s10 =	sld [smem:$0x3FA0];
	_ =	sdelay $0x3  }
0x33: {  	p0 =	seq.s32 s10, $0x1;
	s10 =	sld [smem:$0x3FA2];
	_ =	sdelay $0x3  }
0x34: {  	[smem:$0x3FA2] =	sst s10  }
0x35: {  	s10 =	sld [smem:$0x3FA1];
	_ =	sdelay $0x3  }
0x36: {  	p1 =	seq.s32 s10, $0x1;
	s10 =	sld [smem:$0x3FA2];
	_ =	sdelay $0x3  }
0x37: {  	[smem:$0x3FA2] =	sst s10  }
0x38: {  	s10 =	sld [smem:$0x3FA3]  }
0x39: {  	_ = 	snop;
	(pc) =	sbr.ind lr, $3  }
0x3a: {  	_ = 	snop  }
0x3b: {  	_ = 	snop  }
0x3c: {  	p2 =	seq.s32 s10, $0x1;
	s10 =	sld [smem:$0x3FA2]  }
0x3d: {  	_ =	shalt  }
0x3e: {  	_ =	shalt  }
0x3f: {  	_ =	shalt  }
0x40: {  	_ =	shalt  }
0x41: {  	_ =	shalt  }
0x42: {  	_ =	shalt  }
0x43: {  	_ =	shalt  }
0x44: {  	_ =	shalt  }
0x45: {  	_ =	shalt  }
0x46: {  	_ =	shalt  }
0x47: {  	_ =	shalt  }
0x48: {  	_ =	shalt  }
0x49: {  	_ =	shalt  }
0x4a: {  	_ =	shalt  }
0x4b: {  	_ =	shalt  }
0x4c: {  	_ =	shalt  }
0x4d: {  	_ =	shalt  }
0x4e: {  	_ =	shalt  }
0x4f: {  	_ =	shalt  }
0x50: {  	_ =	shalt  }
0x51: {  	_ =	shalt  }
0x52: {  	_ =	shalt  }
0x53: {  	_ =	shalt  }
0x54: {  	_ =	shalt  }
0x55: {  	_ =	shalt  }
0x56: {  	_ =	shalt  }
0x57: {  	_ =	shalt  }
0x58: {  	_ =	shalt  }
0x59: {  	_ =	shalt  }
0x5a: {  	_ =	shalt  }
0x5b: {  	_ =	shalt  }
0x5c: {  	_ =	shalt  }
0x5d: {  	_ =	shalt  }
0x5e: {  	_ =	shalt  }
0x5f: {  	_ =	shalt  }
0x60: {  	_ =	shalt  }
0x61: {  	_ =	shalt  }
0x62: {  	_ =	shalt  }
0x63: {  	_ =	shalt  }
0x64: {  	_ =	shalt  }
0x65: {  	_ =	shalt  }
0x66: {  	_ =	shalt  }
0x67: {  	_ =	shalt  }
0x68: {  	_ =	shalt  }
0x69: {  	_ =	shalt  }
0x6a: {  	_ =	shalt  }
0x6b: {  	_ =	shalt  }
0x6c: {  	_ =	shalt  }
0x6d: {  	_ =	shalt  }
0x6e: {  	_ =	shalt  }
0x6f: {  	_ =	shalt  }
0x70: {  	_ =	shalt  }
0x71: {  	_ =	shalt  }
0x72: {  	_ =	shalt  }
0x73: {  	_ =	shalt  }
0x74: {  	_ =	shalt  }
0x75: {  	_ =	shalt  }
0x76: {  	_ =	shalt  }
0x77: {  	_ =	shalt  }
0x78: {  	_ =	shalt  }
0x79: {  	_ =	shalt  }
0x7a: {  	_ =	shalt  }
0x7b: {  	_ =	shalt  }
0x7c: {  	_ =	shalt  }
0x7d: {  	_ =	shalt  }
0x7e: {  	_ =	shalt  }
0x7f: {  	_ =	shalt  }
0x80: {  	_ =	shalt  }
0x81: {  	_ =	shalt  }
0x82: {  	_ =	shalt  }
0x83: {  	_ =	shalt  }
0x84: {  	_ =	shalt  }
0x85: {  	_ =	shalt  }
0x86: {  	_ =	shalt  }
0x87: {  	_ =	shalt  }
.Lfunc_end0:
.L_simem_size_0:
called_computation_lowered:
.L_overlay_start_0:
0x88: {  	s2 =	sld [smem:$0x3FD9]  }
0x89: {  	s3 =	sld [smem:$0x3FFE];
	_ =	sdelay $0x1  }
0x8a: {  	s1 =	srdreg.scid  }
0x8b: {  	s0 =	sand.u32 $0x1, s1  }
0x8c: {  	s16 =	sshll.u32 s0, $0xA;
	s2 =	sadd.s32 s3, s2  }
0x8d: {  	s2 =	sadd.s32 s2, s16  }
0x8e: {  	[smem:$0x3FAE] =	sst s2  }
0x8f: {  	_ = 	snop  }
0x90: {  	(tm) =	ssettm $0x1  }
0x91: {  	s17 =	sld [smem:$0x3FFB];
	_ =	sdelay $0x3  }
0x92: {  	_ =	strace s17  }
0x93: {  	s2 =	sld [smem:$0x3FFC];
	_ =	sdelay $0x3  }
0x94: {  	_ =	strace s2  }
0x95: {  	s2 =	sld [smem:$0x3FFD];
	_ =	sdelay $0x3  }
0x96: {  	_ =	strace s2  }
0x97: {  	_ =	strace $0x8FFFFFFF  }
0x98: {  	s18 =	sld [smem:$0x3FDB];
	_ =	sdelay $0x1  }
0x99: {  	s19 =	simm.s32 $_scs_section_size  }
0x9a: {  	s4 =	simm.s32 $_size__tile_overlayer_lowered;
	s5 =	simm.s32 $_tile_overlayer_lowered  }
0x9b: {  	s22 =	simm.s32 $0x1BFF;
	s21 =	sshll.u32 s5, $0x1;
	s2 =	sadd.s32 s19, s18  }
0x9c: {  	s6 =	simm.s32 $0x0;
	s20 =	sshll.u32 s4, $0x1;
	s4 =	sadd.s32 s21, s2  }
0x9d: {  	[timem:s6], [sflag:s22] =	dma.local [hbm:s4], s20  }
0x9e: {  	_ =	swait.ge [sflag:s22], s20  }
0x9f: {  	s3 =	ssub.s32 $0x0, s20;
	[sflag:s22] =	ssyncset.done $0x0  }
0xa0: {  	[sflag:s22] =	ssyncadd.s32 s3;
	_ =	sdelay $0x1  }
0xa1: {  	s23 =	simm.s32 $0x1B8B  }
0xa2: {  	_ =	swait.ge [sflag:s23], $0x1  }
0xa3: {  	[sflag:s23] =	ssyncset.done $0x0  }
0xa4: {  	s25 =	simm.s32 $0x1B8E;
	s24 =	sld [smem:$0x3FFE];
	[sflag:s23] =	ssyncadd.s32 $0xFFFFFFFF  }
0xa5: {  	s26 =	simm.s32 $execute0_lowered;
	[smem:$0x3FD2] =	sst s25  }
0xa6: {  	s4 =	sshll.u32 s26, $0x1;
	_ =	strace $0x80000046;
	[dreg:$0x1] =	wrdreg $0xFFFFFFFF  }
0xa7: {  	s28 =	simm.s32 $_size_execute0_lowered;
	s2 =	sadd.s32 s2, s4;
	[dreg:$0x0] =	wrdreg $0x0  }
0xa8: {  	s4 =	sshll.u32 s28, $0x1;
	[dreg:$0x2] =	wrdreg s2  }
0xa9: {  	[dreg:$0x3] =	wrdreg s4  }
0xaa: {  	[dreg:$0x4] =	wrdreg $0xC0  }
0xab: {  	_ =	task [dreg:s6], $0x5FFFF  }
0xac: {  	[dreg:$0x1] =	wrdreg $0xFFFFFFFF  }
0xad: {  	[dreg:$0x0] =	wrdreg $0x60  }
0xae: {  	[dreg:$0x2] =	wrdreg s24  }
0xaf: {  	[dreg:$0x3] =	wrdreg $0xA8000  }
0xb0: {  	[dreg:$0x4] =	wrdreg $0x9  }
0xb1: {  	_ =	task.clear_ibuf [dreg:s6], $0x5FFFF;
	_ =	strace $0x90000046  }
0xb2: {  	s29 =	simm.s32 $0x9;
	_ =	strace $0x80000048  }
0xb3: {  	_ =	swait.ge [sflag:s29], $0x1  }
0xb4: {  	[sflag:s29] =	ssyncadd.s32 $0xFFFFFFFF  }
0xb5: {  	_ =	strace $0x90000048  }
0xb6: {  	_ =	sfence  }
0xb7: {  	s30 =	sld [smem:$0x0];
	_ =	sdelay $0x2  }
0xb8: {  	s31 =	sshll.u32 s1, $0xD;
	s1 =	sshrl.u32 s1, $0x2  }
0xb9: {  	s3 =	sand.u32 $0x4000, s31;
	s1 =	sadd.s32 s1, s30  }
0xba: {  	s0 =	sor.u32 s3, s0;
	s1 =	sshll.u32 s1, $0x11  }
0xbb: {  	s0 =	sor.u32 s1, s0  }
0xbc: {  	s0 =	sadd.s32 $0x8F2B, s0  }
0xbd: {  	[sflag:s0] =	ssyncadd.remote.s32 $0x1  }
0xbe: {  	_ =	sfence.sel $0xFFFF  }
0xbf: {  	[dreg:$0x0] =	wrdreg $0xFFFFFFFF;
	(pc) =	sbr.abs _section_cstart, $3  }
0xc0: {  	[dreg:$0x1] =	wrdreg $0xFFFFFFFF  }
0xc1: {  	_ =	task.clear_ibuf [dreg:s6], $0x2FFFF;
	_ =	strace $0x9FFFFFFF  }
0xc2: {  	(tm) =	ssettm $0x7FFFFFFF  }
0xc3: {  	_ =	shalt  }
tec
execute0_lowered:
.L_overlay_start_1:
0x0: {  	(tag) =	ssettag $0x1  }
0x1: {  	s0 =	srdreg.scid;
	s11 =	stileid.u32  }
0x2: {  	s3 =	rddreg [dreg:$0x0];
	s1 =	simm.s32 $0x0;
	s4 =	smul.u32 $0x13C00, s11  }
0x3: {  	s0 =	sand.u32 $0x1, s0;
	[smem:$0x7FF] =	sst s1;
	s6 =	smul.u32 $0xA00, s11  }
0x4: {  	s7 =	sadd.s32 $0x101A00, s3;
	s9 =	smul.u32 $0x5000, s11;
	s10 =	sadd.s32 $0xECA00, s3  }
0x5: {  	s22 =	sshll.u32 s11, $0x7;
	s2 =	smul.u32 $0x13C000, s0;
	s5 =	ssub.s32 $0x2, s0  }
0x6: {  	p0 =	seq.s32 s0, $0x1;
	s24 =	sor.u32 $0x14000, s22;
	s8 =	sshrl.u32 s5, $0x1  }
0x7: {  	s14 =	sadd.s32 s7, s6;
	s0 =	sshrl.u32 s9, $0x3;
	s15 =	sadd.s32 s10, s6  }
0x8: {  	s25 =	sadd.s32 s7, s24;
	s2 =	sadd.s32 s4, s2;
	[dreg:$0x3] =	wrdreg s14  }
0x9: {  	[dreg:$0x4] =	wrdreg s15;
	s16 =	sadd.s32 $0x280, s0;
	s17 =	sadd.s32 $0x500, s0  }
0xa: {  	[dreg:$0xb] =	wrdreg s25;
	s18 =	sadd.s32 s7, s16;
	s19 =	sadd.s32 s7, s17  }
0xb: {  	s20 =	sadd.s32 s10, s17;
	s17 =	sor.u32 $0x14800, s22;
	s22 =	rddreg [dreg:$0x1]  }
0xc: {  	s4 =	ssub.s32 s5, s8;
	s5 =	sadd.s32 s10, s16;
	[dreg:$0x5] =	wrdreg s18  }
0xd: {  	s28 =	sadd.s32 $0x9E600, s3;
	s6 =	simm.s32 $0x6800;
	[dreg:$0x6] =	wrdreg s5  }
0xe: {  	s21 =	sadd.s32 $0x780, s0;
	s26 =	sadd.s32 $0xA000, s0;
	[dreg:$0x7] =	wrdreg s19  }
0xf: {  	s12 =	sadd.s32 $0xA280, s0;
	s23 =	sadd.s32 s7, s21;
	[dreg:$0x8] =	wrdreg s20  }
0x10: {  	s14 =	sadd.s32 $0xA500, s0;
	s9 =	sadd.s32 s7, s26;
	[dreg:$0x9] =	wrdreg s23  }
0x11: {  	s0 =	sadd.s32 $0xA780, s0;
	s13 =	sadd.s32 s7, s12;
	[dreg:$0xd] =	wrdreg s9  }
0x12: {  	s25 =	sadd.s32 $0x50200, s3;
	s15 =	sadd.s32 s7, s14;
	[dreg:$0xf] =	wrdreg s13  }
0x13: {  	s8 =	simm.s32 $0x2;
	s16 =	sadd.s32 s7, s0;
	[dreg:$0x11] =	wrdreg s15  }
0x14: {  	s0 =	sadd.s32 s10, s0;
	s5 =	sadd.s32 s10, s21;
	[dreg:$0x13] =	wrdreg s16  }
0x15: {  	[dreg:$0x14] =	wrdreg s0;
	s18 =	sadd.s32 s7, s17;
	s19 =	smul.u32 $0x4F000, s11  }
0x16: {  	s0 =	sadd.s32 s10, s17;
	s20 =	sshrl.u32 s2, $0x3;
	s23 =	sshll.u32 s11, $0x6  }
0x17: {  	s2 =	simm.s32 $0x3;
	s7 =	simm.s32 $0x1;
	[dreg:$0xa] =	wrdreg s5  }
0x18: {  	s9 =	simm.s32 $0x2700;
	s11 =	simm.s32 $0x380;
	[dreg:$0x15] =	wrdreg s18  }
0x19: {  	s13 =	simm.s32 $0x1780;
	s5 =	sadd.s32 s10, s24;
	[dreg:$0x16] =	wrdreg s0  }
0x1a: {  	s0 =	sadd.s32 s20, s3;
	s24 =	sadd.s32 $0xC5800, s3;
	s30 =	sor.u32 $0x1C03, s23  }
0x1b: {  	s18 =	simm.s32 $0x1600;
	s23 =	simm.s32 $0x0;
	[dreg:$0xc] =	wrdreg s5  }
0x1c: {  	s5 =	sadd.s32 s10, s26;
	s21 =	sshrl.u32 s19, $0x2;
	s26 =	sadd.s32 $0x77400, s3  }
0x1d: {  	s31 =	sadd.s32 $0x1200, s0;
	s20 =	sadd.s32 $0x116A00, s0;
	s0 =	smax.u32 s4, $0x1  }
.Ltmp0:
0x1e: {  	s3 =	simm.s32 $0x1400;
	s4 =	simm.s32 $0x80;
	(pc) =	sbr.rel .LBB2_1-.Ltmp0, $4  }
0x1f: {  	s19 =	simm.s32 $0x300;
	[dreg:$0xe] =	wrdreg s5;
	s5 =	sadd.s32 s10, s12  }
0x20: {  	s29 =	sadd.s32 s21, s22;
	[dreg:$0x10] =	wrdreg s5;
	s5 =	sadd.s32 s10, s14  }
0x21: {  	s21 =	simm.s32 $0x1680;
	s12 =	simm.s32 $0x1700;
	[dreg:$0x12] =	wrdreg s5  }
0x22: {  	s10 =	simm.s32 $0x2780;
	s5 =	simm.s32 $0x2800;
	_ =	strace $0x80000047  }
.LBB2_19:
0x23: {  	[tilespmem:s6], [sflag:$0x2] =	stream.indirect.gather [hbm4b:s26+s4], $0x80, s16, s4, $0xb8;
	[tilespmem:$0x1E400] =	vst v63  }
0x24: {  	_ =	swait.ge [sflag:s7], $0x4000  }
0x25: {  	[sflag:s7] =	ssyncset.done $0x0  }
0x26: {  	[sflag:s7] =	ssyncadd.s32 $0xFFFFC000  }
0x27: {  	[spmem:s22] =	stream.indirect.scatter.add.f32 [tilespmem:s5], [sflag:$0x3], $0x80, s9, s4, $0xb8;
	[tilespmem:$0x1E400] =	vst v63  }
0x28: {  	_ =	swait.ge [sflag:s2], $0x4000  }
0x29: {  	[sflag:s2] =	ssyncset.done $0x0  }
0x2a: {  	[sflag:s2] =	ssyncadd.s32 $0xFFFFC000  }
0x2b: {  	_ =	swait.ge [sflag:s8], $0x4000  }
0x2c: {  	[sflag:s8] =	ssyncset.done $0x0  }
0x2d: {  	[sflag:s8] =	ssyncadd.s32 $0xFFFFC000  }
0x2e: {  	[spmem:s22] =	stream.indirect.scatter.add.f32 [tilespmem:s6], [sflag:$0x3], $0x80, s10, s4, $0xb8;
	[tilespmem:$0x1E400] =	vst v63  }
0x2f: {  	_ =	swait.ge [sflag:s2], $0x4000  }
0x30: {  	[sflag:s2] =	ssyncset.done $0x0  }
0x31: {  	s15 =	rddreg [dreg:$0x15];
	[sflag:s2] =	ssyncadd.s32 $0xFFFFC000  }
0x32: {  	[tilespmem:s1], [sflag:$0x3] =	stream.linear.gather [hbm4b:s15+s1], $0x400, $0x38;
	[tilespmem:$0x1E400] =	vst v63  }
0x33: {  	_ =	swait.ge [sflag:s2], $0x400  }
0x34: {  	[sflag:s2] =	ssyncset.done $0x0  }
0x35: {  	s16 =	rddreg [dreg:$0x16];
	[sflag:s2] =	ssyncadd.s32 $0xFFFFFC00  }
0x36: {  	[tilespmem:s3], [sflag:$0x3] =	stream.linear.gather [hbm4b:s16+s1], $0x400, $0x38;
	[tilespmem:$0x1E400] =	vst v63  }
0x37: {  	_ =	swait.ge [sflag:s2], $0x400  }
0x38: {  	[sflag:s2] =	ssyncset.done $0x0  }
0x39: {  	[sflag:s2] =	ssyncadd.s32 $0xFFFFFC00  }
0x3a: {  	[tilespmem:s5], [sflag:$0x1] =	stream.indirect.gather [hbm4b:s28+s4], $0x80, s1, s4, $0xb8;
	[tilespmem:$0x1E400] =	vst v63  }
0x3b: {  	_ = 	snop  }
0x3c: {  	[tilespmem:s6], [sflag:$0x2] =	stream.indirect.gather [hbm4b:s28+s4], $0x80, s4, s4, $0xb8;
	[tilespmem:$0x1E400] =	vst v63  }
0x3d: {  	_ =	swait.ge [sflag:s7], $0x4000  }
0x3e: {  	[sflag:s7] =	ssyncset.done $0x0  }
0x3f: {  	[sflag:s7] =	ssyncadd.s32 $0xFFFFC000  }
0x40: {  	[spmem:s22] =	stream.indirect.scatter.add.f32 [tilespmem:s5], [sflag:$0x3], $0x80, s3, s4, $0xb8;
	[tilespmem:$0x1E400] =	vst v63  }
0x41: {  	_ =	swait.ge [sflag:s2], $0x4000  }
0x42: {  	[sflag:s2] =	ssyncset.done $0x0  }
0x43: {  	s17 =	simm.s32 $0x100;
	[sflag:s2] =	ssyncadd.s32 $0xFFFFC000  }
0x44: {  	[tilespmem:s5], [sflag:$0x1] =	stream.indirect.gather [hbm4b:s28+s4], $0x80, s17, s4, $0xb8;
	[tilespmem:$0x1E400] =	vst v63  }
0x45: {  	_ =	swait.ge [sflag:s8], $0x4000  }
0x46: {  	[sflag:s8] =	ssyncset.done $0x0  }
0x47: {  	s16 =	simm.s32 $0x1480;
	[sflag:s8] =	ssyncadd.s32 $0xFFFFC000  }
0x48: {  	[spmem:s22] =	stream.indirect.scatter.add.f32 [tilespmem:s6], [sflag:$0x3], $0x80, s16, s4, $0xb8;
	[tilespmem:$0x1E400] =	vst v63  }
0x49: {  	_ =	swait.ge [sflag:s2], $0x4000  }
0x4a: {  	[sflag:s2] =	ssyncset.done $0x0  }
0x4b: {  	s17 =	simm.s32 $0x180;
	[sflag:s2] =	ssyncadd.s32 $0xFFFFC000  }
0x4c: {  	[tilespmem:s6], [sflag:$0x2] =	stream.indirect.gather [hbm4b:s28+s4], $0x80, s17, s4, $0xb8;
	[tilespmem:$0x1E400] =	vst v63  }
0x4d: {  	_ =	swait.ge [sflag:s7], $0x4000  }
0x4e: {  	[sflag:s7] =	ssyncset.done $0x0  }
0x4f: {  	s16 =	simm.s32 $0x1500;
	[sflag:s7] =	ssyncadd.s32 $0xFFFFC000  }
0x50: {  	[spmem:s22] =	stream.indirect.scatter.add.f32 [tilespmem:s5], [sflag:$0x3], $0x80, s16, s4, $0xb8;
	[tilespmem:$0x1E400] =	vst v63  }
0x51: {  	_ =	swait.ge [sflag:s2], $0x4000  }
0x52: {  	[sflag:s2] =	ssyncset.done $0x0  }
0x53: {  	s17 =	simm.s32 $0x200;
	[sflag:s2] =	ssyncadd.s32 $0xFFFFC000  }
0x54: {  	[tilespmem:s5], [sflag:$0x1] =	stream.indirect.gather [hbm4b:s28+s4], $0x80, s17, s4, $0xb8;
	[tilespmem:$0x1E400] =	vst v63  }
0x55: {  	_ =	swait.ge [sflag:s8], $0x4000  }
0x56: {  	[sflag:s8] =	ssyncset.done $0x0  }
0x57: {  	s16 =	simm.s32 $0x1580;
	[sflag:s8] =	ssyncadd.s32 $0xFFFFC000  }
0x58: {  	[spmem:s22] =	stream.indirect.scatter.add.f32 [tilespmem:s6], [sflag:$0x3], $0x80, s16, s4, $0xb8;
	[tilespmem:$0x1E400] =	vst v63  }
0x59: {  	_ =	swait.ge [sflag:s2], $0x4000  }
0x5a: {  	[sflag:s2] =	ssyncset.done $0x0  }
0x5b: {  	s17 =	simm.s32 $0x280;
	[sflag:s2] =	ssyncadd.s32 $0xFFFFC000  }
0x5c: {  	[tilespmem:s6], [sflag:$0x2] =	stream.indirect.gather [hbm4b:s28+s4], $0x80, s17, s4, $0xb8;
	[tilespmem:$0x1E400] =	vst v63  }
0x5d: {  	_ =	swait.ge [sflag:s7], $0x4000  }
0x5e: {  	[sflag:s7] =	ssyncset.done $0x0  }
0x5f: {  	[sflag:s7] =	ssyncadd.s32 $0xFFFFC000  }
0x60: {  	[spmem:s22] =	stream.indirect.scatter.add.f32 [tilespmem:s5], [sflag:$0x3], $0x80, s18, s4, $0xb8;
	[tilespmem:$0x1E400] =	vst v63  }
0x61: {  	_ =	swait.ge [sflag:s2], $0x4000  }
0x62: {  	[sflag:s2] =	ssyncset.done $0x0  }
0x63: {  	[sflag:s2] =	ssyncadd.s32 $0xFFFFC000  }
0x64: {  	[tilespmem:s5], [sflag:$0x1] =	stream.indirect.gather [hbm4b:s28+s4], $0x80, s19, s4, $0xb8;
	[tilespmem:$0x1E400] =	vst v63  }
0x65: {  	_ =	swait.ge [sflag:s8], $0x4000  }
0x66: {  	[sflag:s8] =	ssyncset.done $0x0  }
0x67: {  	[sflag:s8] =	ssyncadd.s32 $0xFFFFC000  }
0x68: {  	[spmem:s22] =	stream.indirect.scatter.add.f32 [tilespmem:s6], [sflag:$0x3], $0x80, s21, s4, $0xb8;
	[tilespmem:$0x1E400] =	vst v63  }
0x69: {  	_ =	swait.ge [sflag:s2], $0x4000  }
0x6a: {  	[sflag:s2] =	ssyncset.done $0x0  }
0x6b: {  	[sflag:s2] =	ssyncadd.s32 $0xFFFFC000  }
0x6c: {  	[tilespmem:s6], [sflag:$0x2] =	stream.indirect.gather [hbm4b:s28+s4], $0x80, s11, s4, $0xb8;
	[tilespmem:$0x1E400] =	vst v63  }
.LBB2_20:
0x6d: {  	_ =	swait.ge [sflag:s7], $0x4000  }
0x6e: {  	[sflag:s7] =	ssyncset.done $0x0  }
0x6f: {  	[sflag:s7] =	ssyncadd.s32 $0xFFFFC000  }
0x70: {  	[spmem:s22] =	stream.indirect.scatter.add.f32 [tilespmem:s5], [sflag:$0x3], $0x80, s12, s4, $0xb8;
	[tilespmem:$0x1E400] =	vst v63  }
0x71: {  	_ =	swait.ge [sflag:s2], $0x4000  }
0x72: {  	[sflag:s2] =	ssyncset.done $0x0  }
0x73: {  	[sflag:s2] =	ssyncadd.s32 $0xFFFFC000  }
0x74: {  	_ =	swait.ge [sflag:s8], $0x4000  }
0x75: {  	[sflag:s8] =	ssyncset.done $0x0  }
0x76: {  	[sflag:s8] =	ssyncadd.s32 $0xFFFFC000  }
0x77: {  	[spmem:s22] =	stream.indirect.scatter.add.f32 [tilespmem:s6], [sflag:$0x3], $0x80, s13, s4, $0xb8;
	[tilespmem:$0x1E400] =	vst v63  }
0x78: {  	_ =	swait.ge [sflag:s2], $0x4000  }
0x79: {  	s23 =	sadd.s32 $0x1, s23;
	[sflag:s2] =	ssyncset.done $0x0  }
0x7a: {  	p1 =	sne.s32 s23, s0;
	[sflag:s2] =	ssyncadd.s32 $0xFFFFC000  }
.Ltmp1:
0x7b: {  	[bflag:$0x0] =	sbarrier.arrive $0xFFFF;
	(pc) =	sbr.rel @!p1 .LBB2_21-.Ltmp1, $4  }
0x7c: {  	[hbm:s20], [sflag:s30] =	dma.local [spmem:s14], $0x2780  }
0x7d: {  	_ =	swait.ge [sflag:s2], $0x2780  }
0x7e: {  	[sflag:s2] =	ssyncset.done $0x0  }
0x7f: {  	[sflag:s2] =	ssyncadd.s32 $0xFFFFD880  }
.LBB2_1:
0x80: {  	s14 =	sshrl.u32 s29, $0x3  }
0x81: {  	[spmem:s14], [sflag:s30] =	dma.local [hbm:s31], $0x2780  }
.Ltmp2:
0x82: {  	_ =	swait.ge [sflag:s2], $0x2780;
	(pc) =	sbr.rel @!p0 .LBB2_2-.Ltmp2, $4  }
0x83: {  	[sflag:s2] =	ssyncset.done $0x0  }
0x84: {  	[sflag:s2] =	ssyncadd.s32 $0xFFFFD880  }
0x85: {  	[bflag:$0x0] =	sbarrier.arrive $0xFFFF  }
0x86: {  	s15 =	simm.s32 $0x0  }
0x87: {  	s16 =	rddreg [dreg:$0xd]  }
0x88: {  	[tilespmem:s15], [sflag:$0x3] =	stream.linear.gather [hbm4b:s16+s15], $0x1400, $0x38;
	[tilespmem:$0x1E400] =	vst v63  }
0x89: {  	_ =	swait.ge [sflag:s2], $0x1400  }
0x8a: {  	[sflag:s2] =	ssyncset.done $0x0  }
0x8b: {  	s17 =	rddreg [dreg:$0xe];
	[sflag:s2] =	ssyncadd.s32 $0xFFFFEC00  }
0x8c: {  	[tilespmem:s3], [sflag:$0x3] =	stream.linear.gather [hbm4b:s17+s15], $0x1400, $0x38;
	[tilespmem:$0x1E400] =	vst v63  }
0x8d: {  	_ =	swait.ge [sflag:s2], $0x1400  }
0x8e: {  	[sflag:s2] =	ssyncset.done $0x0  }
0x8f: {  	[sflag:s2] =	ssyncadd.s32 $0xFFFFEC00  }
0x90: {  	[tilespmem:s5], [sflag:$0x1] =	stream.indirect.gather [hbm4b:s26+s4], $0x80, s15, s4, $0xb8;
	[tilespmem:$0x1E400] =	vst v63  }
0x91: {  	_ = 	snop  }
0x92: {  	[tilespmem:s6], [sflag:$0x2] =	stream.indirect.gather [hbm4b:s26+s4], $0x80, s4, s4, $0xb8;
	[tilespmem:$0x1E400] =	vst v63  }
0x93: {  	_ =	swait.ge [sflag:s7], $0x4000  }
0x94: {  	[sflag:s7] =	ssyncset.done $0x0  }
0x95: {  	s17 =	simm.s32 $0x1400;
	[sflag:s7] =	ssyncadd.s32 $0xFFFFC000  }
0x96: {  	[spmem:s22] =	stream.indirect.scatter.add.f32 [tilespmem:s5], [sflag:$0x3], $0x80, s17, s4, $0xb8;
	[tilespmem:$0x1E400] =	vst v63  }
0x97: {  	_ =	swait.ge [sflag:s2], $0x4000  }
0x98: {  	[sflag:s2] =	ssyncset.done $0x0  }
0x99: {  	s16 =	simm.s32 $0x100;
	[sflag:s2] =	ssyncadd.s32 $0xFFFFC000  }
0x9a: {  	[tilespmem:s5], [sflag:$0x1] =	stream.indirect.gather [hbm4b:s26+s4], $0x80, s16, s4, $0xb8;
	[tilespmem:$0x1E400] =	vst v63  }
0x9b: {  	_ =	swait.ge [sflag:s8], $0x4000  }
0x9c: {  	[sflag:s8] =	ssyncset.done $0x0  }
0x9d: {  	s17 =	simm.s32 $0x1480;
	[sflag:s8] =	ssyncadd.s32 $0xFFFFC000  }
0x9e: {  	[spmem:s22] =	stream.indirect.scatter.add.f32 [tilespmem:s6], [sflag:$0x3], $0x80, s17, s4, $0xb8;
	[tilespmem:$0x1E400] =	vst v63  }
0x9f: {  	_ =	swait.ge [sflag:s2], $0x4000  }
0xa0: {  	[sflag:s2] =	ssyncset.done $0x0  }
0xa1: {  	s15 =	simm.s32 $0x400;
	s16 =	simm.s32 $0x180;
	[sflag:s2] =	ssyncadd.s32 $0xFFFFC000  }
.LBB2_12:
0xa2: {  	[tilespmem:s6], [sflag:$0x2] =	stream.indirect.gather [hbm4b:s26+s4], $0x80, s16, s4, $0xb8;
	[tilespmem:$0x1E400] =	vst v63  }
0xa3: {  	s16 =	smov.u32 s15  }
0xa4: {  	p1 =	sne.s32 s15, $0x4800;
	s15 =	sadd.s32 $0x400, s15;
	_ =	swait.ge [sflag:s7], $0x4000  }
0xa5: {  	s16 =	sshra.s32 s16, $0x2;
	[sflag:s7] =	ssyncset.done $0x0  }
0xa6: {  	s17 =	sadd.s32 $0x1400, s16;
	[sflag:s7] =	ssyncadd.s32 $0xFFFFC000  }
0xa7: {  	[spmem:s22] =	stream.indirect.scatter.add.f32 [tilespmem:s5], [sflag:$0x3], $0x80, s17, s4, $0xb8;
	[tilespmem:$0x1E400] =	vst v63  }
0xa8: {  	_ =	swait.ge [sflag:s2], $0x4000  }
0xa9: {  	[sflag:s2] =	ssyncset.done $0x0  }
0xaa: {  	s17 =	sadd.s32 $0x100, s16;
	[sflag:s2] =	ssyncadd.s32 $0xFFFFC000  }
0xab: {  	[tilespmem:s5], [sflag:$0x1] =	stream.indirect.gather [hbm4b:s26+s4], $0x80, s17, s4, $0xb8;
	[tilespmem:$0x1E400] =	vst v63  }
0xac: {  	_ =	swait.ge [sflag:s8], $0x4000  }
0xad: {  	[sflag:s8] =	ssyncset.done $0x0  }
.Ltmp3:
0xae: {  	s17 =	sadd.s32 $0x1480, s16;
	[sflag:s8] =	ssyncadd.s32 $0xFFFFC000;
	(pc) =	sbr.rel @p1 .LBB2_12-.Ltmp3, $4  }
0xaf: {  	[spmem:s22] =	stream.indirect.scatter.add.f32 [tilespmem:s6], [sflag:$0x3], $0x80, s17, s4, $0xb8;
	[tilespmem:$0x1E400] =	vst v63  }
0xb0: {  	_ =	swait.ge [sflag:s2], $0x4000  }
0xb1: {  	[sflag:s2] =	ssyncset.done $0x0  }
0xb2: {  	s16 =	sadd.s32 $0x180, s16;
	[sflag:s2] =	ssyncadd.s32 $0xFFFFC000  }
0xb3: {  	[tilespmem:s6], [sflag:$0x2] =	stream.indirect.gather [hbm4b:s26+s4], $0x80, s16, s4, $0xb8;
	[tilespmem:$0x1E400] =	vst v63  }
0xb4: {  	_ =	swait.ge [sflag:s7], $0x4000  }
0xb5: {  	[sflag:s7] =	ssyncset.done $0x0  }
0xb6: {  	[sflag:s7] =	ssyncadd.s32 $0xFFFFC000  }
0xb7: {  	[spmem:s22] =	stream.indirect.scatter.add.f32 [tilespmem:s5], [sflag:$0x3], $0x80, s9, s4, $0xb8;
	[tilespmem:$0x1E400] =	vst v63  }
0xb8: {  	_ =	swait.ge [sflag:s2], $0x4000  }
0xb9: {  	[sflag:s2] =	ssyncset.done $0x0  }
0xba: {  	[sflag:s2] =	ssyncadd.s32 $0xFFFFC000  }
0xbb: {  	_ =	swait.ge [sflag:s8], $0x4000  }
0xbc: {  	[sflag:s8] =	ssyncset.done $0x0  }
0xbd: {  	[sflag:s8] =	ssyncadd.s32 $0xFFFFC000  }
0xbe: {  	[spmem:s22] =	stream.indirect.scatter.add.f32 [tilespmem:s6], [sflag:$0x3], $0x80, s10, s4, $0xb8;
	[tilespmem:$0x1E400] =	vst v63  }
0xbf: {  	_ =	swait.ge [sflag:s2], $0x4000  }
0xc0: {  	[sflag:s2] =	ssyncset.done $0x0  }
0xc1: {  	s15 =	simm.s32 $0x0;
	s17 =	rddreg [dreg:$0xf];
	[sflag:s2] =	ssyncadd.s32 $0xFFFFC000  }
0xc2: {  	[tilespmem:s15], [sflag:$0x3] =	stream.linear.gather [hbm4b:s17+s15], $0x1400, $0x38;
	[tilespmem:$0x1E400] =	vst v63  }
0xc3: {  	_ =	swait.ge [sflag:s2], $0x1400  }
0xc4: {  	[sflag:s2] =	ssyncset.done $0x0  }
0xc5: {  	s17 =	rddreg [dreg:$0x10];
	[sflag:s2] =	ssyncadd.s32 $0xFFFFEC00  }
0xc6: {  	[tilespmem:s3], [sflag:$0x3] =	stream.linear.gather [hbm4b:s17+s15], $0x1400, $0x38;
	[tilespmem:$0x1E400] =	vst v63  }
0xc7: {  	_ =	swait.ge [sflag:s2], $0x1400  }
0xc8: {  	[sflag:s2] =	ssyncset.done $0x0  }
0xc9: {  	[sflag:s2] =	ssyncadd.s32 $0xFFFFEC00  }
0xca: {  	[tilespmem:s5], [sflag:$0x1] =	stream.indirect.gather [hbm4b:s26+s4], $0x80, s15, s4, $0xb8;
	[tilespmem:$0x1E400] =	vst v63  }
0xcb: {  	_ = 	snop  }
0xcc: {  	[tilespmem:s6], [sflag:$0x2] =	stream.indirect.gather [hbm4b:s26+s4], $0x80, s4, s4, $0xb8;
	[tilespmem:$0x1E400] =	vst v63  }
0xcd: {  	_ =	swait.ge [sflag:s7], $0x4000  }
0xce: {  	[sflag:s7] =	ssyncset.done $0x0  }
0xcf: {  	s17 =	simm.s32 $0x1400;
	[sflag:s7] =	ssyncadd.s32 $0xFFFFC000  }
0xd0: {  	[spmem:s22] =	stream.indirect.scatter.add.f32 [tilespmem:s5], [sflag:$0x3], $0x80, s17, s4, $0xb8;
	[tilespmem:$0x1E400] =	vst v63  }
0xd1: {  	_ =	swait.ge [sflag:s2], $0x4000  }
0xd2: {  	[sflag:s2] =	ssyncset.done $0x0  }
0xd3: {  	s16 =	simm.s32 $0x100;
	[sflag:s2] =	ssyncadd.s32 $0xFFFFC000  }
0xd4: {  	[tilespmem:s5], [sflag:$0x1] =	stream.indirect.gather [hbm4b:s26+s4], $0x80, s16, s4, $0xb8;
	[tilespmem:$0x1E400] =	vst v63  }
0xd5: {  	_ =	swait.ge [sflag:s8], $0x4000  }
0xd6: {  	[sflag:s8] =	ssyncset.done $0x0  }
0xd7: {  	s17 =	simm.s32 $0x1480;
	[sflag:s8] =	ssyncadd.s32 $0xFFFFC000  }
0xd8: {  	[spmem:s22] =	stream.indirect.scatter.add.f32 [tilespmem:s6], [sflag:$0x3], $0x80, s17, s4, $0xb8;
	[tilespmem:$0x1E400] =	vst v63  }
0xd9: {  	_ =	swait.ge [sflag:s2], $0x4000  }
0xda: {  	[sflag:s2] =	ssyncset.done $0x0  }
0xdb: {  	s15 =	simm.s32 $0x400;
	s16 =	simm.s32 $0x180;
	[sflag:s2] =	ssyncadd.s32 $0xFFFFC000  }
.LBB2_14:
0xdc: {  	[tilespmem:s6], [sflag:$0x2] =	stream.indirect.gather [hbm4b:s26+s4], $0x80, s16, s4, $0xb8;
	[tilespmem:$0x1E400] =	vst v63  }
0xdd: {  	s16 =	smov.u32 s15  }
0xde: {  	p1 =	sne.s32 s15, $0x4800;
	s15 =	sadd.s32 $0x400, s15;
	_ =	swait.ge [sflag:s7], $0x4000  }
0xdf: {  	s16 =	sshra.s32 s16, $0x2;
	[sflag:s7] =	ssyncset.done $0x0  }
0xe0: {  	s17 =	sadd.s32 $0x1400, s16;
	[sflag:s7] =	ssyncadd.s32 $0xFFFFC000  }
0xe1: {  	[spmem:s22] =	stream.indirect.scatter.add.f32 [tilespmem:s5], [sflag:$0x3], $0x80, s17, s4, $0xb8;
	[tilespmem:$0x1E400] =	vst v63  }
0xe2: {  	_ =	swait.ge [sflag:s2], $0x4000  }
0xe3: {  	[sflag:s2] =	ssyncset.done $0x0  }
0xe4: {  	s17 =	sadd.s32 $0x100, s16;
	[sflag:s2] =	ssyncadd.s32 $0xFFFFC000  }
0xe5: {  	[tilespmem:s5], [sflag:$0x1] =	stream.indirect.gather [hbm4b:s26+s4], $0x80, s17, s4, $0xb8;
	[tilespmem:$0x1E400] =	vst v63  }
0xe6: {  	_ =	swait.ge [sflag:s8], $0x4000  }
0xe7: {  	[sflag:s8] =	ssyncset.done $0x0  }
.Ltmp4:
0xe8: {  	s17 =	sadd.s32 $0x1480, s16;
	[sflag:s8] =	ssyncadd.s32 $0xFFFFC000;
	(pc) =	sbr.rel @p1 .LBB2_14-.Ltmp4, $4  }
0xe9: {  	[spmem:s22] =	stream.indirect.scatter.add.f32 [tilespmem:s6], [sflag:$0x3], $0x80, s17, s4, $0xb8;
	[tilespmem:$0x1E400] =	vst v63  }
0xea: {  	_ =	swait.ge [sflag:s2], $0x4000  }
0xeb: {  	[sflag:s2] =	ssyncset.done $0x0  }
0xec: {  	s16 =	sadd.s32 $0x180, s16;
	[sflag:s2] =	ssyncadd.s32 $0xFFFFC000  }
0xed: {  	[tilespmem:s6], [sflag:$0x2] =	stream.indirect.gather [hbm4b:s26+s4], $0x80, s16, s4, $0xb8;
	[tilespmem:$0x1E400] =	vst v63  }
0xee: {  	_ =	swait.ge [sflag:s7], $0x4000  }
0xef: {  	[sflag:s7] =	ssyncset.done $0x0  }
0xf0: {  	[sflag:s7] =	ssyncadd.s32 $0xFFFFC000  }
0xf1: {  	[spmem:s22] =	stream.indirect.scatter.add.f32 [tilespmem:s5], [sflag:$0x3], $0x80, s9, s4, $0xb8;
	[tilespmem:$0x1E400] =	vst v63  }
0xf2: {  	_ =	swait.ge [sflag:s2], $0x4000  }
0xf3: {  	[sflag:s2] =	ssyncset.done $0x0  }
0xf4: {  	[sflag:s2] =	ssyncadd.s32 $0xFFFFC000  }
0xf5: {  	_ =	swait.ge [sflag:s8], $0x4000  }
0xf6: {  	[sflag:s8] =	ssyncset.done $0x0  }
0xf7: {  	[sflag:s8] =	ssyncadd.s32 $0xFFFFC000  }
0xf8: {  	[spmem:s22] =	stream.indirect.scatter.add.f32 [tilespmem:s6], [sflag:$0x3], $0x80, s10, s4, $0xb8;
	[tilespmem:$0x1E400] =	vst v63  }
0xf9: {  	_ =	swait.ge [sflag:s2], $0x4000  }
0xfa: {  	[sflag:s2] =	ssyncset.done $0x0  }
0xfb: {  	s15 =	simm.s32 $0x0;
	s17 =	rddreg [dreg:$0x11];
	[sflag:s2] =	ssyncadd.s32 $0xFFFFC000  }
0xfc: {  	[tilespmem:s15], [sflag:$0x3] =	stream.linear.gather [hbm4b:s17+s15], $0x1400, $0x38;
	[tilespmem:$0x1E400] =	vst v63  }
0xfd: {  	_ =	swait.ge [sflag:s2], $0x1400  }
0xfe: {  	[sflag:s2] =	ssyncset.done $0x0  }
0xff: {  	s17 =	rddreg [dreg:$0x12];
	[sflag:s2] =	ssyncadd.s32 $0xFFFFEC00  }
0x100: {  	[tilespmem:s3], [sflag:$0x3] =	stream.linear.gather [hbm4b:s17+s15], $0x1400, $0x38;
	[tilespmem:$0x1E400] =	vst v63  }
0x101: {  	_ =	swait.ge [sflag:s2], $0x1400  }
0x102: {  	[sflag:s2] =	ssyncset.done $0x0  }
0x103: {  	[sflag:s2] =	ssyncadd.s32 $0xFFFFEC00  }
0x104: {  	[tilespmem:s5], [sflag:$0x1] =	stream.indirect.gather [hbm4b:s26+s4], $0x80, s15, s4, $0xb8;
	[tilespmem:$0x1E400] =	vst v63  }
0x105: {  	_ = 	snop  }
0x106: {  	[tilespmem:s6], [sflag:$0x2] =	stream.indirect.gather [hbm4b:s26+s4], $0x80, s4, s4, $0xb8;
	[tilespmem:$0x1E400] =	vst v63  }
0x107: {  	_ =	swait.ge [sflag:s7], $0x4000  }
0x108: {  	[sflag:s7] =	ssyncset.done $0x0  }
0x109: {  	s17 =	simm.s32 $0x1400;
	[sflag:s7] =	ssyncadd.s32 $0xFFFFC000  }
0x10a: {  	[spmem:s22] =	stream.indirect.scatter.add.f32 [tilespmem:s5], [sflag:$0x3], $0x80, s17, s4, $0xb8;
	[tilespmem:$0x1E400] =	vst v63  }
0x10b: {  	_ =	swait.ge [sflag:s2], $0x4000  }
0x10c: {  	[sflag:s2] =	ssyncset.done $0x0  }
0x10d: {  	s16 =	simm.s32 $0x100;
	[sflag:s2] =	ssyncadd.s32 $0xFFFFC000  }
0x10e: {  	[tilespmem:s5], [sflag:$0x1] =	stream.indirect.gather [hbm4b:s26+s4], $0x80, s16, s4, $0xb8;
	[tilespmem:$0x1E400] =	vst v63  }
0x10f: {  	_ =	swait.ge [sflag:s8], $0x4000  }
0x110: {  	[sflag:s8] =	ssyncset.done $0x0  }
0x111: {  	s17 =	simm.s32 $0x1480;
	[sflag:s8] =	ssyncadd.s32 $0xFFFFC000  }
0x112: {  	[spmem:s22] =	stream.indirect.scatter.add.f32 [tilespmem:s6], [sflag:$0x3], $0x80, s17, s4, $0xb8;
	[tilespmem:$0x1E400] =	vst v63  }
0x113: {  	_ =	swait.ge [sflag:s2], $0x4000  }
0x114: {  	[sflag:s2] =	ssyncset.done $0x0  }
0x115: {  	s15 =	simm.s32 $0x400;
	s16 =	simm.s32 $0x180;
	[sflag:s2] =	ssyncadd.s32 $0xFFFFC000  }
.LBB2_16:
0x116: {  	[tilespmem:s6], [sflag:$0x2] =	stream.indirect.gather [hbm4b:s26+s4], $0x80, s16, s4, $0xb8;
	[tilespmem:$0x1E400] =	vst v63  }
0x117: {  	s16 =	smov.u32 s15  }
0x118: {  	p1 =	sne.s32 s15, $0x4800;
	s15 =	sadd.s32 $0x400, s15;
	_ =	swait.ge [sflag:s7], $0x4000  }
0x119: {  	s16 =	sshra.s32 s16, $0x2;
	[sflag:s7] =	ssyncset.done $0x0  }
0x11a: {  	s17 =	sadd.s32 $0x1400, s16;
	[sflag:s7] =	ssyncadd.s32 $0xFFFFC000  }
0x11b: {  	[spmem:s22] =	stream.indirect.scatter.add.f32 [tilespmem:s5], [sflag:$0x3], $0x80, s17, s4, $0xb8;
	[tilespmem:$0x1E400] =	vst v63  }
0x11c: {  	_ =	swait.ge [sflag:s2], $0x4000  }
0x11d: {  	[sflag:s2] =	ssyncset.done $0x0  }
0x11e: {  	s17 =	sadd.s32 $0x100, s16;
	[sflag:s2] =	ssyncadd.s32 $0xFFFFC000  }
0x11f: {  	[tilespmem:s5], [sflag:$0x1] =	stream.indirect.gather [hbm4b:s26+s4], $0x80, s17, s4, $0xb8;
	[tilespmem:$0x1E400] =	vst v63  }
0x120: {  	_ =	swait.ge [sflag:s8], $0x4000  }
0x121: {  	[sflag:s8] =	ssyncset.done $0x0  }
.Ltmp5:
0x122: {  	s17 =	sadd.s32 $0x1480, s16;
	[sflag:s8] =	ssyncadd.s32 $0xFFFFC000;
	(pc) =	sbr.rel @p1 .LBB2_16-.Ltmp5, $4  }
0x123: {  	[spmem:s22] =	stream.indirect.scatter.add.f32 [tilespmem:s6], [sflag:$0x3], $0x80, s17, s4, $0xb8;
	[tilespmem:$0x1E400] =	vst v63  }
0x124: {  	_ =	swait.ge [sflag:s2], $0x4000  }
0x125: {  	[sflag:s2] =	ssyncset.done $0x0  }
0x126: {  	s16 =	sadd.s32 $0x180, s16;
	[sflag:s2] =	ssyncadd.s32 $0xFFFFC000  }
0x127: {  	[tilespmem:s6], [sflag:$0x2] =	stream.indirect.gather [hbm4b:s26+s4], $0x80, s16, s4, $0xb8;
	[tilespmem:$0x1E400] =	vst v63  }
0x128: {  	_ =	swait.ge [sflag:s7], $0x4000  }
0x129: {  	[sflag:s7] =	ssyncset.done $0x0  }
0x12a: {  	[sflag:s7] =	ssyncadd.s32 $0xFFFFC000  }
0x12b: {  	[spmem:s22] =	stream.indirect.scatter.add.f32 [tilespmem:s5], [sflag:$0x3], $0x80, s9, s4, $0xb8;
	[tilespmem:$0x1E400] =	vst v63  }
0x12c: {  	_ =	swait.ge [sflag:s2], $0x4000  }
0x12d: {  	[sflag:s2] =	ssyncset.done $0x0  }
0x12e: {  	[sflag:s2] =	ssyncadd.s32 $0xFFFFC000  }
0x12f: {  	_ =	swait.ge [sflag:s8], $0x4000  }
0x130: {  	[sflag:s8] =	ssyncset.done $0x0  }
0x131: {  	[sflag:s8] =	ssyncadd.s32 $0xFFFFC000  }
0x132: {  	[spmem:s22] =	stream.indirect.scatter.add.f32 [tilespmem:s6], [sflag:$0x3], $0x80, s10, s4, $0xb8;
	[tilespmem:$0x1E400] =	vst v63  }
0x133: {  	_ =	swait.ge [sflag:s2], $0x4000  }
0x134: {  	[sflag:s2] =	ssyncset.done $0x0  }
0x135: {  	s15 =	simm.s32 $0x0;
	s17 =	rddreg [dreg:$0x13];
	[sflag:s2] =	ssyncadd.s32 $0xFFFFC000  }
0x136: {  	[tilespmem:s15], [sflag:$0x3] =	stream.linear.gather [hbm4b:s17+s15], $0x1400, $0x38;
	[tilespmem:$0x1E400] =	vst v63  }
0x137: {  	_ =	swait.ge [sflag:s2], $0x1400  }
0x138: {  	[sflag:s2] =	ssyncset.done $0x0  }
0x139: {  	s17 =	rddreg [dreg:$0x14];
	[sflag:s2] =	ssyncadd.s32 $0xFFFFEC00  }
0x13a: {  	[tilespmem:s3], [sflag:$0x3] =	stream.linear.gather [hbm4b:s17+s15], $0x1400, $0x38;
	[tilespmem:$0x1E400] =	vst v63  }
0x13b: {  	_ =	swait.ge [sflag:s2], $0x1400  }
0x13c: {  	[sflag:s2] =	ssyncset.done $0x0  }
0x13d: {  	[sflag:s2] =	ssyncadd.s32 $0xFFFFEC00  }
0x13e: {  	[tilespmem:s5], [sflag:$0x1] =	stream.indirect.gather [hbm4b:s26+s4], $0x80, s15, s4, $0xb8;
	[tilespmem:$0x1E400] =	vst v63  }
0x13f: {  	_ = 	snop  }
0x140: {  	[tilespmem:s6], [sflag:$0x2] =	stream.indirect.gather [hbm4b:s26+s4], $0x80, s4, s4, $0xb8;
	[tilespmem:$0x1E400] =	vst v63  }
0x141: {  	_ =	swait.ge [sflag:s7], $0x4000  }
0x142: {  	[sflag:s7] =	ssyncset.done $0x0  }
0x143: {  	s17 =	simm.s32 $0x1400;
	[sflag:s7] =	ssyncadd.s32 $0xFFFFC000  }
0x144: {  	[spmem:s22] =	stream.indirect.scatter.add.f32 [tilespmem:s5], [sflag:$0x3], $0x80, s17, s4, $0xb8;
	[tilespmem:$0x1E400] =	vst v63  }
0x145: {  	_ =	swait.ge [sflag:s2], $0x4000  }
0x146: {  	[sflag:s2] =	ssyncset.done $0x0  }
0x147: {  	s16 =	simm.s32 $0x100;
	[sflag:s2] =	ssyncadd.s32 $0xFFFFC000  }
0x148: {  	[tilespmem:s5], [sflag:$0x1] =	stream.indirect.gather [hbm4b:s26+s4], $0x80, s16, s4, $0xb8;
	[tilespmem:$0x1E400] =	vst v63  }
0x149: {  	_ =	swait.ge [sflag:s8], $0x4000  }
0x14a: {  	[sflag:s8] =	ssyncset.done $0x0  }
0x14b: {  	s17 =	simm.s32 $0x1480;
	[sflag:s8] =	ssyncadd.s32 $0xFFFFC000  }
0x14c: {  	[spmem:s22] =	stream.indirect.scatter.add.f32 [tilespmem:s6], [sflag:$0x3], $0x80, s17, s4, $0xb8;
	[tilespmem:$0x1E400] =	vst v63  }
0x14d: {  	_ =	swait.ge [sflag:s2], $0x4000  }
0x14e: {  	[sflag:s2] =	ssyncset.done $0x0  }
0x14f: {  	s15 =	simm.s32 $0x400;
	s16 =	simm.s32 $0x180;
	[sflag:s2] =	ssyncadd.s32 $0xFFFFC000  }
.LBB2_18:
0x150: {  	[tilespmem:s6], [sflag:$0x2] =	stream.indirect.gather [hbm4b:s26+s4], $0x80, s16, s4, $0xb8;
	[tilespmem:$0x1E400] =	vst v63  }
0x151: {  	s16 =	smov.u32 s15  }
0x152: {  	p1 =	sne.s32 s15, $0x4800;
	s15 =	sadd.s32 $0x400, s15;
	_ =	swait.ge [sflag:s7], $0x4000  }
0x153: {  	s16 =	sshra.s32 s16, $0x2;
	[sflag:s7] =	ssyncset.done $0x0  }
0x154: {  	s17 =	sadd.s32 $0x1400, s16;
	[sflag:s7] =	ssyncadd.s32 $0xFFFFC000  }
0x155: {  	[spmem:s22] =	stream.indirect.scatter.add.f32 [tilespmem:s5], [sflag:$0x3], $0x80, s17, s4, $0xb8;
	[tilespmem:$0x1E400] =	vst v63  }
0x156: {  	_ =	swait.ge [sflag:s2], $0x4000  }
0x157: {  	[sflag:s2] =	ssyncset.done $0x0  }
0x158: {  	s17 =	sadd.s32 $0x100, s16;
	[sflag:s2] =	ssyncadd.s32 $0xFFFFC000  }
0x159: {  	[tilespmem:s5], [sflag:$0x1] =	stream.indirect.gather [hbm4b:s26+s4], $0x80, s17, s4, $0xb8;
	[tilespmem:$0x1E400] =	vst v63  }
0x15a: {  	_ =	swait.ge [sflag:s8], $0x4000  }
0x15b: {  	[sflag:s8] =	ssyncset.done $0x0  }
.Ltmp6:
0x15c: {  	s17 =	sadd.s32 $0x1480, s16;
	[sflag:s8] =	ssyncadd.s32 $0xFFFFC000;
	(pc) =	sbr.rel @p1 .LBB2_18-.Ltmp6, $4  }
0x15d: {  	[spmem:s22] =	stream.indirect.scatter.add.f32 [tilespmem:s6], [sflag:$0x3], $0x80, s17, s4, $0xb8;
	[tilespmem:$0x1E400] =	vst v63  }
0x15e: {  	_ =	swait.ge [sflag:s2], $0x4000  }
0x15f: {  	[sflag:s2] =	ssyncset.done $0x0  }
0x160: {  	s16 =	sadd.s32 $0x180, s16;
	[sflag:s2] =	ssyncadd.s32 $0xFFFFC000  }
.Ltmp7:
0x161: {  	_ = 	snop;
	(pc) =	sbr.rel .LBB2_19-.Ltmp7, $1  }
0x162: {  	_ =	sdelay $0x3  }
.LBB2_2:
0x163: {  	s16 =	rddreg [dreg:$0x3]  }
0x164: {  	[tilespmem:s15], [sflag:$0x3] =	stream.linear.gather [hbm4b:s16+s15], $0x1400, $0x38;
	[tilespmem:$0x1E400] =	vst v63  }
0x165: {  	_ =	swait.ge [sflag:s2], $0x1400  }
0x166: {  	[sflag:s2] =	ssyncset.done $0x0  }
0x167: {  	s17 =	rddreg [dreg:$0x4];
	[sflag:s2] =	ssyncadd.s32 $0xFFFFEC00  }
0x168: {  	[tilespmem:s3], [sflag:$0x3] =	stream.linear.gather [hbm4b:s17+s15], $0x1400, $0x38;
	[tilespmem:$0x1E400] =	vst v63  }
0x169: {  	_ =	swait.ge [sflag:s2], $0x1400  }
0x16a: {  	[sflag:s2] =	ssyncset.done $0x0  }
0x16b: {  	[sflag:s2] =	ssyncadd.s32 $0xFFFFEC00  }
0x16c: {  	[tilespmem:s5], [sflag:$0x1] =	stream.indirect.gather [hbm4b:s24+s4], $0x80, s15, s4, $0xb8;
	[tilespmem:$0x1E400] =	vst v63  }
0x16d: {  	_ = 	snop  }
0x16e: {  	[tilespmem:s6], [sflag:$0x2] =	stream.indirect.gather [hbm4b:s24+s4], $0x80, s4, s4, $0xb8;
	[tilespmem:$0x1E400] =	vst v63  }
0x16f: {  	_ =	swait.ge [sflag:s7], $0x4000  }
0x170: {  	[sflag:s7] =	ssyncset.done $0x0  }
0x171: {  	s17 =	simm.s32 $0x1400;
	[sflag:s7] =	ssyncadd.s32 $0xFFFFC000  }
0x172: {  	[spmem:s22] =	stream.indirect.scatter.add.f32 [tilespmem:s5], [sflag:$0x3], $0x80, s17, s4, $0xb8;
	[tilespmem:$0x1E400] =	vst v63  }
0x173: {  	_ =	swait.ge [sflag:s2], $0x4000  }
0x174: {  	[sflag:s2] =	ssyncset.done $0x0  }
0x175: {  	s16 =	simm.s32 $0x100;
	[sflag:s2] =	ssyncadd.s32 $0xFFFFC000  }
0x176: {  	[tilespmem:s5], [sflag:$0x1] =	stream.indirect.gather [hbm4b:s24+s4], $0x80, s16, s4, $0xb8;
	[tilespmem:$0x1E400] =	vst v63  }
0x177: {  	_ =	swait.ge [sflag:s8], $0x4000  }
0x178: {  	[sflag:s8] =	ssyncset.done $0x0  }
0x179: {  	s17 =	simm.s32 $0x1480;
	[sflag:s8] =	ssyncadd.s32 $0xFFFFC000  }
0x17a: {  	[spmem:s22] =	stream.indirect.scatter.add.f32 [tilespmem:s6], [sflag:$0x3], $0x80, s17, s4, $0xb8;
	[tilespmem:$0x1E400] =	vst v63  }
0x17b: {  	_ =	swait.ge [sflag:s2], $0x4000  }
0x17c: {  	[sflag:s2] =	ssyncset.done $0x0  }
0x17d: {  	s15 =	simm.s32 $0x400;
	s16 =	simm.s32 $0x180;
	[sflag:s2] =	ssyncadd.s32 $0xFFFFC000  }
.LBB2_3:
0x17e: {  	[tilespmem:s6], [sflag:$0x2] =	stream.indirect.gather [hbm4b:s24+s4], $0x80, s16, s4, $0xb8;
	[tilespmem:$0x1E400] =	vst v63  }
0x17f: {  	s16 =	smov.u32 s15  }
0x180: {  	p1 =	sne.s32 s15, $0x4800;
	s15 =	sadd.s32 $0x400, s15;
	_ =	swait.ge [sflag:s7], $0x4000  }
0x181: {  	s16 =	sshra.s32 s16, $0x2;
	[sflag:s7] =	ssyncset.done $0x0  }
0x182: {  	s17 =	sadd.s32 $0x1400, s16;
	[sflag:s7] =	ssyncadd.s32 $0xFFFFC000  }
0x183: {  	[spmem:s22] =	stream.indirect.scatter.add.f32 [tilespmem:s5], [sflag:$0x3], $0x80, s17, s4, $0xb8;
	[tilespmem:$0x1E400] =	vst v63  }
0x184: {  	_ =	swait.ge [sflag:s2], $0x4000  }
0x185: {  	[sflag:s2] =	ssyncset.done $0x0  }
0x186: {  	s17 =	sadd.s32 $0x100, s16;
	[sflag:s2] =	ssyncadd.s32 $0xFFFFC000  }
0x187: {  	[tilespmem:s5], [sflag:$0x1] =	stream.indirect.gather [hbm4b:s24+s4], $0x80, s17, s4, $0xb8;
	[tilespmem:$0x1E400] =	vst v63  }
0x188: {  	_ =	swait.ge [sflag:s8], $0x4000  }
0x189: {  	[sflag:s8] =	ssyncset.done $0x0  }
.Ltmp8:
0x18a: {  	s17 =	sadd.s32 $0x1480, s16;
	[sflag:s8] =	ssyncadd.s32 $0xFFFFC000;
	(pc) =	sbr.rel @p1 .LBB2_3-.Ltmp8, $4  }
0x18b: {  	[spmem:s22] =	stream.indirect.scatter.add.f32 [tilespmem:s6], [sflag:$0x3], $0x80, s17, s4, $0xb8;
	[tilespmem:$0x1E400] =	vst v63  }
0x18c: {  	_ =	swait.ge [sflag:s2], $0x4000  }
0x18d: {  	[sflag:s2] =	ssyncset.done $0x0  }
0x18e: {  	s16 =	sadd.s32 $0x180, s16;
	[sflag:s2] =	ssyncadd.s32 $0xFFFFC000  }
0x18f: {  	[tilespmem:s6], [sflag:$0x2] =	stream.indirect.gather [hbm4b:s24+s4], $0x80, s16, s4, $0xb8;
	[tilespmem:$0x1E400] =	vst v63  }
0x190: {  	_ =	swait.ge [sflag:s7], $0x4000  }
0x191: {  	[sflag:s7] =	ssyncset.done $0x0  }
0x192: {  	[sflag:s7] =	ssyncadd.s32 $0xFFFFC000  }
0x193: {  	[spmem:s22] =	stream.indirect.scatter.add.f32 [tilespmem:s5], [sflag:$0x3], $0x80, s9, s4, $0xb8;
	[tilespmem:$0x1E400] =	vst v63  }
0x194: {  	_ =	swait.ge [sflag:s2], $0x4000  }
0x195: {  	[sflag:s2] =	ssyncset.done $0x0  }
0x196: {  	[sflag:s2] =	ssyncadd.s32 $0xFFFFC000  }
0x197: {  	_ =	swait.ge [sflag:s8], $0x4000  }
0x198: {  	[sflag:s8] =	ssyncset.done $0x0  }
0x199: {  	[sflag:s8] =	ssyncadd.s32 $0xFFFFC000  }
0x19a: {  	[spmem:s22] =	stream.indirect.scatter.add.f32 [tilespmem:s6], [sflag:$0x3], $0x80, s10, s4, $0xb8;
	[tilespmem:$0x1E400] =	vst v63  }
0x19b: {  	_ =	swait.ge [sflag:s2], $0x4000  }
0x19c: {  	[sflag:s2] =	ssyncset.done $0x0  }
0x19d: {  	s15 =	simm.s32 $0x0;
	s17 =	rddreg [dreg:$0x5];
	[sflag:s2] =	ssyncadd.s32 $0xFFFFC000  }
0x19e: {  	[tilespmem:s15], [sflag:$0x3] =	stream.linear.gather [hbm4b:s17+s15], $0x1400, $0x38;
	[tilespmem:$0x1E400] =	vst v63  }
0x19f: {  	_ =	swait.ge [sflag:s2], $0x1400  }
0x1a0: {  	[sflag:s2] =	ssyncset.done $0x0  }
0x1a1: {  	s17 =	rddreg [dreg:$0x6];
	[sflag:s2] =	ssyncadd.s32 $0xFFFFEC00  }
0x1a2: {  	[tilespmem:s3], [sflag:$0x3] =	stream.linear.gather [hbm4b:s17+s15], $0x1400, $0x38;
	[tilespmem:$0x1E400] =	vst v63  }
0x1a3: {  	_ =	swait.ge [sflag:s2], $0x1400  }
0x1a4: {  	[sflag:s2] =	ssyncset.done $0x0  }
0x1a5: {  	[sflag:s2] =	ssyncadd.s32 $0xFFFFEC00  }
0x1a6: {  	[tilespmem:s5], [sflag:$0x1] =	stream.indirect.gather [hbm4b:s24+s4], $0x80, s15, s4, $0xb8;
	[tilespmem:$0x1E400] =	vst v63  }
0x1a7: {  	_ = 	snop  }
0x1a8: {  	[tilespmem:s6], [sflag:$0x2] =	stream.indirect.gather [hbm4b:s24+s4], $0x80, s4, s4, $0xb8;
	[tilespmem:$0x1E400] =	vst v63  }
0x1a9: {  	_ =	swait.ge [sflag:s7], $0x4000  }
0x1aa: {  	[sflag:s7] =	ssyncset.done $0x0  }
0x1ab: {  	s17 =	simm.s32 $0x1400;
	[sflag:s7] =	ssyncadd.s32 $0xFFFFC000  }
0x1ac: {  	[spmem:s22] =	stream.indirect.scatter.add.f32 [tilespmem:s5], [sflag:$0x3], $0x80, s17, s4, $0xb8;
	[tilespmem:$0x1E400] =	vst v63  }
0x1ad: {  	_ =	swait.ge [sflag:s2], $0x4000  }
0x1ae: {  	[sflag:s2] =	ssyncset.done $0x0  }
0x1af: {  	s16 =	simm.s32 $0x100;
	[sflag:s2] =	ssyncadd.s32 $0xFFFFC000  }
0x1b0: {  	[tilespmem:s5], [sflag:$0x1] =	stream.indirect.gather [hbm4b:s24+s4], $0x80, s16, s4, $0xb8;
	[tilespmem:$0x1E400] =	vst v63  }
0x1b1: {  	_ =	swait.ge [sflag:s8], $0x4000  }
0x1b2: {  	[sflag:s8] =	ssyncset.done $0x0  }
0x1b3: {  	s17 =	simm.s32 $0x1480;
	[sflag:s8] =	ssyncadd.s32 $0xFFFFC000  }
0x1b4: {  	[spmem:s22] =	stream.indirect.scatter.add.f32 [tilespmem:s6], [sflag:$0x3], $0x80, s17, s4, $0xb8;
	[tilespmem:$0x1E400] =	vst v63  }
0x1b5: {  	_ =	swait.ge [sflag:s2], $0x4000  }
0x1b6: {  	[sflag:s2] =	ssyncset.done $0x0  }
0x1b7: {  	s15 =	simm.s32 $0x400;
	s16 =	simm.s32 $0x180;
	[sflag:s2] =	ssyncadd.s32 $0xFFFFC000  }
.LBB2_5:
0x1b8: {  	[tilespmem:s6], [sflag:$0x2] =	stream.indirect.gather [hbm4b:s24+s4], $0x80, s16, s4, $0xb8;
	[tilespmem:$0x1E400] =	vst v63  }
0x1b9: {  	s16 =	smov.u32 s15  }
0x1ba: {  	p1 =	sne.s32 s15, $0x4800;
	s15 =	sadd.s32 $0x400, s15;
	_ =	swait.ge [sflag:s7], $0x4000  }
0x1bb: {  	s16 =	sshra.s32 s16, $0x2;
	[sflag:s7] =	ssyncset.done $0x0  }
0x1bc: {  	s17 =	sadd.s32 $0x1400, s16;
	[sflag:s7] =	ssyncadd.s32 $0xFFFFC000  }
0x1bd: {  	[spmem:s22] =	stream.indirect.scatter.add.f32 [tilespmem:s5], [sflag:$0x3], $0x80, s17, s4, $0xb8;
	[tilespmem:$0x1E400] =	vst v63  }
0x1be: {  	_ =	swait.ge [sflag:s2], $0x4000  }
0x1bf: {  	[sflag:s2] =	ssyncset.done $0x0  }
0x1c0: {  	s17 =	sadd.s32 $0x100, s16;
	[sflag:s2] =	ssyncadd.s32 $0xFFFFC000  }
0x1c1: {  	[tilespmem:s5], [sflag:$0x1] =	stream.indirect.gather [hbm4b:s24+s4], $0x80, s17, s4, $0xb8;
	[tilespmem:$0x1E400] =	vst v63  }
0x1c2: {  	_ =	swait.ge [sflag:s8], $0x4000  }
0x1c3: {  	[sflag:s8] =	ssyncset.done $0x0  }
.Ltmp9:
0x1c4: {  	s17 =	sadd.s32 $0x1480, s16;
	[sflag:s8] =	ssyncadd.s32 $0xFFFFC000;
	(pc) =	sbr.rel @p1 .LBB2_5-.Ltmp9, $4  }
0x1c5: {  	[spmem:s22] =	stream.indirect.scatter.add.f32 [tilespmem:s6], [sflag:$0x3], $0x80, s17, s4, $0xb8;
	[tilespmem:$0x1E400] =	vst v63  }
0x1c6: {  	_ =	swait.ge [sflag:s2], $0x4000  }
0x1c7: {  	[sflag:s2] =	ssyncset.done $0x0  }
0x1c8: {  	s16 =	sadd.s32 $0x180, s16;
	[sflag:s2] =	ssyncadd.s32 $0xFFFFC000  }
0x1c9: {  	[tilespmem:s6], [sflag:$0x2] =	stream.indirect.gather [hbm4b:s24+s4], $0x80, s16, s4, $0xb8;
	[tilespmem:$0x1E400] =	vst v63  }
0x1ca: {  	_ =	swait.ge [sflag:s7], $0x4000  }
0x1cb: {  	[sflag:s7] =	ssyncset.done $0x0  }
0x1cc: {  	[sflag:s7] =	ssyncadd.s32 $0xFFFFC000  }
0x1cd: {  	[spmem:s22] =	stream.indirect.scatter.add.f32 [tilespmem:s5], [sflag:$0x3], $0x80, s9, s4, $0xb8;
	[tilespmem:$0x1E400] =	vst v63  }
0x1ce: {  	_ =	swait.ge [sflag:s2], $0x4000  }
0x1cf: {  	[sflag:s2] =	ssyncset.done $0x0  }
0x1d0: {  	[sflag:s2] =	ssyncadd.s32 $0xFFFFC000  }
0x1d1: {  	_ =	swait.ge [sflag:s8], $0x4000  }
0x1d2: {  	[sflag:s8] =	ssyncset.done $0x0  }
0x1d3: {  	[sflag:s8] =	ssyncadd.s32 $0xFFFFC000  }
0x1d4: {  	[spmem:s22] =	stream.indirect.scatter.add.f32 [tilespmem:s6], [sflag:$0x3], $0x80, s10, s4, $0xb8;
	[tilespmem:$0x1E400] =	vst v63  }
0x1d5: {  	_ =	swait.ge [sflag:s2], $0x4000  }
0x1d6: {  	[sflag:s2] =	ssyncset.done $0x0  }
0x1d7: {  	s15 =	simm.s32 $0x0;
	s17 =	rddreg [dreg:$0x7];
	[sflag:s2] =	ssyncadd.s32 $0xFFFFC000  }
0x1d8: {  	[tilespmem:s15], [sflag:$0x3] =	stream.linear.gather [hbm4b:s17+s15], $0x1400, $0x38;
	[tilespmem:$0x1E400] =	vst v63  }
0x1d9: {  	_ =	swait.ge [sflag:s2], $0x1400  }
0x1da: {  	[sflag:s2] =	ssyncset.done $0x0  }
0x1db: {  	s17 =	rddreg [dreg:$0x8];
	[sflag:s2] =	ssyncadd.s32 $0xFFFFEC00  }
0x1dc: {  	[tilespmem:s3], [sflag:$0x3] =	stream.linear.gather [hbm4b:s17+s15], $0x1400, $0x38;
	[tilespmem:$0x1E400] =	vst v63  }
0x1dd: {  	_ =	swait.ge [sflag:s2], $0x1400  }
0x1de: {  	[sflag:s2] =	ssyncset.done $0x0  }
0x1df: {  	[sflag:s2] =	ssyncadd.s32 $0xFFFFEC00  }
0x1e0: {  	[tilespmem:s5], [sflag:$0x1] =	stream.indirect.gather [hbm4b:s24+s4], $0x80, s15, s4, $0xb8;
	[tilespmem:$0x1E400] =	vst v63  }
0x1e1: {  	_ = 	snop  }
0x1e2: {  	[tilespmem:s6], [sflag:$0x2] =	stream.indirect.gather [hbm4b:s24+s4], $0x80, s4, s4, $0xb8;
	[tilespmem:$0x1E400] =	vst v63  }
0x1e3: {  	_ =	swait.ge [sflag:s7], $0x4000  }
0x1e4: {  	[sflag:s7] =	ssyncset.done $0x0  }
0x1e5: {  	s17 =	simm.s32 $0x1400;
	[sflag:s7] =	ssyncadd.s32 $0xFFFFC000  }
0x1e6: {  	[spmem:s22] =	stream.indirect.scatter.add.f32 [tilespmem:s5], [sflag:$0x3], $0x80, s17, s4, $0xb8;
	[tilespmem:$0x1E400] =	vst v63  }
0x1e7: {  	_ =	swait.ge [sflag:s2], $0x4000  }
0x1e8: {  	[sflag:s2] =	ssyncset.done $0x0  }
0x1e9: {  	s16 =	simm.s32 $0x100;
	[sflag:s2] =	ssyncadd.s32 $0xFFFFC000  }
0x1ea: {  	[tilespmem:s5], [sflag:$0x1] =	stream.indirect.gather [hbm4b:s24+s4], $0x80, s16, s4, $0xb8;
	[tilespmem:$0x1E400] =	vst v63  }
0x1eb: {  	_ =	swait.ge [sflag:s8], $0x4000  }
0x1ec: {  	[sflag:s8] =	ssyncset.done $0x0  }
0x1ed: {  	s17 =	simm.s32 $0x1480;
	[sflag:s8] =	ssyncadd.s32 $0xFFFFC000  }
0x1ee: {  	[spmem:s22] =	stream.indirect.scatter.add.f32 [tilespmem:s6], [sflag:$0x3], $0x80, s17, s4, $0xb8;
	[tilespmem:$0x1E400] =	vst v63  }
0x1ef: {  	_ =	swait.ge [sflag:s2], $0x4000  }
0x1f0: {  	[sflag:s2] =	ssyncset.done $0x0  }
0x1f1: {  	s15 =	simm.s32 $0x400;
	s16 =	simm.s32 $0x180;
	[sflag:s2] =	ssyncadd.s32 $0xFFFFC000  }
.LBB2_7:
0x1f2: {  	[tilespmem:s6], [sflag:$0x2] =	stream.indirect.gather [hbm4b:s24+s4], $0x80, s16, s4, $0xb8;
	[tilespmem:$0x1E400] =	vst v63  }
0x1f3: {  	s16 =	smov.u32 s15  }
0x1f4: {  	p1 =	sne.s32 s15, $0x4800;
	s15 =	sadd.s32 $0x400, s15;
	_ =	swait.ge [sflag:s7], $0x4000  }
0x1f5: {  	s16 =	sshra.s32 s16, $0x2;
	[sflag:s7] =	ssyncset.done $0x0  }
0x1f6: {  	s17 =	sadd.s32 $0x1400, s16;
	[sflag:s7] =	ssyncadd.s32 $0xFFFFC000  }
0x1f7: {  	[spmem:s22] =	stream.indirect.scatter.add.f32 [tilespmem:s5], [sflag:$0x3], $0x80, s17, s4, $0xb8;
	[tilespmem:$0x1E400] =	vst v63  }
0x1f8: {  	_ =	swait.ge [sflag:s2], $0x4000  }
0x1f9: {  	[sflag:s2] =	ssyncset.done $0x0  }
0x1fa: {  	s17 =	sadd.s32 $0x100, s16;
	[sflag:s2] =	ssyncadd.s32 $0xFFFFC000  }
0x1fb: {  	[tilespmem:s5], [sflag:$0x1] =	stream.indirect.gather [hbm4b:s24+s4], $0x80, s17, s4, $0xb8;
	[tilespmem:$0x1E400] =	vst v63  }
0x1fc: {  	_ =	swait.ge [sflag:s8], $0x4000  }
0x1fd: {  	[sflag:s8] =	ssyncset.done $0x0  }
.Ltmp10:
0x1fe: {  	s17 =	sadd.s32 $0x1480, s16;
	[sflag:s8] =	ssyncadd.s32 $0xFFFFC000;
	(pc) =	sbr.rel @p1 .LBB2_7-.Ltmp10, $4  }
0x1ff: {  	[spmem:s22] =	stream.indirect.scatter.add.f32 [tilespmem:s6], [sflag:$0x3], $0x80, s17, s4, $0xb8;
	[tilespmem:$0x1E400] =	vst v63  }
0x200: {  	_ =	swait.ge [sflag:s2], $0x4000  }
0x201: {  	[sflag:s2] =	ssyncset.done $0x0  }
0x202: {  	s16 =	sadd.s32 $0x180, s16;
	[sflag:s2] =	ssyncadd.s32 $0xFFFFC000  }
0x203: {  	[tilespmem:s6], [sflag:$0x2] =	stream.indirect.gather [hbm4b:s24+s4], $0x80, s16, s4, $0xb8;
	[tilespmem:$0x1E400] =	vst v63  }
0x204: {  	_ =	swait.ge [sflag:s7], $0x4000  }
0x205: {  	[sflag:s7] =	ssyncset.done $0x0  }
0x206: {  	[sflag:s7] =	ssyncadd.s32 $0xFFFFC000  }
0x207: {  	[spmem:s22] =	stream.indirect.scatter.add.f32 [tilespmem:s5], [sflag:$0x3], $0x80, s9, s4, $0xb8;
	[tilespmem:$0x1E400] =	vst v63  }
0x208: {  	_ =	swait.ge [sflag:s2], $0x4000  }
0x209: {  	[sflag:s2] =	ssyncset.done $0x0  }
0x20a: {  	[sflag:s2] =	ssyncadd.s32 $0xFFFFC000  }
0x20b: {  	_ =	swait.ge [sflag:s8], $0x4000  }
0x20c: {  	[sflag:s8] =	ssyncset.done $0x0  }
0x20d: {  	[sflag:s8] =	ssyncadd.s32 $0xFFFFC000  }
0x20e: {  	[spmem:s22] =	stream.indirect.scatter.add.f32 [tilespmem:s6], [sflag:$0x3], $0x80, s10, s4, $0xb8;
	[tilespmem:$0x1E400] =	vst v63  }
0x20f: {  	_ =	swait.ge [sflag:s2], $0x4000  }
0x210: {  	[sflag:s2] =	ssyncset.done $0x0  }
0x211: {  	s15 =	simm.s32 $0x0;
	s17 =	rddreg [dreg:$0x9];
	[sflag:s2] =	ssyncadd.s32 $0xFFFFC000  }
0x212: {  	[tilespmem:s15], [sflag:$0x3] =	stream.linear.gather [hbm4b:s17+s15], $0x1400, $0x38;
	[tilespmem:$0x1E400] =	vst v63  }
0x213: {  	_ =	swait.ge [sflag:s2], $0x1400  }
0x214: {  	[sflag:s2] =	ssyncset.done $0x0  }
0x215: {  	s17 =	rddreg [dreg:$0xa];
	[sflag:s2] =	ssyncadd.s32 $0xFFFFEC00  }
0x216: {  	[tilespmem:s3], [sflag:$0x3] =	stream.linear.gather [hbm4b:s17+s15], $0x1400, $0x38;
	[tilespmem:$0x1E400] =	vst v63  }
0x217: {  	_ =	swait.ge [sflag:s2], $0x1400  }
0x218: {  	[sflag:s2] =	ssyncset.done $0x0  }
0x219: {  	[sflag:s2] =	ssyncadd.s32 $0xFFFFEC00  }
0x21a: {  	[tilespmem:s5], [sflag:$0x1] =	stream.indirect.gather [hbm4b:s24+s4], $0x80, s15, s4, $0xb8;
	[tilespmem:$0x1E400] =	vst v63  }
0x21b: {  	_ = 	snop  }
0x21c: {  	[tilespmem:s6], [sflag:$0x2] =	stream.indirect.gather [hbm4b:s24+s4], $0x80, s4, s4, $0xb8;
	[tilespmem:$0x1E400] =	vst v63  }
0x21d: {  	_ =	swait.ge [sflag:s7], $0x4000  }
0x21e: {  	[sflag:s7] =	ssyncset.done $0x0  }
0x21f: {  	s17 =	simm.s32 $0x1400;
	[sflag:s7] =	ssyncadd.s32 $0xFFFFC000  }
0x220: {  	[spmem:s22] =	stream.indirect.scatter.add.f32 [tilespmem:s5], [sflag:$0x3], $0x80, s17, s4, $0xb8;
	[tilespmem:$0x1E400] =	vst v63  }
0x221: {  	_ =	swait.ge [sflag:s2], $0x4000  }
0x222: {  	[sflag:s2] =	ssyncset.done $0x0  }
0x223: {  	s16 =	simm.s32 $0x100;
	[sflag:s2] =	ssyncadd.s32 $0xFFFFC000  }
0x224: {  	[tilespmem:s5], [sflag:$0x1] =	stream.indirect.gather [hbm4b:s24+s4], $0x80, s16, s4, $0xb8;
	[tilespmem:$0x1E400] =	vst v63  }
0x225: {  	_ =	swait.ge [sflag:s8], $0x4000  }
0x226: {  	[sflag:s8] =	ssyncset.done $0x0  }
0x227: {  	s17 =	simm.s32 $0x1480;
	[sflag:s8] =	ssyncadd.s32 $0xFFFFC000  }
0x228: {  	[spmem:s22] =	stream.indirect.scatter.add.f32 [tilespmem:s6], [sflag:$0x3], $0x80, s17, s4, $0xb8;
	[tilespmem:$0x1E400] =	vst v63  }
0x229: {  	_ =	swait.ge [sflag:s2], $0x4000  }
0x22a: {  	[sflag:s2] =	ssyncset.done $0x0  }
0x22b: {  	s15 =	simm.s32 $0x400;
	s16 =	simm.s32 $0x180;
	[sflag:s2] =	ssyncadd.s32 $0xFFFFC000  }
.LBB2_9:
0x22c: {  	[tilespmem:s6], [sflag:$0x2] =	stream.indirect.gather [hbm4b:s24+s4], $0x80, s16, s4, $0xb8;
	[tilespmem:$0x1E400] =	vst v63  }
0x22d: {  	s16 =	smov.u32 s15  }
0x22e: {  	p1 =	sne.s32 s15, $0x4800;
	s15 =	sadd.s32 $0x400, s15;
	_ =	swait.ge [sflag:s7], $0x4000  }
0x22f: {  	s16 =	sshra.s32 s16, $0x2;
	[sflag:s7] =	ssyncset.done $0x0  }
0x230: {  	s17 =	sadd.s32 $0x1400, s16;
	[sflag:s7] =	ssyncadd.s32 $0xFFFFC000  }
0x231: {  	[spmem:s22] =	stream.indirect.scatter.add.f32 [tilespmem:s5], [sflag:$0x3], $0x80, s17, s4, $0xb8;
	[tilespmem:$0x1E400] =	vst v63  }
0x232: {  	_ =	swait.ge [sflag:s2], $0x4000  }
0x233: {  	[sflag:s2] =	ssyncset.done $0x0  }
0x234: {  	s17 =	sadd.s32 $0x100, s16;
	[sflag:s2] =	ssyncadd.s32 $0xFFFFC000  }
0x235: {  	[tilespmem:s5], [sflag:$0x1] =	stream.indirect.gather [hbm4b:s24+s4], $0x80, s17, s4, $0xb8;
	[tilespmem:$0x1E400] =	vst v63  }
0x236: {  	_ =	swait.ge [sflag:s8], $0x4000  }
0x237: {  	[sflag:s8] =	ssyncset.done $0x0  }
.Ltmp11:
0x238: {  	s17 =	sadd.s32 $0x1480, s16;
	[sflag:s8] =	ssyncadd.s32 $0xFFFFC000;
	(pc) =	sbr.rel @p1 .LBB2_9-.Ltmp11, $4  }
0x239: {  	[spmem:s22] =	stream.indirect.scatter.add.f32 [tilespmem:s6], [sflag:$0x3], $0x80, s17, s4, $0xb8;
	[tilespmem:$0x1E400] =	vst v63  }
0x23a: {  	_ =	swait.ge [sflag:s2], $0x4000  }
0x23b: {  	[sflag:s2] =	ssyncset.done $0x0  }
0x23c: {  	s16 =	sadd.s32 $0x180, s16;
	[sflag:s2] =	ssyncadd.s32 $0xFFFFC000  }
0x23d: {  	[tilespmem:s6], [sflag:$0x2] =	stream.indirect.gather [hbm4b:s24+s4], $0x80, s16, s4, $0xb8;
	[tilespmem:$0x1E400] =	vst v63  }
0x23e: {  	_ =	swait.ge [sflag:s7], $0x4000  }
0x23f: {  	[sflag:s7] =	ssyncset.done $0x0  }
0x240: {  	[sflag:s7] =	ssyncadd.s32 $0xFFFFC000  }
0x241: {  	[spmem:s22] =	stream.indirect.scatter.add.f32 [tilespmem:s5], [sflag:$0x3], $0x80, s9, s4, $0xb8;
	[tilespmem:$0x1E400] =	vst v63  }
0x242: {  	_ =	swait.ge [sflag:s2], $0x4000  }
0x243: {  	[sflag:s2] =	ssyncset.done $0x0  }
0x244: {  	[sflag:s2] =	ssyncadd.s32 $0xFFFFC000  }
0x245: {  	_ =	swait.ge [sflag:s8], $0x4000  }
0x246: {  	[sflag:s8] =	ssyncset.done $0x0  }
0x247: {  	[sflag:s8] =	ssyncadd.s32 $0xFFFFC000  }
0x248: {  	[spmem:s22] =	stream.indirect.scatter.add.f32 [tilespmem:s6], [sflag:$0x3], $0x80, s10, s4, $0xb8;
	[tilespmem:$0x1E400] =	vst v63  }
0x249: {  	_ =	swait.ge [sflag:s2], $0x4000  }
0x24a: {  	[sflag:s2] =	ssyncset.done $0x0  }
0x24b: {  	s15 =	rddreg [dreg:$0xb];
	[sflag:s2] =	ssyncadd.s32 $0xFFFFC000  }
0x24c: {  	[tilespmem:s1], [sflag:$0x3] =	stream.linear.gather [hbm4b:s15+s1], $0x400, $0x38;
	[tilespmem:$0x1E400] =	vst v63  }
0x24d: {  	_ =	swait.ge [sflag:s2], $0x400  }
0x24e: {  	[sflag:s2] =	ssyncset.done $0x0  }
0x24f: {  	s16 =	rddreg [dreg:$0xc];
	[sflag:s2] =	ssyncadd.s32 $0xFFFFFC00  }
0x250: {  	[tilespmem:s3], [sflag:$0x3] =	stream.linear.gather [hbm4b:s16+s1], $0x400, $0x38;
	[tilespmem:$0x1E400] =	vst v63  }
0x251: {  	_ =	swait.ge [sflag:s2], $0x400  }
0x252: {  	[sflag:s2] =	ssyncset.done $0x0  }
0x253: {  	[sflag:s2] =	ssyncadd.s32 $0xFFFFFC00  }
0x254: {  	[tilespmem:s5], [sflag:$0x1] =	stream.indirect.gather [hbm4b:s25+s4], $0x80, s1, s4, $0xb8;
	[tilespmem:$0x1E400] =	vst v63  }
0x255: {  	_ = 	snop  }
0x256: {  	[tilespmem:s6], [sflag:$0x2] =	stream.indirect.gather [hbm4b:s25+s4], $0x80, s4, s4, $0xb8;
	[tilespmem:$0x1E400] =	vst v63  }
0x257: {  	_ =	swait.ge [sflag:s7], $0x4000  }
0x258: {  	[sflag:s7] =	ssyncset.done $0x0  }
0x259: {  	[sflag:s7] =	ssyncadd.s32 $0xFFFFC000  }
0x25a: {  	[spmem:s22] =	stream.indirect.scatter.add.f32 [tilespmem:s5], [sflag:$0x3], $0x80, s3, s4, $0xb8;
	[tilespmem:$0x1E400] =	vst v63  }
0x25b: {  	_ =	swait.ge [sflag:s2], $0x4000  }
0x25c: {  	[sflag:s2] =	ssyncset.done $0x0  }
0x25d: {  	s17 =	simm.s32 $0x100;
	[sflag:s2] =	ssyncadd.s32 $0xFFFFC000  }
0x25e: {  	[tilespmem:s5], [sflag:$0x1] =	stream.indirect.gather [hbm4b:s25+s4], $0x80, s17, s4, $0xb8;
	[tilespmem:$0x1E400] =	vst v63  }
0x25f: {  	_ =	swait.ge [sflag:s8], $0x4000  }
0x260: {  	[sflag:s8] =	ssyncset.done $0x0  }
0x261: {  	s16 =	simm.s32 $0x1480;
	[sflag:s8] =	ssyncadd.s32 $0xFFFFC000  }
0x262: {  	[spmem:s22] =	stream.indirect.scatter.add.f32 [tilespmem:s6], [sflag:$0x3], $0x80, s16, s4, $0xb8;
	[tilespmem:$0x1E400] =	vst v63  }
0x263: {  	_ =	swait.ge [sflag:s2], $0x4000  }
0x264: {  	[sflag:s2] =	ssyncset.done $0x0  }
0x265: {  	s17 =	simm.s32 $0x180;
	[sflag:s2] =	ssyncadd.s32 $0xFFFFC000  }
0x266: {  	[tilespmem:s6], [sflag:$0x2] =	stream.indirect.gather [hbm4b:s25+s4], $0x80, s17, s4, $0xb8;
	[tilespmem:$0x1E400] =	vst v63  }
0x267: {  	_ =	swait.ge [sflag:s7], $0x4000  }
0x268: {  	[sflag:s7] =	ssyncset.done $0x0  }
0x269: {  	s16 =	simm.s32 $0x1500;
	[sflag:s7] =	ssyncadd.s32 $0xFFFFC000  }
0x26a: {  	[spmem:s22] =	stream.indirect.scatter.add.f32 [tilespmem:s5], [sflag:$0x3], $0x80, s16, s4, $0xb8;
	[tilespmem:$0x1E400] =	vst v63  }
0x26b: {  	_ =	swait.ge [sflag:s2], $0x4000  }
0x26c: {  	[sflag:s2] =	ssyncset.done $0x0  }
0x26d: {  	s17 =	simm.s32 $0x200;
	[sflag:s2] =	ssyncadd.s32 $0xFFFFC000  }
0x26e: {  	[tilespmem:s5], [sflag:$0x1] =	stream.indirect.gather [hbm4b:s25+s4], $0x80, s17, s4, $0xb8;
	[tilespmem:$0x1E400] =	vst v63  }
0x26f: {  	_ =	swait.ge [sflag:s8], $0x4000  }
0x270: {  	[sflag:s8] =	ssyncset.done $0x0  }
0x271: {  	s16 =	simm.s32 $0x1580;
	[sflag:s8] =	ssyncadd.s32 $0xFFFFC000  }
0x272: {  	[spmem:s22] =	stream.indirect.scatter.add.f32 [tilespmem:s6], [sflag:$0x3], $0x80, s16, s4, $0xb8;
	[tilespmem:$0x1E400] =	vst v63  }
0x273: {  	_ =	swait.ge [sflag:s2], $0x4000  }
0x274: {  	[sflag:s2] =	ssyncset.done $0x0  }
0x275: {  	s17 =	simm.s32 $0x280;
	[sflag:s2] =	ssyncadd.s32 $0xFFFFC000  }
0x276: {  	[tilespmem:s6], [sflag:$0x2] =	stream.indirect.gather [hbm4b:s25+s4], $0x80, s17, s4, $0xb8;
	[tilespmem:$0x1E400] =	vst v63  }
0x277: {  	_ =	swait.ge [sflag:s7], $0x4000  }
0x278: {  	[sflag:s7] =	ssyncset.done $0x0  }
0x279: {  	[sflag:s7] =	ssyncadd.s32 $0xFFFFC000  }
0x27a: {  	[spmem:s22] =	stream.indirect.scatter.add.f32 [tilespmem:s5], [sflag:$0x3], $0x80, s18, s4, $0xb8;
	[tilespmem:$0x1E400] =	vst v63  }
0x27b: {  	_ =	swait.ge [sflag:s2], $0x4000  }
0x27c: {  	[sflag:s2] =	ssyncset.done $0x0  }
0x27d: {  	[sflag:s2] =	ssyncadd.s32 $0xFFFFC000  }
0x27e: {  	[tilespmem:s5], [sflag:$0x1] =	stream.indirect.gather [hbm4b:s25+s4], $0x80, s19, s4, $0xb8;
	[tilespmem:$0x1E400] =	vst v63  }
0x27f: {  	_ =	swait.ge [sflag:s8], $0x4000  }
0x280: {  	[sflag:s8] =	ssyncset.done $0x0  }
0x281: {  	[sflag:s8] =	ssyncadd.s32 $0xFFFFC000  }
0x282: {  	[spmem:s22] =	stream.indirect.scatter.add.f32 [tilespmem:s6], [sflag:$0x3], $0x80, s21, s4, $0xb8;
	[tilespmem:$0x1E400] =	vst v63  }
.Ltmp12:
0x283: {  	_ = 	snop;
	(pc) =	sbr.rel .LBB2_20-.Ltmp12, $4  }
0x284: {  	_ =	swait.ge [sflag:s2], $0x4000  }
0x285: {  	[sflag:s2] =	ssyncset.done $0x0  }
0x286: {  	[sflag:s2] =	ssyncadd.s32 $0xFFFFC000  }
0x287: {  	[tilespmem:s6], [sflag:$0x2] =	stream.indirect.gather [hbm4b:s25+s4], $0x80, s11, s4, $0xb8;
	[tilespmem:$0x1E400] =	vst v63  }
.LBB2_21:
0x288: {  	_ =	sfence.sel $0x180000  }
0x289: {  	[bflag:$0x0] =	sbarrier.arrive $0xFFFF  }
0x28a: {  	_ =	strace $0x90000047  }
0x28b: {  	s0 =	stileid.u32;
	[bflag:$0x2] =	sbarrier.arrive $0xFFFF  }
0x28c: {  	p0 =	sne.s32 s0, $0x0;
	s0 =	rddreg [dreg:$0x2]  }
0x28d: {  	s0 =	sadd.s32 @!p0 $0x100000, s0  }
0x28e: {  	[sflag:s0] =	ssyncadd.tile.s32 @!p0 $0x1;
	_ =	shalt  }
.Lfunc_end2:
_tile_overlayer_lowered:
.L_overlay_start_2:
0x28f: {  	(tag) =	ssettag $0x2  }
0x290: {  	s0 =	rddreg [dreg:$0x0];
	s2 =	stileid.u32  }
0x291: {  	s1 =	rddreg [dreg:$0x1];
	p0 =	sne.s32 s2, $0x0  }
0x292: {  	s3 =	rddreg [dreg:$0x2];
	[bflag:$0x3] =	sbarrier.arrive $0xFFFF;
	s2 =	simm.s32 @!p0 $0x1C03  }
0x293: {  	[timem:s3], [sflag:s2] =	dma.local @!p0 [hbm:s0], s1  }
0x294: {  	s0 =	simm.s32 @!p0 $0x3  }
0x295: {  	_ =	swait.ge @!p0 [sflag:s0], s1  }
0x296: {  	s1 =	ssub.s32 @!p0 $0x0, s1;
	[sflag:s0] =	ssyncset.done @!p0 $0x0  }
0x297: {  	[sflag:s0] =	ssyncadd.s32 @!p0 s1  }
0x298: {  	[bflag:$0x3] =	sbarrier.arrive $0xFFFF  }
0x299: {  	_ =	shalt  }

</sc_bundles>
